<compile_context>
chip_gen: v7x
topology: tpu7x:2x2x1
jax: 0.10.2.dev20260603
libtpu: 0.0.44.dev20260713+nightly
codegen_flags: <defaults>
</compile_context>

<pallas_src>
import math

import numpy as np
import jax
import jax.numpy as jnp
from jax import lax
from jax.experimental import pallas as pl
from jax.experimental.pallas import tpu as pltpu
from jax.experimental.pallas import tpu_sc as plsc

_B = 8
_N_OLD = 1024
_RATIO = 2.0
_SIGMA = 0.05
_KERNEL_H = 0.1

_N_NEW_TOTAL = int(_N_OLD * _RATIO)
_N_ADDED = _N_NEW_TOTAL - _N_OLD
_TOTAL_ADDED = _B * _N_ADDED



def _threefry2x32(k1, k2, x1, x2):
    def rotl(x, d):
        return ((x << np.uint32(d)) | (x >> np.uint32(32 - d))).astype(np.uint32)

    rotations = ((13, 15, 26, 6), (17, 29, 16, 24))
    ks = [np.uint32(k1), np.uint32(k2),
          np.uint32(k1) ^ np.uint32(k2) ^ np.uint32(0x1BD11BDA)]
    with np.errstate(over="ignore"):
        x = [x1.astype(np.uint32) + ks[0], x2.astype(np.uint32) + ks[1]]

        def rounds(x, rots):
            for r in rots:
                x[0] = (x[0] + x[1]).astype(np.uint32)
                x[1] = x[0] ^ rotl(x[1], r)
            return x

        for i, rots in enumerate(
                (rotations[0], rotations[1], rotations[0],
                 rotations[1], rotations[0])):
            x = rounds(x, rots)
            x[0] = (x[0] + ks[(i + 1) % 3]).astype(np.uint32)
            x[1] = (x[1] + ks[(i + 2) % 3] + np.uint32(i + 1)).astype(np.uint32)
    return x[0], x[1]


def _iota_2x32(n):
    i = np.arange(n, dtype=np.uint64)
    return (i >> np.uint64(32)).astype(np.uint32), i.astype(np.uint32)


def _rng_split(key):
    c1, c2 = _iota_2x32(2)
    b1, b2 = _threefry2x32(key[0], key[1], c1, c2)
    return np.stack([b1, b2], axis=1)


def _random_bits32(key, n):
    c1, c2 = _iota_2x32(n)
    b1, b2 = _threefry2x32(key[0], key[1], c1, c2)
    return b1 ^ b2


def _rng_randint(key, n, minval, maxval):
    k1, k2 = _rng_split(key)
    higher = _random_bits32(k1, n)
    lower = _random_bits32(k2, n)
    span = np.uint32(maxval - minval)
    mult = np.uint32(((2 ** 16 % int(span)) ** 2) % int(span))
    with np.errstate(over="ignore"):
        off = (higher % span) * mult + (lower % span)
    return (np.int32(minval) + (off % span).astype(np.int32)).astype(np.int32)


def _erfinv_f32(x):
    x = x.astype(np.float32)
    w = -np.log((np.float32(1.0) - x) * (np.float32(1.0) + x)).astype(np.float32)
    cs_small = [2.81022636e-08, 3.43273939e-07, -3.5233877e-06,
                -4.39150654e-06, 0.00021858087, -0.00125372503,
                -0.00417768164, 0.246640727, 1.50140941]
    cs_big = [-0.000200214257, 0.000100950558, 0.00134934322,
              -0.00367342844, 0.00573950773, -0.0076224613,
              0.00943887047, 1.00167406, 2.83297682]

    def poly(cs, w):
        p = np.full_like(w, np.float32(cs[0]))
        for c in cs[1:]:
            p = np.float32(c) + p * w
        return p

    p = np.where(w < np.float32(5.0),
                 poly(cs_small, (w - np.float32(2.5)).astype(np.float32)),
                 poly(cs_big, (np.sqrt(w) - np.float32(3.0)).astype(np.float32)))
    return (p * x).astype(np.float32)


def _rng_normal_f32(key, n):
    bits = _random_bits32(key, n)
    float_bits = (bits >> np.uint32(32 - 23)) | np.uint32(0x3F800000)
    floats = float_bits.view(np.float32) - np.float32(1.0)
    lo = np.nextafter(np.float32(-1.0), np.float32(0.0), dtype=np.float32)
    hi = np.float32(1.0)
    u = np.maximum(lo, floats * (hi - lo) + lo)
    return (np.float32(math.sqrt(2.0)) * _erfinv_f32(u)).astype(np.float32)


def _make_resample_constants():
    key = np.array([0, 42], dtype=np.uint32)
    ks = _rng_split(key)
    idx = _rng_randint(ks[0], _B * _N_ADDED, 0, _N_OLD)
    noise = _rng_normal_f32(ks[1], _B * _N_ADDED) * np.float32(_SIGMA)
    kk = _rng_split(ks[0])
    k2 = (int(kk[1][0]), int(kk[1][1]))
    lo = _random_bits32(kk[1], _B * _N_ADDED) & np.uint32(1023)
    assert np.array_equal(lo.astype(np.int32), idx)
    return idx, noise, k2


_IDX_CONST, _NOISE_CONST, _TF_K2 = _make_resample_constants()


_NC, _NS, _L = 2, 16, 16
_NW = _NC * _NS
_CHUNK = _TOTAL_ADDED // _NW
_SEG_W = _N_OLD // _CHUNK


_TF_ROT = ((13, 15, 26, 6), (17, 29, 16, 24))


def _sc_threefry_idx(count):
    ks0, ks1 = np.uint32(_TF_K2[0]), np.uint32(_TF_K2[1])
    ks2 = np.uint32(ks0 ^ ks1 ^ np.uint32(0x1BD11BDA))
    x0 = jnp.full((_L,), ks0, jnp.uint32)
    x1 = count + ks1

    def rounds(x0, x1, rots):
        for r in rots:
            x0 = x0 + x1
            x1 = x0 ^ ((x1 << np.uint32(r)) | (x1 >> np.uint32(32 - r)))
        return x0, x1

    sched = ((ks1, ks2, 1), (ks2, ks0, 2), (ks0, ks1, 3),
             (ks1, ks2, 4), (ks2, ks0, 5))
    for i, (a, b, inc) in enumerate(sched):
        x0, x1 = rounds(x0, x1, _TF_ROT[i % 2])
        x0 = x0 + a
        x1 = x1 + b + np.uint32(inc)
    return ((x0 ^ x1) & np.uint32(1023)).astype(jnp.int32)


def _sc_gather_body(pos_hbm, out_hbm, cnt_hbm, pos_v, new_v, cnt_v):
    wid = lax.axis_index("s") * _NC + lax.axis_index("c")
    b = wid // _SEG_W
    sub = wid % _SEG_W
    src = b * _N_OLD + sub * _CHUNK
    @pl.when(wid == 0)
    def _():
        cnt_v[:] = jnp.full((_L,), _N_NEW_TOTAL, jnp.int32)
        pltpu.sync_copy(cnt_v.at[pl.ds(0, _B)], cnt_hbm)
    pltpu.sync_copy(pos_hbm.at[pl.ds(b * _N_OLD, _N_OLD)], pos_v)
    lane = lax.iota(jnp.uint32, _L)
    for k in range(_CHUNK // _L):
        count = lane + np.uint32(k * _L) + src.astype(jnp.uint32)
        iv = _sc_threefry_idx(count)
        new_v[pl.ds(k * _L, _L)] = plsc.load_gather(pos_v, [iv])
    pltpu.sync_copy(new_v, out_hbm.at[pl.ds(src, _CHUNK)])


@jax.jit
def _sc_gather(positions):
    mesh = plsc.VectorSubcoreMesh(core_axis_name="c", subcore_axis_name="s")
    return pl.kernel(
        _sc_gather_body,
        out_type=(jax.ShapeDtypeStruct((_TOTAL_ADDED,), jnp.float32),
                  jax.ShapeDtypeStruct((_B,), jnp.int32)),
        mesh=mesh,
        compiler_params=pltpu.CompilerParams(needs_layout_passes=False),
        scratch_types=[
            pltpu.VMEM((_N_OLD,), jnp.float32),
            pltpu.VMEM((_CHUNK,), jnp.float32),
            pltpu.VMEM((_L,), jnp.int32),
        ],
    )(positions)



_C2 = -0.5 * math.log2(math.e) / (_KERNEL_H * _KERNEL_H)
_SCALE = 1.0 / (_KERNEL_H * math.sqrt(2.0 * math.pi))


_S = math.sqrt(-_C2)


def _mixture_sum(xs, ps, lw):
    u = ps - xs[None, :]
    k = jnp.exp2(lw - u * u)
    return jnp.sum(k, axis=0) * _SCALE


_SPS = 2


def _tc_old_body(pos_ref, w_ref, out_ref):
    for s in range(_SPS):
        sl = pl.ds(s * _N_OLD, _N_OLD)
        p = pos_ref[sl]
        ps = (p * _S).reshape(_N_OLD, 1)
        lw = jnp.log2(w_ref[sl]).reshape(_N_OLD, 1)
        out_ref[sl] = _mixture_sum(p * _S, ps, lw)


def _tc_new_body(pos_ref, w_ref, smp_ref, noise_ref, wold_ref,
                 out_ref, pa_ref):
    for s in range(_SPS):
        slo = pl.ds(s * _N_OLD, _N_OLD)
        sla = pl.ds(s * _N_ADDED, _N_ADDED)
        p = pos_ref[slo]
        ps = (p * _S).reshape(_N_OLD, 1)
        lw = jnp.log2(w_ref[slo]).reshape(_N_OLD, 1)
        xnew = smp_ref[sla] + noise_ref[sla]
        base = s * _N_NEW_TOTAL
        pa_ref[pl.ds(base, _N_OLD)] = p
        pa_ref[pl.ds(base + _N_OLD, _N_ADDED)] = xnew
        out_ref[pl.ds(base, _N_OLD)] = wold_ref[slo]
        out_ref[pl.ds(base + _N_OLD, _N_ADDED)] = _mixture_sum(xnew * _S, ps, lw)


@jax.jit
def _tc_eval_old(positions, weights):
    return pl.pallas_call(
        _tc_old_body,
        grid=(_B // _SPS,),
        in_specs=[
            pl.BlockSpec((_SPS * _N_OLD,), lambda b: (b,)),
            pl.BlockSpec((_SPS * _N_OLD,), lambda b: (b,)),
        ],
        out_specs=pl.BlockSpec((_SPS * _N_OLD,), lambda b: (b,)),
        out_shape=jax.ShapeDtypeStruct((_B * _N_OLD,), jnp.float32),
    )(positions, weights)


@jax.jit
def _tc_eval_new(positions, weights, sampled, noise, w_old):
    return pl.pallas_call(
        _tc_new_body,
        grid=(_B // _SPS,),
        in_specs=[
            pl.BlockSpec((_SPS * _N_OLD,), lambda b: (b,)),
            pl.BlockSpec((_SPS * _N_OLD,), lambda b: (b,)),
            pl.BlockSpec((_SPS * _N_ADDED,), lambda b: (b,)),
            pl.BlockSpec((_SPS * _N_ADDED,), lambda b: (b,)),
            pl.BlockSpec((_SPS * _N_OLD,), lambda b: (b,)),
        ],
        out_specs=(pl.BlockSpec((_SPS * _N_NEW_TOTAL,), lambda b: (b,)),
                   pl.BlockSpec((_SPS * _N_NEW_TOTAL,), lambda b: (b,))),
        out_shape=(jax.ShapeDtypeStruct((_B * _N_NEW_TOTAL,), jnp.float32),
                   jax.ShapeDtypeStruct((_B * _N_NEW_TOTAL,), jnp.float32)),
    )(positions, weights, sampled, noise, w_old)




def kernel(positions, weights, batch_counts):
    del batch_counts
    noise = jnp.asarray(_NOISE_CONST)

    sampled, batch_new = _sc_gather(positions)
    w_old = _tc_eval_old(positions, weights)
    w_new, pos_all = _tc_eval_new(positions, weights, sampled, noise, w_old)

    return pos_all, w_new, batch_new

# --- scband reference (transcript-rebuilt; emitter-appended) ---
"""Pipeline reference for scband-upsample-3813930959349 (READ-ONLY COPY).

The authoritative reference and input builder live on the scoring server;
editing this copy changes nothing except your own understanding.
"""

import jax, jax.numpy as jnp
import numpy as np

B = 8            # number of ragged segments (batch)
N_SEG = 1024     # points per segment (equal-length ragged layout, total 8192)
RATIO = 2.0      # upsampling ratio (init kwarg)
SIGMA = 0.05     # position jitter std (init kwarg)
KERNEL_H = 0.1   # Gaussian kernel bandwidth (models the Kernel NamedTuple)


def setup_inputs(seed: int = 0) -> dict:
    key = jax.random.key(seed)
    k1, k2 = jax.random.split(key)
    positions = jax.random.normal(k1, (B * N_SEG,), dtype=jnp.float32)
    weights = jax.random.uniform(k2, (B * N_SEG,), dtype=jnp.float32)
    batch_counts = jnp.full((B,), N_SEG, dtype=jnp.int32)
    return {"positions": positions, "weights": weights, "batch_counts": batch_counts}


def reference(positions, weights, batch_counts):
    # Mixture x = (positions, weights, batch_counts). Equal segment lengths let us
    # express the per-segment python loop of the torch module as batched ops.
    n_old = N_SEG
    n_new_total = int(n_old * RATIO)      # batch_new[i] = floor(batch_old[i] * ratio)
    n_added = n_new_total - n_old

    pos = positions.reshape(B, n_old)
    w = weights.reshape(B, n_old)

    key = jax.random.key(42)
    kidx, knoise = jax.random.split(key)
    # resample source indices within each segment (intended randint(0, batch_old[i]))
    idx = jax.random.randint(kidx, (B, n_added), 0, n_old)
    sampled = jnp.take_along_axis(pos, idx, axis=1)          # gather
    noise = jax.random.normal(knoise, (B, n_added), dtype=jnp.float32) * SIGMA
    new_pos = sampled + noise

    # positions layout per segment: [old positions | resampled+jittered positions]
    pos_all = jnp.concatenate([pos, new_pos], axis=1)        # [B, n_new_total]

    # sample_kernel: evaluate the Gaussian-kernel mixture of the old points at the
    # new positions, segment-locally (ragged cross evaluation).
    diff = pos_all[:, :, None] - pos[:, None, :]             # [B, n_new_total, n_old]
    K = jnp.exp(-0.5 * (diff / KERNEL_H) ** 2)
    w_new = jnp.einsum('bji,bi->bj', K, w) / (KERNEL_H * jnp.sqrt(2.0 * jnp.pi))

    batch_new = jnp.full((B,), n_new_total, dtype=jnp.int32)
    return pos_all.reshape(-1), w_new.reshape(-1), batch_new

if __name__ == "__main__":
    import jax
    _d = setup_inputs()
    print(jax.jit(kernel)(*tuple(_d.values())))

</pallas_src>

<mosaic_0001>
#map = affine_map<(d0, d1) -> (0)>
module attributes {stable_mosaic.version = 14 : i64} {
  func.func @_sc_gather_body(%arg0: i32, %arg1: i32, %arg2: memref<8192xf32, #tpu.memory_space<hbm>>, %arg3: memref<8192xf32, #tpu.memory_space<hbm>>, %arg4: memref<8xi32, #tpu.memory_space<hbm>>, %arg5: memref<1024xf32, #tpu.memory_space<vmem>>, %arg6: memref<256xf32, #tpu.memory_space<vmem>>, %arg7: memref<16xi32, #tpu.memory_space<vmem>>) attributes {dimension_semantics = [#tpu.dimension_semantics<core_parallel>, #tpu.dimension_semantics<subcore_parallel>], iteration_bounds = array<i64: 2, 16>, scalar_prefetch = 0 : i64, scratch_operands = 3 : i64, tpu.core_type = #tpu.core_type<sc_vector_subcore>, window_params = [{transform_indices = #map}, {transform_indices = #map}, {transform_indices = #map}]} {
    %mul3A = arith.constant 2 : i32
    %mul3A_0 = arith.muli %arg1, %mul3A : i32
    %add3A = arith.addi %mul3A_0, %arg0 : i32
    %jit3A = arith.constant 4 : i32
    %div3A = arith.divsi %add3A, %jit3A : i32
    %sign3A = arith.constant 0 : i32
    %sign3A_1 = arith.cmpi sgt, %add3A, %sign3A : i32
    %sign3A_2 = arith.extui %sign3A_1 : i1 to i32
    %sign3A_3 = arith.constant 0 : i32
    %sign3A_4 = arith.cmpi slt, %add3A, %sign3A_3 : i32
    %sign3A_5 = arith.extui %sign3A_4 : i1 to i32
    %sign3A_6 = arith.subi %sign3A_2, %sign3A_5 : i32
    %sign3A_7 = arith.constant 0 : i32
    %sign3A_8 = arith.cmpi sgt, %jit3A, %sign3A_7 : i32
    %sign3A_9 = arith.extui %sign3A_8 : i1 to i32
    %sign3A_10 = arith.constant 0 : i32
    %sign3A_11 = arith.cmpi slt, %jit3A, %sign3A_10 : i32
    %sign3A_12 = arith.extui %sign3A_11 : i1 to i32
    %sign3A_13 = arith.subi %sign3A_9, %sign3A_12 : i32
    %ne3A = arith.cmpi ne, %sign3A_6, %sign3A_13 : i32
    %rem3A = arith.remsi %add3A, %jit3A : i32
    %ne3A_14 = arith.constant 0 : i32
    %ne3A_15 = arith.cmpi ne, %rem3A, %ne3A_14 : i32
    %and3A = arith.andi %ne3A, %ne3A_15 : i1
    %sub3A = arith.constant 1 : i32
    %sub3A_16 = arith.subi %div3A, %sub3A : i32
    %select_n3A = arith.select %and3A, %sub3A_16, %div3A : i32
    %jit3A_17 = arith.constant 4 : i32
    %eq3A = arith.constant 0 : i32
    %eq3A_18 = arith.cmpi eq, %jit3A_17, %eq3A : i32
    %jit3A_19 = arith.constant 1 : i32
    %select_n3A_20 = arith.select %eq3A_18, %jit3A_19, %jit3A_17 : i32
    %rem3A_21 = arith.remsi %add3A, %select_n3A_20 : i32
    %ne3A_22 = arith.constant 0 : i32
    %ne3A_23 = arith.cmpi ne, %rem3A_21, %ne3A_22 : i32
    %lt3A = arith.constant 0 : i32
    %lt3A_24 = arith.cmpi slt, %rem3A_21, %lt3A : i32
    %lt3A_25 = arith.constant 0 : i32
    %lt3A_26 = arith.cmpi slt, %select_n3A_20, %lt3A_25 : i32
    %ne3A_27 = arith.xori %lt3A_24, %lt3A_26 : i1
    %and3A_28 = arith.andi %ne3A_27, %ne3A_23 : i1
    %add3A_29 = arith.addi %rem3A_21, %select_n3A_20 : i32
    %select_n3A_30 = arith.select %and3A_28, %add3A_29, %rem3A_21 : i32
    %mul3A_31 = arith.constant 1024 : i32
    %mul3A_32 = arith.muli %select_n3A, %mul3A_31 : i32
    %mul3A_33 = arith.constant 256 : i32
    %mul3A_34 = arith.muli %select_n3A_30, %mul3A_33 : i32
    %add3A_35 = arith.addi %mul3A_32, %mul3A_34 : i32
    %eq3A_36 = arith.constant 0 : i32
    %eq3A_37 = arith.cmpi eq, %add3A, %eq3A_36 : i32
    %convert_element_type3A = arith.extui %eq3A_37 : i1 to i32
    %cond3A = arith.constant 0 : i32
    %cond3A_38 = arith.cmpi ne, %convert_element_type3A, %cond3A : i32
    scf.if %cond3A_38 {
      %broadcast_in_dim3A_3906 = arith.constant 2048 : i32
      %broadcast_in_dim3A_3907 = vector.broadcast %broadcast_in_dim3A_3906 : i32 to vector<16xi32>
      %swap3A_3908 = arith.constant 0 : index
      %swap3A_3909 = tpu.vector_load %arg7[%swap3A_3908] {strides = array<i32>} : memref<16xi32, #tpu.memory_space<vmem>>, vector<16xi32>,
      tpu.vector_store %arg7[%swap3A_3908], %broadcast_in_dim3A_3907 {strides = array<i32>} : memref<16xi32, #tpu.memory_space<vmem>>, vector<16xi32>,
      "tpu.region"() ({
        %run_scoped3A = tpu.sem_alloc : memref<!tpu.dma_semaphore, #tpu.memory_space<semaphore_mem>>
        %dma_start3A = arith.constant 0 : i32
        %dma_start3A_3910 = tpu.memref_slice %arg7[%dma_start3A] : memref<16xi32, #tpu.memory_space<vmem>> -> memref<8xi32, #tpu.memory_space<vmem>>
        %dma_start3A_3911 = arith.constant 0 : i32
        %dma_start3A_3912 = tpu.memref_slice %arg7[%dma_start3A_3911] : memref<16xi32, #tpu.memory_space<vmem>> -> memref<8xi32, #tpu.memory_space<vmem>>
        tpu.enqueue_dma source(%dma_start3A_3912 : memref<8xi32, #tpu.memory_space<vmem>>) target(%arg4 : memref<8xi32, #tpu.memory_space<hbm>>) target_semaphore(%run_scoped3A : memref<!tpu.dma_semaphore, #tpu.memory_space<semaphore_mem>>)
        %dma_wait3A = arith.constant 0 : i32
        %dma_wait3A_3913 = tpu.memref_slice %arg7[%dma_wait3A] : memref<16xi32, #tpu.memory_space<vmem>> -> memref<8xi32, #tpu.memory_space<vmem>>
        %dma_wait3A_3914 = arith.constant 0 : i32
        %dma_wait3A_3915 = tpu.memref_slice %arg7[%dma_wait3A_3914] : memref<16xi32, #tpu.memory_space<vmem>> -> memref<8xi32, #tpu.memory_space<vmem>>
        tpu.wait_dma2 semaphore(%run_scoped3A : memref<!tpu.dma_semaphore, #tpu.memory_space<semaphore_mem>>) src(%dma_wait3A_3915 : memref<8xi32, #tpu.memory_space<vmem>>) dst(%arg4 : memref<8xi32, #tpu.memory_space<hbm>>)
        tpu.yield
      }) : () -> ()
    } else {
    }
    %mul3A_39 = arith.constant 1024 : i32
    %mul3A_40 = arith.muli %select_n3A, %mul3A_39 : i32
    "tpu.region"() ({
      %run_scoped3A = tpu.sem_alloc : memref<!tpu.dma_semaphore, #tpu.memory_space<semaphore_mem>>
      %dma_start3A = tpu.memref_slice %arg2[%mul3A_40] : memref<8192xf32, #tpu.memory_space<hbm>> -> memref<1024xf32, #tpu.memory_space<hbm>>
      %dma_start3A_3906 = tpu.memref_slice %arg2[%mul3A_40] : memref<8192xf32, #tpu.memory_space<hbm>> -> memref<1024xf32, #tpu.memory_space<hbm>>
      tpu.enqueue_dma source(%dma_start3A_3906 : memref<1024xf32, #tpu.memory_space<hbm>>) target(%arg5 : memref<1024xf32, #tpu.memory_space<vmem>>) target_semaphore(%run_scoped3A : memref<!tpu.dma_semaphore, #tpu.memory_space<semaphore_mem>>)
      %dma_wait3A = tpu.memref_slice %arg2[%mul3A_40] : memref<8192xf32, #tpu.memory_space<hbm>> -> memref<1024xf32, #tpu.memory_space<hbm>>
      %dma_wait3A_3907 = tpu.memref_slice %arg2[%mul3A_40] : memref<8192xf32, #tpu.memory_space<hbm>> -> memref<1024xf32, #tpu.memory_space<hbm>>
      tpu.wait_dma2 semaphore(%run_scoped3A : memref<!tpu.dma_semaphore, #tpu.memory_space<semaphore_mem>>) src(%dma_wait3A_3907 : memref<1024xf32, #tpu.memory_space<hbm>>) dst(%arg5 : memref<1024xf32, #tpu.memory_space<vmem>>)
      tpu.yield
    }) : () -> ()
    %iota3A = tpu.iota {dimensions = array<i32: 0>} : vector<16xi32>
    %add3A_41 = arith.constant 0 : i32
    %add3A_42 = vector.broadcast %add3A_41 : i32 to vector<16xi32>
    %add3A_43 = arith.addi %iota3A, %add3A_42 : vector<16xi32>
    %add3A_44 = vector.broadcast %add3A_35 : i32 to vector<16xi32>
    %add3A_45 = arith.addi %add3A_43, %add3A_44 : vector<16xi32>
    %broadcast_in_dim3A = arith.constant 1705926158 : i32
    %broadcast_in_dim3A_46 = vector.broadcast %broadcast_in_dim3A : i32 to vector<16xi32>
    %add3A_47 = arith.constant 899080142 : i32
    %add3A_48 = vector.broadcast %add3A_47 : i32 to vector<16xi32>
    %add3A_49 = arith.addi %add3A_45, %add3A_48 : vector<16xi32>
    %add3A_50 = arith.addi %broadcast_in_dim3A_46, %add3A_49 : vector<16xi32>
    %shift_left3A = arith.constant 13 : i32
    %shift_left3A_51 = vector.broadcast %shift_left3A : i32 to vector<16xi32>
    %shift_left3A_52 = arith.shli %add3A_49, %shift_left3A_51 : vector<16xi32>
    %shift_right_logical3A = arith.constant 19 : i32
    %shift_right_logical3A_53 = vector.broadcast %shift_right_logical3A : i32 to vector<16xi32>
    %shift_right_logical3A_54 = arith.shrui %add3A_49, %shift_right_logical3A_53 : vector<16xi32>
    %or3A = arith.ori %shift_left3A_52, %shift_right_logical3A_54 : vector<16xi32>
    %xor3A = arith.xori %add3A_50, %or3A : vector<16xi32>
    %add3A_55 = arith.addi %add3A_50, %xor3A : vector<16xi32>
    %shift_left3A_56 = arith.constant 15 : i32
    %shift_left3A_57 = vector.broadcast %shift_left3A_56 : i32 to vector<16xi32>
    %shift_left3A_58 = arith.shli %xor3A, %shift_left3A_57 : vector<16xi32>
    %shift_right_logical3A_59 = arith.constant 17 : i32
    %shift_right_logical3A_60 = vector.broadcast %shift_right_logical3A_59 : i32 to vector<16xi32>
    %shift_right_logical3A_61 = arith.shrui %xor3A, %shift_right_logical3A_60 : vector<16xi32>
    %or3A_62 = arith.ori %shift_left3A_58, %shift_right_logical3A_61 : vector<16xi32>
    %xor3A_63 = arith.xori %add3A_55, %or3A_62 : vector<16xi32>
    %add3A_64 = arith.addi %add3A_55, %xor3A_63 : vector<16xi32>
    %shift_left3A_65 = arith.constant 26 : i32
    %shift_left3A_66 = vector.broadcast %shift_left3A_65 : i32 to vector<16xi32>
    %shift_left3A_67 = arith.shli %xor3A_63, %shift_left3A_66 : vector<16xi32>
    %shift_right_logical3A_68 = arith.constant 6 : i32
    %shift_right_logical3A_69 = vector.broadcast %shift_right_logical3A_68 : i32 to vector<16xi32>
    %shift_right_logical3A_70 = arith.shrui %xor3A_63, %shift_right_logical3A_69 : vector<16xi32>
    %or3A_71 = arith.ori %shift_left3A_67, %shift_right_logical3A_70 : vector<16xi32>
    %xor3A_72 = arith.xori %add3A_64, %or3A_71 : vector<16xi32>
    %add3A_73 = arith.addi %add3A_64, %xor3A_72 : vector<16xi32>
    %shift_left3A_74 = arith.constant 6 : i32
    %shift_left3A_75 = vector.broadcast %shift_left3A_74 : i32 to vector<16xi32>
    %shift_left3A_76 = arith.shli %xor3A_72, %shift_left3A_75 : vector<16xi32>
    %shift_right_logical3A_77 = arith.constant 26 : i32
    %shift_right_logical3A_78 = vector.broadcast %shift_right_logical3A_77 : i32 to vector<16xi32>
    %shift_right_logical3A_79 = arith.shrui %xor3A_72, %shift_right_logical3A_78 : vector<16xi32>
    %or3A_80 = arith.ori %shift_left3A_76, %shift_right_logical3A_79 : vector<16xi32>
    %xor3A_81 = arith.xori %add3A_73, %or3A_80 : vector<16xi32>
    %add3A_82 = arith.constant 899080142 : i32
    %add3A_83 = vector.broadcast %add3A_82 : i32 to vector<16xi32>
    %add3A_84 = arith.addi %add3A_73, %add3A_83 : vector<16xi32>
    %add3A_85 = arith.constant 1273600538 : i32
    %add3A_86 = vector.broadcast %add3A_85 : i32 to vector<16xi32>
    %add3A_87 = arith.addi %xor3A_81, %add3A_86 : vector<16xi32>
    %add3A_88 = arith.constant 1 : i32
    %add3A_89 = vector.broadcast %add3A_88 : i32 to vector<16xi32>
    %add3A_90 = arith.addi %add3A_87, %add3A_89 : vector<16xi32>
    %add3A_91 = arith.addi %add3A_84, %add3A_90 : vector<16xi32>
    %shift_left3A_92 = arith.constant 17 : i32
    %shift_left3A_93 = vector.broadcast %shift_left3A_92 : i32 to vector<16xi32>
    %shift_left3A_94 = arith.shli %add3A_90, %shift_left3A_93 : vector<16xi32>
    %shift_right_logical3A_95 = arith.constant 15 : i32
    %shift_right_logical3A_96 = vector.broadcast %shift_right_logical3A_95 : i32 to vector<16xi32>
    %shift_right_logical3A_97 = arith.shrui %add3A_90, %shift_right_logical3A_96 : vector<16xi32>
    %or3A_98 = arith.ori %shift_left3A_94, %shift_right_logical3A_97 : vector<16xi32>
    %xor3A_99 = arith.xori %add3A_91, %or3A_98 : vector<16xi32>
    %add3A_100 = arith.addi %add3A_91, %xor3A_99 : vector<16xi32>
    %shift_left3A_101 = arith.constant 29 : i32
    %shift_left3A_102 = vector.broadcast %shift_left3A_101 : i32 to vector<16xi32>
    %shift_left3A_103 = arith.shli %xor3A_99, %shift_left3A_102 : vector<16xi32>
    %shift_right_logical3A_104 = arith.constant 3 : i32
    %shift_right_logical3A_105 = vector.broadcast %shift_right_logical3A_104 : i32 to vector<16xi32>
    %shift_right_logical3A_106 = arith.shrui %xor3A_99, %shift_right_logical3A_105 : vector<16xi32>
    %or3A_107 = arith.ori %shift_left3A_103, %shift_right_logical3A_106 : vector<16xi32>
    %xor3A_108 = arith.xori %add3A_100, %or3A_107 : vector<16xi32>
    %add3A_109 = arith.addi %add3A_100, %xor3A_108 : vector<16xi32>
    %shift_left3A_110 = arith.constant 16 : i32
    %shift_left3A_111 = vector.broadcast %shift_left3A_110 : i32 to vector<16xi32>
    %shift_left3A_112 = arith.shli %xor3A_108, %shift_left3A_111 : vector<16xi32>
    %shift_right_logical3A_113 = arith.constant 16 : i32
    %shift_right_logical3A_114 = vector.broadcast %shift_right_logical3A_113 : i32 to vector<16xi32>
    %shift_right_logical3A_115 = arith.shrui %xor3A_108, %shift_right_logical3A_114 : vector<16xi32>
    %or3A_116 = arith.ori %shift_left3A_112, %shift_right_logical3A_115 : vector<16xi32>
    %xor3A_117 = arith.xori %add3A_109, %or3A_116 : vector<16xi32>
    %add3A_118 = arith.addi %add3A_109, %xor3A_117 : vector<16xi32>
    %shift_left3A_119 = arith.constant 24 : i32
    %shift_left3A_120 = vector.broadcast %shift_left3A_119 : i32 to vector<16xi32>
    %shift_left3A_121 = arith.shli %xor3A_117, %shift_left3A_120 : vector<16xi32>
    %shift_right_logical3A_122 = arith.constant 8 : i32
    %shift_right_logical3A_123 = vector.broadcast %shift_right_logical3A_122 : i32 to vector<16xi32>
    %shift_right_logical3A_124 = arith.shrui %xor3A_117, %shift_right_logical3A_123 : vector<16xi32>
    %or3A_125 = arith.ori %shift_left3A_121, %shift_right_logical3A_124 : vector<16xi32>
    %xor3A_126 = arith.xori %add3A_118, %or3A_125 : vector<16xi32>
    %add3A_127 = arith.constant 1273600538 : i32
    %add3A_128 = vector.broadcast %add3A_127 : i32 to vector<16xi32>
    %add3A_129 = arith.addi %add3A_118, %add3A_128 : vector<16xi32>
    %add3A_130 = arith.constant 1705926158 : i32
    %add3A_131 = vector.broadcast %add3A_130 : i32 to vector<16xi32>
    %add3A_132 = arith.addi %xor3A_126, %add3A_131 : vector<16xi32>
    %add3A_133 = arith.constant 2 : i32
    %add3A_134 = vector.broadcast %add3A_133 : i32 to vector<16xi32>
    %add3A_135 = arith.addi %add3A_132, %add3A_134 : vector<16xi32>
    %add3A_136 = arith.addi %add3A_129, %add3A_135 : vector<16xi32>
    %shift_left3A_137 = arith.constant 13 : i32
    %shift_left3A_138 = vector.broadcast %shift_left3A_137 : i32 to vector<16xi32>
    %shift_left3A_139 = arith.shli %add3A_135, %shift_left3A_138 : vector<16xi32>
    %shift_right_logical3A_140 = arith.constant 19 : i32
    %shift_right_logical3A_141 = vector.broadcast %shift_right_logical3A_140 : i32 to vector<16xi32>
    %shift_right_logical3A_142 = arith.shrui %add3A_135, %shift_right_logical3A_141 : vector<16xi32>
    %or3A_143 = arith.ori %shift_left3A_139, %shift_right_logical3A_142 : vector<16xi32>
    %xor3A_144 = arith.xori %add3A_136, %or3A_143 : vector<16xi32>
    %add3A_145 = arith.addi %add3A_136, %xor3A_144 : vector<16xi32>
    %shift_left3A_146 = arith.constant 15 : i32
    %shift_left3A_147 = vector.broadcast %shift_left3A_146 : i32 to vector<16xi32>
    %shift_left3A_148 = arith.shli %xor3A_144, %shift_left3A_147 : vector<16xi32>
    %shift_right_logical3A_149 = arith.constant 17 : i32
    %shift_right_logical3A_150 = vector.broadcast %shift_right_logical3A_149 : i32 to vector<16xi32>
    %shift_right_logical3A_151 = arith.shrui %xor3A_144, %shift_right_logical3A_150 : vector<16xi32>
    %or3A_152 = arith.ori %shift_left3A_148, %shift_right_logical3A_151 : vector<16xi32>
    %xor3A_153 = arith.xori %add3A_145, %or3A_152 : vector<16xi32>
    %add3A_154 = arith.addi %add3A_145, %xor3A_153 : vector<16xi32>
    %shift_left3A_155 = arith.constant 26 : i32
    %shift_left3A_156 = vector.broadcast %shift_left3A_155 : i32 to vector<16xi32>
    %shift_left3A_157 = arith.shli %xor3A_153, %shift_left3A_156 : vector<16xi32>
    %shift_right_logical3A_158 = arith.constant 6 : i32
    %shift_right_logical3A_159 = vector.broadcast %shift_right_logical3A_158 : i32 to vector<16xi32>
    %shift_right_logical3A_160 = arith.shrui %xor3A_153, %shift_right_logical3A_159 : vector<16xi32>
    %or3A_161 = arith.ori %shift_left3A_157, %shift_right_logical3A_160 : vector<16xi32>
    %xor3A_162 = arith.xori %add3A_154, %or3A_161 : vector<16xi32>
    %add3A_163 = arith.addi %add3A_154, %xor3A_162 : vector<16xi32>
    %shift_left3A_164 = arith.constant 6 : i32
    %shift_left3A_165 = vector.broadcast %shift_left3A_164 : i32 to vector<16xi32>
    %shift_left3A_166 = arith.shli %xor3A_162, %shift_left3A_165 : vector<16xi32>
    %shift_right_logical3A_167 = arith.constant 26 : i32
    %shift_right_logical3A_168 = vector.broadcast %shift_right_logical3A_167 : i32 to vector<16xi32>
    %shift_right_logical3A_169 = arith.shrui %xor3A_162, %shift_right_logical3A_168 : vector<16xi32>
    %or3A_170 = arith.ori %shift_left3A_166, %shift_right_logical3A_169 : vector<16xi32>
    %xor3A_171 = arith.xori %add3A_163, %or3A_170 : vector<16xi32>
    %add3A_172 = arith.constant 1705926158 : i32
    %add3A_173 = vector.broadcast %add3A_172 : i32 to vector<16xi32>
    %add3A_174 = arith.addi %add3A_163, %add3A_173 : vector<16xi32>
    %add3A_175 = arith.constant 899080142 : i32
    %add3A_176 = vector.broadcast %add3A_175 : i32 to vector<16xi32>
    %add3A_177 = arith.addi %xor3A_171, %add3A_176 : vector<16xi32>
    %add3A_178 = arith.constant 3 : i32
    %add3A_179 = vector.broadcast %add3A_178 : i32 to vector<16xi32>
    %add3A_180 = arith.addi %add3A_177, %add3A_179 : vector<16xi32>
    %add3A_181 = arith.addi %add3A_174, %add3A_180 : vector<16xi32>
    %shift_left3A_182 = arith.constant 17 : i32
    %shift_left3A_183 = vector.broadcast %shift_left3A_182 : i32 to vector<16xi32>
    %shift_left3A_184 = arith.shli %add3A_180, %shift_left3A_183 : vector<16xi32>
    %shift_right_logical3A_185 = arith.constant 15 : i32
    %shift_right_logical3A_186 = vector.broadcast %shift_right_logical3A_185 : i32 to vector<16xi32>
    %shift_right_logical3A_187 = arith.shrui %add3A_180, %shift_right_logical3A_186 : vector<16xi32>
    %or3A_188 = arith.ori %shift_left3A_184, %shift_right_logical3A_187 : vector<16xi32>
    %xor3A_189 = arith.xori %add3A_181, %or3A_188 : vector<16xi32>
    %add3A_190 = arith.addi %add3A_181, %xor3A_189 : vector<16xi32>
    %shift_left3A_191 = arith.constant 29 : i32
    %shift_left3A_192 = vector.broadcast %shift_left3A_191 : i32 to vector<16xi32>
    %shift_left3A_193 = arith.shli %xor3A_189, %shift_left3A_192 : vector<16xi32>
    %shift_right_logical3A_194 = arith.constant 3 : i32
    %shift_right_logical3A_195 = vector.broadcast %shift_right_logical3A_194 : i32 to vector<16xi32>
    %shift_right_logical3A_196 = arith.shrui %xor3A_189, %shift_right_logical3A_195 : vector<16xi32>
    %or3A_197 = arith.ori %shift_left3A_193, %shift_right_logical3A_196 : vector<16xi32>
    %xor3A_198 = arith.xori %add3A_190, %or3A_197 : vector<16xi32>
    %add3A_199 = arith.addi %add3A_190, %xor3A_198 : vector<16xi32>
    %shift_left3A_200 = arith.constant 16 : i32
    %shift_left3A_201 = vector.broadcast %shift_left3A_200 : i32 to vector<16xi32>
    %shift_left3A_202 = arith.shli %xor3A_198, %shift_left3A_201 : vector<16xi32>
    %shift_right_logical3A_203 = arith.constant 16 : i32
    %shift_right_logical3A_204 = vector.broadcast %shift_right_logical3A_203 : i32 to vector<16xi32>
    %shift_right_logical3A_205 = arith.shrui %xor3A_198, %shift_right_logical3A_204 : vector<16xi32>
    %or3A_206 = arith.ori %shift_left3A_202, %shift_right_logical3A_205 : vector<16xi32>
    %xor3A_207 = arith.xori %add3A_199, %or3A_206 : vector<16xi32>
    %add3A_208 = arith.addi %add3A_199, %xor3A_207 : vector<16xi32>
    %shift_left3A_209 = arith.constant 24 : i32
    %shift_left3A_210 = vector.broadcast %shift_left3A_209 : i32 to vector<16xi32>
    %shift_left3A_211 = arith.shli %xor3A_207, %shift_left3A_210 : vector<16xi32>
    %shift_right_logical3A_212 = arith.constant 8 : i32
    %shift_right_logical3A_213 = vector.broadcast %shift_right_logical3A_212 : i32 to vector<16xi32>
    %shift_right_logical3A_214 = arith.shrui %xor3A_207, %shift_right_logical3A_213 : vector<16xi32>
    %or3A_215 = arith.ori %shift_left3A_211, %shift_right_logical3A_214 : vector<16xi32>
    %xor3A_216 = arith.xori %add3A_208, %or3A_215 : vector<16xi32>
    %add3A_217 = arith.constant 899080142 : i32
    %add3A_218 = vector.broadcast %add3A_217 : i32 to vector<16xi32>
    %add3A_219 = arith.addi %add3A_208, %add3A_218 : vector<16xi32>
    %add3A_220 = arith.constant 1273600538 : i32
    %add3A_221 = vector.broadcast %add3A_220 : i32 to vector<16xi32>
    %add3A_222 = arith.addi %xor3A_216, %add3A_221 : vector<16xi32>
    %add3A_223 = arith.constant 4 : i32
    %add3A_224 = vector.broadcast %add3A_223 : i32 to vector<16xi32>
    %add3A_225 = arith.addi %add3A_222, %add3A_224 : vector<16xi32>
    %add3A_226 = arith.addi %add3A_219, %add3A_225 : vector<16xi32>
    %shift_left3A_227 = arith.constant 13 : i32
    %shift_left3A_228 = vector.broadcast %shift_left3A_227 : i32 to vector<16xi32>
    %shift_left3A_229 = arith.shli %add3A_225, %shift_left3A_228 : vector<16xi32>
    %shift_right_logical3A_230 = arith.constant 19 : i32
    %shift_right_logical3A_231 = vector.broadcast %shift_right_logical3A_230 : i32 to vector<16xi32>
    %shift_right_logical3A_232 = arith.shrui %add3A_225, %shift_right_logical3A_231 : vector<16xi32>
    %or3A_233 = arith.ori %shift_left3A_229, %shift_right_logical3A_232 : vector<16xi32>
    %xor3A_234 = arith.xori %add3A_226, %or3A_233 : vector<16xi32>
    %add3A_235 = arith.addi %add3A_226, %xor3A_234 : vector<16xi32>
    %shift_left3A_236 = arith.constant 15 : i32
    %shift_left3A_237 = vector.broadcast %shift_left3A_236 : i32 to vector<16xi32>
    %shift_left3A_238 = arith.shli %xor3A_234, %shift_left3A_237 : vector<16xi32>
    %shift_right_logical3A_239 = arith.constant 17 : i32
    %shift_right_logical3A_240 = vector.broadcast %shift_right_logical3A_239 : i32 to vector<16xi32>
    %shift_right_logical3A_241 = arith.shrui %xor3A_234, %shift_right_logical3A_240 : vector<16xi32>
    %or3A_242 = arith.ori %shift_left3A_238, %shift_right_logical3A_241 : vector<16xi32>
    %xor3A_243 = arith.xori %add3A_235, %or3A_242 : vector<16xi32>
    %add3A_244 = arith.addi %add3A_235, %xor3A_243 : vector<16xi32>
    %shift_left3A_245 = arith.constant 26 : i32
    %shift_left3A_246 = vector.broadcast %shift_left3A_245 : i32 to vector<16xi32>
    %shift_left3A_247 = arith.shli %xor3A_243, %shift_left3A_246 : vector<16xi32>
    %shift_right_logical3A_248 = arith.constant 6 : i32
    %shift_right_logical3A_249 = vector.broadcast %shift_right_logical3A_248 : i32 to vector<16xi32>
    %shift_right_logical3A_250 = arith.shrui %xor3A_243, %shift_right_logical3A_249 : vector<16xi32>
    %or3A_251 = arith.ori %shift_left3A_247, %shift_right_logical3A_250 : vector<16xi32>
    %xor3A_252 = arith.xori %add3A_244, %or3A_251 : vector<16xi32>
    %add3A_253 = arith.addi %add3A_244, %xor3A_252 : vector<16xi32>
    %shift_left3A_254 = arith.constant 6 : i32
    %shift_left3A_255 = vector.broadcast %shift_left3A_254 : i32 to vector<16xi32>
    %shift_left3A_256 = arith.shli %xor3A_252, %shift_left3A_255 : vector<16xi32>
    %shift_right_logical3A_257 = arith.constant 26 : i32
    %shift_right_logical3A_258 = vector.broadcast %shift_right_logical3A_257 : i32 to vector<16xi32>
    %shift_right_logical3A_259 = arith.shrui %xor3A_252, %shift_right_logical3A_258 : vector<16xi32>
    %or3A_260 = arith.ori %shift_left3A_256, %shift_right_logical3A_259 : vector<16xi32>
    %xor3A_261 = arith.xori %add3A_253, %or3A_260 : vector<16xi32>
    %add3A_262 = arith.constant 1273600538 : i32
    %add3A_263 = vector.broadcast %add3A_262 : i32 to vector<16xi32>
    %add3A_264 = arith.addi %add3A_253, %add3A_263 : vector<16xi32>
    %add3A_265 = arith.constant 1705926158 : i32
    %add3A_266 = vector.broadcast %add3A_265 : i32 to vector<16xi32>
    %add3A_267 = arith.addi %xor3A_261, %add3A_266 : vector<16xi32>
    %add3A_268 = arith.constant 5 : i32
    %add3A_269 = vector.broadcast %add3A_268 : i32 to vector<16xi32>
    %add3A_270 = arith.addi %add3A_267, %add3A_269 : vector<16xi32>
    %xor3A_271 = arith.xori %add3A_264, %add3A_270 : vector<16xi32>
    %and3A_272 = arith.constant 1023 : i32
    %and3A_273 = vector.broadcast %and3A_272 : i32 to vector<16xi32>
    %and3A_274 = arith.andi %xor3A_271, %and3A_273 : vector<16xi32>
    %gather3A = tpu.vector_load_idx %arg5[%and3A_274] : memref<1024xf32, #tpu.memory_space<vmem>>[vector<16xi32>], vector<16xf32>,
    %swap3A = arith.constant 0 : index
    %swap3A_275 = tpu.vector_load %arg6[%swap3A] {strides = array<i32>} : memref<256xf32, #tpu.memory_space<vmem>>, vector<16xf32>,
    tpu.vector_store %arg6[%swap3A], %gather3A {strides = array<i32>} : memref<256xf32, #tpu.memory_space<vmem>>, vector<16xf32>,
    %add3A_276 = arith.constant 16 : i32
    %add3A_277 = vector.broadcast %add3A_276 : i32 to vector<16xi32>
    %add3A_278 = arith.addi %iota3A, %add3A_277 : vector<16xi32>
    %add3A_279 = vector.broadcast %add3A_35 : i32 to vector<16xi32>
    %add3A_280 = arith.addi %add3A_278, %add3A_279 : vector<16xi32>
    %broadcast_in_dim3A_281 = arith.constant 1705926158 : i32
    %broadcast_in_dim3A_282 = vector.broadcast %broadcast_in_dim3A_281 : i32 to vector<16xi32>
    %add3A_283 = arith.constant 899080142 : i32
    %add3A_284 = vector.broadcast %add3A_283 : i32 to vector<16xi32>
    %add3A_285 = arith.addi %add3A_280, %add3A_284 : vector<16xi32>
    %add3A_286 = arith.addi %broadcast_in_dim3A_282, %add3A_285 : vector<16xi32>
    %shift_left3A_287 = arith.constant 13 : i32
    %shift_left3A_288 = vector.broadcast %shift_left3A_287 : i32 to vector<16xi32>
    %shift_left3A_289 = arith.shli %add3A_285, %shift_left3A_288 : vector<16xi32>
    %shift_right_logical3A_290 = arith.constant 19 : i32
    %shift_right_logical3A_291 = vector.broadcast %shift_right_logical3A_290 : i32 to vector<16xi32>
    %shift_right_logical3A_292 = arith.shrui %add3A_285, %shift_right_logical3A_291 : vector<16xi32>
    %or3A_293 = arith.ori %shift_left3A_289, %shift_right_logical3A_292 : vector<16xi32>
    %xor3A_294 = arith.xori %add3A_286, %or3A_293 : vector<16xi32>
    %add3A_295 = arith.addi %add3A_286, %xor3A_294 : vector<16xi32>
    %shift_left3A_296 = arith.constant 15 : i32
    %shift_left3A_297 = vector.broadcast %shift_left3A_296 : i32 to vector<16xi32>
    %shift_left3A_298 = arith.shli %xor3A_294, %shift_left3A_297 : vector<16xi32>
    %shift_right_logical3A_299 = arith.constant 17 : i32
    %shift_right_logical3A_300 = vector.broadcast %shift_right_logical3A_299 : i32 to vector<16xi32>
    %shift_right_logical3A_301 = arith.shrui %xor3A_294, %shift_right_logical3A_300 : vector<16xi32>
    %or3A_302 = arith.ori %shift_left3A_298, %shift_right_logical3A_301 : vector<16xi32>
    %xor3A_303 = arith.xori %add3A_295, %or3A_302 : vector<16xi32>
    %add3A_304 = arith.addi %add3A_295, %xor3A_303 : vector<16xi32>
    %shift_left3A_305 = arith.constant 26 : i32
    %shift_left3A_306 = vector.broadcast %shift_left3A_305 : i32 to vector<16xi32>
    %shift_left3A_307 = arith.shli %xor3A_303, %shift_left3A_306 : vector<16xi32>
    %shift_right_logical3A_308 = arith.constant 6 : i32
    %shift_right_logical3A_309 = vector.broadcast %shift_right_logical3A_308 : i32 to vector<16xi32>
    %shift_right_logical3A_310 = arith.shrui %xor3A_303, %shift_right_logical3A_309 : vector<16xi32>
    %or3A_311 = arith.ori %shift_left3A_307, %shift_right_logical3A_310 : vector<16xi32>
    %xor3A_312 = arith.xori %add3A_304, %or3A_311 : vector<16xi32>
    %add3A_313 = arith.addi %add3A_304, %xor3A_312 : vector<16xi32>
    %shift_left3A_314 = arith.constant 6 : i32
    %shift_left3A_315 = vector.broadcast %shift_left3A_314 : i32 to vector<16xi32>
    %shift_left3A_316 = arith.shli %xor3A_312, %shift_left3A_315 : vector<16xi32>
    %shift_right_logical3A_317 = arith.constant 26 : i32
    %shift_right_logical3A_318 = vector.broadcast %shift_right_logical3A_317 : i32 to vector<16xi32>
    %shift_right_logical3A_319 = arith.shrui %xor3A_312, %shift_right_logical3A_318 : vector<16xi32>
    %or3A_320 = arith.ori %shift_left3A_316, %shift_right_logical3A_319 : vector<16xi32>
    %xor3A_321 = arith.xori %add3A_313, %or3A_320 : vector<16xi32>
    %add3A_322 = arith.constant 899080142 : i32
    %add3A_323 = vector.broadcast %add3A_322 : i32 to vector<16xi32>
    %add3A_324 = arith.addi %add3A_313, %add3A_323 : vector<16xi32>
    %add3A_325 = arith.constant 1273600538 : i32
    %add3A_326 = vector.broadcast %add3A_325 : i32 to vector<16xi32>
    %add3A_327 = arith.addi %xor3A_321, %add3A_326 : vector<16xi32>
    %add3A_328 = arith.constant 1 : i32
    %add3A_329 = vector.broadcast %add3A_328 : i32 to vector<16xi32>
    %add3A_330 = arith.addi %add3A_327, %add3A_329 : vector<16xi32>
    %add3A_331 = arith.addi %add3A_324, %add3A_330 : vector<16xi32>
    %shift_left3A_332 = arith.constant 17 : i32
    %shift_left3A_333 = vector.broadcast %shift_left3A_332 : i32 to vector<16xi32>
    %shift_left3A_334 = arith.shli %add3A_330, %shift_left3A_333 : vector<16xi32>
    %shift_right_logical3A_335 = arith.constant 15 : i32
    %shift_right_logical3A_336 = vector.broadcast %shift_right_logical3A_335 : i32 to vector<16xi32>
    %shift_right_logical3A_337 = arith.shrui %add3A_330, %shift_right_logical3A_336 : vector<16xi32>
    %or3A_338 = arith.ori %shift_left3A_334, %shift_right_logical3A_337 : vector<16xi32>
    %xor3A_339 = arith.xori %add3A_331, %or3A_338 : vector<16xi32>
    %add3A_340 = arith.addi %add3A_331, %xor3A_339 : vector<16xi32>
    %shift_left3A_341 = arith.constant 29 : i32
    %shift_left3A_342 = vector.broadcast %shift_left3A_341 : i32 to vector<16xi32>
    %shift_left3A_343 = arith.shli %xor3A_339, %shift_left3A_342 : vector<16xi32>
    %shift_right_logical3A_344 = arith.constant 3 : i32
    %shift_right_logical3A_345 = vector.broadcast %shift_right_logical3A_344 : i32 to vector<16xi32>
    %shift_right_logical3A_346 = arith.shrui %xor3A_339, %shift_right_logical3A_345 : vector<16xi32>
    %or3A_347 = arith.ori %shift_left3A_343, %shift_right_logical3A_346 : vector<16xi32>
    %xor3A_348 = arith.xori %add3A_340, %or3A_347 : vector<16xi32>
    %add3A_349 = arith.addi %add3A_340, %xor3A_348 : vector<16xi32>
    %shift_left3A_350 = arith.constant 16 : i32
    %shift_left3A_351 = vector.broadcast %shift_left3A_350 : i32 to vector<16xi32>
    %shift_left3A_352 = arith.shli %xor3A_348, %shift_left3A_351 : vector<16xi32>
    %shift_right_logical3A_353 = arith.constant 16 : i32
    %shift_right_logical3A_354 = vector.broadcast %shift_right_logical3A_353 : i32 to vector<16xi32>
    %shift_right_logical3A_355 = arith.shrui %xor3A_348, %shift_right_logical3A_354 : vector<16xi32>
    %or3A_356 = arith.ori %shift_left3A_352, %shift_right_logical3A_355 : vector<16xi32>
    %xor3A_357 = arith.xori %add3A_349, %or3A_356 : vector<16xi32>
    %add3A_358 = arith.addi %add3A_349, %xor3A_357 : vector<16xi32>
    %shift_left3A_359 = arith.constant 24 : i32
    %shift_left3A_360 = vector.broadcast %shift_left3A_359 : i32 to vector<16xi32>
    %shift_left3A_361 = arith.shli %xor3A_357, %shift_left3A_360 : vector<16xi32>
    %shift_right_logical3A_362 = arith.constant 8 : i32
    %shift_right_logical3A_363 = vector.broadcast %shift_right_logical3A_362 : i32 to vector<16xi32>
    %shift_right_logical3A_364 = arith.shrui %xor3A_357, %shift_right_logical3A_363 : vector<16xi32>
    %or3A_365 = arith.ori %shift_left3A_361, %shift_right_logical3A_364 : vector<16xi32>
    %xor3A_366 = arith.xori %add3A_358, %or3A_365 : vector<16xi32>
    %add3A_367 = arith.constant 1273600538 : i32
    %add3A_368 = vector.broadcast %add3A_367 : i32 to vector<16xi32>
    %add3A_369 = arith.addi %add3A_358, %add3A_368 : vector<16xi32>
    %add3A_370 = arith.constant 1705926158 : i32
    %add3A_371 = vector.broadcast %add3A_370 : i32 to vector<16xi32>
    %add3A_372 = arith.addi %xor3A_366, %add3A_371 : vector<16xi32>
    %add3A_373 = arith.constant 2 : i32
    %add3A_374 = vector.broadcast %add3A_373 : i32 to vector<16xi32>
    %add3A_375 = arith.addi %add3A_372, %add3A_374 : vector<16xi32>
    %add3A_376 = arith.addi %add3A_369, %add3A_375 : vector<16xi32>
    %shift_left3A_377 = arith.constant 13 : i32
    %shift_left3A_378 = vector.broadcast %shift_left3A_377 : i32 to vector<16xi32>
    %shift_left3A_379 = arith.shli %add3A_375, %shift_left3A_378 : vector<16xi32>
    %shift_right_logical3A_380 = arith.constant 19 : i32
    %shift_right_logical3A_381 = vector.broadcast %shift_right_logical3A_380 : i32 to vector<16xi32>
    %shift_right_logical3A_382 = arith.shrui %add3A_375, %shift_right_logical3A_381 : vector<16xi32>
    %or3A_383 = arith.ori %shift_left3A_379, %shift_right_logical3A_382 : vector<16xi32>
    %xor3A_384 = arith.xori %add3A_376, %or3A_383 : vector<16xi32>
    %add3A_385 = arith.addi %add3A_376, %xor3A_384 : vector<16xi32>
    %shift_left3A_386 = arith.constant 15 : i32
    %shift_left3A_387 = vector.broadcast %shift_left3A_386 : i32 to vector<16xi32>
    %shift_left3A_388 = arith.shli %xor3A_384, %shift_left3A_387 : vector<16xi32>
    %shift_right_logical3A_389 = arith.constant 17 : i32
    %shift_right_logical3A_390 = vector.broadcast %shift_right_logical3A_389 : i32 to vector<16xi32>
    %shift_right_logical3A_391 = arith.shrui %xor3A_384, %shift_right_logical3A_390 : vector<16xi32>
    %or3A_392 = arith.ori %shift_left3A_388, %shift_right_logical3A_391 : vector<16xi32>
    %xor3A_393 = arith.xori %add3A_385, %or3A_392 : vector<16xi32>
    %add3A_394 = arith.addi %add3A_385, %xor3A_393 : vector<16xi32>
    %shift_left3A_395 = arith.constant 26 : i32
    %shift_left3A_396 = vector.broadcast %shift_left3A_395 : i32 to vector<16xi32>
    %shift_left3A_397 = arith.shli %xor3A_393, %shift_left3A_396 : vector<16xi32>
    %shift_right_logical3A_398 = arith.constant 6 : i32
    %shift_right_logical3A_399 = vector.broadcast %shift_right_logical3A_398 : i32 to vector<16xi32>
    %shift_right_logical3A_400 = arith.shrui %xor3A_393, %shift_right_logical3A_399 : vector<16xi32>
    %or3A_401 = arith.ori %shift_left3A_397, %shift_right_logical3A_400 : vector<16xi32>
    %xor3A_402 = arith.xori %add3A_394, %or3A_401 : vector<16xi32>
    %add3A_403 = arith.addi %add3A_394, %xor3A_402 : vector<16xi32>
    %shift_left3A_404 = arith.constant 6 : i32
    %shift_left3A_405 = vector.broadcast %shift_left3A_404 : i32 to vector<16xi32>
    %shift_left3A_406 = arith.shli %xor3A_402, %shift_left3A_405 : vector<16xi32>
    %shift_right_logical3A_407 = arith.constant 26 : i32
    %shift_right_logical3A_408 = vector.broadcast %shift_right_logical3A_407 : i32 to vector<16xi32>
    %shift_right_logical3A_409 = arith.shrui %xor3A_402, %shift_right_logical3A_408 : vector<16xi32>
    %or3A_410 = arith.ori %shift_left3A_406, %shift_right_logical3A_409 : vector<16xi32>
    %xor3A_411 = arith.xori %add3A_403, %or3A_410 : vector<16xi32>
    %add3A_412 = arith.constant 1705926158 : i32
    %add3A_413 = vector.broadcast %add3A_412 : i32 to vector<16xi32>
    %add3A_414 = arith.addi %add3A_403, %add3A_413 : vector<16xi32>
    %add3A_415 = arith.constant 899080142 : i32
    %add3A_416 = vector.broadcast %add3A_415 : i32 to vector<16xi32>
    %add3A_417 = arith.addi %xor3A_411, %add3A_416 : vector<16xi32>
    %add3A_418 = arith.constant 3 : i32
    %add3A_419 = vector.broadcast %add3A_418 : i32 to vector<16xi32>
    %add3A_420 = arith.addi %add3A_417, %add3A_419 : vector<16xi32>
    %add3A_421 = arith.addi %add3A_414, %add3A_420 : vector<16xi32>
    %shift_left3A_422 = arith.constant 17 : i32
    %shift_left3A_423 = vector.broadcast %shift_left3A_422 : i32 to vector<16xi32>
    %shift_left3A_424 = arith.shli %add3A_420, %shift_left3A_423 : vector<16xi32>
    %shift_right_logical3A_425 = arith.constant 15 : i32
    %shift_right_logical3A_426 = vector.broadcast %shift_right_logical3A_425 : i32 to vector<16xi32>
    %shift_right_logical3A_427 = arith.shrui %add3A_420, %shift_right_logical3A_426 : vector<16xi32>
    %or3A_428 = arith.ori %shift_left3A_424, %shift_right_logical3A_427 : vector<16xi32>
    %xor3A_429 = arith.xori %add3A_421, %or3A_428 : vector<16xi32>
    %add3A_430 = arith.addi %add3A_421, %xor3A_429 : vector<16xi32>
    %shift_left3A_431 = arith.constant 29 : i32
    %shift_left3A_432 = vector.broadcast %shift_left3A_431 : i32 to vector<16xi32>
    %shift_left3A_433 = arith.shli %xor3A_429, %shift_left3A_432 : vector<16xi32>
    %shift_right_logical3A_434 = arith.constant 3 : i32
    %shift_right_logical3A_435 = vector.broadcast %shift_right_logical3A_434 : i32 to vector<16xi32>
    %shift_right_logical3A_436 = arith.shrui %xor3A_429, %shift_right_logical3A_435 : vector<16xi32>
    %or3A_437 = arith.ori %shift_left3A_433, %shift_right_logical3A_436 : vector<16xi32>
    %xor3A_438 = arith.xori %add3A_430, %or3A_437 : vector<16xi32>
    %add3A_439 = arith.addi %add3A_430, %xor3A_438 : vector<16xi32>
    %shift_left3A_440 = arith.constant 16 : i32
    %shift_left3A_441 = vector.broadcast %shift_left3A_440 : i32 to vector<16xi32>
    %shift_left3A_442 = arith.shli %xor3A_438, %shift_left3A_441 : vector<16xi32>
    %shift_right_logical3A_443 = arith.constant 16 : i32
    %shift_right_logical3A_444 = vector.broadcast %shift_right_logical3A_443 : i32 to vector<16xi32>
    %shift_right_logical3A_445 = arith.shrui %xor3A_438, %shift_right_logical3A_444 : vector<16xi32>
    %or3A_446 = arith.ori %shift_left3A_442, %shift_right_logical3A_445 : vector<16xi32>
    %xor3A_447 = arith.xori %add3A_439, %or3A_446 : vector<16xi32>
    %add3A_448 = arith.addi %add3A_439, %xor3A_447 : vector<16xi32>
    %shift_left3A_449 = arith.constant 24 : i32
    %shift_left3A_450 = vector.broadcast %shift_left3A_449 : i32 to vector<16xi32>
    %shift_left3A_451 = arith.shli %xor3A_447, %shift_left3A_450 : vector<16xi32>
    %shift_right_logical3A_452 = arith.constant 8 : i32
    %shift_right_logical3A_453 = vector.broadcast %shift_right_logical3A_452 : i32 to vector<16xi32>
    %shift_right_logical3A_454 = arith.shrui %xor3A_447, %shift_right_logical3A_453 : vector<16xi32>
    %or3A_455 = arith.ori %shift_left3A_451, %shift_right_logical3A_454 : vector<16xi32>
    %xor3A_456 = arith.xori %add3A_448, %or3A_455 : vector<16xi32>
    %add3A_457 = arith.constant 899080142 : i32
    %add3A_458 = vector.broadcast %add3A_457 : i32 to vector<16xi32>
    %add3A_459 = arith.addi %add3A_448, %add3A_458 : vector<16xi32>
    %add3A_460 = arith.constant 1273600538 : i32
    %add3A_461 = vector.broadcast %add3A_460 : i32 to vector<16xi32>
    %add3A_462 = arith.addi %xor3A_456, %add3A_461 : vector<16xi32>
    %add3A_463 = arith.constant 4 : i32
    %add3A_464 = vector.broadcast %add3A_463 : i32 to vector<16xi32>
    %add3A_465 = arith.addi %add3A_462, %add3A_464 : vector<16xi32>
    %add3A_466 = arith.addi %add3A_459, %add3A_465 : vector<16xi32>
    %shift_left3A_467 = arith.constant 13 : i32
    %shift_left3A_468 = vector.broadcast %shift_left3A_467 : i32 to vector<16xi32>
    %shift_left3A_469 = arith.shli %add3A_465, %shift_left3A_468 : vector<16xi32>
    %shift_right_logical3A_470 = arith.constant 19 : i32
    %shift_right_logical3A_471 = vector.broadcast %shift_right_logical3A_470 : i32 to vector<16xi32>
    %shift_right_logical3A_472 = arith.shrui %add3A_465, %shift_right_logical3A_471 : vector<16xi32>
    %or3A_473 = arith.ori %shift_left3A_469, %shift_right_logical3A_472 : vector<16xi32>
    %xor3A_474 = arith.xori %add3A_466, %or3A_473 : vector<16xi32>
    %add3A_475 = arith.addi %add3A_466, %xor3A_474 : vector<16xi32>
    %shift_left3A_476 = arith.constant 15 : i32
    %shift_left3A_477 = vector.broadcast %shift_left3A_476 : i32 to vector<16xi32>
    %shift_left3A_478 = arith.shli %xor3A_474, %shift_left3A_477 : vector<16xi32>
    %shift_right_logical3A_479 = arith.constant 17 : i32
    %shift_right_logical3A_480 = vector.broadcast %shift_right_logical3A_479 : i32 to vector<16xi32>
    %shift_right_logical3A_481 = arith.shrui %xor3A_474, %shift_right_logical3A_480 : vector<16xi32>
    %or3A_482 = arith.ori %shift_left3A_478, %shift_right_logical3A_481 : vector<16xi32>
    %xor3A_483 = arith.xori %add3A_475, %or3A_482 : vector<16xi32>
    %add3A_484 = arith.addi %add3A_475, %xor3A_483 : vector<16xi32>
    %shift_left3A_485 = arith.constant 26 : i32
    %shift_left3A_486 = vector.broadcast %shift_left3A_485 : i32 to vector<16xi32>
    %shift_left3A_487 = arith.shli %xor3A_483, %shift_left3A_486 : vector<16xi32>
    %shift_right_logical3A_488 = arith.constant 6 : i32
    %shift_right_logical3A_489 = vector.broadcast %shift_right_logical3A_488 : i32 to vector<16xi32>
    %shift_right_logical3A_490 = arith.shrui %xor3A_483, %shift_right_logical3A_489 : vector<16xi32>
    %or3A_491 = arith.ori %shift_left3A_487, %shift_right_logical3A_490 : vector<16xi32>
    %xor3A_492 = arith.xori %add3A_484, %or3A_491 : vector<16xi32>
    %add3A_493 = arith.addi %add3A_484, %xor3A_492 : vector<16xi32>
    %shift_left3A_494 = arith.constant 6 : i32
    %shift_left3A_495 = vector.broadcast %shift_left3A_494 : i32 to vector<16xi32>
    %shift_left3A_496 = arith.shli %xor3A_492, %shift_left3A_495 : vector<16xi32>
    %shift_right_logical3A_497 = arith.constant 26 : i32
    %shift_right_logical3A_498 = vector.broadcast %shift_right_logical3A_497 : i32 to vector<16xi32>
    %shift_right_logical3A_499 = arith.shrui %xor3A_492, %shift_right_logical3A_498 : vector<16xi32>
    %or3A_500 = arith.ori %shift_left3A_496, %shift_right_logical3A_499 : vector<16xi32>
    %xor3A_501 = arith.xori %add3A_493, %or3A_500 : vector<16xi32>
    %add3A_502 = arith.constant 1273600538 : i32
    %add3A_503 = vector.broadcast %add3A_502 : i32 to vector<16xi32>
    %add3A_504 = arith.addi %add3A_493, %add3A_503 : vector<16xi32>
    %add3A_505 = arith.constant 1705926158 : i32
    %add3A_506 = vector.broadcast %add3A_505 : i32 to vector<16xi32>
    %add3A_507 = arith.addi %xor3A_501, %add3A_506 : vector<16xi32>
    %add3A_508 = arith.constant 5 : i32
    %add3A_509 = vector.broadcast %add3A_508 : i32 to vector<16xi32>
    %add3A_510 = arith.addi %add3A_507, %add3A_509 : vector<16xi32>
    %xor3A_511 = arith.xori %add3A_504, %add3A_510 : vector<16xi32>
    %and3A_512 = arith.constant 1023 : i32
    %and3A_513 = vector.broadcast %and3A_512 : i32 to vector<16xi32>
    %and3A_514 = arith.andi %xor3A_511, %and3A_513 : vector<16xi32>
    %gather3A_515 = tpu.vector_load_idx %arg5[%and3A_514] : memref<1024xf32, #tpu.memory_space<vmem>>[vector<16xi32>], vector<16xf32>,
    %swap3A_516 = arith.constant 16 : index
    %swap3A_517 = tpu.vector_load %arg6[%swap3A_516] {strides = array<i32>} : memref<256xf32, #tpu.memory_space<vmem>>, vector<16xf32>,
    tpu.vector_store %arg6[%swap3A_516], %gather3A_515 {strides = array<i32>} : memref<256xf32, #tpu.memory_space<vmem>>, vector<16xf32>,
    %add3A_518 = arith.constant 32 : i32
    %add3A_519 = vector.broadcast %add3A_518 : i32 to vector<16xi32>
    %add3A_520 = arith.addi %iota3A, %add3A_519 : vector<16xi32>
    %add3A_521 = vector.broadcast %add3A_35 : i32 to vector<16xi32>
    %add3A_522 = arith.addi %add3A_520, %add3A_521 : vector<16xi32>
    %broadcast_in_dim3A_523 = arith.constant 1705926158 : i32
    %broadcast_in_dim3A_524 = vector.broadcast %broadcast_in_dim3A_523 : i32 to vector<16xi32>
    %add3A_525 = arith.constant 899080142 : i32
    %add3A_526 = vector.broadcast %add3A_525 : i32 to vector<16xi32>
    %add3A_527 = arith.addi %add3A_522, %add3A_526 : vector<16xi32>
    %add3A_528 = arith.addi %broadcast_in_dim3A_524, %add3A_527 : vector<16xi32>
    %shift_left3A_529 = arith.constant 13 : i32
    %shift_left3A_530 = vector.broadcast %shift_left3A_529 : i32 to vector<16xi32>
    %shift_left3A_531 = arith.shli %add3A_527, %shift_left3A_530 : vector<16xi32>
    %shift_right_logical3A_532 = arith.constant 19 : i32
    %shift_right_logical3A_533 = vector.broadcast %shift_right_logical3A_532 : i32 to vector<16xi32>
    %shift_right_logical3A_534 = arith.shrui %add3A_527, %shift_right_logical3A_533 : vector<16xi32>
    %or3A_535 = arith.ori %shift_left3A_531, %shift_right_logical3A_534 : vector<16xi32>
    %xor3A_536 = arith.xori %add3A_528, %or3A_535 : vector<16xi32>
    %add3A_537 = arith.addi %add3A_528, %xor3A_536 : vector<16xi32>
    %shift_left3A_538 = arith.constant 15 : i32
    %shift_left3A_539 = vector.broadcast %shift_left3A_538 : i32 to vector<16xi32>
    %shift_left3A_540 = arith.shli %xor3A_536, %shift_left3A_539 : vector<16xi32>
    %shift_right_logical3A_541 = arith.constant 17 : i32
    %shift_right_logical3A_542 = vector.broadcast %shift_right_logical3A_541 : i32 to vector<16xi32>
    %shift_right_logical3A_543 = arith.shrui %xor3A_536, %shift_right_logical3A_542 : vector<16xi32>
    %or3A_544 = arith.ori %shift_left3A_540, %shift_right_logical3A_543 : vector<16xi32>
    %xor3A_545 = arith.xori %add3A_537, %or3A_544 : vector<16xi32>
    %add3A_546 = arith.addi %add3A_537, %xor3A_545 : vector<16xi32>
    %shift_left3A_547 = arith.constant 26 : i32
    %shift_left3A_548 = vector.broadcast %shift_left3A_547 : i32 to vector<16xi32>
    %shift_left3A_549 = arith.shli %xor3A_545, %shift_left3A_548 : vector<16xi32>
    %shift_right_logical3A_550 = arith.constant 6 : i32
    %shift_right_logical3A_551 = vector.broadcast %shift_right_logical3A_550 : i32 to vector<16xi32>
    %shift_right_logical3A_552 = arith.shrui %xor3A_545, %shift_right_logical3A_551 : vector<16xi32>
    %or3A_553 = arith.ori %shift_left3A_549, %shift_right_logical3A_552 : vector<16xi32>
    %xor3A_554 = arith.xori %add3A_546, %or3A_553 : vector<16xi32>
    %add3A_555 = arith.addi %add3A_546, %xor3A_554 : vector<16xi32>
    %shift_left3A_556 = arith.constant 6 : i32
    %shift_left3A_557 = vector.broadcast %shift_left3A_556 : i32 to vector<16xi32>
    %shift_left3A_558 = arith.shli %xor3A_554, %shift_left3A_557 : vector<16xi32>
    %shift_right_logical3A_559 = arith.constant 26 : i32
    %shift_right_logical3A_560 = vector.broadcast %shift_right_logical3A_559 : i32 to vector<16xi32>
    %shift_right_logical3A_561 = arith.shrui %xor3A_554, %shift_right_logical3A_560 : vector<16xi32>
    %or3A_562 = arith.ori %shift_left3A_558, %shift_right_logical3A_561 : vector<16xi32>
    %xor3A_563 = arith.xori %add3A_555, %or3A_562 : vector<16xi32>
    %add3A_564 = arith.constant 899080142 : i32
    %add3A_565 = vector.broadcast %add3A_564 : i32 to vector<16xi32>
    %add3A_566 = arith.addi %add3A_555, %add3A_565 : vector<16xi32>
    %add3A_567 = arith.constant 1273600538 : i32
    %add3A_568 = vector.broadcast %add3A_567 : i32 to vector<16xi32>
    %add3A_569 = arith.addi %xor3A_563, %add3A_568 : vector<16xi32>
    %add3A_570 = arith.constant 1 : i32
    %add3A_571 = vector.broadcast %add3A_570 : i32 to vector<16xi32>
    %add3A_572 = arith.addi %add3A_569, %add3A_571 : vector<16xi32>
    %add3A_573 = arith.addi %add3A_566, %add3A_572 : vector<16xi32>
    %shift_left3A_574 = arith.constant 17 : i32
    %shift_left3A_575 = vector.broadcast %shift_left3A_574 : i32 to vector<16xi32>
    %shift_left3A_576 = arith.shli %add3A_572, %shift_left3A_575 : vector<16xi32>
    %shift_right_logical3A_577 = arith.constant 15 : i32
    %shift_right_logical3A_578 = vector.broadcast %shift_right_logical3A_577 : i32 to vector<16xi32>
    %shift_right_logical3A_579 = arith.shrui %add3A_572, %shift_right_logical3A_578 : vector<16xi32>
    %or3A_580 = arith.ori %shift_left3A_576, %shift_right_logical3A_579 : vector<16xi32>
    %xor3A_581 = arith.xori %add3A_573, %or3A_580 : vector<16xi32>
    %add3A_582 = arith.addi %add3A_573, %xor3A_581 : vector<16xi32>
    %shift_left3A_583 = arith.constant 29 : i32
    %shift_left3A_584 = vector.broadcast %shift_left3A_583 : i32 to vector<16xi32>
    %shift_left3A_585 = arith.shli %xor3A_581, %shift_left3A_584 : vector<16xi32>
    %shift_right_logical3A_586 = arith.constant 3 : i32
    %shift_right_logical3A_587 = vector.broadcast %shift_right_logical3A_586 : i32 to vector<16xi32>
    %shift_right_logical3A_588 = arith.shrui %xor3A_581, %shift_right_logical3A_587 : vector<16xi32>
    %or3A_589 = arith.ori %shift_left3A_585, %shift_right_logical3A_588 : vector<16xi32>
    %xor3A_590 = arith.xori %add3A_582, %or3A_589 : vector<16xi32>
    %add3A_591 = arith.addi %add3A_582, %xor3A_590 : vector<16xi32>
    %shift_left3A_592 = arith.constant 16 : i32
    %shift_left3A_593 = vector.broadcast %shift_left3A_592 : i32 to vector<16xi32>
    %shift_left3A_594 = arith.shli %xor3A_590, %shift_left3A_593 : vector<16xi32>
    %shift_right_logical3A_595 = arith.constant 16 : i32
    %shift_right_logical3A_596 = vector.broadcast %shift_right_logical3A_595 : i32 to vector<16xi32>
    %shift_right_logical3A_597 = arith.shrui %xor3A_590, %shift_right_logical3A_596 : vector<16xi32>
    %or3A_598 = arith.ori %shift_left3A_594, %shift_right_logical3A_597 : vector<16xi32>
    %xor3A_599 = arith.xori %add3A_591, %or3A_598 : vector<16xi32>
    %add3A_600 = arith.addi %add3A_591, %xor3A_599 : vector<16xi32>
    %shift_left3A_601 = arith.constant 24 : i32
    %shift_left3A_602 = vector.broadcast %shift_left3A_601 : i32 to vector<16xi32>
    %shift_left3A_603 = arith.shli %xor3A_599, %shift_left3A_602 : vector<16xi32>
    %shift_right_logical3A_604 = arith.constant 8 : i32
    %shift_right_logical3A_605 = vector.broadcast %shift_right_logical3A_604 : i32 to vector<16xi32>
    %shift_right_logical3A_606 = arith.shrui %xor3A_599, %shift_right_logical3A_605 : vector<16xi32>
    %or3A_607 = arith.ori %shift_left3A_603, %shift_right_logical3A_606 : vector<16xi32>
    %xor3A_608 = arith.xori %add3A_600, %or3A_607 : vector<16xi32>
    %add3A_609 = arith.constant 1273600538 : i32
    %add3A_610 = vector.broadcast %add3A_609 : i32 to vector<16xi32>
    %add3A_611 = arith.addi %add3A_600, %add3A_610 : vector<16xi32>
    %add3A_612 = arith.constant 1705926158 : i32
    %add3A_613 = vector.broadcast %add3A_612 : i32 to vector<16xi32>
    %add3A_614 = arith.addi %xor3A_608, %add3A_613 : vector<16xi32>
    %add3A_615 = arith.constant 2 : i32
    %add3A_616 = vector.broadcast %add3A_615 : i32 to vector<16xi32>
    %add3A_617 = arith.addi %add3A_614, %add3A_616 : vector<16xi32>
    %add3A_618 = arith.addi %add3A_611, %add3A_617 : vector<16xi32>
    %shift_left3A_619 = arith.constant 13 : i32
    %shift_left3A_620 = vector.broadcast %shift_left3A_619 : i32 to vector<16xi32>
    %shift_left3A_621 = arith.shli %add3A_617, %shift_left3A_620 : vector<16xi32>
    %shift_right_logical3A_622 = arith.constant 19 : i32
    %shift_right_logical3A_623 = vector.broadcast %shift_right_logical3A_622 : i32 to vector<16xi32>
    %shift_right_logical3A_624 = arith.shrui %add3A_617, %shift_right_logical3A_623 : vector<16xi32>
    %or3A_625 = arith.ori %shift_left3A_621, %shift_right_logical3A_624 : vector<16xi32>
    %xor3A_626 = arith.xori %add3A_618, %or3A_625 : vector<16xi32>
    %add3A_627 = arith.addi %add3A_618, %xor3A_626 : vector<16xi32>
    %shift_left3A_628 = arith.constant 15 : i32
    %shift_left3A_629 = vector.broadcast %shift_left3A_628 : i32 to vector<16xi32>
    %shift_left3A_630 = arith.shli %xor3A_626, %shift_left3A_629 : vector<16xi32>
    %shift_right_logical3A_631 = arith.constant 17 : i32
    %shift_right_logical3A_632 = vector.broadcast %shift_right_logical3A_631 : i32 to vector<16xi32>
    %shift_right_logical3A_633 = arith.shrui %xor3A_626, %shift_right_logical3A_632 : vector<16xi32>
    %or3A_634 = arith.ori %shift_left3A_630, %shift_right_logical3A_633 : vector<16xi32>
    %xor3A_635 = arith.xori %add3A_627, %or3A_634 : vector<16xi32>
    %add3A_636 = arith.addi %add3A_627, %xor3A_635 : vector<16xi32>
    %shift_left3A_637 = arith.constant 26 : i32
    %shift_left3A_638 = vector.broadcast %shift_left3A_637 : i32 to vector<16xi32>
    %shift_left3A_639 = arith.shli %xor3A_635, %shift_left3A_638 : vector<16xi32>
    %shift_right_logical3A_640 = arith.constant 6 : i32
    %shift_right_logical3A_641 = vector.broadcast %shift_right_logical3A_640 : i32 to vector<16xi32>
    %shift_right_logical3A_642 = arith.shrui %xor3A_635, %shift_right_logical3A_641 : vector<16xi32>
    %or3A_643 = arith.ori %shift_left3A_639, %shift_right_logical3A_642 : vector<16xi32>
    %xor3A_644 = arith.xori %add3A_636, %or3A_643 : vector<16xi32>
    %add3A_645 = arith.addi %add3A_636, %xor3A_644 : vector<16xi32>
    %shift_left3A_646 = arith.constant 6 : i32
    %shift_left3A_647 = vector.broadcast %shift_left3A_646 : i32 to vector<16xi32>
    %shift_left3A_648 = arith.shli %xor3A_644, %shift_left3A_647 : vector<16xi32>
    %shift_right_logical3A_649 = arith.constant 26 : i32
    %shift_right_logical3A_650 = vector.broadcast %shift_right_logical3A_649 : i32 to vector<16xi32>
    %shift_right_logical3A_651 = arith.shrui %xor3A_644, %shift_right_logical3A_650 : vector<16xi32>
    %or3A_652 = arith.ori %shift_left3A_648, %shift_right_logical3A_651 : vector<16xi32>
    %xor3A_653 = arith.xori %add3A_645, %or3A_652 : vector<16xi32>
    %add3A_654 = arith.constant 1705926158 : i32
    %add3A_655 = vector.broadcast %add3A_654 : i32 to vector<16xi32>
    %add3A_656 = arith.addi %add3A_645, %add3A_655 : vector<16xi32>
    %add3A_657 = arith.constant 899080142 : i32
    %add3A_658 = vector.broadcast %add3A_657 : i32 to vector<16xi32>
    %add3A_659 = arith.addi %xor3A_653, %add3A_658 : vector<16xi32>
    %add3A_660 = arith.constant 3 : i32
    %add3A_661 = vector.broadcast %add3A_660 : i32 to vector<16xi32>
    %add3A_662 = arith.addi %add3A_659, %add3A_661 : vector<16xi32>
    %add3A_663 = arith.addi %add3A_656, %add3A_662 : vector<16xi32>
    %shift_left3A_664 = arith.constant 17 : i32
    %shift_left3A_665 = vector.broadcast %shift_left3A_664 : i32 to vector<16xi32>
    %shift_left3A_666 = arith.shli %add3A_662, %shift_left3A_665 : vector<16xi32>
    %shift_right_logical3A_667 = arith.constant 15 : i32
    %shift_right_logical3A_668 = vector.broadcast %shift_right_logical3A_667 : i32 to vector<16xi32>
    %shift_right_logical3A_669 = arith.shrui %add3A_662, %shift_right_logical3A_668 : vector<16xi32>
    %or3A_670 = arith.ori %shift_left3A_666, %shift_right_logical3A_669 : vector<16xi32>
    %xor3A_671 = arith.xori %add3A_663, %or3A_670 : vector<16xi32>
    %add3A_672 = arith.addi %add3A_663, %xor3A_671 : vector<16xi32>
    %shift_left3A_673 = arith.constant 29 : i32
    %shift_left3A_674 = vector.broadcast %shift_left3A_673 : i32 to vector<16xi32>
    %shift_left3A_675 = arith.shli %xor3A_671, %shift_left3A_674 : vector<16xi32>
    %shift_right_logical3A_676 = arith.constant 3 : i32
    %shift_right_logical3A_677 = vector.broadcast %shift_right_logical3A_676 : i32 to vector<16xi32>
    %shift_right_logical3A_678 = arith.shrui %xor3A_671, %shift_right_logical3A_677 : vector<16xi32>
    %or3A_679 = arith.ori %shift_left3A_675, %shift_right_logical3A_678 : vector<16xi32>
    %xor3A_680 = arith.xori %add3A_672, %or3A_679 : vector<16xi32>
    %add3A_681 = arith.addi %add3A_672, %xor3A_680 : vector<16xi32>
    %shift_left3A_682 = arith.constant 16 : i32
    %shift_left3A_683 = vector.broadcast %shift_left3A_682 : i32 to vector<16xi32>
    %shift_left3A_684 = arith.shli %xor3A_680, %shift_left3A_683 : vector<16xi32>
    %shift_right_logical3A_685 = arith.constant 16 : i32
    %shift_right_logical3A_686 = vector.broadcast %shift_right_logical3A_685 : i32 to vector<16xi32>
    %shift_right_logical3A_687 = arith.shrui %xor3A_680, %shift_right_logical3A_686 : vector<16xi32>
    %or3A_688 = arith.ori %shift_left3A_684, %shift_right_logical3A_687 : vector<16xi32>
    %xor3A_689 = arith.xori %add3A_681, %or3A_688 : vector<16xi32>
    %add3A_690 = arith.addi %add3A_681, %xor3A_689 : vector<16xi32>
    %shift_left3A_691 = arith.constant 24 : i32
    %shift_left3A_692 = vector.broadcast %shift_left3A_691 : i32 to vector<16xi32>
    %shift_left3A_693 = arith.shli %xor3A_689, %shift_left3A_692 : vector<16xi32>
    %shift_right_logical3A_694 = arith.constant 8 : i32
    %shift_right_logical3A_695 = vector.broadcast %shift_right_logical3A_694 : i32 to vector<16xi32>
    %shift_right_logical3A_696 = arith.shrui %xor3A_689, %shift_right_logical3A_695 : vector<16xi32>
    %or3A_697 = arith.ori %shift_left3A_693, %shift_right_logical3A_696 : vector<16xi32>
    %xor3A_698 = arith.xori %add3A_690, %or3A_697 : vector<16xi32>
    %add3A_699 = arith.constant 899080142 : i32
    %add3A_700 = vector.broadcast %add3A_699 : i32 to vector<16xi32>
    %add3A_701 = arith.addi %add3A_690, %add3A_700 : vector<16xi32>
    %add3A_702 = arith.constant 1273600538 : i32
    %add3A_703 = vector.broadcast %add3A_702 : i32 to vector<16xi32>
    %add3A_704 = arith.addi %xor3A_698, %add3A_703 : vector<16xi32>
    %add3A_705 = arith.constant 4 : i32
    %add3A_706 = vector.broadcast %add3A_705 : i32 to vector<16xi32>
    %add3A_707 = arith.addi %add3A_704, %add3A_706 : vector<16xi32>
    %add3A_708 = arith.addi %add3A_701, %add3A_707 : vector<16xi32>
    %shift_left3A_709 = arith.constant 13 : i32
    %shift_left3A_710 = vector.broadcast %shift_left3A_709 : i32 to vector<16xi32>
    %shift_left3A_711 = arith.shli %add3A_707, %shift_left3A_710 : vector<16xi32>
    %shift_right_logical3A_712 = arith.constant 19 : i32
    %shift_right_logical3A_713 = vector.broadcast %shift_right_logical3A_712 : i32 to vector<16xi32>
    %shift_right_logical3A_714 = arith.shrui %add3A_707, %shift_right_logical3A_713 : vector<16xi32>
    %or3A_715 = arith.ori %shift_left3A_711, %shift_right_logical3A_714 : vector<16xi32>
    %xor3A_716 = arith.xori %add3A_708, %or3A_715 : vector<16xi32>
    %add3A_717 = arith.addi %add3A_708, %xor3A_716 : vector<16xi32>
    %shift_left3A_718 = arith.constant 15 : i32
    %shift_left3A_719 = vector.broadcast %shift_left3A_718 : i32 to vector<16xi32>
    %shift_left3A_720 = arith.shli %xor3A_716, %shift_left3A_719 : vector<16xi32>
    %shift_right_logical3A_721 = arith.constant 17 : i32
    %shift_right_logical3A_722 = vector.broadcast %shift_right_logical3A_721 : i32 to vector<16xi32>
    %shift_right_logical3A_723 = arith.shrui %xor3A_716, %shift_right_logical3A_722 : vector<16xi32>
    %or3A_724 = arith.ori %shift_left3A_720, %shift_right_logical3A_723 : vector<16xi32>
    %xor3A_725 = arith.xori %add3A_717, %or3A_724 : vector<16xi32>
    %add3A_726 = arith.addi %add3A_717, %xor3A_725 : vector<16xi32>
    %shift_left3A_727 = arith.constant 26 : i32
    %shift_left3A_728 = vector.broadcast %shift_left3A_727 : i32 to vector<16xi32>
    %shift_left3A_729 = arith.shli %xor3A_725, %shift_left3A_728 : vector<16xi32>
    %shift_right_logical3A_730 = arith.constant 6 : i32
    %shift_right_logical3A_731 = vector.broadcast %shift_right_logical3A_730 : i32 to vector<16xi32>
    %shift_right_logical3A_732 = arith.shrui %xor3A_725, %shift_right_logical3A_731 : vector<16xi32>
    %or3A_733 = arith.ori %shift_left3A_729, %shift_right_logical3A_732 : vector<16xi32>
    %xor3A_734 = arith.xori %add3A_726, %or3A_733 : vector<16xi32>
    %add3A_735 = arith.addi %add3A_726, %xor3A_734 : vector<16xi32>
    %shift_left3A_736 = arith.constant 6 : i32
    %shift_left3A_737 = vector.broadcast %shift_left3A_736 : i32 to vector<16xi32>
    %shift_left3A_738 = arith.shli %xor3A_734, %shift_left3A_737 : vector<16xi32>
    %shift_right_logical3A_739 = arith.constant 26 : i32
    %shift_right_logical3A_740 = vector.broadcast %shift_right_logical3A_739 : i32 to vector<16xi32>
    %shift_right_logical3A_741 = arith.shrui %xor3A_734, %shift_right_logical3A_740 : vector<16xi32>
    %or3A_742 = arith.ori %shift_left3A_738, %shift_right_logical3A_741 : vector<16xi32>
    %xor3A_743 = arith.xori %add3A_735, %or3A_742 : vector<16xi32>
    %add3A_744 = arith.constant 1273600538 : i32
    %add3A_745 = vector.broadcast %add3A_744 : i32 to vector<16xi32>
    %add3A_746 = arith.addi %add3A_735, %add3A_745 : vector<16xi32>
    %add3A_747 = arith.constant 1705926158 : i32
    %add3A_748 = vector.broadcast %add3A_747 : i32 to vector<16xi32>
    %add3A_749 = arith.addi %xor3A_743, %add3A_748 : vector<16xi32>
    %add3A_750 = arith.constant 5 : i32
    %add3A_751 = vector.broadcast %add3A_750 : i32 to vector<16xi32>
    %add3A_752 = arith.addi %add3A_749, %add3A_751 : vector<16xi32>
    %xor3A_753 = arith.xori %add3A_746, %add3A_752 : vector<16xi32>
    %and3A_754 = arith.constant 1023 : i32
    %and3A_755 = vector.broadcast %and3A_754 : i32 to vector<16xi32>
    %and3A_756 = arith.andi %xor3A_753, %and3A_755 : vector<16xi32>
    %gather3A_757 = tpu.vector_load_idx %arg5[%and3A_756] : memref<1024xf32, #tpu.memory_space<vmem>>[vector<16xi32>], vector<16xf32>,
    %swap3A_758 = arith.constant 32 : index
    %swap3A_759 = tpu.vector_load %arg6[%swap3A_758] {strides = array<i32>} : memref<256xf32, #tpu.memory_space<vmem>>, vector<16xf32>,
    tpu.vector_store %arg6[%swap3A_758], %gather3A_757 {strides = array<i32>} : memref<256xf32, #tpu.memory_space<vmem>>, vector<16xf32>,
    %add3A_760 = arith.constant 48 : i32
    %add3A_761 = vector.broadcast %add3A_760 : i32 to vector<16xi32>
    %add3A_762 = arith.addi %iota3A, %add3A_761 : vector<16xi32>
    %add3A_763 = vector.broadcast %add3A_35 : i32 to vector<16xi32>
    %add3A_764 = arith.addi %add3A_762, %add3A_763 : vector<16xi32>
    %broadcast_in_dim3A_765 = arith.constant 1705926158 : i32
    %broadcast_in_dim3A_766 = vector.broadcast %broadcast_in_dim3A_765 : i32 to vector<16xi32>
    %add3A_767 = arith.constant 899080142 : i32
    %add3A_768 = vector.broadcast %add3A_767 : i32 to vector<16xi32>
    %add3A_769 = arith.addi %add3A_764, %add3A_768 : vector<16xi32>
    %add3A_770 = arith.addi %broadcast_in_dim3A_766, %add3A_769 : vector<16xi32>
    %shift_left3A_771 = arith.constant 13 : i32
    %shift_left3A_772 = vector.broadcast %shift_left3A_771 : i32 to vector<16xi32>
    %shift_left3A_773 = arith.shli %add3A_769, %shift_left3A_772 : vector<16xi32>
    %shift_right_logical3A_774 = arith.constant 19 : i32
    %shift_right_logical3A_775 = vector.broadcast %shift_right_logical3A_774 : i32 to vector<16xi32>
    %shift_right_logical3A_776 = arith.shrui %add3A_769, %shift_right_logical3A_775 : vector<16xi32>
    %or3A_777 = arith.ori %shift_left3A_773, %shift_right_logical3A_776 : vector<16xi32>
    %xor3A_778 = arith.xori %add3A_770, %or3A_777 : vector<16xi32>
    %add3A_779 = arith.addi %add3A_770, %xor3A_778 : vector<16xi32>
    %shift_left3A_780 = arith.constant 15 : i32
    %shift_left3A_781 = vector.broadcast %shift_left3A_780 : i32 to vector<16xi32>
    %shift_left3A_782 = arith.shli %xor3A_778, %shift_left3A_781 : vector<16xi32>
    %shift_right_logical3A_783 = arith.constant 17 : i32
    %shift_right_logical3A_784 = vector.broadcast %shift_right_logical3A_783 : i32 to vector<16xi32>
    %shift_right_logical3A_785 = arith.shrui %xor3A_778, %shift_right_logical3A_784 : vector<16xi32>
    %or3A_786 = arith.ori %shift_left3A_782, %shift_right_logical3A_785 : vector<16xi32>
    %xor3A_787 = arith.xori %add3A_779, %or3A_786 : vector<16xi32>
    %add3A_788 = arith.addi %add3A_779, %xor3A_787 : vector<16xi32>
    %shift_left3A_789 = arith.constant 26 : i32
    %shift_left3A_790 = vector.broadcast %shift_left3A_789 : i32 to vector<16xi32>
    %shift_left3A_791 = arith.shli %xor3A_787, %shift_left3A_790 : vector<16xi32>
    %shift_right_logical3A_792 = arith.constant 6 : i32
    %shift_right_logical3A_793 = vector.broadcast %shift_right_logical3A_792 : i32 to vector<16xi32>
    %shift_right_logical3A_794 = arith.shrui %xor3A_787, %shift_right_logical3A_793 : vector<16xi32>
    %or3A_795 = arith.ori %shift_left3A_791, %shift_right_logical3A_794 : vector<16xi32>
    %xor3A_796 = arith.xori %add3A_788, %or3A_795 : vector<16xi32>
    %add3A_797 = arith.addi %add3A_788, %xor3A_796 : vector<16xi32>
    %shift_left3A_798 = arith.constant 6 : i32
    %shift_left3A_799 = vector.broadcast %shift_left3A_798 : i32 to vector<16xi32>
    %shift_left3A_800 = arith.shli %xor3A_796, %shift_left3A_799 : vector<16xi32>
    %shift_right_logical3A_801 = arith.constant 26 : i32
    %shift_right_logical3A_802 = vector.broadcast %shift_right_logical3A_801 : i32 to vector<16xi32>
    %shift_right_logical3A_803 = arith.shrui %xor3A_796, %shift_right_logical3A_802 : vector<16xi32>
    %or3A_804 = arith.ori %shift_left3A_800, %shift_right_logical3A_803 : vector<16xi32>
    %xor3A_805 = arith.xori %add3A_797, %or3A_804 : vector<16xi32>
    %add3A_806 = arith.constant 899080142 : i32
    %add3A_807 = vector.broadcast %add3A_806 : i32 to vector<16xi32>
    %add3A_808 = arith.addi %add3A_797, %add3A_807 : vector<16xi32>
    %add3A_809 = arith.constant 1273600538 : i32
    %add3A_810 = vector.broadcast %add3A_809 : i32 to vector<16xi32>
    %add3A_811 = arith.addi %xor3A_805, %add3A_810 : vector<16xi32>
    %add3A_812 = arith.constant 1 : i32
    %add3A_813 = vector.broadcast %add3A_812 : i32 to vector<16xi32>
    %add3A_814 = arith.addi %add3A_811, %add3A_813 : vector<16xi32>
    %add3A_815 = arith.addi %add3A_808, %add3A_814 : vector<16xi32>
    %shift_left3A_816 = arith.constant 17 : i32
    %shift_left3A_817 = vector.broadcast %shift_left3A_816 : i32 to vector<16xi32>
    %shift_left3A_818 = arith.shli %add3A_814, %shift_left3A_817 : vector<16xi32>
    %shift_right_logical3A_819 = arith.constant 15 : i32
    %shift_right_logical3A_820 = vector.broadcast %shift_right_logical3A_819 : i32 to vector<16xi32>
    %shift_right_logical3A_821 = arith.shrui %add3A_814, %shift_right_logical3A_820 : vector<16xi32>
    %or3A_822 = arith.ori %shift_left3A_818, %shift_right_logical3A_821 : vector<16xi32>
    %xor3A_823 = arith.xori %add3A_815, %or3A_822 : vector<16xi32>
    %add3A_824 = arith.addi %add3A_815, %xor3A_823 : vector<16xi32>
    %shift_left3A_825 = arith.constant 29 : i32
    %shift_left3A_826 = vector.broadcast %shift_left3A_825 : i32 to vector<16xi32>
    %shift_left3A_827 = arith.shli %xor3A_823, %shift_left3A_826 : vector<16xi32>
    %shift_right_logical3A_828 = arith.constant 3 : i32
    %shift_right_logical3A_829 = vector.broadcast %shift_right_logical3A_828 : i32 to vector<16xi32>
    %shift_right_logical3A_830 = arith.shrui %xor3A_823, %shift_right_logical3A_829 : vector<16xi32>
    %or3A_831 = arith.ori %shift_left3A_827, %shift_right_logical3A_830 : vector<16xi32>
    %xor3A_832 = arith.xori %add3A_824, %or3A_831 : vector<16xi32>
    %add3A_833 = arith.addi %add3A_824, %xor3A_832 : vector<16xi32>
    %shift_left3A_834 = arith.constant 16 : i32
    %shift_left3A_835 = vector.broadcast %shift_left3A_834 : i32 to vector<16xi32>
    %shift_left3A_836 = arith.shli %xor3A_832, %shift_left3A_835 : vector<16xi32>
    %shift_right_logical3A_837 = arith.constant 16 : i32
    %shift_right_logical3A_838 = vector.broadcast %shift_right_logical3A_837 : i32 to vector<16xi32>
    %shift_right_logical3A_839 = arith.shrui %xor3A_832, %shift_right_logical3A_838 : vector<16xi32>
    %or3A_840 = arith.ori %shift_left3A_836, %shift_right_logical3A_839 : vector<16xi32>
    %xor3A_841 = arith.xori %add3A_833, %or3A_840 : vector<16xi32>
    %add3A_842 = arith.addi %add3A_833, %xor3A_841 : vector<16xi32>
    %shift_left3A_843 = arith.constant 24 : i32
    %shift_left3A_844 = vector.broadcast %shift_left3A_843 : i32 to vector<16xi32>
    %shift_left3A_845 = arith.shli %xor3A_841, %shift_left3A_844 : vector<16xi32>
    %shift_right_logical3A_846 = arith.constant 8 : i32
    %shift_right_logical3A_847 = vector.broadcast %shift_right_logical3A_846 : i32 to vector<16xi32>
    %shift_right_logical3A_848 = arith.shrui %xor3A_841, %shift_right_logical3A_847 : vector<16xi32>
    %or3A_849 = arith.ori %shift_left3A_845, %shift_right_logical3A_848 : vector<16xi32>
    %xor3A_850 = arith.xori %add3A_842, %or3A_849 : vector<16xi32>
    %add3A_851 = arith.constant 1273600538 : i32
    %add3A_852 = vector.broadcast %add3A_851 : i32 to vector<16xi32>
    %add3A_853 = arith.addi %add3A_842, %add3A_852 : vector<16xi32>
    %add3A_854 = arith.constant 1705926158 : i32
    %add3A_855 = vector.broadcast %add3A_854 : i32 to vector<16xi32>
    %add3A_856 = arith.addi %xor3A_850, %add3A_855 : vector<16xi32>
    %add3A_857 = arith.constant 2 : i32
    %add3A_858 = vector.broadcast %add3A_857 : i32 to vector<16xi32>
    %add3A_859 = arith.addi %add3A_856, %add3A_858 : vector<16xi32>
    %add3A_860 = arith.addi %add3A_853, %add3A_859 : vector<16xi32>
    %shift_left3A_861 = arith.constant 13 : i32
    %shift_left3A_862 = vector.broadcast %shift_left3A_861 : i32 to vector<16xi32>
    %shift_left3A_863 = arith.shli %add3A_859, %shift_left3A_862 : vector<16xi32>
    %shift_right_logical3A_864 = arith.constant 19 : i32
    %shift_right_logical3A_865 = vector.broadcast %shift_right_logical3A_864 : i32 to vector<16xi32>
    %shift_right_logical3A_866 = arith.shrui %add3A_859, %shift_right_logical3A_865 : vector<16xi32>
    %or3A_867 = arith.ori %shift_left3A_863, %shift_right_logical3A_866 : vector<16xi32>
    %xor3A_868 = arith.xori %add3A_860, %or3A_867 : vector<16xi32>
    %add3A_869 = arith.addi %add3A_860, %xor3A_868 : vector<16xi32>
    %shift_left3A_870 = arith.constant 15 : i32
    %shift_left3A_871 = vector.broadcast %shift_left3A_870 : i32 to vector<16xi32>
    %shift_left3A_872 = arith.shli %xor3A_868, %shift_left3A_871 : vector<16xi32>
    %shift_right_logical3A_873 = arith.constant 17 : i32
    %shift_right_logical3A_874 = vector.broadcast %shift_right_logical3A_873 : i32 to vector<16xi32>
    %shift_right_logical3A_875 = arith.shrui %xor3A_868, %shift_right_logical3A_874 : vector<16xi32>
    %or3A_876 = arith.ori %shift_left3A_872, %shift_right_logical3A_875 : vector<16xi32>
    %xor3A_877 = arith.xori %add3A_869, %or3A_876 : vector<16xi32>
    %add3A_878 = arith.addi %add3A_869, %xor3A_877 : vector<16xi32>
    %shift_left3A_879 = arith.constant 26 : i32
    %shift_left3A_880 = vector.broadcast %shift_left3A_879 : i32 to vector<16xi32>
    %shift_left3A_881 = arith.shli %xor3A_877, %shift_left3A_880 : vector<16xi32>
    %shift_right_logical3A_882 = arith.constant 6 : i32
    %shift_right_logical3A_883 = vector.broadcast %shift_right_logical3A_882 : i32 to vector<16xi32>
    %shift_right_logical3A_884 = arith.shrui %xor3A_877, %shift_right_logical3A_883 : vector<16xi32>
    %or3A_885 = arith.ori %shift_left3A_881, %shift_right_logical3A_884 : vector<16xi32>
    %xor3A_886 = arith.xori %add3A_878, %or3A_885 : vector<16xi32>
    %add3A_887 = arith.addi %add3A_878, %xor3A_886 : vector<16xi32>
    %shift_left3A_888 = arith.constant 6 : i32
    %shift_left3A_889 = vector.broadcast %shift_left3A_888 : i32 to vector<16xi32>
    %shift_left3A_890 = arith.shli %xor3A_886, %shift_left3A_889 : vector<16xi32>
    %shift_right_logical3A_891 = arith.constant 26 : i32
    %shift_right_logical3A_892 = vector.broadcast %shift_right_logical3A_891 : i32 to vector<16xi32>
    %shift_right_logical3A_893 = arith.shrui %xor3A_886, %shift_right_logical3A_892 : vector<16xi32>
    %or3A_894 = arith.ori %shift_left3A_890, %shift_right_logical3A_893 : vector<16xi32>
    %xor3A_895 = arith.xori %add3A_887, %or3A_894 : vector<16xi32>
    %add3A_896 = arith.constant 1705926158 : i32
    %add3A_897 = vector.broadcast %add3A_896 : i32 to vector<16xi32>
    %add3A_898 = arith.addi %add3A_887, %add3A_897 : vector<16xi32>
    %add3A_899 = arith.constant 899080142 : i32
    %add3A_900 = vector.broadcast %add3A_899 : i32 to vector<16xi32>
    %add3A_901 = arith.addi %xor3A_895, %add3A_900 : vector<16xi32>
    %add3A_902 = arith.constant 3 : i32
    %add3A_903 = vector.broadcast %add3A_902 : i32 to vector<16xi32>
    %add3A_904 = arith.addi %add3A_901, %add3A_903 : vector<16xi32>
    %add3A_905 = arith.addi %add3A_898, %add3A_904 : vector<16xi32>
    %shift_left3A_906 = arith.constant 17 : i32
    %shift_left3A_907 = vector.broadcast %shift_left3A_906 : i32 to vector<16xi32>
    %shift_left3A_908 = arith.shli %add3A_904, %shift_left3A_907 : vector<16xi32>
    %shift_right_logical3A_909 = arith.constant 15 : i32
    %shift_right_logical3A_910 = vector.broadcast %shift_right_logical3A_909 : i32 to vector<16xi32>
    %shift_right_logical3A_911 = arith.shrui %add3A_904, %shift_right_logical3A_910 : vector<16xi32>
    %or3A_912 = arith.ori %shift_left3A_908, %shift_right_logical3A_911 : vector<16xi32>
    %xor3A_913 = arith.xori %add3A_905, %or3A_912 : vector<16xi32>
    %add3A_914 = arith.addi %add3A_905, %xor3A_913 : vector<16xi32>
    %shift_left3A_915 = arith.constant 29 : i32
    %shift_left3A_916 = vector.broadcast %shift_left3A_915 : i32 to vector<16xi32>
    %shift_left3A_917 = arith.shli %xor3A_913, %shift_left3A_916 : vector<16xi32>
    %shift_right_logical3A_918 = arith.constant 3 : i32
    %shift_right_logical3A_919 = vector.broadcast %shift_right_logical3A_918 : i32 to vector<16xi32>
    %shift_right_logical3A_920 = arith.shrui %xor3A_913, %shift_right_logical3A_919 : vector<16xi32>
    %or3A_921 = arith.ori %shift_left3A_917, %shift_right_logical3A_920 : vector<16xi32>
    %xor3A_922 = arith.xori %add3A_914, %or3A_921 : vector<16xi32>
    %add3A_923 = arith.addi %add3A_914, %xor3A_922 : vector<16xi32>
    %shift_left3A_924 = arith.constant 16 : i32
    %shift_left3A_925 = vector.broadcast %shift_left3A_924 : i32 to vector<16xi32>
    %shift_left3A_926 = arith.shli %xor3A_922, %shift_left3A_925 : vector<16xi32>
    %shift_right_logical3A_927 = arith.constant 16 : i32
    %shift_right_logical3A_928 = vector.broadcast %shift_right_logical3A_927 : i32 to vector<16xi32>
    %shift_right_logical3A_929 = arith.shrui %xor3A_922, %shift_right_logical3A_928 : vector<16xi32>
    %or3A_930 = arith.ori %shift_left3A_926, %shift_right_logical3A_929 : vector<16xi32>
    %xor3A_931 = arith.xori %add3A_923, %or3A_930 : vector<16xi32>
    %add3A_932 = arith.addi %add3A_923, %xor3A_931 : vector<16xi32>
    %shift_left3A_933 = arith.constant 24 : i32
    %shift_left3A_934 = vector.broadcast %shift_left3A_933 : i32 to vector<16xi32>
    %shift_left3A_935 = arith.shli %xor3A_931, %shift_left3A_934 : vector<16xi32>
    %shift_right_logical3A_936 = arith.constant 8 : i32
    %shift_right_logical3A_937 = vector.broadcast %shift_right_logical3A_936 : i32 to vector<16xi32>
    %shift_right_logical3A_938 = arith.shrui %xor3A_931, %shift_right_logical3A_937 : vector<16xi32>
    %or3A_939 = arith.ori %shift_left3A_935, %shift_right_logical3A_938 : vector<16xi32>
    %xor3A_940 = arith.xori %add3A_932, %or3A_939 : vector<16xi32>
    %add3A_941 = arith.constant 899080142 : i32
    %add3A_942 = vector.broadcast %add3A_941 : i32 to vector<16xi32>
    %add3A_943 = arith.addi %add3A_932, %add3A_942 : vector<16xi32>
    %add3A_944 = arith.constant 1273600538 : i32
    %add3A_945 = vector.broadcast %add3A_944 : i32 to vector<16xi32>
    %add3A_946 = arith.addi %xor3A_940, %add3A_945 : vector<16xi32>
    %add3A_947 = arith.constant 4 : i32
    %add3A_948 = vector.broadcast %add3A_947 : i32 to vector<16xi32>
    %add3A_949 = arith.addi %add3A_946, %add3A_948 : vector<16xi32>
    %add3A_950 = arith.addi %add3A_943, %add3A_949 : vector<16xi32>
    %shift_left3A_951 = arith.constant 13 : i32
    %shift_left3A_952 = vector.broadcast %shift_left3A_951 : i32 to vector<16xi32>
    %shift_left3A_953 = arith.shli %add3A_949, %shift_left3A_952 : vector<16xi32>
    %shift_right_logical3A_954 = arith.constant 19 : i32
    %shift_right_logical3A_955 = vector.broadcast %shift_right_logical3A_954 : i32 to vector<16xi32>
    %shift_right_logical3A_956 = arith.shrui %add3A_949, %shift_right_logical3A_955 : vector<16xi32>
    %or3A_957 = arith.ori %shift_left3A_953, %shift_right_logical3A_956 : vector<16xi32>
    %xor3A_958 = arith.xori %add3A_950, %or3A_957 : vector<16xi32>
    %add3A_959 = arith.addi %add3A_950, %xor3A_958 : vector<16xi32>
    %shift_left3A_960 = arith.constant 15 : i32
    %shift_left3A_961 = vector.broadcast %shift_left3A_960 : i32 to vector<16xi32>
    %shift_left3A_962 = arith.shli %xor3A_958, %shift_left3A_961 : vector<16xi32>
    %shift_right_logical3A_963 = arith.constant 17 : i32
    %shift_right_logical3A_964 = vector.broadcast %shift_right_logical3A_963 : i32 to vector<16xi32>
    %shift_right_logical3A_965 = arith.shrui %xor3A_958, %shift_right_logical3A_964 : vector<16xi32>
    %or3A_966 = arith.ori %shift_left3A_962, %shift_right_logical3A_965 : vector<16xi32>
    %xor3A_967 = arith.xori %add3A_959, %or3A_966 : vector<16xi32>
    %add3A_968 = arith.addi %add3A_959, %xor3A_967 : vector<16xi32>
    %shift_left3A_969 = arith.constant 26 : i32
    %shift_left3A_970 = vector.broadcast %shift_left3A_969 : i32 to vector<16xi32>
    %shift_left3A_971 = arith.shli %xor3A_967, %shift_left3A_970 : vector<16xi32>
    %shift_right_logical3A_972 = arith.constant 6 : i32
    %shift_right_logical3A_973 = vector.broadcast %shift_right_logical3A_972 : i32 to vector<16xi32>
    %shift_right_logical3A_974 = arith.shrui %xor3A_967, %shift_right_logical3A_973 : vector<16xi32>
    %or3A_975 = arith.ori %shift_left3A_971, %shift_right_logical3A_974 : vector<16xi32>
    %xor3A_976 = arith.xori %add3A_968, %or3A_975 : vector<16xi32>
    %add3A_977 = arith.addi %add3A_968, %xor3A_976 : vector<16xi32>
    %shift_left3A_978 = arith.constant 6 : i32
    %shift_left3A_979 = vector.broadcast %shift_left3A_978 : i32 to vector<16xi32>
    %shift_left3A_980 = arith.shli %xor3A_976, %shift_left3A_979 : vector<16xi32>
    %shift_right_logical3A_981 = arith.constant 26 : i32
    %shift_right_logical3A_982 = vector.broadcast %shift_right_logical3A_981 : i32 to vector<16xi32>
    %shift_right_logical3A_983 = arith.shrui %xor3A_976, %shift_right_logical3A_982 : vector<16xi32>
    %or3A_984 = arith.ori %shift_left3A_980, %shift_right_logical3A_983 : vector<16xi32>
    %xor3A_985 = arith.xori %add3A_977, %or3A_984 : vector<16xi32>
    %add3A_986 = arith.constant 1273600538 : i32
    %add3A_987 = vector.broadcast %add3A_986 : i32 to vector<16xi32>
    %add3A_988 = arith.addi %add3A_977, %add3A_987 : vector<16xi32>
    %add3A_989 = arith.constant 1705926158 : i32
    %add3A_990 = vector.broadcast %add3A_989 : i32 to vector<16xi32>
    %add3A_991 = arith.addi %xor3A_985, %add3A_990 : vector<16xi32>
    %add3A_992 = arith.constant 5 : i32
    %add3A_993 = vector.broadcast %add3A_992 : i32 to vector<16xi32>
    %add3A_994 = arith.addi %add3A_991, %add3A_993 : vector<16xi32>
    %xor3A_995 = arith.xori %add3A_988, %add3A_994 : vector<16xi32>
    %and3A_996 = arith.constant 1023 : i32
    %and3A_997 = vector.broadcast %and3A_996 : i32 to vector<16xi32>
    %and3A_998 = arith.andi %xor3A_995, %and3A_997 : vector<16xi32>
    %gather3A_999 = tpu.vector_load_idx %arg5[%and3A_998] : memref<1024xf32, #tpu.memory_space<vmem>>[vector<16xi32>], vector<16xf32>,
    %swap3A_1000 = arith.constant 48 : index
    %swap3A_1001 = tpu.vector_load %arg6[%swap3A_1000] {strides = array<i32>} : memref<256xf32, #tpu.memory_space<vmem>>, vector<16xf32>,
    tpu.vector_store %arg6[%swap3A_1000], %gather3A_999 {strides = array<i32>} : memref<256xf32, #tpu.memory_space<vmem>>, vector<16xf32>,
    %add3A_1002 = arith.constant 64 : i32
    %add3A_1003 = vector.broadcast %add3A_1002 : i32 to vector<16xi32>
    %add3A_1004 = arith.addi %iota3A, %add3A_1003 : vector<16xi32>
    %add3A_1005 = vector.broadcast %add3A_35 : i32 to vector<16xi32>
    %add3A_1006 = arith.addi %add3A_1004, %add3A_1005 : vector<16xi32>
    %broadcast_in_dim3A_1007 = arith.constant 1705926158 : i32
    %broadcast_in_dim3A_1008 = vector.broadcast %broadcast_in_dim3A_1007 : i32 to vector<16xi32>
    %add3A_1009 = arith.constant 899080142 : i32
    %add3A_1010 = vector.broadcast %add3A_1009 : i32 to vector<16xi32>
    %add3A_1011 = arith.addi %add3A_1006, %add3A_1010 : vector<16xi32>
    %add3A_1012 = arith.addi %broadcast_in_dim3A_1008, %add3A_1011 : vector<16xi32>
    %shift_left3A_1013 = arith.constant 13 : i32
    %shift_left3A_1014 = vector.broadcast %shift_left3A_1013 : i32 to vector<16xi32>
    %shift_left3A_1015 = arith.shli %add3A_1011, %shift_left3A_1014 : vector<16xi32>
    %shift_right_logical3A_1016 = arith.constant 19 : i32
    %shift_right_logical3A_1017 = vector.broadcast %shift_right_logical3A_1016 : i32 to vector<16xi32>
    %shift_right_logical3A_1018 = arith.shrui %add3A_1011, %shift_right_logical3A_1017 : vector<16xi32>
    %or3A_1019 = arith.ori %shift_left3A_1015, %shift_right_logical3A_1018 : vector<16xi32>
    %xor3A_1020 = arith.xori %add3A_1012, %or3A_1019 : vector<16xi32>
    %add3A_1021 = arith.addi %add3A_1012, %xor3A_1020 : vector<16xi32>
    %shift_left3A_1022 = arith.constant 15 : i32
    %shift_left3A_1023 = vector.broadcast %shift_left3A_1022 : i32 to vector<16xi32>
    %shift_left3A_1024 = arith.shli %xor3A_1020, %shift_left3A_1023 : vector<16xi32>
    %shift_right_logical3A_1025 = arith.constant 17 : i32
    %shift_right_logical3A_1026 = vector.broadcast %shift_right_logical3A_1025 : i32 to vector<16xi32>
    %shift_right_logical3A_1027 = arith.shrui %xor3A_1020, %shift_right_logical3A_1026 : vector<16xi32>
    %or3A_1028 = arith.ori %shift_left3A_1024, %shift_right_logical3A_1027 : vector<16xi32>
    %xor3A_1029 = arith.xori %add3A_1021, %or3A_1028 : vector<16xi32>
    %add3A_1030 = arith.addi %add3A_1021, %xor3A_1029 : vector<16xi32>
    %shift_left3A_1031 = arith.constant 26 : i32
    %shift_left3A_1032 = vector.broadcast %shift_left3A_1031 : i32 to vector<16xi32>
    %shift_left3A_1033 = arith.shli %xor3A_1029, %shift_left3A_1032 : vector<16xi32>
    %shift_right_logical3A_1034 = arith.constant 6 : i32
    %shift_right_logical3A_1035 = vector.broadcast %shift_right_logical3A_1034 : i32 to vector<16xi32>
    %shift_right_logical3A_1036 = arith.shrui %xor3A_1029, %shift_right_logical3A_1035 : vector<16xi32>
    %or3A_1037 = arith.ori %shift_left3A_1033, %shift_right_logical3A_1036 : vector<16xi32>
    %xor3A_1038 = arith.xori %add3A_1030, %or3A_1037 : vector<16xi32>
    %add3A_1039 = arith.addi %add3A_1030, %xor3A_1038 : vector<16xi32>
    %shift_left3A_1040 = arith.constant 6 : i32
    %shift_left3A_1041 = vector.broadcast %shift_left3A_1040 : i32 to vector<16xi32>
    %shift_left3A_1042 = arith.shli %xor3A_1038, %shift_left3A_1041 : vector<16xi32>
    %shift_right_logical3A_1043 = arith.constant 26 : i32
    %shift_right_logical3A_1044 = vector.broadcast %shift_right_logical3A_1043 : i32 to vector<16xi32>
    %shift_right_logical3A_1045 = arith.shrui %xor3A_1038, %shift_right_logical3A_1044 : vector<16xi32>
    %or3A_1046 = arith.ori %shift_left3A_1042, %shift_right_logical3A_1045 : vector<16xi32>
    %xor3A_1047 = arith.xori %add3A_1039, %or3A_1046 : vector<16xi32>
    %add3A_1048 = arith.constant 899080142 : i32
    %add3A_1049 = vector.broadcast %add3A_1048 : i32 to vector<16xi32>
    %add3A_1050 = arith.addi %add3A_1039, %add3A_1049 : vector<16xi32>
    %add3A_1051 = arith.constant 1273600538 : i32
    %add3A_1052 = vector.broadcast %add3A_1051 : i32 to vector<16xi32>
    %add3A_1053 = arith.addi %xor3A_1047, %add3A_1052 : vector<16xi32>
    %add3A_1054 = arith.constant 1 : i32
    %add3A_1055 = vector.broadcast %add3A_1054 : i32 to vector<16xi32>
    %add3A_1056 = arith.addi %add3A_1053, %add3A_1055 : vector<16xi32>
    %add3A_1057 = arith.addi %add3A_1050, %add3A_1056 : vector<16xi32>
    %shift_left3A_1058 = arith.constant 17 : i32
    %shift_left3A_1059 = vector.broadcast %shift_left3A_1058 : i32 to vector<16xi32>
    %shift_left3A_1060 = arith.shli %add3A_1056, %shift_left3A_1059 : vector<16xi32>
    %shift_right_logical3A_1061 = arith.constant 15 : i32
    %shift_right_logical3A_1062 = vector.broadcast %shift_right_logical3A_1061 : i32 to vector<16xi32>
    %shift_right_logical3A_1063 = arith.shrui %add3A_1056, %shift_right_logical3A_1062 : vector<16xi32>
    %or3A_1064 = arith.ori %shift_left3A_1060, %shift_right_logical3A_1063 : vector<16xi32>
    %xor3A_1065 = arith.xori %add3A_1057, %or3A_1064 : vector<16xi32>
    %add3A_1066 = arith.addi %add3A_1057, %xor3A_1065 : vector<16xi32>
    %shift_left3A_1067 = arith.constant 29 : i32
    %shift_left3A_1068 = vector.broadcast %shift_left3A_1067 : i32 to vector<16xi32>
    %shift_left3A_1069 = arith.shli %xor3A_1065, %shift_left3A_1068 : vector<16xi32>
    %shift_right_logical3A_1070 = arith.constant 3 : i32
    %shift_right_logical3A_1071 = vector.broadcast %shift_right_logical3A_1070 : i32 to vector<16xi32>
    %shift_right_logical3A_1072 = arith.shrui %xor3A_1065, %shift_right_logical3A_1071 : vector<16xi32>
    %or3A_1073 = arith.ori %shift_left3A_1069, %shift_right_logical3A_1072 : vector<16xi32>
    %xor3A_1074 = arith.xori %add3A_1066, %or3A_1073 : vector<16xi32>
    %add3A_1075 = arith.addi %add3A_1066, %xor3A_1074 : vector<16xi32>
    %shift_left3A_1076 = arith.constant 16 : i32
    %shift_left3A_1077 = vector.broadcast %shift_left3A_1076 : i32 to vector<16xi32>
    %shift_left3A_1078 = arith.shli %xor3A_1074, %shift_left3A_1077 : vector<16xi32>
    %shift_right_logical3A_1079 = arith.constant 16 : i32
    %shift_right_logical3A_1080 = vector.broadcast %shift_right_logical3A_1079 : i32 to vector<16xi32>
    %shift_right_logical3A_1081 = arith.shrui %xor3A_1074, %shift_right_logical3A_1080 : vector<16xi32>
    %or3A_1082 = arith.ori %shift_left3A_1078, %shift_right_logical3A_1081 : vector<16xi32>
    %xor3A_1083 = arith.xori %add3A_1075, %or3A_1082 : vector<16xi32>
    %add3A_1084 = arith.addi %add3A_1075, %xor3A_1083 : vector<16xi32>
    %shift_left3A_1085 = arith.constant 24 : i32
    %shift_left3A_1086 = vector.broadcast %shift_left3A_1085 : i32 to vector<16xi32>
    %shift_left3A_1087 = arith.shli %xor3A_1083, %shift_left3A_1086 : vector<16xi32>
    %shift_right_logical3A_1088 = arith.constant 8 : i32
    %shift_right_logical3A_1089 = vector.broadcast %shift_right_logical3A_1088 : i32 to vector<16xi32>
    %shift_right_logical3A_1090 = arith.shrui %xor3A_1083, %shift_right_logical3A_1089 : vector<16xi32>
    %or3A_1091 = arith.ori %shift_left3A_1087, %shift_right_logical3A_1090 : vector<16xi32>
    %xor3A_1092 = arith.xori %add3A_1084, %or3A_1091 : vector<16xi32>
    %add3A_1093 = arith.constant 1273600538 : i32
    %add3A_1094 = vector.broadcast %add3A_1093 : i32 to vector<16xi32>
    %add3A_1095 = arith.addi %add3A_1084, %add3A_1094 : vector<16xi32>
    %add3A_1096 = arith.constant 1705926158 : i32
    %add3A_1097 = vector.broadcast %add3A_1096 : i32 to vector<16xi32>
    %add3A_1098 = arith.addi %xor3A_1092, %add3A_1097 : vector<16xi32>
    %add3A_1099 = arith.constant 2 : i32
    %add3A_1100 = vector.broadcast %add3A_1099 : i32 to vector<16xi32>
    %add3A_1101 = arith.addi %add3A_1098, %add3A_1100 : vector<16xi32>
    %add3A_1102 = arith.addi %add3A_1095, %add3A_1101 : vector<16xi32>
    %shift_left3A_1103 = arith.constant 13 : i32
    %shift_left3A_1104 = vector.broadcast %shift_left3A_1103 : i32 to vector<16xi32>
    %shift_left3A_1105 = arith.shli %add3A_1101, %shift_left3A_1104 : vector<16xi32>
    %shift_right_logical3A_1106 = arith.constant 19 : i32
    %shift_right_logical3A_1107 = vector.broadcast %shift_right_logical3A_1106 : i32 to vector<16xi32>
    %shift_right_logical3A_1108 = arith.shrui %add3A_1101, %shift_right_logical3A_1107 : vector<16xi32>
    %or3A_1109 = arith.ori %shift_left3A_1105, %shift_right_logical3A_1108 : vector<16xi32>
    %xor3A_1110 = arith.xori %add3A_1102, %or3A_1109 : vector<16xi32>
    %add3A_1111 = arith.addi %add3A_1102, %xor3A_1110 : vector<16xi32>
    %shift_left3A_1112 = arith.constant 15 : i32
    %shift_left3A_1113 = vector.broadcast %shift_left3A_1112 : i32 to vector<16xi32>
    %shift_left3A_1114 = arith.shli %xor3A_1110, %shift_left3A_1113 : vector<16xi32>
    %shift_right_logical3A_1115 = arith.constant 17 : i32
    %shift_right_logical3A_1116 = vector.broadcast %shift_right_logical3A_1115 : i32 to vector<16xi32>
    %shift_right_logical3A_1117 = arith.shrui %xor3A_1110, %shift_right_logical3A_1116 : vector<16xi32>
    %or3A_1118 = arith.ori %shift_left3A_1114, %shift_right_logical3A_1117 : vector<16xi32>
    %xor3A_1119 = arith.xori %add3A_1111, %or3A_1118 : vector<16xi32>
    %add3A_1120 = arith.addi %add3A_1111, %xor3A_1119 : vector<16xi32>
    %shift_left3A_1121 = arith.constant 26 : i32
    %shift_left3A_1122 = vector.broadcast %shift_left3A_1121 : i32 to vector<16xi32>
    %shift_left3A_1123 = arith.shli %xor3A_1119, %shift_left3A_1122 : vector<16xi32>
    %shift_right_logical3A_1124 = arith.constant 6 : i32
    %shift_right_logical3A_1125 = vector.broadcast %shift_right_logical3A_1124 : i32 to vector<16xi32>
    %shift_right_logical3A_1126 = arith.shrui %xor3A_1119, %shift_right_logical3A_1125 : vector<16xi32>
    %or3A_1127 = arith.ori %shift_left3A_1123, %shift_right_logical3A_1126 : vector<16xi32>
    %xor3A_1128 = arith.xori %add3A_1120, %or3A_1127 : vector<16xi32>
    %add3A_1129 = arith.addi %add3A_1120, %xor3A_1128 : vector<16xi32>
    %shift_left3A_1130 = arith.constant 6 : i32
    %shift_left3A_1131 = vector.broadcast %shift_left3A_1130 : i32 to vector<16xi32>
    %shift_left3A_1132 = arith.shli %xor3A_1128, %shift_left3A_1131 : vector<16xi32>
    %shift_right_logical3A_1133 = arith.constant 26 : i32
    %shift_right_logical3A_1134 = vector.broadcast %shift_right_logical3A_1133 : i32 to vector<16xi32>
    %shift_right_logical3A_1135 = arith.shrui %xor3A_1128, %shift_right_logical3A_1134 : vector<16xi32>
    %or3A_1136 = arith.ori %shift_left3A_1132, %shift_right_logical3A_1135 : vector<16xi32>
    %xor3A_1137 = arith.xori %add3A_1129, %or3A_1136 : vector<16xi32>
    %add3A_1138 = arith.constant 1705926158 : i32
    %add3A_1139 = vector.broadcast %add3A_1138 : i32 to vector<16xi32>
    %add3A_1140 = arith.addi %add3A_1129, %add3A_1139 : vector<16xi32>
    %add3A_1141 = arith.constant 899080142 : i32
    %add3A_1142 = vector.broadcast %add3A_1141 : i32 to vector<16xi32>
    %add3A_1143 = arith.addi %xor3A_1137, %add3A_1142 : vector<16xi32>
    %add3A_1144 = arith.constant 3 : i32
    %add3A_1145 = vector.broadcast %add3A_1144 : i32 to vector<16xi32>
    %add3A_1146 = arith.addi %add3A_1143, %add3A_1145 : vector<16xi32>
    %add3A_1147 = arith.addi %add3A_1140, %add3A_1146 : vector<16xi32>
    %shift_left3A_1148 = arith.constant 17 : i32
    %shift_left3A_1149 = vector.broadcast %shift_left3A_1148 : i32 to vector<16xi32>
    %shift_left3A_1150 = arith.shli %add3A_1146, %shift_left3A_1149 : vector<16xi32>
    %shift_right_logical3A_1151 = arith.constant 15 : i32
    %shift_right_logical3A_1152 = vector.broadcast %shift_right_logical3A_1151 : i32 to vector<16xi32>
    %shift_right_logical3A_1153 = arith.shrui %add3A_1146, %shift_right_logical3A_1152 : vector<16xi32>
    %or3A_1154 = arith.ori %shift_left3A_1150, %shift_right_logical3A_1153 : vector<16xi32>
    %xor3A_1155 = arith.xori %add3A_1147, %or3A_1154 : vector<16xi32>
    %add3A_1156 = arith.addi %add3A_1147, %xor3A_1155 : vector<16xi32>
    %shift_left3A_1157 = arith.constant 29 : i32
    %shift_left3A_1158 = vector.broadcast %shift_left3A_1157 : i32 to vector<16xi32>
    %shift_left3A_1159 = arith.shli %xor3A_1155, %shift_left3A_1158 : vector<16xi32>
    %shift_right_logical3A_1160 = arith.constant 3 : i32
    %shift_right_logical3A_1161 = vector.broadcast %shift_right_logical3A_1160 : i32 to vector<16xi32>
    %shift_right_logical3A_1162 = arith.shrui %xor3A_1155, %shift_right_logical3A_1161 : vector<16xi32>
    %or3A_1163 = arith.ori %shift_left3A_1159, %shift_right_logical3A_1162 : vector<16xi32>
    %xor3A_1164 = arith.xori %add3A_1156, %or3A_1163 : vector<16xi32>
    %add3A_1165 = arith.addi %add3A_1156, %xor3A_1164 : vector<16xi32>
    %shift_left3A_1166 = arith.constant 16 : i32
    %shift_left3A_1167 = vector.broadcast %shift_left3A_1166 : i32 to vector<16xi32>
    %shift_left3A_1168 = arith.shli %xor3A_1164, %shift_left3A_1167 : vector<16xi32>
    %shift_right_logical3A_1169 = arith.constant 16 : i32
    %shift_right_logical3A_1170 = vector.broadcast %shift_right_logical3A_1169 : i32 to vector<16xi32>
    %shift_right_logical3A_1171 = arith.shrui %xor3A_1164, %shift_right_logical3A_1170 : vector<16xi32>
    %or3A_1172 = arith.ori %shift_left3A_1168, %shift_right_logical3A_1171 : vector<16xi32>
    %xor3A_1173 = arith.xori %add3A_1165, %or3A_1172 : vector<16xi32>
    %add3A_1174 = arith.addi %add3A_1165, %xor3A_1173 : vector<16xi32>
    %shift_left3A_1175 = arith.constant 24 : i32
    %shift_left3A_1176 = vector.broadcast %shift_left3A_1175 : i32 to vector<16xi32>
    %shift_left3A_1177 = arith.shli %xor3A_1173, %shift_left3A_1176 : vector<16xi32>
    %shift_right_logical3A_1178 = arith.constant 8 : i32
    %shift_right_logical3A_1179 = vector.broadcast %shift_right_logical3A_1178 : i32 to vector<16xi32>
    %shift_right_logical3A_1180 = arith.shrui %xor3A_1173, %shift_right_logical3A_1179 : vector<16xi32>
    %or3A_1181 = arith.ori %shift_left3A_1177, %shift_right_logical3A_1180 : vector<16xi32>
    %xor3A_1182 = arith.xori %add3A_1174, %or3A_1181 : vector<16xi32>
    %add3A_1183 = arith.constant 899080142 : i32
    %add3A_1184 = vector.broadcast %add3A_1183 : i32 to vector<16xi32>
    %add3A_1185 = arith.addi %add3A_1174, %add3A_1184 : vector<16xi32>
    %add3A_1186 = arith.constant 1273600538 : i32
    %add3A_1187 = vector.broadcast %add3A_1186 : i32 to vector<16xi32>
    %add3A_1188 = arith.addi %xor3A_1182, %add3A_1187 : vector<16xi32>
    %add3A_1189 = arith.constant 4 : i32
    %add3A_1190 = vector.broadcast %add3A_1189 : i32 to vector<16xi32>
    %add3A_1191 = arith.addi %add3A_1188, %add3A_1190 : vector<16xi32>
    %add3A_1192 = arith.addi %add3A_1185, %add3A_1191 : vector<16xi32>
    %shift_left3A_1193 = arith.constant 13 : i32
    %shift_left3A_1194 = vector.broadcast %shift_left3A_1193 : i32 to vector<16xi32>
    %shift_left3A_1195 = arith.shli %add3A_1191, %shift_left3A_1194 : vector<16xi32>
    %shift_right_logical3A_1196 = arith.constant 19 : i32
    %shift_right_logical3A_1197 = vector.broadcast %shift_right_logical3A_1196 : i32 to vector<16xi32>
    %shift_right_logical3A_1198 = arith.shrui %add3A_1191, %shift_right_logical3A_1197 : vector<16xi32>
    %or3A_1199 = arith.ori %shift_left3A_1195, %shift_right_logical3A_1198 : vector<16xi32>
    %xor3A_1200 = arith.xori %add3A_1192, %or3A_1199 : vector<16xi32>
    %add3A_1201 = arith.addi %add3A_1192, %xor3A_1200 : vector<16xi32>
    %shift_left3A_1202 = arith.constant 15 : i32
    %shift_left3A_1203 = vector.broadcast %shift_left3A_1202 : i32 to vector<16xi32>
    %shift_left3A_1204 = arith.shli %xor3A_1200, %shift_left3A_1203 : vector<16xi32>
    %shift_right_logical3A_1205 = arith.constant 17 : i32
    %shift_right_logical3A_1206 = vector.broadcast %shift_right_logical3A_1205 : i32 to vector<16xi32>
    %shift_right_logical3A_1207 = arith.shrui %xor3A_1200, %shift_right_logical3A_1206 : vector<16xi32>
    %or3A_1208 = arith.ori %shift_left3A_1204, %shift_right_logical3A_1207 : vector<16xi32>
    %xor3A_1209 = arith.xori %add3A_1201, %or3A_1208 : vector<16xi32>
    %add3A_1210 = arith.addi %add3A_1201, %xor3A_1209 : vector<16xi32>
    %shift_left3A_1211 = arith.constant 26 : i32
    %shift_left3A_1212 = vector.broadcast %shift_left3A_1211 : i32 to vector<16xi32>
    %shift_left3A_1213 = arith.shli %xor3A_1209, %shift_left3A_1212 : vector<16xi32>
    %shift_right_logical3A_1214 = arith.constant 6 : i32
    %shift_right_logical3A_1215 = vector.broadcast %shift_right_logical3A_1214 : i32 to vector<16xi32>
    %shift_right_logical3A_1216 = arith.shrui %xor3A_1209, %shift_right_logical3A_1215 : vector<16xi32>
    %or3A_1217 = arith.ori %shift_left3A_1213, %shift_right_logical3A_1216 : vector<16xi32>
    %xor3A_1218 = arith.xori %add3A_1210, %or3A_1217 : vector<16xi32>
    %add3A_1219 = arith.addi %add3A_1210, %xor3A_1218 : vector<16xi32>
    %shift_left3A_1220 = arith.constant 6 : i32
    %shift_left3A_1221 = vector.broadcast %shift_left3A_1220 : i32 to vector<16xi32>
    %shift_left3A_1222 = arith.shli %xor3A_1218, %shift_left3A_1221 : vector<16xi32>
    %shift_right_logical3A_1223 = arith.constant 26 : i32
    %shift_right_logical3A_1224 = vector.broadcast %shift_right_logical3A_1223 : i32 to vector<16xi32>
    %shift_right_logical3A_1225 = arith.shrui %xor3A_1218, %shift_right_logical3A_1224 : vector<16xi32>
    %or3A_1226 = arith.ori %shift_left3A_1222, %shift_right_logical3A_1225 : vector<16xi32>
    %xor3A_1227 = arith.xori %add3A_1219, %or3A_1226 : vector<16xi32>
    %add3A_1228 = arith.constant 1273600538 : i32
    %add3A_1229 = vector.broadcast %add3A_1228 : i32 to vector<16xi32>
    %add3A_1230 = arith.addi %add3A_1219, %add3A_1229 : vector<16xi32>
    %add3A_1231 = arith.constant 1705926158 : i32
    %add3A_1232 = vector.broadcast %add3A_1231 : i32 to vector<16xi32>
    %add3A_1233 = arith.addi %xor3A_1227, %add3A_1232 : vector<16xi32>
    %add3A_1234 = arith.constant 5 : i32
    %add3A_1235 = vector.broadcast %add3A_1234 : i32 to vector<16xi32>
    %add3A_1236 = arith.addi %add3A_1233, %add3A_1235 : vector<16xi32>
    %xor3A_1237 = arith.xori %add3A_1230, %add3A_1236 : vector<16xi32>
    %and3A_1238 = arith.constant 1023 : i32
    %and3A_1239 = vector.broadcast %and3A_1238 : i32 to vector<16xi32>
    %and3A_1240 = arith.andi %xor3A_1237, %and3A_1239 : vector<16xi32>
    %gather3A_1241 = tpu.vector_load_idx %arg5[%and3A_1240] : memref<1024xf32, #tpu.memory_space<vmem>>[vector<16xi32>], vector<16xf32>,
    %swap3A_1242 = arith.constant 64 : index
    %swap3A_1243 = tpu.vector_load %arg6[%swap3A_1242] {strides = array<i32>} : memref<256xf32, #tpu.memory_space<vmem>>, vector<16xf32>,
    tpu.vector_store %arg6[%swap3A_1242], %gather3A_1241 {strides = array<i32>} : memref<256xf32, #tpu.memory_space<vmem>>, vector<16xf32>,
    %add3A_1244 = arith.constant 80 : i32
    %add3A_1245 = vector.broadcast %add3A_1244 : i32 to vector<16xi32>
    %add3A_1246 = arith.addi %iota3A, %add3A_1245 : vector<16xi32>
    %add3A_1247 = vector.broadcast %add3A_35 : i32 to vector<16xi32>
    %add3A_1248 = arith.addi %add3A_1246, %add3A_1247 : vector<16xi32>
    %broadcast_in_dim3A_1249 = arith.constant 1705926158 : i32
    %broadcast_in_dim3A_1250 = vector.broadcast %broadcast_in_dim3A_1249 : i32 to vector<16xi32>
    %add3A_1251 = arith.constant 899080142 : i32
    %add3A_1252 = vector.broadcast %add3A_1251 : i32 to vector<16xi32>
    %add3A_1253 = arith.addi %add3A_1248, %add3A_1252 : vector<16xi32>
    %add3A_1254 = arith.addi %broadcast_in_dim3A_1250, %add3A_1253 : vector<16xi32>
    %shift_left3A_1255 = arith.constant 13 : i32
    %shift_left3A_1256 = vector.broadcast %shift_left3A_1255 : i32 to vector<16xi32>
    %shift_left3A_1257 = arith.shli %add3A_1253, %shift_left3A_1256 : vector<16xi32>
    %shift_right_logical3A_1258 = arith.constant 19 : i32
    %shift_right_logical3A_1259 = vector.broadcast %shift_right_logical3A_1258 : i32 to vector<16xi32>
    %shift_right_logical3A_1260 = arith.shrui %add3A_1253, %shift_right_logical3A_1259 : vector<16xi32>
    %or3A_1261 = arith.ori %shift_left3A_1257, %shift_right_logical3A_1260 : vector<16xi32>
    %xor3A_1262 = arith.xori %add3A_1254, %or3A_1261 : vector<16xi32>
    %add3A_1263 = arith.addi %add3A_1254, %xor3A_1262 : vector<16xi32>
    %shift_left3A_1264 = arith.constant 15 : i32
    %shift_left3A_1265 = vector.broadcast %shift_left3A_1264 : i32 to vector<16xi32>
    %shift_left3A_1266 = arith.shli %xor3A_1262, %shift_left3A_1265 : vector<16xi32>
    %shift_right_logical3A_1267 = arith.constant 17 : i32
    %shift_right_logical3A_1268 = vector.broadcast %shift_right_logical3A_1267 : i32 to vector<16xi32>
    %shift_right_logical3A_1269 = arith.shrui %xor3A_1262, %shift_right_logical3A_1268 : vector<16xi32>
    %or3A_1270 = arith.ori %shift_left3A_1266, %shift_right_logical3A_1269 : vector<16xi32>
    %xor3A_1271 = arith.xori %add3A_1263, %or3A_1270 : vector<16xi32>
    %add3A_1272 = arith.addi %add3A_1263, %xor3A_1271 : vector<16xi32>
    %shift_left3A_1273 = arith.constant 26 : i32
    %shift_left3A_1274 = vector.broadcast %shift_left3A_1273 : i32 to vector<16xi32>
    %shift_left3A_1275 = arith.shli %xor3A_1271, %shift_left3A_1274 : vector<16xi32>
    %shift_right_logical3A_1276 = arith.constant 6 : i32
    %shift_right_logical3A_1277 = vector.broadcast %shift_right_logical3A_1276 : i32 to vector<16xi32>
    %shift_right_logical3A_1278 = arith.shrui %xor3A_1271, %shift_right_logical3A_1277 : vector<16xi32>
    %or3A_1279 = arith.ori %shift_left3A_1275, %shift_right_logical3A_1278 : vector<16xi32>
    %xor3A_1280 = arith.xori %add3A_1272, %or3A_1279 : vector<16xi32>
    %add3A_1281 = arith.addi %add3A_1272, %xor3A_1280 : vector<16xi32>
    %shift_left3A_1282 = arith.constant 6 : i32
    %shift_left3A_1283 = vector.broadcast %shift_left3A_1282 : i32 to vector<16xi32>
    %shift_left3A_1284 = arith.shli %xor3A_1280, %shift_left3A_1283 : vector<16xi32>
    %shift_right_logical3A_1285 = arith.constant 26 : i32
    %shift_right_logical3A_1286 = vector.broadcast %shift_right_logical3A_1285 : i32 to vector<16xi32>
    %shift_right_logical3A_1287 = arith.shrui %xor3A_1280, %shift_right_logical3A_1286 : vector<16xi32>
    %or3A_1288 = arith.ori %shift_left3A_1284, %shift_right_logical3A_1287 : vector<16xi32>
    %xor3A_1289 = arith.xori %add3A_1281, %or3A_1288 : vector<16xi32>
    %add3A_1290 = arith.constant 899080142 : i32
    %add3A_1291 = vector.broadcast %add3A_1290 : i32 to vector<16xi32>
    %add3A_1292 = arith.addi %add3A_1281, %add3A_1291 : vector<16xi32>
    %add3A_1293 = arith.constant 1273600538 : i32
    %add3A_1294 = vector.broadcast %add3A_1293 : i32 to vector<16xi32>
    %add3A_1295 = arith.addi %xor3A_1289, %add3A_1294 : vector<16xi32>
    %add3A_1296 = arith.constant 1 : i32
    %add3A_1297 = vector.broadcast %add3A_1296 : i32 to vector<16xi32>
    %add3A_1298 = arith.addi %add3A_1295, %add3A_1297 : vector<16xi32>
    %add3A_1299 = arith.addi %add3A_1292, %add3A_1298 : vector<16xi32>
    %shift_left3A_1300 = arith.constant 17 : i32
    %shift_left3A_1301 = vector.broadcast %shift_left3A_1300 : i32 to vector<16xi32>
    %shift_left3A_1302 = arith.shli %add3A_1298, %shift_left3A_1301 : vector<16xi32>
    %shift_right_logical3A_1303 = arith.constant 15 : i32
    %shift_right_logical3A_1304 = vector.broadcast %shift_right_logical3A_1303 : i32 to vector<16xi32>
    %shift_right_logical3A_1305 = arith.shrui %add3A_1298, %shift_right_logical3A_1304 : vector<16xi32>
    %or3A_1306 = arith.ori %shift_left3A_1302, %shift_right_logical3A_1305 : vector<16xi32>
    %xor3A_1307 = arith.xori %add3A_1299, %or3A_1306 : vector<16xi32>
    %add3A_1308 = arith.addi %add3A_1299, %xor3A_1307 : vector<16xi32>
    %shift_left3A_1309 = arith.constant 29 : i32
    %shift_left3A_1310 = vector.broadcast %shift_left3A_1309 : i32 to vector<16xi32>
    %shift_left3A_1311 = arith.shli %xor3A_1307, %shift_left3A_1310 : vector<16xi32>
    %shift_right_logical3A_1312 = arith.constant 3 : i32
    %shift_right_logical3A_1313 = vector.broadcast %shift_right_logical3A_1312 : i32 to vector<16xi32>
    %shift_right_logical3A_1314 = arith.shrui %xor3A_1307, %shift_right_logical3A_1313 : vector<16xi32>
    %or3A_1315 = arith.ori %shift_left3A_1311, %shift_right_logical3A_1314 : vector<16xi32>
    %xor3A_1316 = arith.xori %add3A_1308, %or3A_1315 : vector<16xi32>
    %add3A_1317 = arith.addi %add3A_1308, %xor3A_1316 : vector<16xi32>
    %shift_left3A_1318 = arith.constant 16 : i32
    %shift_left3A_1319 = vector.broadcast %shift_left3A_1318 : i32 to vector<16xi32>
    %shift_left3A_1320 = arith.shli %xor3A_1316, %shift_left3A_1319 : vector<16xi32>
    %shift_right_logical3A_1321 = arith.constant 16 : i32
    %shift_right_logical3A_1322 = vector.broadcast %shift_right_logical3A_1321 : i32 to vector<16xi32>
    %shift_right_logical3A_1323 = arith.shrui %xor3A_1316, %shift_right_logical3A_1322 : vector<16xi32>
    %or3A_1324 = arith.ori %shift_left3A_1320, %shift_right_logical3A_1323 : vector<16xi32>
    %xor3A_1325 = arith.xori %add3A_1317, %or3A_1324 : vector<16xi32>
    %add3A_1326 = arith.addi %add3A_1317, %xor3A_1325 : vector<16xi32>
    %shift_left3A_1327 = arith.constant 24 : i32
    %shift_left3A_1328 = vector.broadcast %shift_left3A_1327 : i32 to vector<16xi32>
    %shift_left3A_1329 = arith.shli %xor3A_1325, %shift_left3A_1328 : vector<16xi32>
    %shift_right_logical3A_1330 = arith.constant 8 : i32
    %shift_right_logical3A_1331 = vector.broadcast %shift_right_logical3A_1330 : i32 to vector<16xi32>
    %shift_right_logical3A_1332 = arith.shrui %xor3A_1325, %shift_right_logical3A_1331 : vector<16xi32>
    %or3A_1333 = arith.ori %shift_left3A_1329, %shift_right_logical3A_1332 : vector<16xi32>
    %xor3A_1334 = arith.xori %add3A_1326, %or3A_1333 : vector<16xi32>
    %add3A_1335 = arith.constant 1273600538 : i32
    %add3A_1336 = vector.broadcast %add3A_1335 : i32 to vector<16xi32>
    %add3A_1337 = arith.addi %add3A_1326, %add3A_1336 : vector<16xi32>
    %add3A_1338 = arith.constant 1705926158 : i32
    %add3A_1339 = vector.broadcast %add3A_1338 : i32 to vector<16xi32>
    %add3A_1340 = arith.addi %xor3A_1334, %add3A_1339 : vector<16xi32>
    %add3A_1341 = arith.constant 2 : i32
    %add3A_1342 = vector.broadcast %add3A_1341 : i32 to vector<16xi32>
    %add3A_1343 = arith.addi %add3A_1340, %add3A_1342 : vector<16xi32>
    %add3A_1344 = arith.addi %add3A_1337, %add3A_1343 : vector<16xi32>
    %shift_left3A_1345 = arith.constant 13 : i32
    %shift_left3A_1346 = vector.broadcast %shift_left3A_1345 : i32 to vector<16xi32>
    %shift_left3A_1347 = arith.shli %add3A_1343, %shift_left3A_1346 : vector<16xi32>
    %shift_right_logical3A_1348 = arith.constant 19 : i32
    %shift_right_logical3A_1349 = vector.broadcast %shift_right_logical3A_1348 : i32 to vector<16xi32>
    %shift_right_logical3A_1350 = arith.shrui %add3A_1343, %shift_right_logical3A_1349 : vector<16xi32>
    %or3A_1351 = arith.ori %shift_left3A_1347, %shift_right_logical3A_1350 : vector<16xi32>
    %xor3A_1352 = arith.xori %add3A_1344, %or3A_1351 : vector<16xi32>
    %add3A_1353 = arith.addi %add3A_1344, %xor3A_1352 : vector<16xi32>
    %shift_left3A_1354 = arith.constant 15 : i32
    %shift_left3A_1355 = vector.broadcast %shift_left3A_1354 : i32 to vector<16xi32>
    %shift_left3A_1356 = arith.shli %xor3A_1352, %shift_left3A_1355 : vector<16xi32>
    %shift_right_logical3A_1357 = arith.constant 17 : i32
    %shift_right_logical3A_1358 = vector.broadcast %shift_right_logical3A_1357 : i32 to vector<16xi32>
    %shift_right_logical3A_1359 = arith.shrui %xor3A_1352, %shift_right_logical3A_1358 : vector<16xi32>
    %or3A_1360 = arith.ori %shift_left3A_1356, %shift_right_logical3A_1359 : vector<16xi32>
    %xor3A_1361 = arith.xori %add3A_1353, %or3A_1360 : vector<16xi32>
    %add3A_1362 = arith.addi %add3A_1353, %xor3A_1361 : vector<16xi32>
    %shift_left3A_1363 = arith.constant 26 : i32
    %shift_left3A_1364 = vector.broadcast %shift_left3A_1363 : i32 to vector<16xi32>
    %shift_left3A_1365 = arith.shli %xor3A_1361, %shift_left3A_1364 : vector<16xi32>
    %shift_right_logical3A_1366 = arith.constant 6 : i32
    %shift_right_logical3A_1367 = vector.broadcast %shift_right_logical3A_1366 : i32 to vector<16xi32>
    %shift_right_logical3A_1368 = arith.shrui %xor3A_1361, %shift_right_logical3A_1367 : vector<16xi32>
    %or3A_1369 = arith.ori %shift_left3A_1365, %shift_right_logical3A_1368 : vector<16xi32>
    %xor3A_1370 = arith.xori %add3A_1362, %or3A_1369 : vector<16xi32>
    %add3A_1371 = arith.addi %add3A_1362, %xor3A_1370 : vector<16xi32>
    %shift_left3A_1372 = arith.constant 6 : i32
    %shift_left3A_1373 = vector.broadcast %shift_left3A_1372 : i32 to vector<16xi32>
    %shift_left3A_1374 = arith.shli %xor3A_1370, %shift_left3A_1373 : vector<16xi32>
    %shift_right_logical3A_1375 = arith.constant 26 : i32
    %shift_right_logical3A_1376 = vector.broadcast %shift_right_logical3A_1375 : i32 to vector<16xi32>
    %shift_right_logical3A_1377 = arith.shrui %xor3A_1370, %shift_right_logical3A_1376 : vector<16xi32>
    %or3A_1378 = arith.ori %shift_left3A_1374, %shift_right_logical3A_1377 : vector<16xi32>
    %xor3A_1379 = arith.xori %add3A_1371, %or3A_1378 : vector<16xi32>
    %add3A_1380 = arith.constant 1705926158 : i32
    %add3A_1381 = vector.broadcast %add3A_1380 : i32 to vector<16xi32>
    %add3A_1382 = arith.addi %add3A_1371, %add3A_1381 : vector<16xi32>
    %add3A_1383 = arith.constant 899080142 : i32
    %add3A_1384 = vector.broadcast %add3A_1383 : i32 to vector<16xi32>
    %add3A_1385 = arith.addi %xor3A_1379, %add3A_1384 : vector<16xi32>
    %add3A_1386 = arith.constant 3 : i32
    %add3A_1387 = vector.broadcast %add3A_1386 : i32 to vector<16xi32>
    %add3A_1388 = arith.addi %add3A_1385, %add3A_1387 : vector<16xi32>
    %add3A_1389 = arith.addi %add3A_1382, %add3A_1388 : vector<16xi32>
    %shift_left3A_1390 = arith.constant 17 : i32
    %shift_left3A_1391 = vector.broadcast %shift_left3A_1390 : i32 to vector<16xi32>
    %shift_left3A_1392 = arith.shli %add3A_1388, %shift_left3A_1391 : vector<16xi32>
    %shift_right_logical3A_1393 = arith.constant 15 : i32
    %shift_right_logical3A_1394 = vector.broadcast %shift_right_logical3A_1393 : i32 to vector<16xi32>
    %shift_right_logical3A_1395 = arith.shrui %add3A_1388, %shift_right_logical3A_1394 : vector<16xi32>
    %or3A_1396 = arith.ori %shift_left3A_1392, %shift_right_logical3A_1395 : vector<16xi32>
    %xor3A_1397 = arith.xori %add3A_1389, %or3A_1396 : vector<16xi32>
    %add3A_1398 = arith.addi %add3A_1389, %xor3A_1397 : vector<16xi32>
    %shift_left3A_1399 = arith.constant 29 : i32
    %shift_left3A_1400 = vector.broadcast %shift_left3A_1399 : i32 to vector<16xi32>
    %shift_left3A_1401 = arith.shli %xor3A_1397, %shift_left3A_1400 : vector<16xi32>
    %shift_right_logical3A_1402 = arith.constant 3 : i32
    %shift_right_logical3A_1403 = vector.broadcast %shift_right_logical3A_1402 : i32 to vector<16xi32>
    %shift_right_logical3A_1404 = arith.shrui %xor3A_1397, %shift_right_logical3A_1403 : vector<16xi32>
    %or3A_1405 = arith.ori %shift_left3A_1401, %shift_right_logical3A_1404 : vector<16xi32>
    %xor3A_1406 = arith.xori %add3A_1398, %or3A_1405 : vector<16xi32>
    %add3A_1407 = arith.addi %add3A_1398, %xor3A_1406 : vector<16xi32>
    %shift_left3A_1408 = arith.constant 16 : i32
    %shift_left3A_1409 = vector.broadcast %shift_left3A_1408 : i32 to vector<16xi32>
    %shift_left3A_1410 = arith.shli %xor3A_1406, %shift_left3A_1409 : vector<16xi32>
    %shift_right_logical3A_1411 = arith.constant 16 : i32
    %shift_right_logical3A_1412 = vector.broadcast %shift_right_logical3A_1411 : i32 to vector<16xi32>
    %shift_right_logical3A_1413 = arith.shrui %xor3A_1406, %shift_right_logical3A_1412 : vector<16xi32>
    %or3A_1414 = arith.ori %shift_left3A_1410, %shift_right_logical3A_1413 : vector<16xi32>
    %xor3A_1415 = arith.xori %add3A_1407, %or3A_1414 : vector<16xi32>
    %add3A_1416 = arith.addi %add3A_1407, %xor3A_1415 : vector<16xi32>
    %shift_left3A_1417 = arith.constant 24 : i32
    %shift_left3A_1418 = vector.broadcast %shift_left3A_1417 : i32 to vector<16xi32>
    %shift_left3A_1419 = arith.shli %xor3A_1415, %shift_left3A_1418 : vector<16xi32>
    %shift_right_logical3A_1420 = arith.constant 8 : i32
    %shift_right_logical3A_1421 = vector.broadcast %shift_right_logical3A_1420 : i32 to vector<16xi32>
    %shift_right_logical3A_1422 = arith.shrui %xor3A_1415, %shift_right_logical3A_1421 : vector<16xi32>
    %or3A_1423 = arith.ori %shift_left3A_1419, %shift_right_logical3A_1422 : vector<16xi32>
    %xor3A_1424 = arith.xori %add3A_1416, %or3A_1423 : vector<16xi32>
    %add3A_1425 = arith.constant 899080142 : i32
    %add3A_1426 = vector.broadcast %add3A_1425 : i32 to vector<16xi32>
    %add3A_1427 = arith.addi %add3A_1416, %add3A_1426 : vector<16xi32>
    %add3A_1428 = arith.constant 1273600538 : i32
    %add3A_1429 = vector.broadcast %add3A_1428 : i32 to vector<16xi32>
    %add3A_1430 = arith.addi %xor3A_1424, %add3A_1429 : vector<16xi32>
    %add3A_1431 = arith.constant 4 : i32
    %add3A_1432 = vector.broadcast %add3A_1431 : i32 to vector<16xi32>
    %add3A_1433 = arith.addi %add3A_1430, %add3A_1432 : vector<16xi32>
    %add3A_1434 = arith.addi %add3A_1427, %add3A_1433 : vector<16xi32>
    %shift_left3A_1435 = arith.constant 13 : i32
    %shift_left3A_1436 = vector.broadcast %shift_left3A_1435 : i32 to vector<16xi32>
    %shift_left3A_1437 = arith.shli %add3A_1433, %shift_left3A_1436 : vector<16xi32>
    %shift_right_logical3A_1438 = arith.constant 19 : i32
    %shift_right_logical3A_1439 = vector.broadcast %shift_right_logical3A_1438 : i32 to vector<16xi32>
    %shift_right_logical3A_1440 = arith.shrui %add3A_1433, %shift_right_logical3A_1439 : vector<16xi32>
    %or3A_1441 = arith.ori %shift_left3A_1437, %shift_right_logical3A_1440 : vector<16xi32>
    %xor3A_1442 = arith.xori %add3A_1434, %or3A_1441 : vector<16xi32>
    %add3A_1443 = arith.addi %add3A_1434, %xor3A_1442 : vector<16xi32>
    %shift_left3A_1444 = arith.constant 15 : i32
    %shift_left3A_1445 = vector.broadcast %shift_left3A_1444 : i32 to vector<16xi32>
    %shift_left3A_1446 = arith.shli %xor3A_1442, %shift_left3A_1445 : vector<16xi32>
    %shift_right_logical3A_1447 = arith.constant 17 : i32
    %shift_right_logical3A_1448 = vector.broadcast %shift_right_logical3A_1447 : i32 to vector<16xi32>
    %shift_right_logical3A_1449 = arith.shrui %xor3A_1442, %shift_right_logical3A_1448 : vector<16xi32>
    %or3A_1450 = arith.ori %shift_left3A_1446, %shift_right_logical3A_1449 : vector<16xi32>
    %xor3A_1451 = arith.xori %add3A_1443, %or3A_1450 : vector<16xi32>
    %add3A_1452 = arith.addi %add3A_1443, %xor3A_1451 : vector<16xi32>
    %shift_left3A_1453 = arith.constant 26 : i32
    %shift_left3A_1454 = vector.broadcast %shift_left3A_1453 : i32 to vector<16xi32>
    %shift_left3A_1455 = arith.shli %xor3A_1451, %shift_left3A_1454 : vector<16xi32>
    %shift_right_logical3A_1456 = arith.constant 6 : i32
    %shift_right_logical3A_1457 = vector.broadcast %shift_right_logical3A_1456 : i32 to vector<16xi32>
    %shift_right_logical3A_1458 = arith.shrui %xor3A_1451, %shift_right_logical3A_1457 : vector<16xi32>
    %or3A_1459 = arith.ori %shift_left3A_1455, %shift_right_logical3A_1458 : vector<16xi32>
    %xor3A_1460 = arith.xori %add3A_1452, %or3A_1459 : vector<16xi32>
    %add3A_1461 = arith.addi %add3A_1452, %xor3A_1460 : vector<16xi32>
    %shift_left3A_1462 = arith.constant 6 : i32
    %shift_left3A_1463 = vector.broadcast %shift_left3A_1462 : i32 to vector<16xi32>
    %shift_left3A_1464 = arith.shli %xor3A_1460, %shift_left3A_1463 : vector<16xi32>
    %shift_right_logical3A_1465 = arith.constant 26 : i32
    %shift_right_logical3A_1466 = vector.broadcast %shift_right_logical3A_1465 : i32 to vector<16xi32>
    %shift_right_logical3A_1467 = arith.shrui %xor3A_1460, %shift_right_logical3A_1466 : vector<16xi32>
    %or3A_1468 = arith.ori %shift_left3A_1464, %shift_right_logical3A_1467 : vector<16xi32>
    %xor3A_1469 = arith.xori %add3A_1461, %or3A_1468 : vector<16xi32>
    %add3A_1470 = arith.constant 1273600538 : i32
    %add3A_1471 = vector.broadcast %add3A_1470 : i32 to vector<16xi32>
    %add3A_1472 = arith.addi %add3A_1461, %add3A_1471 : vector<16xi32>
    %add3A_1473 = arith.constant 1705926158 : i32
    %add3A_1474 = vector.broadcast %add3A_1473 : i32 to vector<16xi32>
    %add3A_1475 = arith.addi %xor3A_1469, %add3A_1474 : vector<16xi32>
    %add3A_1476 = arith.constant 5 : i32
    %add3A_1477 = vector.broadcast %add3A_1476 : i32 to vector<16xi32>
    %add3A_1478 = arith.addi %add3A_1475, %add3A_1477 : vector<16xi32>
    %xor3A_1479 = arith.xori %add3A_1472, %add3A_1478 : vector<16xi32>
    %and3A_1480 = arith.constant 1023 : i32
    %and3A_1481 = vector.broadcast %and3A_1480 : i32 to vector<16xi32>
    %and3A_1482 = arith.andi %xor3A_1479, %and3A_1481 : vector<16xi32>
    %gather3A_1483 = tpu.vector_load_idx %arg5[%and3A_1482] : memref<1024xf32, #tpu.memory_space<vmem>>[vector<16xi32>], vector<16xf32>,
    %swap3A_1484 = arith.constant 80 : index
    %swap3A_1485 = tpu.vector_load %arg6[%swap3A_1484] {strides = array<i32>} : memref<256xf32, #tpu.memory_space<vmem>>, vector<16xf32>,
    tpu.vector_store %arg6[%swap3A_1484], %gather3A_1483 {strides = array<i32>} : memref<256xf32, #tpu.memory_space<vmem>>, vector<16xf32>,
    %add3A_1486 = arith.constant 96 : i32
    %add3A_1487 = vector.broadcast %add3A_1486 : i32 to vector<16xi32>
    %add3A_1488 = arith.addi %iota3A, %add3A_1487 : vector<16xi32>
    %add3A_1489 = vector.broadcast %add3A_35 : i32 to vector<16xi32>
    %add3A_1490 = arith.addi %add3A_1488, %add3A_1489 : vector<16xi32>
    %broadcast_in_dim3A_1491 = arith.constant 1705926158 : i32
    %broadcast_in_dim3A_1492 = vector.broadcast %broadcast_in_dim3A_1491 : i32 to vector<16xi32>
    %add3A_1493 = arith.constant 899080142 : i32
    %add3A_1494 = vector.broadcast %add3A_1493 : i32 to vector<16xi32>
    %add3A_1495 = arith.addi %add3A_1490, %add3A_1494 : vector<16xi32>
    %add3A_1496 = arith.addi %broadcast_in_dim3A_1492, %add3A_1495 : vector<16xi32>
    %shift_left3A_1497 = arith.constant 13 : i32
    %shift_left3A_1498 = vector.broadcast %shift_left3A_1497 : i32 to vector<16xi32>
    %shift_left3A_1499 = arith.shli %add3A_1495, %shift_left3A_1498 : vector<16xi32>
    %shift_right_logical3A_1500 = arith.constant 19 : i32
    %shift_right_logical3A_1501 = vector.broadcast %shift_right_logical3A_1500 : i32 to vector<16xi32>
    %shift_right_logical3A_1502 = arith.shrui %add3A_1495, %shift_right_logical3A_1501 : vector<16xi32>
    %or3A_1503 = arith.ori %shift_left3A_1499, %shift_right_logical3A_1502 : vector<16xi32>
    %xor3A_1504 = arith.xori %add3A_1496, %or3A_1503 : vector<16xi32>
    %add3A_1505 = arith.addi %add3A_1496, %xor3A_1504 : vector<16xi32>
    %shift_left3A_1506 = arith.constant 15 : i32
    %shift_left3A_1507 = vector.broadcast %shift_left3A_1506 : i32 to vector<16xi32>
    %shift_left3A_1508 = arith.shli %xor3A_1504, %shift_left3A_1507 : vector<16xi32>
    %shift_right_logical3A_1509 = arith.constant 17 : i32
    %shift_right_logical3A_1510 = vector.broadcast %shift_right_logical3A_1509 : i32 to vector<16xi32>
    %shift_right_logical3A_1511 = arith.shrui %xor3A_1504, %shift_right_logical3A_1510 : vector<16xi32>
    %or3A_1512 = arith.ori %shift_left3A_1508, %shift_right_logical3A_1511 : vector<16xi32>
    %xor3A_1513 = arith.xori %add3A_1505, %or3A_1512 : vector<16xi32>
    %add3A_1514 = arith.addi %add3A_1505, %xor3A_1513 : vector<16xi32>
    %shift_left3A_1515 = arith.constant 26 : i32
    %shift_left3A_1516 = vector.broadcast %shift_left3A_1515 : i32 to vector<16xi32>
    %shift_left3A_1517 = arith.shli %xor3A_1513, %shift_left3A_1516 : vector<16xi32>
    %shift_right_logical3A_1518 = arith.constant 6 : i32
    %shift_right_logical3A_1519 = vector.broadcast %shift_right_logical3A_1518 : i32 to vector<16xi32>
    %shift_right_logical3A_1520 = arith.shrui %xor3A_1513, %shift_right_logical3A_1519 : vector<16xi32>
    %or3A_1521 = arith.ori %shift_left3A_1517, %shift_right_logical3A_1520 : vector<16xi32>
    %xor3A_1522 = arith.xori %add3A_1514, %or3A_1521 : vector<16xi32>
    %add3A_1523 = arith.addi %add3A_1514, %xor3A_1522 : vector<16xi32>
    %shift_left3A_1524 = arith.constant 6 : i32
    %shift_left3A_1525 = vector.broadcast %shift_left3A_1524 : i32 to vector<16xi32>
    %shift_left3A_1526 = arith.shli %xor3A_1522, %shift_left3A_1525 : vector<16xi32>
    %shift_right_logical3A_1527 = arith.constant 26 : i32
    %shift_right_logical3A_1528 = vector.broadcast %shift_right_logical3A_1527 : i32 to vector<16xi32>
    %shift_right_logical3A_1529 = arith.shrui %xor3A_1522, %shift_right_logical3A_1528 : vector<16xi32>
    %or3A_1530 = arith.ori %shift_left3A_1526, %shift_right_logical3A_1529 : vector<16xi32>
    %xor3A_1531 = arith.xori %add3A_1523, %or3A_1530 : vector<16xi32>
    %add3A_1532 = arith.constant 899080142 : i32
    %add3A_1533 = vector.broadcast %add3A_1532 : i32 to vector<16xi32>
    %add3A_1534 = arith.addi %add3A_1523, %add3A_1533 : vector<16xi32>
    %add3A_1535 = arith.constant 1273600538 : i32
    %add3A_1536 = vector.broadcast %add3A_1535 : i32 to vector<16xi32>
    %add3A_1537 = arith.addi %xor3A_1531, %add3A_1536 : vector<16xi32>
    %add3A_1538 = arith.constant 1 : i32
    %add3A_1539 = vector.broadcast %add3A_1538 : i32 to vector<16xi32>
    %add3A_1540 = arith.addi %add3A_1537, %add3A_1539 : vector<16xi32>
    %add3A_1541 = arith.addi %add3A_1534, %add3A_1540 : vector<16xi32>
    %shift_left3A_1542 = arith.constant 17 : i32
    %shift_left3A_1543 = vector.broadcast %shift_left3A_1542 : i32 to vector<16xi32>
    %shift_left3A_1544 = arith.shli %add3A_1540, %shift_left3A_1543 : vector<16xi32>
    %shift_right_logical3A_1545 = arith.constant 15 : i32
    %shift_right_logical3A_1546 = vector.broadcast %shift_right_logical3A_1545 : i32 to vector<16xi32>
    %shift_right_logical3A_1547 = arith.shrui %add3A_1540, %shift_right_logical3A_1546 : vector<16xi32>
    %or3A_1548 = arith.ori %shift_left3A_1544, %shift_right_logical3A_1547 : vector<16xi32>
    %xor3A_1549 = arith.xori %add3A_1541, %or3A_1548 : vector<16xi32>
    %add3A_1550 = arith.addi %add3A_1541, %xor3A_1549 : vector<16xi32>
    %shift_left3A_1551 = arith.constant 29 : i32
    %shift_left3A_1552 = vector.broadcast %shift_left3A_1551 : i32 to vector<16xi32>
    %shift_left3A_1553 = arith.shli %xor3A_1549, %shift_left3A_1552 : vector<16xi32>
    %shift_right_logical3A_1554 = arith.constant 3 : i32
    %shift_right_logical3A_1555 = vector.broadcast %shift_right_logical3A_1554 : i32 to vector<16xi32>
    %shift_right_logical3A_1556 = arith.shrui %xor3A_1549, %shift_right_logical3A_1555 : vector<16xi32>
    %or3A_1557 = arith.ori %shift_left3A_1553, %shift_right_logical3A_1556 : vector<16xi32>
    %xor3A_1558 = arith.xori %add3A_1550, %or3A_1557 : vector<16xi32>
    %add3A_1559 = arith.addi %add3A_1550, %xor3A_1558 : vector<16xi32>
    %shift_left3A_1560 = arith.constant 16 : i32
    %shift_left3A_1561 = vector.broadcast %shift_left3A_1560 : i32 to vector<16xi32>
    %shift_left3A_1562 = arith.shli %xor3A_1558, %shift_left3A_1561 : vector<16xi32>
    %shift_right_logical3A_1563 = arith.constant 16 : i32
    %shift_right_logical3A_1564 = vector.broadcast %shift_right_logical3A_1563 : i32 to vector<16xi32>
    %shift_right_logical3A_1565 = arith.shrui %xor3A_1558, %shift_right_logical3A_1564 : vector<16xi32>
    %or3A_1566 = arith.ori %shift_left3A_1562, %shift_right_logical3A_1565 : vector<16xi32>
    %xor3A_1567 = arith.xori %add3A_1559, %or3A_1566 : vector<16xi32>
    %add3A_1568 = arith.addi %add3A_1559, %xor3A_1567 : vector<16xi32>
    %shift_left3A_1569 = arith.constant 24 : i32
    %shift_left3A_1570 = vector.broadcast %shift_left3A_1569 : i32 to vector<16xi32>
    %shift_left3A_1571 = arith.shli %xor3A_1567, %shift_left3A_1570 : vector<16xi32>
    %shift_right_logical3A_1572 = arith.constant 8 : i32
    %shift_right_logical3A_1573 = vector.broadcast %shift_right_logical3A_1572 : i32 to vector<16xi32>
    %shift_right_logical3A_1574 = arith.shrui %xor3A_1567, %shift_right_logical3A_1573 : vector<16xi32>
    %or3A_1575 = arith.ori %shift_left3A_1571, %shift_right_logical3A_1574 : vector<16xi32>
    %xor3A_1576 = arith.xori %add3A_1568, %or3A_1575 : vector<16xi32>
    %add3A_1577 = arith.constant 1273600538 : i32
    %add3A_1578 = vector.broadcast %add3A_1577 : i32 to vector<16xi32>
    %add3A_1579 = arith.addi %add3A_1568, %add3A_1578 : vector<16xi32>
    %add3A_1580 = arith.constant 1705926158 : i32
    %add3A_1581 = vector.broadcast %add3A_1580 : i32 to vector<16xi32>
    %add3A_1582 = arith.addi %xor3A_1576, %add3A_1581 : vector<16xi32>
    %add3A_1583 = arith.constant 2 : i32
    %add3A_1584 = vector.broadcast %add3A_1583 : i32 to vector<16xi32>
    %add3A_1585 = arith.addi %add3A_1582, %add3A_1584 : vector<16xi32>
    %add3A_1586 = arith.addi %add3A_1579, %add3A_1585 : vector<16xi32>
    %shift_left3A_1587 = arith.constant 13 : i32
    %shift_left3A_1588 = vector.broadcast %shift_left3A_1587 : i32 to vector<16xi32>
    %shift_left3A_1589 = arith.shli %add3A_1585, %shift_left3A_1588 : vector<16xi32>
    %shift_right_logical3A_1590 = arith.constant 19 : i32
    %shift_right_logical3A_1591 = vector.broadcast %shift_right_logical3A_1590 : i32 to vector<16xi32>
    %shift_right_logical3A_1592 = arith.shrui %add3A_1585, %shift_right_logical3A_1591 : vector<16xi32>
    %or3A_1593 = arith.ori %shift_left3A_1589, %shift_right_logical3A_1592 : vector<16xi32>
    %xor3A_1594 = arith.xori %add3A_1586, %or3A_1593 : vector<16xi32>
    %add3A_1595 = arith.addi %add3A_1586, %xor3A_1594 : vector<16xi32>
    %shift_left3A_1596 = arith.constant 15 : i32
    %shift_left3A_1597 = vector.broadcast %shift_left3A_1596 : i32 to vector<16xi32>
    %shift_left3A_1598 = arith.shli %xor3A_1594, %shift_left3A_1597 : vector<16xi32>
    %shift_right_logical3A_1599 = arith.constant 17 : i32
    %shift_right_logical3A_1600 = vector.broadcast %shift_right_logical3A_1599 : i32 to vector<16xi32>
    %shift_right_logical3A_1601 = arith.shrui %xor3A_1594, %shift_right_logical3A_1600 : vector<16xi32>
    %or3A_1602 = arith.ori %shift_left3A_1598, %shift_right_logical3A_1601 : vector<16xi32>
    %xor3A_1603 = arith.xori %add3A_1595, %or3A_1602 : vector<16xi32>
    %add3A_1604 = arith.addi %add3A_1595, %xor3A_1603 : vector<16xi32>
    %shift_left3A_1605 = arith.constant 26 : i32
    %shift_left3A_1606 = vector.broadcast %shift_left3A_1605 : i32 to vector<16xi32>
    %shift_left3A_1607 = arith.shli %xor3A_1603, %shift_left3A_1606 : vector<16xi32>
    %shift_right_logical3A_1608 = arith.constant 6 : i32
    %shift_right_logical3A_1609 = vector.broadcast %shift_right_logical3A_1608 : i32 to vector<16xi32>
    %shift_right_logical3A_1610 = arith.shrui %xor3A_1603, %shift_right_logical3A_1609 : vector<16xi32>
    %or3A_1611 = arith.ori %shift_left3A_1607, %shift_right_logical3A_1610 : vector<16xi32>
    %xor3A_1612 = arith.xori %add3A_1604, %or3A_1611 : vector<16xi32>
    %add3A_1613 = arith.addi %add3A_1604, %xor3A_1612 : vector<16xi32>
    %shift_left3A_1614 = arith.constant 6 : i32
    %shift_left3A_1615 = vector.broadcast %shift_left3A_1614 : i32 to vector<16xi32>
    %shift_left3A_1616 = arith.shli %xor3A_1612, %shift_left3A_1615 : vector<16xi32>
    %shift_right_logical3A_1617 = arith.constant 26 : i32
    %shift_right_logical3A_1618 = vector.broadcast %shift_right_logical3A_1617 : i32 to vector<16xi32>
    %shift_right_logical3A_1619 = arith.shrui %xor3A_1612, %shift_right_logical3A_1618 : vector<16xi32>
    %or3A_1620 = arith.ori %shift_left3A_1616, %shift_right_logical3A_1619 : vector<16xi32>
    %xor3A_1621 = arith.xori %add3A_1613, %or3A_1620 : vector<16xi32>
    %add3A_1622 = arith.constant 1705926158 : i32
    %add3A_1623 = vector.broadcast %add3A_1622 : i32 to vector<16xi32>
    %add3A_1624 = arith.addi %add3A_1613, %add3A_1623 : vector<16xi32>
    %add3A_1625 = arith.constant 899080142 : i32
    %add3A_1626 = vector.broadcast %add3A_1625 : i32 to vector<16xi32>
    %add3A_1627 = arith.addi %xor3A_1621, %add3A_1626 : vector<16xi32>
    %add3A_1628 = arith.constant 3 : i32
    %add3A_1629 = vector.broadcast %add3A_1628 : i32 to vector<16xi32>
    %add3A_1630 = arith.addi %add3A_1627, %add3A_1629 : vector<16xi32>
    %add3A_1631 = arith.addi %add3A_1624, %add3A_1630 : vector<16xi32>
    %shift_left3A_1632 = arith.constant 17 : i32
    %shift_left3A_1633 = vector.broadcast %shift_left3A_1632 : i32 to vector<16xi32>
    %shift_left3A_1634 = arith.shli %add3A_1630, %shift_left3A_1633 : vector<16xi32>
    %shift_right_logical3A_1635 = arith.constant 15 : i32
    %shift_right_logical3A_1636 = vector.broadcast %shift_right_logical3A_1635 : i32 to vector<16xi32>
    %shift_right_logical3A_1637 = arith.shrui %add3A_1630, %shift_right_logical3A_1636 : vector<16xi32>
    %or3A_1638 = arith.ori %shift_left3A_1634, %shift_right_logical3A_1637 : vector<16xi32>
    %xor3A_1639 = arith.xori %add3A_1631, %or3A_1638 : vector<16xi32>
    %add3A_1640 = arith.addi %add3A_1631, %xor3A_1639 : vector<16xi32>
    %shift_left3A_1641 = arith.constant 29 : i32
    %shift_left3A_1642 = vector.broadcast %shift_left3A_1641 : i32 to vector<16xi32>
    %shift_left3A_1643 = arith.shli %xor3A_1639, %shift_left3A_1642 : vector<16xi32>
    %shift_right_logical3A_1644 = arith.constant 3 : i32
    %shift_right_logical3A_1645 = vector.broadcast %shift_right_logical3A_1644 : i32 to vector<16xi32>
    %shift_right_logical3A_1646 = arith.shrui %xor3A_1639, %shift_right_logical3A_1645 : vector<16xi32>
    %or3A_1647 = arith.ori %shift_left3A_1643, %shift_right_logical3A_1646 : vector<16xi32>
    %xor3A_1648 = arith.xori %add3A_1640, %or3A_1647 : vector<16xi32>
    %add3A_1649 = arith.addi %add3A_1640, %xor3A_1648 : vector<16xi32>
    %shift_left3A_1650 = arith.constant 16 : i32
    %shift_left3A_1651 = vector.broadcast %shift_left3A_1650 : i32 to vector<16xi32>
    %shift_left3A_1652 = arith.shli %xor3A_1648, %shift_left3A_1651 : vector<16xi32>
    %shift_right_logical3A_1653 = arith.constant 16 : i32
    %shift_right_logical3A_1654 = vector.broadcast %shift_right_logical3A_1653 : i32 to vector<16xi32>
    %shift_right_logical3A_1655 = arith.shrui %xor3A_1648, %shift_right_logical3A_1654 : vector<16xi32>
    %or3A_1656 = arith.ori %shift_left3A_1652, %shift_right_logical3A_1655 : vector<16xi32>
    %xor3A_1657 = arith.xori %add3A_1649, %or3A_1656 : vector<16xi32>
    %add3A_1658 = arith.addi %add3A_1649, %xor3A_1657 : vector<16xi32>
    %shift_left3A_1659 = arith.constant 24 : i32
    %shift_left3A_1660 = vector.broadcast %shift_left3A_1659 : i32 to vector<16xi32>
    %shift_left3A_1661 = arith.shli %xor3A_1657, %shift_left3A_1660 : vector<16xi32>
    %shift_right_logical3A_1662 = arith.constant 8 : i32
    %shift_right_logical3A_1663 = vector.broadcast %shift_right_logical3A_1662 : i32 to vector<16xi32>
    %shift_right_logical3A_1664 = arith.shrui %xor3A_1657, %shift_right_logical3A_1663 : vector<16xi32>
    %or3A_1665 = arith.ori %shift_left3A_1661, %shift_right_logical3A_1664 : vector<16xi32>
    %xor3A_1666 = arith.xori %add3A_1658, %or3A_1665 : vector<16xi32>
    %add3A_1667 = arith.constant 899080142 : i32
    %add3A_1668 = vector.broadcast %add3A_1667 : i32 to vector<16xi32>
    %add3A_1669 = arith.addi %add3A_1658, %add3A_1668 : vector<16xi32>
    %add3A_1670 = arith.constant 1273600538 : i32
    %add3A_1671 = vector.broadcast %add3A_1670 : i32 to vector<16xi32>
    %add3A_1672 = arith.addi %xor3A_1666, %add3A_1671 : vector<16xi32>
    %add3A_1673 = arith.constant 4 : i32
    %add3A_1674 = vector.broadcast %add3A_1673 : i32 to vector<16xi32>
    %add3A_1675 = arith.addi %add3A_1672, %add3A_1674 : vector<16xi32>
    %add3A_1676 = arith.addi %add3A_1669, %add3A_1675 : vector<16xi32>
    %shift_left3A_1677 = arith.constant 13 : i32
    %shift_left3A_1678 = vector.broadcast %shift_left3A_1677 : i32 to vector<16xi32>
    %shift_left3A_1679 = arith.shli %add3A_1675, %shift_left3A_1678 : vector<16xi32>
    %shift_right_logical3A_1680 = arith.constant 19 : i32
    %shift_right_logical3A_1681 = vector.broadcast %shift_right_logical3A_1680 : i32 to vector<16xi32>
    %shift_right_logical3A_1682 = arith.shrui %add3A_1675, %shift_right_logical3A_1681 : vector<16xi32>
    %or3A_1683 = arith.ori %shift_left3A_1679, %shift_right_logical3A_1682 : vector<16xi32>
    %xor3A_1684 = arith.xori %add3A_1676, %or3A_1683 : vector<16xi32>
    %add3A_1685 = arith.addi %add3A_1676, %xor3A_1684 : vector<16xi32>
    %shift_left3A_1686 = arith.constant 15 : i32
    %shift_left3A_1687 = vector.broadcast %shift_left3A_1686 : i32 to vector<16xi32>
    %shift_left3A_1688 = arith.shli %xor3A_1684, %shift_left3A_1687 : vector<16xi32>
    %shift_right_logical3A_1689 = arith.constant 17 : i32
    %shift_right_logical3A_1690 = vector.broadcast %shift_right_logical3A_1689 : i32 to vector<16xi32>
    %shift_right_logical3A_1691 = arith.shrui %xor3A_1684, %shift_right_logical3A_1690 : vector<16xi32>
    %or3A_1692 = arith.ori %shift_left3A_1688, %shift_right_logical3A_1691 : vector<16xi32>
    %xor3A_1693 = arith.xori %add3A_1685, %or3A_1692 : vector<16xi32>
    %add3A_1694 = arith.addi %add3A_1685, %xor3A_1693 : vector<16xi32>
    %shift_left3A_1695 = arith.constant 26 : i32
    %shift_left3A_1696 = vector.broadcast %shift_left3A_1695 : i32 to vector<16xi32>
    %shift_left3A_1697 = arith.shli %xor3A_1693, %shift_left3A_1696 : vector<16xi32>
    %shift_right_logical3A_1698 = arith.constant 6 : i32
    %shift_right_logical3A_1699 = vector.broadcast %shift_right_logical3A_1698 : i32 to vector<16xi32>
    %shift_right_logical3A_1700 = arith.shrui %xor3A_1693, %shift_right_logical3A_1699 : vector<16xi32>
    %or3A_1701 = arith.ori %shift_left3A_1697, %shift_right_logical3A_1700 : vector<16xi32>
    %xor3A_1702 = arith.xori %add3A_1694, %or3A_1701 : vector<16xi32>
    %add3A_1703 = arith.addi %add3A_1694, %xor3A_1702 : vector<16xi32>
    %shift_left3A_1704 = arith.constant 6 : i32
    %shift_left3A_1705 = vector.broadcast %shift_left3A_1704 : i32 to vector<16xi32>
    %shift_left3A_1706 = arith.shli %xor3A_1702, %shift_left3A_1705 : vector<16xi32>
    %shift_right_logical3A_1707 = arith.constant 26 : i32
    %shift_right_logical3A_1708 = vector.broadcast %shift_right_logical3A_1707 : i32 to vector<16xi32>
    %shift_right_logical3A_1709 = arith.shrui %xor3A_1702, %shift_right_logical3A_1708 : vector<16xi32>
    %or3A_1710 = arith.ori %shift_left3A_1706, %shift_right_logical3A_1709 : vector<16xi32>
    %xor3A_1711 = arith.xori %add3A_1703, %or3A_1710 : vector<16xi32>
    %add3A_1712 = arith.constant 1273600538 : i32
    %add3A_1713 = vector.broadcast %add3A_1712 : i32 to vector<16xi32>
    %add3A_1714 = arith.addi %add3A_1703, %add3A_1713 : vector<16xi32>
    %add3A_1715 = arith.constant 1705926158 : i32
    %add3A_1716 = vector.broadcast %add3A_1715 : i32 to vector<16xi32>
    %add3A_1717 = arith.addi %xor3A_1711, %add3A_1716 : vector<16xi32>
    %add3A_1718 = arith.constant 5 : i32
    %add3A_1719 = vector.broadcast %add3A_1718 : i32 to vector<16xi32>
    %add3A_1720 = arith.addi %add3A_1717, %add3A_1719 : vector<16xi32>
    %xor3A_1721 = arith.xori %add3A_1714, %add3A_1720 : vector<16xi32>
    %and3A_1722 = arith.constant 1023 : i32
    %and3A_1723 = vector.broadcast %and3A_1722 : i32 to vector<16xi32>
    %and3A_1724 = arith.andi %xor3A_1721, %and3A_1723 : vector<16xi32>
    %gather3A_1725 = tpu.vector_load_idx %arg5[%and3A_1724] : memref<1024xf32, #tpu.memory_space<vmem>>[vector<16xi32>], vector<16xf32>,
    %swap3A_1726 = arith.constant 96 : index
    %swap3A_1727 = tpu.vector_load %arg6[%swap3A_1726] {strides = array<i32>} : memref<256xf32, #tpu.memory_space<vmem>>, vector<16xf32>,
    tpu.vector_store %arg6[%swap3A_1726], %gather3A_1725 {strides = array<i32>} : memref<256xf32, #tpu.memory_space<vmem>>, vector<16xf32>,
    %add3A_1728 = arith.constant 112 : i32
    %add3A_1729 = vector.broadcast %add3A_1728 : i32 to vector<16xi32>
    %add3A_1730 = arith.addi %iota3A, %add3A_1729 : vector<16xi32>
    %add3A_1731 = vector.broadcast %add3A_35 : i32 to vector<16xi32>
    %add3A_1732 = arith.addi %add3A_1730, %add3A_1731 : vector<16xi32>
    %broadcast_in_dim3A_1733 = arith.constant 1705926158 : i32
    %broadcast_in_dim3A_1734 = vector.broadcast %broadcast_in_dim3A_1733 : i32 to vector<16xi32>
    %add3A_1735 = arith.constant 899080142 : i32
    %add3A_1736 = vector.broadcast %add3A_1735 : i32 to vector<16xi32>
    %add3A_1737 = arith.addi %add3A_1732, %add3A_1736 : vector<16xi32>
    %add3A_1738 = arith.addi %broadcast_in_dim3A_1734, %add3A_1737 : vector<16xi32>
    %shift_left3A_1739 = arith.constant 13 : i32
    %shift_left3A_1740 = vector.broadcast %shift_left3A_1739 : i32 to vector<16xi32>
    %shift_left3A_1741 = arith.shli %add3A_1737, %shift_left3A_1740 : vector<16xi32>
    %shift_right_logical3A_1742 = arith.constant 19 : i32
    %shift_right_logical3A_1743 = vector.broadcast %shift_right_logical3A_1742 : i32 to vector<16xi32>
    %shift_right_logical3A_1744 = arith.shrui %add3A_1737, %shift_right_logical3A_1743 : vector<16xi32>
    %or3A_1745 = arith.ori %shift_left3A_1741, %shift_right_logical3A_1744 : vector<16xi32>
    %xor3A_1746 = arith.xori %add3A_1738, %or3A_1745 : vector<16xi32>
    %add3A_1747 = arith.addi %add3A_1738, %xor3A_1746 : vector<16xi32>
    %shift_left3A_1748 = arith.constant 15 : i32
    %shift_left3A_1749 = vector.broadcast %shift_left3A_1748 : i32 to vector<16xi32>
    %shift_left3A_1750 = arith.shli %xor3A_1746, %shift_left3A_1749 : vector<16xi32>
    %shift_right_logical3A_1751 = arith.constant 17 : i32
    %shift_right_logical3A_1752 = vector.broadcast %shift_right_logical3A_1751 : i32 to vector<16xi32>
    %shift_right_logical3A_1753 = arith.shrui %xor3A_1746, %shift_right_logical3A_1752 : vector<16xi32>
    %or3A_1754 = arith.ori %shift_left3A_1750, %shift_right_logical3A_1753 : vector<16xi32>
    %xor3A_1755 = arith.xori %add3A_1747, %or3A_1754 : vector<16xi32>
    %add3A_1756 = arith.addi %add3A_1747, %xor3A_1755 : vector<16xi32>
    %shift_left3A_1757 = arith.constant 26 : i32
    %shift_left3A_1758 = vector.broadcast %shift_left3A_1757 : i32 to vector<16xi32>
    %shift_left3A_1759 = arith.shli %xor3A_1755, %shift_left3A_1758 : vector<16xi32>
    %shift_right_logical3A_1760 = arith.constant 6 : i32
    %shift_right_logical3A_1761 = vector.broadcast %shift_right_logical3A_1760 : i32 to vector<16xi32>
    %shift_right_logical3A_1762 = arith.shrui %xor3A_1755, %shift_right_logical3A_1761 : vector<16xi32>
    %or3A_1763 = arith.ori %shift_left3A_1759, %shift_right_logical3A_1762 : vector<16xi32>
    %xor3A_1764 = arith.xori %add3A_1756, %or3A_1763 : vector<16xi32>
    %add3A_1765 = arith.addi %add3A_1756, %xor3A_1764 : vector<16xi32>
    %shift_left3A_1766 = arith.constant 6 : i32
    %shift_left3A_1767 = vector.broadcast %shift_left3A_1766 : i32 to vector<16xi32>
    %shift_left3A_1768 = arith.shli %xor3A_1764, %shift_left3A_1767 : vector<16xi32>
    %shift_right_logical3A_1769 = arith.constant 26 : i32
    %shift_right_logical3A_1770 = vector.broadcast %shift_right_logical3A_1769 : i32 to vector<16xi32>
    %shift_right_logical3A_1771 = arith.shrui %xor3A_1764, %shift_right_logical3A_1770 : vector<16xi32>
    %or3A_1772 = arith.ori %shift_left3A_1768, %shift_right_logical3A_1771 : vector<16xi32>
    %xor3A_1773 = arith.xori %add3A_1765, %or3A_1772 : vector<16xi32>
    %add3A_1774 = arith.constant 899080142 : i32
    %add3A_1775 = vector.broadcast %add3A_1774 : i32 to vector<16xi32>
    %add3A_1776 = arith.addi %add3A_1765, %add3A_1775 : vector<16xi32>
    %add3A_1777 = arith.constant 1273600538 : i32
    %add3A_1778 = vector.broadcast %add3A_1777 : i32 to vector<16xi32>
    %add3A_1779 = arith.addi %xor3A_1773, %add3A_1778 : vector<16xi32>
    %add3A_1780 = arith.constant 1 : i32
    %add3A_1781 = vector.broadcast %add3A_1780 : i32 to vector<16xi32>
    %add3A_1782 = arith.addi %add3A_1779, %add3A_1781 : vector<16xi32>
    %add3A_1783 = arith.addi %add3A_1776, %add3A_1782 : vector<16xi32>
    %shift_left3A_1784 = arith.constant 17 : i32
    %shift_left3A_1785 = vector.broadcast %shift_left3A_1784 : i32 to vector<16xi32>
    %shift_left3A_1786 = arith.shli %add3A_1782, %shift_left3A_1785 : vector<16xi32>
    %shift_right_logical3A_1787 = arith.constant 15 : i32
    %shift_right_logical3A_1788 = vector.broadcast %shift_right_logical3A_1787 : i32 to vector<16xi32>
    %shift_right_logical3A_1789 = arith.shrui %add3A_1782, %shift_right_logical3A_1788 : vector<16xi32>
    %or3A_1790 = arith.ori %shift_left3A_1786, %shift_right_logical3A_1789 : vector<16xi32>
    %xor3A_1791 = arith.xori %add3A_1783, %or3A_1790 : vector<16xi32>
    %add3A_1792 = arith.addi %add3A_1783, %xor3A_1791 : vector<16xi32>
    %shift_left3A_1793 = arith.constant 29 : i32
    %shift_left3A_1794 = vector.broadcast %shift_left3A_1793 : i32 to vector<16xi32>
    %shift_left3A_1795 = arith.shli %xor3A_1791, %shift_left3A_1794 : vector<16xi32>
    %shift_right_logical3A_1796 = arith.constant 3 : i32
    %shift_right_logical3A_1797 = vector.broadcast %shift_right_logical3A_1796 : i32 to vector<16xi32>
    %shift_right_logical3A_1798 = arith.shrui %xor3A_1791, %shift_right_logical3A_1797 : vector<16xi32>
    %or3A_1799 = arith.ori %shift_left3A_1795, %shift_right_logical3A_1798 : vector<16xi32>
    %xor3A_1800 = arith.xori %add3A_1792, %or3A_1799 : vector<16xi32>
    %add3A_1801 = arith.addi %add3A_1792, %xor3A_1800 : vector<16xi32>
    %shift_left3A_1802 = arith.constant 16 : i32
    %shift_left3A_1803 = vector.broadcast %shift_left3A_1802 : i32 to vector<16xi32>
    %shift_left3A_1804 = arith.shli %xor3A_1800, %shift_left3A_1803 : vector<16xi32>
    %shift_right_logical3A_1805 = arith.constant 16 : i32
    %shift_right_logical3A_1806 = vector.broadcast %shift_right_logical3A_1805 : i32 to vector<16xi32>
    %shift_right_logical3A_1807 = arith.shrui %xor3A_1800, %shift_right_logical3A_1806 : vector<16xi32>
    %or3A_1808 = arith.ori %shift_left3A_1804, %shift_right_logical3A_1807 : vector<16xi32>
    %xor3A_1809 = arith.xori %add3A_1801, %or3A_1808 : vector<16xi32>
    %add3A_1810 = arith.addi %add3A_1801, %xor3A_1809 : vector<16xi32>
    %shift_left3A_1811 = arith.constant 24 : i32
    %shift_left3A_1812 = vector.broadcast %shift_left3A_1811 : i32 to vector<16xi32>
    %shift_left3A_1813 = arith.shli %xor3A_1809, %shift_left3A_1812 : vector<16xi32>
    %shift_right_logical3A_1814 = arith.constant 8 : i32
    %shift_right_logical3A_1815 = vector.broadcast %shift_right_logical3A_1814 : i32 to vector<16xi32>
    %shift_right_logical3A_1816 = arith.shrui %xor3A_1809, %shift_right_logical3A_1815 : vector<16xi32>
    %or3A_1817 = arith.ori %shift_left3A_1813, %shift_right_logical3A_1816 : vector<16xi32>
    %xor3A_1818 = arith.xori %add3A_1810, %or3A_1817 : vector<16xi32>
    %add3A_1819 = arith.constant 1273600538 : i32
    %add3A_1820 = vector.broadcast %add3A_1819 : i32 to vector<16xi32>
    %add3A_1821 = arith.addi %add3A_1810, %add3A_1820 : vector<16xi32>
    %add3A_1822 = arith.constant 1705926158 : i32
    %add3A_1823 = vector.broadcast %add3A_1822 : i32 to vector<16xi32>
    %add3A_1824 = arith.addi %xor3A_1818, %add3A_1823 : vector<16xi32>
    %add3A_1825 = arith.constant 2 : i32
    %add3A_1826 = vector.broadcast %add3A_1825 : i32 to vector<16xi32>
    %add3A_1827 = arith.addi %add3A_1824, %add3A_1826 : vector<16xi32>
    %add3A_1828 = arith.addi %add3A_1821, %add3A_1827 : vector<16xi32>
    %shift_left3A_1829 = arith.constant 13 : i32
    %shift_left3A_1830 = vector.broadcast %shift_left3A_1829 : i32 to vector<16xi32>
    %shift_left3A_1831 = arith.shli %add3A_1827, %shift_left3A_1830 : vector<16xi32>
    %shift_right_logical3A_1832 = arith.constant 19 : i32
    %shift_right_logical3A_1833 = vector.broadcast %shift_right_logical3A_1832 : i32 to vector<16xi32>
    %shift_right_logical3A_1834 = arith.shrui %add3A_1827, %shift_right_logical3A_1833 : vector<16xi32>
    %or3A_1835 = arith.ori %shift_left3A_1831, %shift_right_logical3A_1834 : vector<16xi32>
    %xor3A_1836 = arith.xori %add3A_1828, %or3A_1835 : vector<16xi32>
    %add3A_1837 = arith.addi %add3A_1828, %xor3A_1836 : vector<16xi32>
    %shift_left3A_1838 = arith.constant 15 : i32
    %shift_left3A_1839 = vector.broadcast %shift_left3A_1838 : i32 to vector<16xi32>
    %shift_left3A_1840 = arith.shli %xor3A_1836, %shift_left3A_1839 : vector<16xi32>
    %shift_right_logical3A_1841 = arith.constant 17 : i32
    %shift_right_logical3A_1842 = vector.broadcast %shift_right_logical3A_1841 : i32 to vector<16xi32>
    %shift_right_logical3A_1843 = arith.shrui %xor3A_1836, %shift_right_logical3A_1842 : vector<16xi32>
    %or3A_1844 = arith.ori %shift_left3A_1840, %shift_right_logical3A_1843 : vector<16xi32>
    %xor3A_1845 = arith.xori %add3A_1837, %or3A_1844 : vector<16xi32>
    %add3A_1846 = arith.addi %add3A_1837, %xor3A_1845 : vector<16xi32>
    %shift_left3A_1847 = arith.constant 26 : i32
    %shift_left3A_1848 = vector.broadcast %shift_left3A_1847 : i32 to vector<16xi32>
    %shift_left3A_1849 = arith.shli %xor3A_1845, %shift_left3A_1848 : vector<16xi32>
    %shift_right_logical3A_1850 = arith.constant 6 : i32
    %shift_right_logical3A_1851 = vector.broadcast %shift_right_logical3A_1850 : i32 to vector<16xi32>
    %shift_right_logical3A_1852 = arith.shrui %xor3A_1845, %shift_right_logical3A_1851 : vector<16xi32>
    %or3A_1853 = arith.ori %shift_left3A_1849, %shift_right_logical3A_1852 : vector<16xi32>
    %xor3A_1854 = arith.xori %add3A_1846, %or3A_1853 : vector<16xi32>
    %add3A_1855 = arith.addi %add3A_1846, %xor3A_1854 : vector<16xi32>
    %shift_left3A_1856 = arith.constant 6 : i32
    %shift_left3A_1857 = vector.broadcast %shift_left3A_1856 : i32 to vector<16xi32>
    %shift_left3A_1858 = arith.shli %xor3A_1854, %shift_left3A_1857 : vector<16xi32>
    %shift_right_logical3A_1859 = arith.constant 26 : i32
    %shift_right_logical3A_1860 = vector.broadcast %shift_right_logical3A_1859 : i32 to vector<16xi32>
    %shift_right_logical3A_1861 = arith.shrui %xor3A_1854, %shift_right_logical3A_1860 : vector<16xi32>
    %or3A_1862 = arith.ori %shift_left3A_1858, %shift_right_logical3A_1861 : vector<16xi32>
    %xor3A_1863 = arith.xori %add3A_1855, %or3A_1862 : vector<16xi32>
    %add3A_1864 = arith.constant 1705926158 : i32
    %add3A_1865 = vector.broadcast %add3A_1864 : i32 to vector<16xi32>
    %add3A_1866 = arith.addi %add3A_1855, %add3A_1865 : vector<16xi32>
    %add3A_1867 = arith.constant 899080142 : i32
    %add3A_1868 = vector.broadcast %add3A_1867 : i32 to vector<16xi32>
    %add3A_1869 = arith.addi %xor3A_1863, %add3A_1868 : vector<16xi32>
    %add3A_1870 = arith.constant 3 : i32
    %add3A_1871 = vector.broadcast %add3A_1870 : i32 to vector<16xi32>
    %add3A_1872 = arith.addi %add3A_1869, %add3A_1871 : vector<16xi32>
    %add3A_1873 = arith.addi %add3A_1866, %add3A_1872 : vector<16xi32>
    %shift_left3A_1874 = arith.constant 17 : i32
    %shift_left3A_1875 = vector.broadcast %shift_left3A_1874 : i32 to vector<16xi32>
    %shift_left3A_1876 = arith.shli %add3A_1872, %shift_left3A_1875 : vector<16xi32>
    %shift_right_logical3A_1877 = arith.constant 15 : i32
    %shift_right_logical3A_1878 = vector.broadcast %shift_right_logical3A_1877 : i32 to vector<16xi32>
    %shift_right_logical3A_1879 = arith.shrui %add3A_1872, %shift_right_logical3A_1878 : vector<16xi32>
    %or3A_1880 = arith.ori %shift_left3A_1876, %shift_right_logical3A_1879 : vector<16xi32>
    %xor3A_1881 = arith.xori %add3A_1873, %or3A_1880 : vector<16xi32>
    %add3A_1882 = arith.addi %add3A_1873, %xor3A_1881 : vector<16xi32>
    %shift_left3A_1883 = arith.constant 29 : i32
    %shift_left3A_1884 = vector.broadcast %shift_left3A_1883 : i32 to vector<16xi32>
    %shift_left3A_1885 = arith.shli %xor3A_1881, %shift_left3A_1884 : vector<16xi32>
    %shift_right_logical3A_1886 = arith.constant 3 : i32
    %shift_right_logical3A_1887 = vector.broadcast %shift_right_logical3A_1886 : i32 to vector<16xi32>
    %shift_right_logical3A_1888 = arith.shrui %xor3A_1881, %shift_right_logical3A_1887 : vector<16xi32>
    %or3A_1889 = arith.ori %shift_left3A_1885, %shift_right_logical3A_1888 : vector<16xi32>
    %xor3A_1890 = arith.xori %add3A_1882, %or3A_1889 : vector<16xi32>
    %add3A_1891 = arith.addi %add3A_1882, %xor3A_1890 : vector<16xi32>
    %shift_left3A_1892 = arith.constant 16 : i32
    %shift_left3A_1893 = vector.broadcast %shift_left3A_1892 : i32 to vector<16xi32>
    %shift_left3A_1894 = arith.shli %xor3A_1890, %shift_left3A_1893 : vector<16xi32>
    %shift_right_logical3A_1895 = arith.constant 16 : i32
    %shift_right_logical3A_1896 = vector.broadcast %shift_right_logical3A_1895 : i32 to vector<16xi32>
    %shift_right_logical3A_1897 = arith.shrui %xor3A_1890, %shift_right_logical3A_1896 : vector<16xi32>
    %or3A_1898 = arith.ori %shift_left3A_1894, %shift_right_logical3A_1897 : vector<16xi32>
    %xor3A_1899 = arith.xori %add3A_1891, %or3A_1898 : vector<16xi32>
    %add3A_1900 = arith.addi %add3A_1891, %xor3A_1899 : vector<16xi32>
    %shift_left3A_1901 = arith.constant 24 : i32
    %shift_left3A_1902 = vector.broadcast %shift_left3A_1901 : i32 to vector<16xi32>
    %shift_left3A_1903 = arith.shli %xor3A_1899, %shift_left3A_1902 : vector<16xi32>
    %shift_right_logical3A_1904 = arith.constant 8 : i32
    %shift_right_logical3A_1905 = vector.broadcast %shift_right_logical3A_1904 : i32 to vector<16xi32>
    %shift_right_logical3A_1906 = arith.shrui %xor3A_1899, %shift_right_logical3A_1905 : vector<16xi32>
    %or3A_1907 = arith.ori %shift_left3A_1903, %shift_right_logical3A_1906 : vector<16xi32>
    %xor3A_1908 = arith.xori %add3A_1900, %or3A_1907 : vector<16xi32>
    %add3A_1909 = arith.constant 899080142 : i32
    %add3A_1910 = vector.broadcast %add3A_1909 : i32 to vector<16xi32>
    %add3A_1911 = arith.addi %add3A_1900, %add3A_1910 : vector<16xi32>
    %add3A_1912 = arith.constant 1273600538 : i32
    %add3A_1913 = vector.broadcast %add3A_1912 : i32 to vector<16xi32>
    %add3A_1914 = arith.addi %xor3A_1908, %add3A_1913 : vector<16xi32>
    %add3A_1915 = arith.constant 4 : i32
    %add3A_1916 = vector.broadcast %add3A_1915 : i32 to vector<16xi32>
    %add3A_1917 = arith.addi %add3A_1914, %add3A_1916 : vector<16xi32>
    %add3A_1918 = arith.addi %add3A_1911, %add3A_1917 : vector<16xi32>
    %shift_left3A_1919 = arith.constant 13 : i32
    %shift_left3A_1920 = vector.broadcast %shift_left3A_1919 : i32 to vector<16xi32>
    %shift_left3A_1921 = arith.shli %add3A_1917, %shift_left3A_1920 : vector<16xi32>
    %shift_right_logical3A_1922 = arith.constant 19 : i32
    %shift_right_logical3A_1923 = vector.broadcast %shift_right_logical3A_1922 : i32 to vector<16xi32>
    %shift_right_logical3A_1924 = arith.shrui %add3A_1917, %shift_right_logical3A_1923 : vector<16xi32>
    %or3A_1925 = arith.ori %shift_left3A_1921, %shift_right_logical3A_1924 : vector<16xi32>
    %xor3A_1926 = arith.xori %add3A_1918, %or3A_1925 : vector<16xi32>
    %add3A_1927 = arith.addi %add3A_1918, %xor3A_1926 : vector<16xi32>
    %shift_left3A_1928 = arith.constant 15 : i32
    %shift_left3A_1929 = vector.broadcast %shift_left3A_1928 : i32 to vector<16xi32>
    %shift_left3A_1930 = arith.shli %xor3A_1926, %shift_left3A_1929 : vector<16xi32>
    %shift_right_logical3A_1931 = arith.constant 17 : i32
    %shift_right_logical3A_1932 = vector.broadcast %shift_right_logical3A_1931 : i32 to vector<16xi32>
    %shift_right_logical3A_1933 = arith.shrui %xor3A_1926, %shift_right_logical3A_1932 : vector<16xi32>
    %or3A_1934 = arith.ori %shift_left3A_1930, %shift_right_logical3A_1933 : vector<16xi32>
    %xor3A_1935 = arith.xori %add3A_1927, %or3A_1934 : vector<16xi32>
    %add3A_1936 = arith.addi %add3A_1927, %xor3A_1935 : vector<16xi32>
    %shift_left3A_1937 = arith.constant 26 : i32
    %shift_left3A_1938 = vector.broadcast %shift_left3A_1937 : i32 to vector<16xi32>
    %shift_left3A_1939 = arith.shli %xor3A_1935, %shift_left3A_1938 : vector<16xi32>
    %shift_right_logical3A_1940 = arith.constant 6 : i32
    %shift_right_logical3A_1941 = vector.broadcast %shift_right_logical3A_1940 : i32 to vector<16xi32>
    %shift_right_logical3A_1942 = arith.shrui %xor3A_1935, %shift_right_logical3A_1941 : vector<16xi32>
    %or3A_1943 = arith.ori %shift_left3A_1939, %shift_right_logical3A_1942 : vector<16xi32>
    %xor3A_1944 = arith.xori %add3A_1936, %or3A_1943 : vector<16xi32>
    %add3A_1945 = arith.addi %add3A_1936, %xor3A_1944 : vector<16xi32>
    %shift_left3A_1946 = arith.constant 6 : i32
    %shift_left3A_1947 = vector.broadcast %shift_left3A_1946 : i32 to vector<16xi32>
    %shift_left3A_1948 = arith.shli %xor3A_1944, %shift_left3A_1947 : vector<16xi32>
    %shift_right_logical3A_1949 = arith.constant 26 : i32
    %shift_right_logical3A_1950 = vector.broadcast %shift_right_logical3A_1949 : i32 to vector<16xi32>
    %shift_right_logical3A_1951 = arith.shrui %xor3A_1944, %shift_right_logical3A_1950 : vector<16xi32>
    %or3A_1952 = arith.ori %shift_left3A_1948, %shift_right_logical3A_1951 : vector<16xi32>
    %xor3A_1953 = arith.xori %add3A_1945, %or3A_1952 : vector<16xi32>
    %add3A_1954 = arith.constant 1273600538 : i32
    %add3A_1955 = vector.broadcast %add3A_1954 : i32 to vector<16xi32>
    %add3A_1956 = arith.addi %add3A_1945, %add3A_1955 : vector<16xi32>
    %add3A_1957 = arith.constant 1705926158 : i32
    %add3A_1958 = vector.broadcast %add3A_1957 : i32 to vector<16xi32>
    %add3A_1959 = arith.addi %xor3A_1953, %add3A_1958 : vector<16xi32>
    %add3A_1960 = arith.constant 5 : i32
    %add3A_1961 = vector.broadcast %add3A_1960 : i32 to vector<16xi32>
    %add3A_1962 = arith.addi %add3A_1959, %add3A_1961 : vector<16xi32>
    %xor3A_1963 = arith.xori %add3A_1956, %add3A_1962 : vector<16xi32>
    %and3A_1964 = arith.constant 1023 : i32
    %and3A_1965 = vector.broadcast %and3A_1964 : i32 to vector<16xi32>
    %and3A_1966 = arith.andi %xor3A_1963, %and3A_1965 : vector<16xi32>
    %gather3A_1967 = tpu.vector_load_idx %arg5[%and3A_1966] : memref<1024xf32, #tpu.memory_space<vmem>>[vector<16xi32>], vector<16xf32>,
    %swap3A_1968 = arith.constant 112 : index
    %swap3A_1969 = tpu.vector_load %arg6[%swap3A_1968] {strides = array<i32>} : memref<256xf32, #tpu.memory_space<vmem>>, vector<16xf32>,
    tpu.vector_store %arg6[%swap3A_1968], %gather3A_1967 {strides = array<i32>} : memref<256xf32, #tpu.memory_space<vmem>>, vector<16xf32>,
    %add3A_1970 = arith.constant 128 : i32
    %add3A_1971 = vector.broadcast %add3A_1970 : i32 to vector<16xi32>
    %add3A_1972 = arith.addi %iota3A, %add3A_1971 : vector<16xi32>
    %add3A_1973 = vector.broadcast %add3A_35 : i32 to vector<16xi32>
    %add3A_1974 = arith.addi %add3A_1972, %add3A_1973 : vector<16xi32>
    %broadcast_in_dim3A_1975 = arith.constant 1705926158 : i32
    %broadcast_in_dim3A_1976 = vector.broadcast %broadcast_in_dim3A_1975 : i32 to vector<16xi32>
    %add3A_1977 = arith.constant 899080142 : i32
    %add3A_1978 = vector.broadcast %add3A_1977 : i32 to vector<16xi32>
    %add3A_1979 = arith.addi %add3A_1974, %add3A_1978 : vector<16xi32>
    %add3A_1980 = arith.addi %broadcast_in_dim3A_1976, %add3A_1979 : vector<16xi32>
    %shift_left3A_1981 = arith.constant 13 : i32
    %shift_left3A_1982 = vector.broadcast %shift_left3A_1981 : i32 to vector<16xi32>
    %shift_left3A_1983 = arith.shli %add3A_1979, %shift_left3A_1982 : vector<16xi32>
    %shift_right_logical3A_1984 = arith.constant 19 : i32
    %shift_right_logical3A_1985 = vector.broadcast %shift_right_logical3A_1984 : i32 to vector<16xi32>
    %shift_right_logical3A_1986 = arith.shrui %add3A_1979, %shift_right_logical3A_1985 : vector<16xi32>
    %or3A_1987 = arith.ori %shift_left3A_1983, %shift_right_logical3A_1986 : vector<16xi32>
    %xor3A_1988 = arith.xori %add3A_1980, %or3A_1987 : vector<16xi32>
    %add3A_1989 = arith.addi %add3A_1980, %xor3A_1988 : vector<16xi32>
    %shift_left3A_1990 = arith.constant 15 : i32
    %shift_left3A_1991 = vector.broadcast %shift_left3A_1990 : i32 to vector<16xi32>
    %shift_left3A_1992 = arith.shli %xor3A_1988, %shift_left3A_1991 : vector<16xi32>
    %shift_right_logical3A_1993 = arith.constant 17 : i32
    %shift_right_logical3A_1994 = vector.broadcast %shift_right_logical3A_1993 : i32 to vector<16xi32>
    %shift_right_logical3A_1995 = arith.shrui %xor3A_1988, %shift_right_logical3A_1994 : vector<16xi32>
    %or3A_1996 = arith.ori %shift_left3A_1992, %shift_right_logical3A_1995 : vector<16xi32>
    %xor3A_1997 = arith.xori %add3A_1989, %or3A_1996 : vector<16xi32>
    %add3A_1998 = arith.addi %add3A_1989, %xor3A_1997 : vector<16xi32>
    %shift_left3A_1999 = arith.constant 26 : i32
    %shift_left3A_2000 = vector.broadcast %shift_left3A_1999 : i32 to vector<16xi32>
    %shift_left3A_2001 = arith.shli %xor3A_1997, %shift_left3A_2000 : vector<16xi32>
    %shift_right_logical3A_2002 = arith.constant 6 : i32
    %shift_right_logical3A_2003 = vector.broadcast %shift_right_logical3A_2002 : i32 to vector<16xi32>
    %shift_right_logical3A_2004 = arith.shrui %xor3A_1997, %shift_right_logical3A_2003 : vector<16xi32>
    %or3A_2005 = arith.ori %shift_left3A_2001, %shift_right_logical3A_2004 : vector<16xi32>
    %xor3A_2006 = arith.xori %add3A_1998, %or3A_2005 : vector<16xi32>
    %add3A_2007 = arith.addi %add3A_1998, %xor3A_2006 : vector<16xi32>
    %shift_left3A_2008 = arith.constant 6 : i32
    %shift_left3A_2009 = vector.broadcast %shift_left3A_2008 : i32 to vector<16xi32>
    %shift_left3A_2010 = arith.shli %xor3A_2006, %shift_left3A_2009 : vector<16xi32>
    %shift_right_logical3A_2011 = arith.constant 26 : i32
    %shift_right_logical3A_2012 = vector.broadcast %shift_right_logical3A_2011 : i32 to vector<16xi32>
    %shift_right_logical3A_2013 = arith.shrui %xor3A_2006, %shift_right_logical3A_2012 : vector<16xi32>
    %or3A_2014 = arith.ori %shift_left3A_2010, %shift_right_logical3A_2013 : vector<16xi32>
    %xor3A_2015 = arith.xori %add3A_2007, %or3A_2014 : vector<16xi32>
    %add3A_2016 = arith.constant 899080142 : i32
    %add3A_2017 = vector.broadcast %add3A_2016 : i32 to vector<16xi32>
    %add3A_2018 = arith.addi %add3A_2007, %add3A_2017 : vector<16xi32>
    %add3A_2019 = arith.constant 1273600538 : i32
    %add3A_2020 = vector.broadcast %add3A_2019 : i32 to vector<16xi32>
    %add3A_2021 = arith.addi %xor3A_2015, %add3A_2020 : vector<16xi32>
    %add3A_2022 = arith.constant 1 : i32
    %add3A_2023 = vector.broadcast %add3A_2022 : i32 to vector<16xi32>
    %add3A_2024 = arith.addi %add3A_2021, %add3A_2023 : vector<16xi32>
    %add3A_2025 = arith.addi %add3A_2018, %add3A_2024 : vector<16xi32>
    %shift_left3A_2026 = arith.constant 17 : i32
    %shift_left3A_2027 = vector.broadcast %shift_left3A_2026 : i32 to vector<16xi32>
    %shift_left3A_2028 = arith.shli %add3A_2024, %shift_left3A_2027 : vector<16xi32>
    %shift_right_logical3A_2029 = arith.constant 15 : i32
    %shift_right_logical3A_2030 = vector.broadcast %shift_right_logical3A_2029 : i32 to vector<16xi32>
    %shift_right_logical3A_2031 = arith.shrui %add3A_2024, %shift_right_logical3A_2030 : vector<16xi32>
    %or3A_2032 = arith.ori %shift_left3A_2028, %shift_right_logical3A_2031 : vector<16xi32>
    %xor3A_2033 = arith.xori %add3A_2025, %or3A_2032 : vector<16xi32>
    %add3A_2034 = arith.addi %add3A_2025, %xor3A_2033 : vector<16xi32>
    %shift_left3A_2035 = arith.constant 29 : i32
    %shift_left3A_2036 = vector.broadcast %shift_left3A_2035 : i32 to vector<16xi32>
    %shift_left3A_2037 = arith.shli %xor3A_2033, %shift_left3A_2036 : vector<16xi32>
    %shift_right_logical3A_2038 = arith.constant 3 : i32
    %shift_right_logical3A_2039 = vector.broadcast %shift_right_logical3A_2038 : i32 to vector<16xi32>
    %shift_right_logical3A_2040 = arith.shrui %xor3A_2033, %shift_right_logical3A_2039 : vector<16xi32>
    %or3A_2041 = arith.ori %shift_left3A_2037, %shift_right_logical3A_2040 : vector<16xi32>
    %xor3A_2042 = arith.xori %add3A_2034, %or3A_2041 : vector<16xi32>
    %add3A_2043 = arith.addi %add3A_2034, %xor3A_2042 : vector<16xi32>
    %shift_left3A_2044 = arith.constant 16 : i32
    %shift_left3A_2045 = vector.broadcast %shift_left3A_2044 : i32 to vector<16xi32>
    %shift_left3A_2046 = arith.shli %xor3A_2042, %shift_left3A_2045 : vector<16xi32>
    %shift_right_logical3A_2047 = arith.constant 16 : i32
    %shift_right_logical3A_2048 = vector.broadcast %shift_right_logical3A_2047 : i32 to vector<16xi32>
    %shift_right_logical3A_2049 = arith.shrui %xor3A_2042, %shift_right_logical3A_2048 : vector<16xi32>
    %or3A_2050 = arith.ori %shift_left3A_2046, %shift_right_logical3A_2049 : vector<16xi32>
    %xor3A_2051 = arith.xori %add3A_2043, %or3A_2050 : vector<16xi32>
    %add3A_2052 = arith.addi %add3A_2043, %xor3A_2051 : vector<16xi32>
    %shift_left3A_2053 = arith.constant 24 : i32
    %shift_left3A_2054 = vector.broadcast %shift_left3A_2053 : i32 to vector<16xi32>
    %shift_left3A_2055 = arith.shli %xor3A_2051, %shift_left3A_2054 : vector<16xi32>
    %shift_right_logical3A_2056 = arith.constant 8 : i32
    %shift_right_logical3A_2057 = vector.broadcast %shift_right_logical3A_2056 : i32 to vector<16xi32>
    %shift_right_logical3A_2058 = arith.shrui %xor3A_2051, %shift_right_logical3A_2057 : vector<16xi32>
    %or3A_2059 = arith.ori %shift_left3A_2055, %shift_right_logical3A_2058 : vector<16xi32>
    %xor3A_2060 = arith.xori %add3A_2052, %or3A_2059 : vector<16xi32>
    %add3A_2061 = arith.constant 1273600538 : i32
    %add3A_2062 = vector.broadcast %add3A_2061 : i32 to vector<16xi32>
    %add3A_2063 = arith.addi %add3A_2052, %add3A_2062 : vector<16xi32>
    %add3A_2064 = arith.constant 1705926158 : i32
    %add3A_2065 = vector.broadcast %add3A_2064 : i32 to vector<16xi32>
    %add3A_2066 = arith.addi %xor3A_2060, %add3A_2065 : vector<16xi32>
    %add3A_2067 = arith.constant 2 : i32
    %add3A_2068 = vector.broadcast %add3A_2067 : i32 to vector<16xi32>
    %add3A_2069 = arith.addi %add3A_2066, %add3A_2068 : vector<16xi32>
    %add3A_2070 = arith.addi %add3A_2063, %add3A_2069 : vector<16xi32>
    %shift_left3A_2071 = arith.constant 13 : i32
    %shift_left3A_2072 = vector.broadcast %shift_left3A_2071 : i32 to vector<16xi32>
    %shift_left3A_2073 = arith.shli %add3A_2069, %shift_left3A_2072 : vector<16xi32>
    %shift_right_logical3A_2074 = arith.constant 19 : i32
    %shift_right_logical3A_2075 = vector.broadcast %shift_right_logical3A_2074 : i32 to vector<16xi32>
    %shift_right_logical3A_2076 = arith.shrui %add3A_2069, %shift_right_logical3A_2075 : vector<16xi32>
    %or3A_2077 = arith.ori %shift_left3A_2073, %shift_right_logical3A_2076 : vector<16xi32>
    %xor3A_2078 = arith.xori %add3A_2070, %or3A_2077 : vector<16xi32>
    %add3A_2079 = arith.addi %add3A_2070, %xor3A_2078 : vector<16xi32>
    %shift_left3A_2080 = arith.constant 15 : i32
    %shift_left3A_2081 = vector.broadcast %shift_left3A_2080 : i32 to vector<16xi32>
    %shift_left3A_2082 = arith.shli %xor3A_2078, %shift_left3A_2081 : vector<16xi32>
    %shift_right_logical3A_2083 = arith.constant 17 : i32
    %shift_right_logical3A_2084 = vector.broadcast %shift_right_logical3A_2083 : i32 to vector<16xi32>
    %shift_right_logical3A_2085 = arith.shrui %xor3A_2078, %shift_right_logical3A_2084 : vector<16xi32>
    %or3A_2086 = arith.ori %shift_left3A_2082, %shift_right_logical3A_2085 : vector<16xi32>
    %xor3A_2087 = arith.xori %add3A_2079, %or3A_2086 : vector<16xi32>
    %add3A_2088 = arith.addi %add3A_2079, %xor3A_2087 : vector<16xi32>
    %shift_left3A_2089 = arith.constant 26 : i32
    %shift_left3A_2090 = vector.broadcast %shift_left3A_2089 : i32 to vector<16xi32>
    %shift_left3A_2091 = arith.shli %xor3A_2087, %shift_left3A_2090 : vector<16xi32>
    %shift_right_logical3A_2092 = arith.constant 6 : i32
    %shift_right_logical3A_2093 = vector.broadcast %shift_right_logical3A_2092 : i32 to vector<16xi32>
    %shift_right_logical3A_2094 = arith.shrui %xor3A_2087, %shift_right_logical3A_2093 : vector<16xi32>
    %or3A_2095 = arith.ori %shift_left3A_2091, %shift_right_logical3A_2094 : vector<16xi32>
    %xor3A_2096 = arith.xori %add3A_2088, %or3A_2095 : vector<16xi32>
    %add3A_2097 = arith.addi %add3A_2088, %xor3A_2096 : vector<16xi32>
    %shift_left3A_2098 = arith.constant 6 : i32
    %shift_left3A_2099 = vector.broadcast %shift_left3A_2098 : i32 to vector<16xi32>
    %shift_left3A_2100 = arith.shli %xor3A_2096, %shift_left3A_2099 : vector<16xi32>
    %shift_right_logical3A_2101 = arith.constant 26 : i32
    %shift_right_logical3A_2102 = vector.broadcast %shift_right_logical3A_2101 : i32 to vector<16xi32>
    %shift_right_logical3A_2103 = arith.shrui %xor3A_2096, %shift_right_logical3A_2102 : vector<16xi32>
    %or3A_2104 = arith.ori %shift_left3A_2100, %shift_right_logical3A_2103 : vector<16xi32>
    %xor3A_2105 = arith.xori %add3A_2097, %or3A_2104 : vector<16xi32>
    %add3A_2106 = arith.constant 1705926158 : i32
    %add3A_2107 = vector.broadcast %add3A_2106 : i32 to vector<16xi32>
    %add3A_2108 = arith.addi %add3A_2097, %add3A_2107 : vector<16xi32>
    %add3A_2109 = arith.constant 899080142 : i32
    %add3A_2110 = vector.broadcast %add3A_2109 : i32 to vector<16xi32>
    %add3A_2111 = arith.addi %xor3A_2105, %add3A_2110 : vector<16xi32>
    %add3A_2112 = arith.constant 3 : i32
    %add3A_2113 = vector.broadcast %add3A_2112 : i32 to vector<16xi32>
    %add3A_2114 = arith.addi %add3A_2111, %add3A_2113 : vector<16xi32>
    %add3A_2115 = arith.addi %add3A_2108, %add3A_2114 : vector<16xi32>
    %shift_left3A_2116 = arith.constant 17 : i32
    %shift_left3A_2117 = vector.broadcast %shift_left3A_2116 : i32 to vector<16xi32>
    %shift_left3A_2118 = arith.shli %add3A_2114, %shift_left3A_2117 : vector<16xi32>
    %shift_right_logical3A_2119 = arith.constant 15 : i32
    %shift_right_logical3A_2120 = vector.broadcast %shift_right_logical3A_2119 : i32 to vector<16xi32>
    %shift_right_logical3A_2121 = arith.shrui %add3A_2114, %shift_right_logical3A_2120 : vector<16xi32>
    %or3A_2122 = arith.ori %shift_left3A_2118, %shift_right_logical3A_2121 : vector<16xi32>
    %xor3A_2123 = arith.xori %add3A_2115, %or3A_2122 : vector<16xi32>
    %add3A_2124 = arith.addi %add3A_2115, %xor3A_2123 : vector<16xi32>
    %shift_left3A_2125 = arith.constant 29 : i32
    %shift_left3A_2126 = vector.broadcast %shift_left3A_2125 : i32 to vector<16xi32>
    %shift_left3A_2127 = arith.shli %xor3A_2123, %shift_left3A_2126 : vector<16xi32>
    %shift_right_logical3A_2128 = arith.constant 3 : i32
    %shift_right_logical3A_2129 = vector.broadcast %shift_right_logical3A_2128 : i32 to vector<16xi32>
    %shift_right_logical3A_2130 = arith.shrui %xor3A_2123, %shift_right_logical3A_2129 : vector<16xi32>
    %or3A_2131 = arith.ori %shift_left3A_2127, %shift_right_logical3A_2130 : vector<16xi32>
    %xor3A_2132 = arith.xori %add3A_2124, %or3A_2131 : vector<16xi32>
    %add3A_2133 = arith.addi %add3A_2124, %xor3A_2132 : vector<16xi32>
    %shift_left3A_2134 = arith.constant 16 : i32
    %shift_left3A_2135 = vector.broadcast %shift_left3A_2134 : i32 to vector<16xi32>
    %shift_left3A_2136 = arith.shli %xor3A_2132, %shift_left3A_2135 : vector<16xi32>
    %shift_right_logical3A_2137 = arith.constant 16 : i32
    %shift_right_logical3A_2138 = vector.broadcast %shift_right_logical3A_2137 : i32 to vector<16xi32>
    %shift_right_logical3A_2139 = arith.shrui %xor3A_2132, %shift_right_logical3A_2138 : vector<16xi32>
    %or3A_2140 = arith.ori %shift_left3A_2136, %shift_right_logical3A_2139 : vector<16xi32>
    %xor3A_2141 = arith.xori %add3A_2133, %or3A_2140 : vector<16xi32>
    %add3A_2142 = arith.addi %add3A_2133, %xor3A_2141 : vector<16xi32>
    %shift_left3A_2143 = arith.constant 24 : i32
    %shift_left3A_2144 = vector.broadcast %shift_left3A_2143 : i32 to vector<16xi32>
    %shift_left3A_2145 = arith.shli %xor3A_2141, %shift_left3A_2144 : vector<16xi32>
    %shift_right_logical3A_2146 = arith.constant 8 : i32
    %shift_right_logical3A_2147 = vector.broadcast %shift_right_logical3A_2146 : i32 to vector<16xi32>
    %shift_right_logical3A_2148 = arith.shrui %xor3A_2141, %shift_right_logical3A_2147 : vector<16xi32>
    %or3A_2149 = arith.ori %shift_left3A_2145, %shift_right_logical3A_2148 : vector<16xi32>
    %xor3A_2150 = arith.xori %add3A_2142, %or3A_2149 : vector<16xi32>
    %add3A_2151 = arith.constant 899080142 : i32
    %add3A_2152 = vector.broadcast %add3A_2151 : i32 to vector<16xi32>
    %add3A_2153 = arith.addi %add3A_2142, %add3A_2152 : vector<16xi32>
    %add3A_2154 = arith.constant 1273600538 : i32
    %add3A_2155 = vector.broadcast %add3A_2154 : i32 to vector<16xi32>
    %add3A_2156 = arith.addi %xor3A_2150, %add3A_2155 : vector<16xi32>
    %add3A_2157 = arith.constant 4 : i32
    %add3A_2158 = vector.broadcast %add3A_2157 : i32 to vector<16xi32>
    %add3A_2159 = arith.addi %add3A_2156, %add3A_2158 : vector<16xi32>
    %add3A_2160 = arith.addi %add3A_2153, %add3A_2159 : vector<16xi32>
    %shift_left3A_2161 = arith.constant 13 : i32
    %shift_left3A_2162 = vector.broadcast %shift_left3A_2161 : i32 to vector<16xi32>
    %shift_left3A_2163 = arith.shli %add3A_2159, %shift_left3A_2162 : vector<16xi32>
    %shift_right_logical3A_2164 = arith.constant 19 : i32
    %shift_right_logical3A_2165 = vector.broadcast %shift_right_logical3A_2164 : i32 to vector<16xi32>
    %shift_right_logical3A_2166 = arith.shrui %add3A_2159, %shift_right_logical3A_2165 : vector<16xi32>
    %or3A_2167 = arith.ori %shift_left3A_2163, %shift_right_logical3A_2166 : vector<16xi32>
    %xor3A_2168 = arith.xori %add3A_2160, %or3A_2167 : vector<16xi32>
    %add3A_2169 = arith.addi %add3A_2160, %xor3A_2168 : vector<16xi32>
    %shift_left3A_2170 = arith.constant 15 : i32
    %shift_left3A_2171 = vector.broadcast %shift_left3A_2170 : i32 to vector<16xi32>
    %shift_left3A_2172 = arith.shli %xor3A_2168, %shift_left3A_2171 : vector<16xi32>
    %shift_right_logical3A_2173 = arith.constant 17 : i32
    %shift_right_logical3A_2174 = vector.broadcast %shift_right_logical3A_2173 : i32 to vector<16xi32>
    %shift_right_logical3A_2175 = arith.shrui %xor3A_2168, %shift_right_logical3A_2174 : vector<16xi32>
    %or3A_2176 = arith.ori %shift_left3A_2172, %shift_right_logical3A_2175 : vector<16xi32>
    %xor3A_2177 = arith.xori %add3A_2169, %or3A_2176 : vector<16xi32>
    %add3A_2178 = arith.addi %add3A_2169, %xor3A_2177 : vector<16xi32>
    %shift_left3A_2179 = arith.constant 26 : i32
    %shift_left3A_2180 = vector.broadcast %shift_left3A_2179 : i32 to vector<16xi32>
    %shift_left3A_2181 = arith.shli %xor3A_2177, %shift_left3A_2180 : vector<16xi32>
    %shift_right_logical3A_2182 = arith.constant 6 : i32
    %shift_right_logical3A_2183 = vector.broadcast %shift_right_logical3A_2182 : i32 to vector<16xi32>
    %shift_right_logical3A_2184 = arith.shrui %xor3A_2177, %shift_right_logical3A_2183 : vector<16xi32>
    %or3A_2185 = arith.ori %shift_left3A_2181, %shift_right_logical3A_2184 : vector<16xi32>
    %xor3A_2186 = arith.xori %add3A_2178, %or3A_2185 : vector<16xi32>
    %add3A_2187 = arith.addi %add3A_2178, %xor3A_2186 : vector<16xi32>
    %shift_left3A_2188 = arith.constant 6 : i32
    %shift_left3A_2189 = vector.broadcast %shift_left3A_2188 : i32 to vector<16xi32>
    %shift_left3A_2190 = arith.shli %xor3A_2186, %shift_left3A_2189 : vector<16xi32>
    %shift_right_logical3A_2191 = arith.constant 26 : i32
    %shift_right_logical3A_2192 = vector.broadcast %shift_right_logical3A_2191 : i32 to vector<16xi32>
    %shift_right_logical3A_2193 = arith.shrui %xor3A_2186, %shift_right_logical3A_2192 : vector<16xi32>
    %or3A_2194 = arith.ori %shift_left3A_2190, %shift_right_logical3A_2193 : vector<16xi32>
    %xor3A_2195 = arith.xori %add3A_2187, %or3A_2194 : vector<16xi32>
    %add3A_2196 = arith.constant 1273600538 : i32
    %add3A_2197 = vector.broadcast %add3A_2196 : i32 to vector<16xi32>
    %add3A_2198 = arith.addi %add3A_2187, %add3A_2197 : vector<16xi32>
    %add3A_2199 = arith.constant 1705926158 : i32
    %add3A_2200 = vector.broadcast %add3A_2199 : i32 to vector<16xi32>
    %add3A_2201 = arith.addi %xor3A_2195, %add3A_2200 : vector<16xi32>
    %add3A_2202 = arith.constant 5 : i32
    %add3A_2203 = vector.broadcast %add3A_2202 : i32 to vector<16xi32>
    %add3A_2204 = arith.addi %add3A_2201, %add3A_2203 : vector<16xi32>
    %xor3A_2205 = arith.xori %add3A_2198, %add3A_2204 : vector<16xi32>
    %and3A_2206 = arith.constant 1023 : i32
    %and3A_2207 = vector.broadcast %and3A_2206 : i32 to vector<16xi32>
    %and3A_2208 = arith.andi %xor3A_2205, %and3A_2207 : vector<16xi32>
    %gather3A_2209 = tpu.vector_load_idx %arg5[%and3A_2208] : memref<1024xf32, #tpu.memory_space<vmem>>[vector<16xi32>], vector<16xf32>,
    %swap3A_2210 = arith.constant 128 : index
    %swap3A_2211 = tpu.vector_load %arg6[%swap3A_2210] {strides = array<i32>} : memref<256xf32, #tpu.memory_space<vmem>>, vector<16xf32>,
    tpu.vector_store %arg6[%swap3A_2210], %gather3A_2209 {strides = array<i32>} : memref<256xf32, #tpu.memory_space<vmem>>, vector<16xf32>,
    %add3A_2212 = arith.constant 144 : i32
    %add3A_2213 = vector.broadcast %add3A_2212 : i32 to vector<16xi32>
    %add3A_2214 = arith.addi %iota3A, %add3A_2213 : vector<16xi32>
    %add3A_2215 = vector.broadcast %add3A_35 : i32 to vector<16xi32>
    %add3A_2216 = arith.addi %add3A_2214, %add3A_2215 : vector<16xi32>
    %broadcast_in_dim3A_2217 = arith.constant 1705926158 : i32
    %broadcast_in_dim3A_2218 = vector.broadcast %broadcast_in_dim3A_2217 : i32 to vector<16xi32>
    %add3A_2219 = arith.constant 899080142 : i32
    %add3A_2220 = vector.broadcast %add3A_2219 : i32 to vector<16xi32>
    %add3A_2221 = arith.addi %add3A_2216, %add3A_2220 : vector<16xi32>
    %add3A_2222 = arith.addi %broadcast_in_dim3A_2218, %add3A_2221 : vector<16xi32>
    %shift_left3A_2223 = arith.constant 13 : i32
    %shift_left3A_2224 = vector.broadcast %shift_left3A_2223 : i32 to vector<16xi32>
    %shift_left3A_2225 = arith.shli %add3A_2221, %shift_left3A_2224 : vector<16xi32>
    %shift_right_logical3A_2226 = arith.constant 19 : i32
    %shift_right_logical3A_2227 = vector.broadcast %shift_right_logical3A_2226 : i32 to vector<16xi32>
    %shift_right_logical3A_2228 = arith.shrui %add3A_2221, %shift_right_logical3A_2227 : vector<16xi32>
    %or3A_2229 = arith.ori %shift_left3A_2225, %shift_right_logical3A_2228 : vector<16xi32>
    %xor3A_2230 = arith.xori %add3A_2222, %or3A_2229 : vector<16xi32>
    %add3A_2231 = arith.addi %add3A_2222, %xor3A_2230 : vector<16xi32>
    %shift_left3A_2232 = arith.constant 15 : i32
    %shift_left3A_2233 = vector.broadcast %shift_left3A_2232 : i32 to vector<16xi32>
    %shift_left3A_2234 = arith.shli %xor3A_2230, %shift_left3A_2233 : vector<16xi32>
    %shift_right_logical3A_2235 = arith.constant 17 : i32
    %shift_right_logical3A_2236 = vector.broadcast %shift_right_logical3A_2235 : i32 to vector<16xi32>
    %shift_right_logical3A_2237 = arith.shrui %xor3A_2230, %shift_right_logical3A_2236 : vector<16xi32>
    %or3A_2238 = arith.ori %shift_left3A_2234, %shift_right_logical3A_2237 : vector<16xi32>
    %xor3A_2239 = arith.xori %add3A_2231, %or3A_2238 : vector<16xi32>
    %add3A_2240 = arith.addi %add3A_2231, %xor3A_2239 : vector<16xi32>
    %shift_left3A_2241 = arith.constant 26 : i32
    %shift_left3A_2242 = vector.broadcast %shift_left3A_2241 : i32 to vector<16xi32>
    %shift_left3A_2243 = arith.shli %xor3A_2239, %shift_left3A_2242 : vector<16xi32>
    %shift_right_logical3A_2244 = arith.constant 6 : i32
    %shift_right_logical3A_2245 = vector.broadcast %shift_right_logical3A_2244 : i32 to vector<16xi32>
    %shift_right_logical3A_2246 = arith.shrui %xor3A_2239, %shift_right_logical3A_2245 : vector<16xi32>
    %or3A_2247 = arith.ori %shift_left3A_2243, %shift_right_logical3A_2246 : vector<16xi32>
    %xor3A_2248 = arith.xori %add3A_2240, %or3A_2247 : vector<16xi32>
    %add3A_2249 = arith.addi %add3A_2240, %xor3A_2248 : vector<16xi32>
    %shift_left3A_2250 = arith.constant 6 : i32
    %shift_left3A_2251 = vector.broadcast %shift_left3A_2250 : i32 to vector<16xi32>
    %shift_left3A_2252 = arith.shli %xor3A_2248, %shift_left3A_2251 : vector<16xi32>
    %shift_right_logical3A_2253 = arith.constant 26 : i32
    %shift_right_logical3A_2254 = vector.broadcast %shift_right_logical3A_2253 : i32 to vector<16xi32>
    %shift_right_logical3A_2255 = arith.shrui %xor3A_2248, %shift_right_logical3A_2254 : vector<16xi32>
    %or3A_2256 = arith.ori %shift_left3A_2252, %shift_right_logical3A_2255 : vector<16xi32>
    %xor3A_2257 = arith.xori %add3A_2249, %or3A_2256 : vector<16xi32>
    %add3A_2258 = arith.constant 899080142 : i32
    %add3A_2259 = vector.broadcast %add3A_2258 : i32 to vector<16xi32>
    %add3A_2260 = arith.addi %add3A_2249, %add3A_2259 : vector<16xi32>
    %add3A_2261 = arith.constant 1273600538 : i32
    %add3A_2262 = vector.broadcast %add3A_2261 : i32 to vector<16xi32>
    %add3A_2263 = arith.addi %xor3A_2257, %add3A_2262 : vector<16xi32>
    %add3A_2264 = arith.constant 1 : i32
    %add3A_2265 = vector.broadcast %add3A_2264 : i32 to vector<16xi32>
    %add3A_2266 = arith.addi %add3A_2263, %add3A_2265 : vector<16xi32>
    %add3A_2267 = arith.addi %add3A_2260, %add3A_2266 : vector<16xi32>
    %shift_left3A_2268 = arith.constant 17 : i32
    %shift_left3A_2269 = vector.broadcast %shift_left3A_2268 : i32 to vector<16xi32>
    %shift_left3A_2270 = arith.shli %add3A_2266, %shift_left3A_2269 : vector<16xi32>
    %shift_right_logical3A_2271 = arith.constant 15 : i32
    %shift_right_logical3A_2272 = vector.broadcast %shift_right_logical3A_2271 : i32 to vector<16xi32>
    %shift_right_logical3A_2273 = arith.shrui %add3A_2266, %shift_right_logical3A_2272 : vector<16xi32>
    %or3A_2274 = arith.ori %shift_left3A_2270, %shift_right_logical3A_2273 : vector<16xi32>
    %xor3A_2275 = arith.xori %add3A_2267, %or3A_2274 : vector<16xi32>
    %add3A_2276 = arith.addi %add3A_2267, %xor3A_2275 : vector<16xi32>
    %shift_left3A_2277 = arith.constant 29 : i32
    %shift_left3A_2278 = vector.broadcast %shift_left3A_2277 : i32 to vector<16xi32>
    %shift_left3A_2279 = arith.shli %xor3A_2275, %shift_left3A_2278 : vector<16xi32>
    %shift_right_logical3A_2280 = arith.constant 3 : i32
    %shift_right_logical3A_2281 = vector.broadcast %shift_right_logical3A_2280 : i32 to vector<16xi32>
    %shift_right_logical3A_2282 = arith.shrui %xor3A_2275, %shift_right_logical3A_2281 : vector<16xi32>
    %or3A_2283 = arith.ori %shift_left3A_2279, %shift_right_logical3A_2282 : vector<16xi32>
    %xor3A_2284 = arith.xori %add3A_2276, %or3A_2283 : vector<16xi32>
    %add3A_2285 = arith.addi %add3A_2276, %xor3A_2284 : vector<16xi32>
    %shift_left3A_2286 = arith.constant 16 : i32
    %shift_left3A_2287 = vector.broadcast %shift_left3A_2286 : i32 to vector<16xi32>
    %shift_left3A_2288 = arith.shli %xor3A_2284, %shift_left3A_2287 : vector<16xi32>
    %shift_right_logical3A_2289 = arith.constant 16 : i32
    %shift_right_logical3A_2290 = vector.broadcast %shift_right_logical3A_2289 : i32 to vector<16xi32>
    %shift_right_logical3A_2291 = arith.shrui %xor3A_2284, %shift_right_logical3A_2290 : vector<16xi32>
    %or3A_2292 = arith.ori %shift_left3A_2288, %shift_right_logical3A_2291 : vector<16xi32>
    %xor3A_2293 = arith.xori %add3A_2285, %or3A_2292 : vector<16xi32>
    %add3A_2294 = arith.addi %add3A_2285, %xor3A_2293 : vector<16xi32>
    %shift_left3A_2295 = arith.constant 24 : i32
    %shift_left3A_2296 = vector.broadcast %shift_left3A_2295 : i32 to vector<16xi32>
    %shift_left3A_2297 = arith.shli %xor3A_2293, %shift_left3A_2296 : vector<16xi32>
    %shift_right_logical3A_2298 = arith.constant 8 : i32
    %shift_right_logical3A_2299 = vector.broadcast %shift_right_logical3A_2298 : i32 to vector<16xi32>
    %shift_right_logical3A_2300 = arith.shrui %xor3A_2293, %shift_right_logical3A_2299 : vector<16xi32>
    %or3A_2301 = arith.ori %shift_left3A_2297, %shift_right_logical3A_2300 : vector<16xi32>
    %xor3A_2302 = arith.xori %add3A_2294, %or3A_2301 : vector<16xi32>
    %add3A_2303 = arith.constant 1273600538 : i32
    %add3A_2304 = vector.broadcast %add3A_2303 : i32 to vector<16xi32>
    %add3A_2305 = arith.addi %add3A_2294, %add3A_2304 : vector<16xi32>
    %add3A_2306 = arith.constant 1705926158 : i32
    %add3A_2307 = vector.broadcast %add3A_2306 : i32 to vector<16xi32>
    %add3A_2308 = arith.addi %xor3A_2302, %add3A_2307 : vector<16xi32>
    %add3A_2309 = arith.constant 2 : i32
    %add3A_2310 = vector.broadcast %add3A_2309 : i32 to vector<16xi32>
    %add3A_2311 = arith.addi %add3A_2308, %add3A_2310 : vector<16xi32>
    %add3A_2312 = arith.addi %add3A_2305, %add3A_2311 : vector<16xi32>
    %shift_left3A_2313 = arith.constant 13 : i32
    %shift_left3A_2314 = vector.broadcast %shift_left3A_2313 : i32 to vector<16xi32>
    %shift_left3A_2315 = arith.shli %add3A_2311, %shift_left3A_2314 : vector<16xi32>
    %shift_right_logical3A_2316 = arith.constant 19 : i32
    %shift_right_logical3A_2317 = vector.broadcast %shift_right_logical3A_2316 : i32 to vector<16xi32>
    %shift_right_logical3A_2318 = arith.shrui %add3A_2311, %shift_right_logical3A_2317 : vector<16xi32>
    %or3A_2319 = arith.ori %shift_left3A_2315, %shift_right_logical3A_2318 : vector<16xi32>
    %xor3A_2320 = arith.xori %add3A_2312, %or3A_2319 : vector<16xi32>
    %add3A_2321 = arith.addi %add3A_2312, %xor3A_2320 : vector<16xi32>
    %shift_left3A_2322 = arith.constant 15 : i32
    %shift_left3A_2323 = vector.broadcast %shift_left3A_2322 : i32 to vector<16xi32>
    %shift_left3A_2324 = arith.shli %xor3A_2320, %shift_left3A_2323 : vector<16xi32>
    %shift_right_logical3A_2325 = arith.constant 17 : i32
    %shift_right_logical3A_2326 = vector.broadcast %shift_right_logical3A_2325 : i32 to vector<16xi32>
    %shift_right_logical3A_2327 = arith.shrui %xor3A_2320, %shift_right_logical3A_2326 : vector<16xi32>
    %or3A_2328 = arith.ori %shift_left3A_2324, %shift_right_logical3A_2327 : vector<16xi32>
    %xor3A_2329 = arith.xori %add3A_2321, %or3A_2328 : vector<16xi32>
    %add3A_2330 = arith.addi %add3A_2321, %xor3A_2329 : vector<16xi32>
    %shift_left3A_2331 = arith.constant 26 : i32
    %shift_left3A_2332 = vector.broadcast %shift_left3A_2331 : i32 to vector<16xi32>
    %shift_left3A_2333 = arith.shli %xor3A_2329, %shift_left3A_2332 : vector<16xi32>
    %shift_right_logical3A_2334 = arith.constant 6 : i32
    %shift_right_logical3A_2335 = vector.broadcast %shift_right_logical3A_2334 : i32 to vector<16xi32>
    %shift_right_logical3A_2336 = arith.shrui %xor3A_2329, %shift_right_logical3A_2335 : vector<16xi32>
    %or3A_2337 = arith.ori %shift_left3A_2333, %shift_right_logical3A_2336 : vector<16xi32>
    %xor3A_2338 = arith.xori %add3A_2330, %or3A_2337 : vector<16xi32>
    %add3A_2339 = arith.addi %add3A_2330, %xor3A_2338 : vector<16xi32>
    %shift_left3A_2340 = arith.constant 6 : i32
    %shift_left3A_2341 = vector.broadcast %shift_left3A_2340 : i32 to vector<16xi32>
    %shift_left3A_2342 = arith.shli %xor3A_2338, %shift_left3A_2341 : vector<16xi32>
    %shift_right_logical3A_2343 = arith.constant 26 : i32
    %shift_right_logical3A_2344 = vector.broadcast %shift_right_logical3A_2343 : i32 to vector<16xi32>
    %shift_right_logical3A_2345 = arith.shrui %xor3A_2338, %shift_right_logical3A_2344 : vector<16xi32>
    %or3A_2346 = arith.ori %shift_left3A_2342, %shift_right_logical3A_2345 : vector<16xi32>
    %xor3A_2347 = arith.xori %add3A_2339, %or3A_2346 : vector<16xi32>
    %add3A_2348 = arith.constant 1705926158 : i32
    %add3A_2349 = vector.broadcast %add3A_2348 : i32 to vector<16xi32>
    %add3A_2350 = arith.addi %add3A_2339, %add3A_2349 : vector<16xi32>
    %add3A_2351 = arith.constant 899080142 : i32
    %add3A_2352 = vector.broadcast %add3A_2351 : i32 to vector<16xi32>
    %add3A_2353 = arith.addi %xor3A_2347, %add3A_2352 : vector<16xi32>
    %add3A_2354 = arith.constant 3 : i32
    %add3A_2355 = vector.broadcast %add3A_2354 : i32 to vector<16xi32>
    %add3A_2356 = arith.addi %add3A_2353, %add3A_2355 : vector<16xi32>
    %add3A_2357 = arith.addi %add3A_2350, %add3A_2356 : vector<16xi32>
    %shift_left3A_2358 = arith.constant 17 : i32
    %shift_left3A_2359 = vector.broadcast %shift_left3A_2358 : i32 to vector<16xi32>
    %shift_left3A_2360 = arith.shli %add3A_2356, %shift_left3A_2359 : vector<16xi32>
    %shift_right_logical3A_2361 = arith.constant 15 : i32
    %shift_right_logical3A_2362 = vector.broadcast %shift_right_logical3A_2361 : i32 to vector<16xi32>
    %shift_right_logical3A_2363 = arith.shrui %add3A_2356, %shift_right_logical3A_2362 : vector<16xi32>
    %or3A_2364 = arith.ori %shift_left3A_2360, %shift_right_logical3A_2363 : vector<16xi32>
    %xor3A_2365 = arith.xori %add3A_2357, %or3A_2364 : vector<16xi32>
    %add3A_2366 = arith.addi %add3A_2357, %xor3A_2365 : vector<16xi32>
    %shift_left3A_2367 = arith.constant 29 : i32
    %shift_left3A_2368 = vector.broadcast %shift_left3A_2367 : i32 to vector<16xi32>
    %shift_left3A_2369 = arith.shli %xor3A_2365, %shift_left3A_2368 : vector<16xi32>
    %shift_right_logical3A_2370 = arith.constant 3 : i32
    %shift_right_logical3A_2371 = vector.broadcast %shift_right_logical3A_2370 : i32 to vector<16xi32>
    %shift_right_logical3A_2372 = arith.shrui %xor3A_2365, %shift_right_logical3A_2371 : vector<16xi32>
    %or3A_2373 = arith.ori %shift_left3A_2369, %shift_right_logical3A_2372 : vector<16xi32>
    %xor3A_2374 = arith.xori %add3A_2366, %or3A_2373 : vector<16xi32>
    %add3A_2375 = arith.addi %add3A_2366, %xor3A_2374 : vector<16xi32>
    %shift_left3A_2376 = arith.constant 16 : i32
    %shift_left3A_2377 = vector.broadcast %shift_left3A_2376 : i32 to vector<16xi32>
    %shift_left3A_2378 = arith.shli %xor3A_2374, %shift_left3A_2377 : vector<16xi32>
    %shift_right_logical3A_2379 = arith.constant 16 : i32
    %shift_right_logical3A_2380 = vector.broadcast %shift_right_logical3A_2379 : i32 to vector<16xi32>
    %shift_right_logical3A_2381 = arith.shrui %xor3A_2374, %shift_right_logical3A_2380 : vector<16xi32>
    %or3A_2382 = arith.ori %shift_left3A_2378, %shift_right_logical3A_2381 : vector<16xi32>
    %xor3A_2383 = arith.xori %add3A_2375, %or3A_2382 : vector<16xi32>
    %add3A_2384 = arith.addi %add3A_2375, %xor3A_2383 : vector<16xi32>
    %shift_left3A_2385 = arith.constant 24 : i32
    %shift_left3A_2386 = vector.broadcast %shift_left3A_2385 : i32 to vector<16xi32>
    %shift_left3A_2387 = arith.shli %xor3A_2383, %shift_left3A_2386 : vector<16xi32>
    %shift_right_logical3A_2388 = arith.constant 8 : i32
    %shift_right_logical3A_2389 = vector.broadcast %shift_right_logical3A_2388 : i32 to vector<16xi32>
    %shift_right_logical3A_2390 = arith.shrui %xor3A_2383, %shift_right_logical3A_2389 : vector<16xi32>
    %or3A_2391 = arith.ori %shift_left3A_2387, %shift_right_logical3A_2390 : vector<16xi32>
    %xor3A_2392 = arith.xori %add3A_2384, %or3A_2391 : vector<16xi32>
    %add3A_2393 = arith.constant 899080142 : i32
    %add3A_2394 = vector.broadcast %add3A_2393 : i32 to vector<16xi32>
    %add3A_2395 = arith.addi %add3A_2384, %add3A_2394 : vector<16xi32>
    %add3A_2396 = arith.constant 1273600538 : i32
    %add3A_2397 = vector.broadcast %add3A_2396 : i32 to vector<16xi32>
    %add3A_2398 = arith.addi %xor3A_2392, %add3A_2397 : vector<16xi32>
    %add3A_2399 = arith.constant 4 : i32
    %add3A_2400 = vector.broadcast %add3A_2399 : i32 to vector<16xi32>
    %add3A_2401 = arith.addi %add3A_2398, %add3A_2400 : vector<16xi32>
    %add3A_2402 = arith.addi %add3A_2395, %add3A_2401 : vector<16xi32>
    %shift_left3A_2403 = arith.constant 13 : i32
    %shift_left3A_2404 = vector.broadcast %shift_left3A_2403 : i32 to vector<16xi32>
    %shift_left3A_2405 = arith.shli %add3A_2401, %shift_left3A_2404 : vector<16xi32>
    %shift_right_logical3A_2406 = arith.constant 19 : i32
    %shift_right_logical3A_2407 = vector.broadcast %shift_right_logical3A_2406 : i32 to vector<16xi32>
    %shift_right_logical3A_2408 = arith.shrui %add3A_2401, %shift_right_logical3A_2407 : vector<16xi32>
    %or3A_2409 = arith.ori %shift_left3A_2405, %shift_right_logical3A_2408 : vector<16xi32>
    %xor3A_2410 = arith.xori %add3A_2402, %or3A_2409 : vector<16xi32>
    %add3A_2411 = arith.addi %add3A_2402, %xor3A_2410 : vector<16xi32>
    %shift_left3A_2412 = arith.constant 15 : i32
    %shift_left3A_2413 = vector.broadcast %shift_left3A_2412 : i32 to vector<16xi32>
    %shift_left3A_2414 = arith.shli %xor3A_2410, %shift_left3A_2413 : vector<16xi32>
    %shift_right_logical3A_2415 = arith.constant 17 : i32
    %shift_right_logical3A_2416 = vector.broadcast %shift_right_logical3A_2415 : i32 to vector<16xi32>
    %shift_right_logical3A_2417 = arith.shrui %xor3A_2410, %shift_right_logical3A_2416 : vector<16xi32>
    %or3A_2418 = arith.ori %shift_left3A_2414, %shift_right_logical3A_2417 : vector<16xi32>
    %xor3A_2419 = arith.xori %add3A_2411, %or3A_2418 : vector<16xi32>
    %add3A_2420 = arith.addi %add3A_2411, %xor3A_2419 : vector<16xi32>
    %shift_left3A_2421 = arith.constant 26 : i32
    %shift_left3A_2422 = vector.broadcast %shift_left3A_2421 : i32 to vector<16xi32>
    %shift_left3A_2423 = arith.shli %xor3A_2419, %shift_left3A_2422 : vector<16xi32>
    %shift_right_logical3A_2424 = arith.constant 6 : i32
    %shift_right_logical3A_2425 = vector.broadcast %shift_right_logical3A_2424 : i32 to vector<16xi32>
    %shift_right_logical3A_2426 = arith.shrui %xor3A_2419, %shift_right_logical3A_2425 : vector<16xi32>
    %or3A_2427 = arith.ori %shift_left3A_2423, %shift_right_logical3A_2426 : vector<16xi32>
    %xor3A_2428 = arith.xori %add3A_2420, %or3A_2427 : vector<16xi32>
    %add3A_2429 = arith.addi %add3A_2420, %xor3A_2428 : vector<16xi32>
    %shift_left3A_2430 = arith.constant 6 : i32
    %shift_left3A_2431 = vector.broadcast %shift_left3A_2430 : i32 to vector<16xi32>
    %shift_left3A_2432 = arith.shli %xor3A_2428, %shift_left3A_2431 : vector<16xi32>
    %shift_right_logical3A_2433 = arith.constant 26 : i32
    %shift_right_logical3A_2434 = vector.broadcast %shift_right_logical3A_2433 : i32 to vector<16xi32>
    %shift_right_logical3A_2435 = arith.shrui %xor3A_2428, %shift_right_logical3A_2434 : vector<16xi32>
    %or3A_2436 = arith.ori %shift_left3A_2432, %shift_right_logical3A_2435 : vector<16xi32>
    %xor3A_2437 = arith.xori %add3A_2429, %or3A_2436 : vector<16xi32>
    %add3A_2438 = arith.constant 1273600538 : i32
    %add3A_2439 = vector.broadcast %add3A_2438 : i32 to vector<16xi32>
    %add3A_2440 = arith.addi %add3A_2429, %add3A_2439 : vector<16xi32>
    %add3A_2441 = arith.constant 1705926158 : i32
    %add3A_2442 = vector.broadcast %add3A_2441 : i32 to vector<16xi32>
    %add3A_2443 = arith.addi %xor3A_2437, %add3A_2442 : vector<16xi32>
    %add3A_2444 = arith.constant 5 : i32
    %add3A_2445 = vector.broadcast %add3A_2444 : i32 to vector<16xi32>
    %add3A_2446 = arith.addi %add3A_2443, %add3A_2445 : vector<16xi32>
    %xor3A_2447 = arith.xori %add3A_2440, %add3A_2446 : vector<16xi32>
    %and3A_2448 = arith.constant 1023 : i32
    %and3A_2449 = vector.broadcast %and3A_2448 : i32 to vector<16xi32>
    %and3A_2450 = arith.andi %xor3A_2447, %and3A_2449 : vector<16xi32>
    %gather3A_2451 = tpu.vector_load_idx %arg5[%and3A_2450] : memref<1024xf32, #tpu.memory_space<vmem>>[vector<16xi32>], vector<16xf32>,
    %swap3A_2452 = arith.constant 144 : index
    %swap3A_2453 = tpu.vector_load %arg6[%swap3A_2452] {strides = array<i32>} : memref<256xf32, #tpu.memory_space<vmem>>, vector<16xf32>,
    tpu.vector_store %arg6[%swap3A_2452], %gather3A_2451 {strides = array<i32>} : memref<256xf32, #tpu.memory_space<vmem>>, vector<16xf32>,
    %add3A_2454 = arith.constant 160 : i32
    %add3A_2455 = vector.broadcast %add3A_2454 : i32 to vector<16xi32>
    %add3A_2456 = arith.addi %iota3A, %add3A_2455 : vector<16xi32>
    %add3A_2457 = vector.broadcast %add3A_35 : i32 to vector<16xi32>
    %add3A_2458 = arith.addi %add3A_2456, %add3A_2457 : vector<16xi32>
    %broadcast_in_dim3A_2459 = arith.constant 1705926158 : i32
    %broadcast_in_dim3A_2460 = vector.broadcast %broadcast_in_dim3A_2459 : i32 to vector<16xi32>
    %add3A_2461 = arith.constant 899080142 : i32
    %add3A_2462 = vector.broadcast %add3A_2461 : i32 to vector<16xi32>
    %add3A_2463 = arith.addi %add3A_2458, %add3A_2462 : vector<16xi32>
    %add3A_2464 = arith.addi %broadcast_in_dim3A_2460, %add3A_2463 : vector<16xi32>
    %shift_left3A_2465 = arith.constant 13 : i32
    %shift_left3A_2466 = vector.broadcast %shift_left3A_2465 : i32 to vector<16xi32>
    %shift_left3A_2467 = arith.shli %add3A_2463, %shift_left3A_2466 : vector<16xi32>
    %shift_right_logical3A_2468 = arith.constant 19 : i32
    %shift_right_logical3A_2469 = vector.broadcast %shift_right_logical3A_2468 : i32 to vector<16xi32>
    %shift_right_logical3A_2470 = arith.shrui %add3A_2463, %shift_right_logical3A_2469 : vector<16xi32>
    %or3A_2471 = arith.ori %shift_left3A_2467, %shift_right_logical3A_2470 : vector<16xi32>
    %xor3A_2472 = arith.xori %add3A_2464, %or3A_2471 : vector<16xi32>
    %add3A_2473 = arith.addi %add3A_2464, %xor3A_2472 : vector<16xi32>
    %shift_left3A_2474 = arith.constant 15 : i32
    %shift_left3A_2475 = vector.broadcast %shift_left3A_2474 : i32 to vector<16xi32>
    %shift_left3A_2476 = arith.shli %xor3A_2472, %shift_left3A_2475 : vector<16xi32>
    %shift_right_logical3A_2477 = arith.constant 17 : i32
    %shift_right_logical3A_2478 = vector.broadcast %shift_right_logical3A_2477 : i32 to vector<16xi32>
    %shift_right_logical3A_2479 = arith.shrui %xor3A_2472, %shift_right_logical3A_2478 : vector<16xi32>
    %or3A_2480 = arith.ori %shift_left3A_2476, %shift_right_logical3A_2479 : vector<16xi32>
    %xor3A_2481 = arith.xori %add3A_2473, %or3A_2480 : vector<16xi32>
    %add3A_2482 = arith.addi %add3A_2473, %xor3A_2481 : vector<16xi32>
    %shift_left3A_2483 = arith.constant 26 : i32
    %shift_left3A_2484 = vector.broadcast %shift_left3A_2483 : i32 to vector<16xi32>
    %shift_left3A_2485 = arith.shli %xor3A_2481, %shift_left3A_2484 : vector<16xi32>
    %shift_right_logical3A_2486 = arith.constant 6 : i32
    %shift_right_logical3A_2487 = vector.broadcast %shift_right_logical3A_2486 : i32 to vector<16xi32>
    %shift_right_logical3A_2488 = arith.shrui %xor3A_2481, %shift_right_logical3A_2487 : vector<16xi32>
    %or3A_2489 = arith.ori %shift_left3A_2485, %shift_right_logical3A_2488 : vector<16xi32>
    %xor3A_2490 = arith.xori %add3A_2482, %or3A_2489 : vector<16xi32>
    %add3A_2491 = arith.addi %add3A_2482, %xor3A_2490 : vector<16xi32>
    %shift_left3A_2492 = arith.constant 6 : i32
    %shift_left3A_2493 = vector.broadcast %shift_left3A_2492 : i32 to vector<16xi32>
    %shift_left3A_2494 = arith.shli %xor3A_2490, %shift_left3A_2493 : vector<16xi32>
    %shift_right_logical3A_2495 = arith.constant 26 : i32
    %shift_right_logical3A_2496 = vector.broadcast %shift_right_logical3A_2495 : i32 to vector<16xi32>
    %shift_right_logical3A_2497 = arith.shrui %xor3A_2490, %shift_right_logical3A_2496 : vector<16xi32>
    %or3A_2498 = arith.ori %shift_left3A_2494, %shift_right_logical3A_2497 : vector<16xi32>
    %xor3A_2499 = arith.xori %add3A_2491, %or3A_2498 : vector<16xi32>
    %add3A_2500 = arith.constant 899080142 : i32
    %add3A_2501 = vector.broadcast %add3A_2500 : i32 to vector<16xi32>
    %add3A_2502 = arith.addi %add3A_2491, %add3A_2501 : vector<16xi32>
    %add3A_2503 = arith.constant 1273600538 : i32
    %add3A_2504 = vector.broadcast %add3A_2503 : i32 to vector<16xi32>
    %add3A_2505 = arith.addi %xor3A_2499, %add3A_2504 : vector<16xi32>
    %add3A_2506 = arith.constant 1 : i32
    %add3A_2507 = vector.broadcast %add3A_2506 : i32 to vector<16xi32>
    %add3A_2508 = arith.addi %add3A_2505, %add3A_2507 : vector<16xi32>
    %add3A_2509 = arith.addi %add3A_2502, %add3A_2508 : vector<16xi32>
    %shift_left3A_2510 = arith.constant 17 : i32
    %shift_left3A_2511 = vector.broadcast %shift_left3A_2510 : i32 to vector<16xi32>
    %shift_left3A_2512 = arith.shli %add3A_2508, %shift_left3A_2511 : vector<16xi32>
    %shift_right_logical3A_2513 = arith.constant 15 : i32
    %shift_right_logical3A_2514 = vector.broadcast %shift_right_logical3A_2513 : i32 to vector<16xi32>
    %shift_right_logical3A_2515 = arith.shrui %add3A_2508, %shift_right_logical3A_2514 : vector<16xi32>
    %or3A_2516 = arith.ori %shift_left3A_2512, %shift_right_logical3A_2515 : vector<16xi32>
    %xor3A_2517 = arith.xori %add3A_2509, %or3A_2516 : vector<16xi32>
    %add3A_2518 = arith.addi %add3A_2509, %xor3A_2517 : vector<16xi32>
    %shift_left3A_2519 = arith.constant 29 : i32
    %shift_left3A_2520 = vector.broadcast %shift_left3A_2519 : i32 to vector<16xi32>
    %shift_left3A_2521 = arith.shli %xor3A_2517, %shift_left3A_2520 : vector<16xi32>
    %shift_right_logical3A_2522 = arith.constant 3 : i32
    %shift_right_logical3A_2523 = vector.broadcast %shift_right_logical3A_2522 : i32 to vector<16xi32>
    %shift_right_logical3A_2524 = arith.shrui %xor3A_2517, %shift_right_logical3A_2523 : vector<16xi32>
    %or3A_2525 = arith.ori %shift_left3A_2521, %shift_right_logical3A_2524 : vector<16xi32>
    %xor3A_2526 = arith.xori %add3A_2518, %or3A_2525 : vector<16xi32>
    %add3A_2527 = arith.addi %add3A_2518, %xor3A_2526 : vector<16xi32>
    %shift_left3A_2528 = arith.constant 16 : i32
    %shift_left3A_2529 = vector.broadcast %shift_left3A_2528 : i32 to vector<16xi32>
    %shift_left3A_2530 = arith.shli %xor3A_2526, %shift_left3A_2529 : vector<16xi32>
    %shift_right_logical3A_2531 = arith.constant 16 : i32
    %shift_right_logical3A_2532 = vector.broadcast %shift_right_logical3A_2531 : i32 to vector<16xi32>
    %shift_right_logical3A_2533 = arith.shrui %xor3A_2526, %shift_right_logical3A_2532 : vector<16xi32>
    %or3A_2534 = arith.ori %shift_left3A_2530, %shift_right_logical3A_2533 : vector<16xi32>
    %xor3A_2535 = arith.xori %add3A_2527, %or3A_2534 : vector<16xi32>
    %add3A_2536 = arith.addi %add3A_2527, %xor3A_2535 : vector<16xi32>
    %shift_left3A_2537 = arith.constant 24 : i32
    %shift_left3A_2538 = vector.broadcast %shift_left3A_2537 : i32 to vector<16xi32>
    %shift_left3A_2539 = arith.shli %xor3A_2535, %shift_left3A_2538 : vector<16xi32>
    %shift_right_logical3A_2540 = arith.constant 8 : i32
    %shift_right_logical3A_2541 = vector.broadcast %shift_right_logical3A_2540 : i32 to vector<16xi32>
    %shift_right_logical3A_2542 = arith.shrui %xor3A_2535, %shift_right_logical3A_2541 : vector<16xi32>
    %or3A_2543 = arith.ori %shift_left3A_2539, %shift_right_logical3A_2542 : vector<16xi32>
    %xor3A_2544 = arith.xori %add3A_2536, %or3A_2543 : vector<16xi32>
    %add3A_2545 = arith.constant 1273600538 : i32
    %add3A_2546 = vector.broadcast %add3A_2545 : i32 to vector<16xi32>
    %add3A_2547 = arith.addi %add3A_2536, %add3A_2546 : vector<16xi32>
    %add3A_2548 = arith.constant 1705926158 : i32
    %add3A_2549 = vector.broadcast %add3A_2548 : i32 to vector<16xi32>
    %add3A_2550 = arith.addi %xor3A_2544, %add3A_2549 : vector<16xi32>
    %add3A_2551 = arith.constant 2 : i32
    %add3A_2552 = vector.broadcast %add3A_2551 : i32 to vector<16xi32>
    %add3A_2553 = arith.addi %add3A_2550, %add3A_2552 : vector<16xi32>
    %add3A_2554 = arith.addi %add3A_2547, %add3A_2553 : vector<16xi32>
    %shift_left3A_2555 = arith.constant 13 : i32
    %shift_left3A_2556 = vector.broadcast %shift_left3A_2555 : i32 to vector<16xi32>
    %shift_left3A_2557 = arith.shli %add3A_2553, %shift_left3A_2556 : vector<16xi32>
    %shift_right_logical3A_2558 = arith.constant 19 : i32
    %shift_right_logical3A_2559 = vector.broadcast %shift_right_logical3A_2558 : i32 to vector<16xi32>
    %shift_right_logical3A_2560 = arith.shrui %add3A_2553, %shift_right_logical3A_2559 : vector<16xi32>
    %or3A_2561 = arith.ori %shift_left3A_2557, %shift_right_logical3A_2560 : vector<16xi32>
    %xor3A_2562 = arith.xori %add3A_2554, %or3A_2561 : vector<16xi32>
    %add3A_2563 = arith.addi %add3A_2554, %xor3A_2562 : vector<16xi32>
    %shift_left3A_2564 = arith.constant 15 : i32
    %shift_left3A_2565 = vector.broadcast %shift_left3A_2564 : i32 to vector<16xi32>
    %shift_left3A_2566 = arith.shli %xor3A_2562, %shift_left3A_2565 : vector<16xi32>
    %shift_right_logical3A_2567 = arith.constant 17 : i32
    %shift_right_logical3A_2568 = vector.broadcast %shift_right_logical3A_2567 : i32 to vector<16xi32>
    %shift_right_logical3A_2569 = arith.shrui %xor3A_2562, %shift_right_logical3A_2568 : vector<16xi32>
    %or3A_2570 = arith.ori %shift_left3A_2566, %shift_right_logical3A_2569 : vector<16xi32>
    %xor3A_2571 = arith.xori %add3A_2563, %or3A_2570 : vector<16xi32>
    %add3A_2572 = arith.addi %add3A_2563, %xor3A_2571 : vector<16xi32>
    %shift_left3A_2573 = arith.constant 26 : i32
    %shift_left3A_2574 = vector.broadcast %shift_left3A_2573 : i32 to vector<16xi32>
    %shift_left3A_2575 = arith.shli %xor3A_2571, %shift_left3A_2574 : vector<16xi32>
    %shift_right_logical3A_2576 = arith.constant 6 : i32
    %shift_right_logical3A_2577 = vector.broadcast %shift_right_logical3A_2576 : i32 to vector<16xi32>
    %shift_right_logical3A_2578 = arith.shrui %xor3A_2571, %shift_right_logical3A_2577 : vector<16xi32>
    %or3A_2579 = arith.ori %shift_left3A_2575, %shift_right_logical3A_2578 : vector<16xi32>
    %xor3A_2580 = arith.xori %add3A_2572, %or3A_2579 : vector<16xi32>
    %add3A_2581 = arith.addi %add3A_2572, %xor3A_2580 : vector<16xi32>
    %shift_left3A_2582 = arith.constant 6 : i32
    %shift_left3A_2583 = vector.broadcast %shift_left3A_2582 : i32 to vector<16xi32>
    %shift_left3A_2584 = arith.shli %xor3A_2580, %shift_left3A_2583 : vector<16xi32>
    %shift_right_logical3A_2585 = arith.constant 26 : i32
    %shift_right_logical3A_2586 = vector.broadcast %shift_right_logical3A_2585 : i32 to vector<16xi32>
    %shift_right_logical3A_2587 = arith.shrui %xor3A_2580, %shift_right_logical3A_2586 : vector<16xi32>
    %or3A_2588 = arith.ori %shift_left3A_2584, %shift_right_logical3A_2587 : vector<16xi32>
    %xor3A_2589 = arith.xori %add3A_2581, %or3A_2588 : vector<16xi32>
    %add3A_2590 = arith.constant 1705926158 : i32
    %add3A_2591 = vector.broadcast %add3A_2590 : i32 to vector<16xi32>
    %add3A_2592 = arith.addi %add3A_2581, %add3A_2591 : vector<16xi32>
    %add3A_2593 = arith.constant 899080142 : i32
    %add3A_2594 = vector.broadcast %add3A_2593 : i32 to vector<16xi32>
    %add3A_2595 = arith.addi %xor3A_2589, %add3A_2594 : vector<16xi32>
    %add3A_2596 = arith.constant 3 : i32
    %add3A_2597 = vector.broadcast %add3A_2596 : i32 to vector<16xi32>
    %add3A_2598 = arith.addi %add3A_2595, %add3A_2597 : vector<16xi32>
    %add3A_2599 = arith.addi %add3A_2592, %add3A_2598 : vector<16xi32>
    %shift_left3A_2600 = arith.constant 17 : i32
    %shift_left3A_2601 = vector.broadcast %shift_left3A_2600 : i32 to vector<16xi32>
    %shift_left3A_2602 = arith.shli %add3A_2598, %shift_left3A_2601 : vector<16xi32>
    %shift_right_logical3A_2603 = arith.constant 15 : i32
    %shift_right_logical3A_2604 = vector.broadcast %shift_right_logical3A_2603 : i32 to vector<16xi32>
    %shift_right_logical3A_2605 = arith.shrui %add3A_2598, %shift_right_logical3A_2604 : vector<16xi32>
    %or3A_2606 = arith.ori %shift_left3A_2602, %shift_right_logical3A_2605 : vector<16xi32>
    %xor3A_2607 = arith.xori %add3A_2599, %or3A_2606 : vector<16xi32>
    %add3A_2608 = arith.addi %add3A_2599, %xor3A_2607 : vector<16xi32>
    %shift_left3A_2609 = arith.constant 29 : i32
    %shift_left3A_2610 = vector.broadcast %shift_left3A_2609 : i32 to vector<16xi32>
    %shift_left3A_2611 = arith.shli %xor3A_2607, %shift_left3A_2610 : vector<16xi32>
    %shift_right_logical3A_2612 = arith.constant 3 : i32
    %shift_right_logical3A_2613 = vector.broadcast %shift_right_logical3A_2612 : i32 to vector<16xi32>
    %shift_right_logical3A_2614 = arith.shrui %xor3A_2607, %shift_right_logical3A_2613 : vector<16xi32>
    %or3A_2615 = arith.ori %shift_left3A_2611, %shift_right_logical3A_2614 : vector<16xi32>
    %xor3A_2616 = arith.xori %add3A_2608, %or3A_2615 : vector<16xi32>
    %add3A_2617 = arith.addi %add3A_2608, %xor3A_2616 : vector<16xi32>
    %shift_left3A_2618 = arith.constant 16 : i32
    %shift_left3A_2619 = vector.broadcast %shift_left3A_2618 : i32 to vector<16xi32>
    %shift_left3A_2620 = arith.shli %xor3A_2616, %shift_left3A_2619 : vector<16xi32>
    %shift_right_logical3A_2621 = arith.constant 16 : i32
    %shift_right_logical3A_2622 = vector.broadcast %shift_right_logical3A_2621 : i32 to vector<16xi32>
    %shift_right_logical3A_2623 = arith.shrui %xor3A_2616, %shift_right_logical3A_2622 : vector<16xi32>
    %or3A_2624 = arith.ori %shift_left3A_2620, %shift_right_logical3A_2623 : vector<16xi32>
    %xor3A_2625 = arith.xori %add3A_2617, %or3A_2624 : vector<16xi32>
    %add3A_2626 = arith.addi %add3A_2617, %xor3A_2625 : vector<16xi32>
    %shift_left3A_2627 = arith.constant 24 : i32
    %shift_left3A_2628 = vector.broadcast %shift_left3A_2627 : i32 to vector<16xi32>
    %shift_left3A_2629 = arith.shli %xor3A_2625, %shift_left3A_2628 : vector<16xi32>
    %shift_right_logical3A_2630 = arith.constant 8 : i32
    %shift_right_logical3A_2631 = vector.broadcast %shift_right_logical3A_2630 : i32 to vector<16xi32>
    %shift_right_logical3A_2632 = arith.shrui %xor3A_2625, %shift_right_logical3A_2631 : vector<16xi32>
    %or3A_2633 = arith.ori %shift_left3A_2629, %shift_right_logical3A_2632 : vector<16xi32>
    %xor3A_2634 = arith.xori %add3A_2626, %or3A_2633 : vector<16xi32>
    %add3A_2635 = arith.constant 899080142 : i32
    %add3A_2636 = vector.broadcast %add3A_2635 : i32 to vector<16xi32>
    %add3A_2637 = arith.addi %add3A_2626, %add3A_2636 : vector<16xi32>
    %add3A_2638 = arith.constant 1273600538 : i32
    %add3A_2639 = vector.broadcast %add3A_2638 : i32 to vector<16xi32>
    %add3A_2640 = arith.addi %xor3A_2634, %add3A_2639 : vector<16xi32>
    %add3A_2641 = arith.constant 4 : i32
    %add3A_2642 = vector.broadcast %add3A_2641 : i32 to vector<16xi32>
    %add3A_2643 = arith.addi %add3A_2640, %add3A_2642 : vector<16xi32>
    %add3A_2644 = arith.addi %add3A_2637, %add3A_2643 : vector<16xi32>
    %shift_left3A_2645 = arith.constant 13 : i32
    %shift_left3A_2646 = vector.broadcast %shift_left3A_2645 : i32 to vector<16xi32>
    %shift_left3A_2647 = arith.shli %add3A_2643, %shift_left3A_2646 : vector<16xi32>
    %shift_right_logical3A_2648 = arith.constant 19 : i32
    %shift_right_logical3A_2649 = vector.broadcast %shift_right_logical3A_2648 : i32 to vector<16xi32>
    %shift_right_logical3A_2650 = arith.shrui %add3A_2643, %shift_right_logical3A_2649 : vector<16xi32>
    %or3A_2651 = arith.ori %shift_left3A_2647, %shift_right_logical3A_2650 : vector<16xi32>
    %xor3A_2652 = arith.xori %add3A_2644, %or3A_2651 : vector<16xi32>
    %add3A_2653 = arith.addi %add3A_2644, %xor3A_2652 : vector<16xi32>
    %shift_left3A_2654 = arith.constant 15 : i32
    %shift_left3A_2655 = vector.broadcast %shift_left3A_2654 : i32 to vector<16xi32>
    %shift_left3A_2656 = arith.shli %xor3A_2652, %shift_left3A_2655 : vector<16xi32>
    %shift_right_logical3A_2657 = arith.constant 17 : i32
    %shift_right_logical3A_2658 = vector.broadcast %shift_right_logical3A_2657 : i32 to vector<16xi32>
    %shift_right_logical3A_2659 = arith.shrui %xor3A_2652, %shift_right_logical3A_2658 : vector<16xi32>
    %or3A_2660 = arith.ori %shift_left3A_2656, %shift_right_logical3A_2659 : vector<16xi32>
    %xor3A_2661 = arith.xori %add3A_2653, %or3A_2660 : vector<16xi32>
    %add3A_2662 = arith.addi %add3A_2653, %xor3A_2661 : vector<16xi32>
    %shift_left3A_2663 = arith.constant 26 : i32
    %shift_left3A_2664 = vector.broadcast %shift_left3A_2663 : i32 to vector<16xi32>
    %shift_left3A_2665 = arith.shli %xor3A_2661, %shift_left3A_2664 : vector<16xi32>
    %shift_right_logical3A_2666 = arith.constant 6 : i32
    %shift_right_logical3A_2667 = vector.broadcast %shift_right_logical3A_2666 : i32 to vector<16xi32>
    %shift_right_logical3A_2668 = arith.shrui %xor3A_2661, %shift_right_logical3A_2667 : vector<16xi32>
    %or3A_2669 = arith.ori %shift_left3A_2665, %shift_right_logical3A_2668 : vector<16xi32>
    %xor3A_2670 = arith.xori %add3A_2662, %or3A_2669 : vector<16xi32>
    %add3A_2671 = arith.addi %add3A_2662, %xor3A_2670 : vector<16xi32>
    %shift_left3A_2672 = arith.constant 6 : i32
    %shift_left3A_2673 = vector.broadcast %shift_left3A_2672 : i32 to vector<16xi32>
    %shift_left3A_2674 = arith.shli %xor3A_2670, %shift_left3A_2673 : vector<16xi32>
    %shift_right_logical3A_2675 = arith.constant 26 : i32
    %shift_right_logical3A_2676 = vector.broadcast %shift_right_logical3A_2675 : i32 to vector<16xi32>
    %shift_right_logical3A_2677 = arith.shrui %xor3A_2670, %shift_right_logical3A_2676 : vector<16xi32>
    %or3A_2678 = arith.ori %shift_left3A_2674, %shift_right_logical3A_2677 : vector<16xi32>
    %xor3A_2679 = arith.xori %add3A_2671, %or3A_2678 : vector<16xi32>
    %add3A_2680 = arith.constant 1273600538 : i32
    %add3A_2681 = vector.broadcast %add3A_2680 : i32 to vector<16xi32>
    %add3A_2682 = arith.addi %add3A_2671, %add3A_2681 : vector<16xi32>
    %add3A_2683 = arith.constant 1705926158 : i32
    %add3A_2684 = vector.broadcast %add3A_2683 : i32 to vector<16xi32>
    %add3A_2685 = arith.addi %xor3A_2679, %add3A_2684 : vector<16xi32>
    %add3A_2686 = arith.constant 5 : i32
    %add3A_2687 = vector.broadcast %add3A_2686 : i32 to vector<16xi32>
    %add3A_2688 = arith.addi %add3A_2685, %add3A_2687 : vector<16xi32>
    %xor3A_2689 = arith.xori %add3A_2682, %add3A_2688 : vector<16xi32>
    %and3A_2690 = arith.constant 1023 : i32
    %and3A_2691 = vector.broadcast %and3A_2690 : i32 to vector<16xi32>
    %and3A_2692 = arith.andi %xor3A_2689, %and3A_2691 : vector<16xi32>
    %gather3A_2693 = tpu.vector_load_idx %arg5[%and3A_2692] : memref<1024xf32, #tpu.memory_space<vmem>>[vector<16xi32>], vector<16xf32>,
    %swap3A_2694 = arith.constant 160 : index
    %swap3A_2695 = tpu.vector_load %arg6[%swap3A_2694] {strides = array<i32>} : memref<256xf32, #tpu.memory_space<vmem>>, vector<16xf32>,
    tpu.vector_store %arg6[%swap3A_2694], %gather3A_2693 {strides = array<i32>} : memref<256xf32, #tpu.memory_space<vmem>>, vector<16xf32>,
    %add3A_2696 = arith.constant 176 : i32
    %add3A_2697 = vector.broadcast %add3A_2696 : i32 to vector<16xi32>
    %add3A_2698 = arith.addi %iota3A, %add3A_2697 : vector<16xi32>
    %add3A_2699 = vector.broadcast %add3A_35 : i32 to vector<16xi32>
    %add3A_2700 = arith.addi %add3A_2698, %add3A_2699 : vector<16xi32>
    %broadcast_in_dim3A_2701 = arith.constant 1705926158 : i32
    %broadcast_in_dim3A_2702 = vector.broadcast %broadcast_in_dim3A_2701 : i32 to vector<16xi32>
    %add3A_2703 = arith.constant 899080142 : i32
    %add3A_2704 = vector.broadcast %add3A_2703 : i32 to vector<16xi32>
    %add3A_2705 = arith.addi %add3A_2700, %add3A_2704 : vector<16xi32>
    %add3A_2706 = arith.addi %broadcast_in_dim3A_2702, %add3A_2705 : vector<16xi32>
    %shift_left3A_2707 = arith.constant 13 : i32
    %shift_left3A_2708 = vector.broadcast %shift_left3A_2707 : i32 to vector<16xi32>
    %shift_left3A_2709 = arith.shli %add3A_2705, %shift_left3A_2708 : vector<16xi32>
    %shift_right_logical3A_2710 = arith.constant 19 : i32
    %shift_right_logical3A_2711 = vector.broadcast %shift_right_logical3A_2710 : i32 to vector<16xi32>
    %shift_right_logical3A_2712 = arith.shrui %add3A_2705, %shift_right_logical3A_2711 : vector<16xi32>
    %or3A_2713 = arith.ori %shift_left3A_2709, %shift_right_logical3A_2712 : vector<16xi32>
    %xor3A_2714 = arith.xori %add3A_2706, %or3A_2713 : vector<16xi32>
    %add3A_2715 = arith.addi %add3A_2706, %xor3A_2714 : vector<16xi32>
    %shift_left3A_2716 = arith.constant 15 : i32
    %shift_left3A_2717 = vector.broadcast %shift_left3A_2716 : i32 to vector<16xi32>
    %shift_left3A_2718 = arith.shli %xor3A_2714, %shift_left3A_2717 : vector<16xi32>
    %shift_right_logical3A_2719 = arith.constant 17 : i32
    %shift_right_logical3A_2720 = vector.broadcast %shift_right_logical3A_2719 : i32 to vector<16xi32>
    %shift_right_logical3A_2721 = arith.shrui %xor3A_2714, %shift_right_logical3A_2720 : vector<16xi32>
    %or3A_2722 = arith.ori %shift_left3A_2718, %shift_right_logical3A_2721 : vector<16xi32>
    %xor3A_2723 = arith.xori %add3A_2715, %or3A_2722 : vector<16xi32>
    %add3A_2724 = arith.addi %add3A_2715, %xor3A_2723 : vector<16xi32>
    %shift_left3A_2725 = arith.constant 26 : i32
    %shift_left3A_2726 = vector.broadcast %shift_left3A_2725 : i32 to vector<16xi32>
    %shift_left3A_2727 = arith.shli %xor3A_2723, %shift_left3A_2726 : vector<16xi32>
    %shift_right_logical3A_2728 = arith.constant 6 : i32
    %shift_right_logical3A_2729 = vector.broadcast %shift_right_logical3A_2728 : i32 to vector<16xi32>
    %shift_right_logical3A_2730 = arith.shrui %xor3A_2723, %shift_right_logical3A_2729 : vector<16xi32>
    %or3A_2731 = arith.ori %shift_left3A_2727, %shift_right_logical3A_2730 : vector<16xi32>
    %xor3A_2732 = arith.xori %add3A_2724, %or3A_2731 : vector<16xi32>
    %add3A_2733 = arith.addi %add3A_2724, %xor3A_2732 : vector<16xi32>
    %shift_left3A_2734 = arith.constant 6 : i32
    %shift_left3A_2735 = vector.broadcast %shift_left3A_2734 : i32 to vector<16xi32>
    %shift_left3A_2736 = arith.shli %xor3A_2732, %shift_left3A_2735 : vector<16xi32>
    %shift_right_logical3A_2737 = arith.constant 26 : i32
    %shift_right_logical3A_2738 = vector.broadcast %shift_right_logical3A_2737 : i32 to vector<16xi32>
    %shift_right_logical3A_2739 = arith.shrui %xor3A_2732, %shift_right_logical3A_2738 : vector<16xi32>
    %or3A_2740 = arith.ori %shift_left3A_2736, %shift_right_logical3A_2739 : vector<16xi32>
    %xor3A_2741 = arith.xori %add3A_2733, %or3A_2740 : vector<16xi32>
    %add3A_2742 = arith.constant 899080142 : i32
    %add3A_2743 = vector.broadcast %add3A_2742 : i32 to vector<16xi32>
    %add3A_2744 = arith.addi %add3A_2733, %add3A_2743 : vector<16xi32>
    %add3A_2745 = arith.constant 1273600538 : i32
    %add3A_2746 = vector.broadcast %add3A_2745 : i32 to vector<16xi32>
    %add3A_2747 = arith.addi %xor3A_2741, %add3A_2746 : vector<16xi32>
    %add3A_2748 = arith.constant 1 : i32
    %add3A_2749 = vector.broadcast %add3A_2748 : i32 to vector<16xi32>
    %add3A_2750 = arith.addi %add3A_2747, %add3A_2749 : vector<16xi32>
    %add3A_2751 = arith.addi %add3A_2744, %add3A_2750 : vector<16xi32>
    %shift_left3A_2752 = arith.constant 17 : i32
    %shift_left3A_2753 = vector.broadcast %shift_left3A_2752 : i32 to vector<16xi32>
    %shift_left3A_2754 = arith.shli %add3A_2750, %shift_left3A_2753 : vector<16xi32>
    %shift_right_logical3A_2755 = arith.constant 15 : i32
    %shift_right_logical3A_2756 = vector.broadcast %shift_right_logical3A_2755 : i32 to vector<16xi32>
    %shift_right_logical3A_2757 = arith.shrui %add3A_2750, %shift_right_logical3A_2756 : vector<16xi32>
    %or3A_2758 = arith.ori %shift_left3A_2754, %shift_right_logical3A_2757 : vector<16xi32>
    %xor3A_2759 = arith.xori %add3A_2751, %or3A_2758 : vector<16xi32>
    %add3A_2760 = arith.addi %add3A_2751, %xor3A_2759 : vector<16xi32>
    %shift_left3A_2761 = arith.constant 29 : i32
    %shift_left3A_2762 = vector.broadcast %shift_left3A_2761 : i32 to vector<16xi32>
    %shift_left3A_2763 = arith.shli %xor3A_2759, %shift_left3A_2762 : vector<16xi32>
    %shift_right_logical3A_2764 = arith.constant 3 : i32
    %shift_right_logical3A_2765 = vector.broadcast %shift_right_logical3A_2764 : i32 to vector<16xi32>
    %shift_right_logical3A_2766 = arith.shrui %xor3A_2759, %shift_right_logical3A_2765 : vector<16xi32>
    %or3A_2767 = arith.ori %shift_left3A_2763, %shift_right_logical3A_2766 : vector<16xi32>
    %xor3A_2768 = arith.xori %add3A_2760, %or3A_2767 : vector<16xi32>
    %add3A_2769 = arith.addi %add3A_2760, %xor3A_2768 : vector<16xi32>
    %shift_left3A_2770 = arith.constant 16 : i32
    %shift_left3A_2771 = vector.broadcast %shift_left3A_2770 : i32 to vector<16xi32>
    %shift_left3A_2772 = arith.shli %xor3A_2768, %shift_left3A_2771 : vector<16xi32>
    %shift_right_logical3A_2773 = arith.constant 16 : i32
    %shift_right_logical3A_2774 = vector.broadcast %shift_right_logical3A_2773 : i32 to vector<16xi32>
    %shift_right_logical3A_2775 = arith.shrui %xor3A_2768, %shift_right_logical3A_2774 : vector<16xi32>
    %or3A_2776 = arith.ori %shift_left3A_2772, %shift_right_logical3A_2775 : vector<16xi32>
    %xor3A_2777 = arith.xori %add3A_2769, %or3A_2776 : vector<16xi32>
    %add3A_2778 = arith.addi %add3A_2769, %xor3A_2777 : vector<16xi32>
    %shift_left3A_2779 = arith.constant 24 : i32
    %shift_left3A_2780 = vector.broadcast %shift_left3A_2779 : i32 to vector<16xi32>
    %shift_left3A_2781 = arith.shli %xor3A_2777, %shift_left3A_2780 : vector<16xi32>
    %shift_right_logical3A_2782 = arith.constant 8 : i32
    %shift_right_logical3A_2783 = vector.broadcast %shift_right_logical3A_2782 : i32 to vector<16xi32>
    %shift_right_logical3A_2784 = arith.shrui %xor3A_2777, %shift_right_logical3A_2783 : vector<16xi32>
    %or3A_2785 = arith.ori %shift_left3A_2781, %shift_right_logical3A_2784 : vector<16xi32>
    %xor3A_2786 = arith.xori %add3A_2778, %or3A_2785 : vector<16xi32>
    %add3A_2787 = arith.constant 1273600538 : i32
    %add3A_2788 = vector.broadcast %add3A_2787 : i32 to vector<16xi32>
    %add3A_2789 = arith.addi %add3A_2778, %add3A_2788 : vector<16xi32>
    %add3A_2790 = arith.constant 1705926158 : i32
    %add3A_2791 = vector.broadcast %add3A_2790 : i32 to vector<16xi32>
    %add3A_2792 = arith.addi %xor3A_2786, %add3A_2791 : vector<16xi32>
    %add3A_2793 = arith.constant 2 : i32
    %add3A_2794 = vector.broadcast %add3A_2793 : i32 to vector<16xi32>
    %add3A_2795 = arith.addi %add3A_2792, %add3A_2794 : vector<16xi32>
    %add3A_2796 = arith.addi %add3A_2789, %add3A_2795 : vector<16xi32>
    %shift_left3A_2797 = arith.constant 13 : i32
    %shift_left3A_2798 = vector.broadcast %shift_left3A_2797 : i32 to vector<16xi32>
    %shift_left3A_2799 = arith.shli %add3A_2795, %shift_left3A_2798 : vector<16xi32>
    %shift_right_logical3A_2800 = arith.constant 19 : i32
    %shift_right_logical3A_2801 = vector.broadcast %shift_right_logical3A_2800 : i32 to vector<16xi32>
    %shift_right_logical3A_2802 = arith.shrui %add3A_2795, %shift_right_logical3A_2801 : vector<16xi32>
    %or3A_2803 = arith.ori %shift_left3A_2799, %shift_right_logical3A_2802 : vector<16xi32>
    %xor3A_2804 = arith.xori %add3A_2796, %or3A_2803 : vector<16xi32>
    %add3A_2805 = arith.addi %add3A_2796, %xor3A_2804 : vector<16xi32>
    %shift_left3A_2806 = arith.constant 15 : i32
    %shift_left3A_2807 = vector.broadcast %shift_left3A_2806 : i32 to vector<16xi32>
    %shift_left3A_2808 = arith.shli %xor3A_2804, %shift_left3A_2807 : vector<16xi32>
    %shift_right_logical3A_2809 = arith.constant 17 : i32
    %shift_right_logical3A_2810 = vector.broadcast %shift_right_logical3A_2809 : i32 to vector<16xi32>
    %shift_right_logical3A_2811 = arith.shrui %xor3A_2804, %shift_right_logical3A_2810 : vector<16xi32>
    %or3A_2812 = arith.ori %shift_left3A_2808, %shift_right_logical3A_2811 : vector<16xi32>
    %xor3A_2813 = arith.xori %add3A_2805, %or3A_2812 : vector<16xi32>
    %add3A_2814 = arith.addi %add3A_2805, %xor3A_2813 : vector<16xi32>
    %shift_left3A_2815 = arith.constant 26 : i32
    %shift_left3A_2816 = vector.broadcast %shift_left3A_2815 : i32 to vector<16xi32>
    %shift_left3A_2817 = arith.shli %xor3A_2813, %shift_left3A_2816 : vector<16xi32>
    %shift_right_logical3A_2818 = arith.constant 6 : i32
    %shift_right_logical3A_2819 = vector.broadcast %shift_right_logical3A_2818 : i32 to vector<16xi32>
    %shift_right_logical3A_2820 = arith.shrui %xor3A_2813, %shift_right_logical3A_2819 : vector<16xi32>
    %or3A_2821 = arith.ori %shift_left3A_2817, %shift_right_logical3A_2820 : vector<16xi32>
    %xor3A_2822 = arith.xori %add3A_2814, %or3A_2821 : vector<16xi32>
    %add3A_2823 = arith.addi %add3A_2814, %xor3A_2822 : vector<16xi32>
    %shift_left3A_2824 = arith.constant 6 : i32
    %shift_left3A_2825 = vector.broadcast %shift_left3A_2824 : i32 to vector<16xi32>
    %shift_left3A_2826 = arith.shli %xor3A_2822, %shift_left3A_2825 : vector<16xi32>
    %shift_right_logical3A_2827 = arith.constant 26 : i32
    %shift_right_logical3A_2828 = vector.broadcast %shift_right_logical3A_2827 : i32 to vector<16xi32>
    %shift_right_logical3A_2829 = arith.shrui %xor3A_2822, %shift_right_logical3A_2828 : vector<16xi32>
    %or3A_2830 = arith.ori %shift_left3A_2826, %shift_right_logical3A_2829 : vector<16xi32>
    %xor3A_2831 = arith.xori %add3A_2823, %or3A_2830 : vector<16xi32>
    %add3A_2832 = arith.constant 1705926158 : i32
    %add3A_2833 = vector.broadcast %add3A_2832 : i32 to vector<16xi32>
    %add3A_2834 = arith.addi %add3A_2823, %add3A_2833 : vector<16xi32>
    %add3A_2835 = arith.constant 899080142 : i32
    %add3A_2836 = vector.broadcast %add3A_2835 : i32 to vector<16xi32>
    %add3A_2837 = arith.addi %xor3A_2831, %add3A_2836 : vector<16xi32>
    %add3A_2838 = arith.constant 3 : i32
    %add3A_2839 = vector.broadcast %add3A_2838 : i32 to vector<16xi32>
    %add3A_2840 = arith.addi %add3A_2837, %add3A_2839 : vector<16xi32>
    %add3A_2841 = arith.addi %add3A_2834, %add3A_2840 : vector<16xi32>
    %shift_left3A_2842 = arith.constant 17 : i32
    %shift_left3A_2843 = vector.broadcast %shift_left3A_2842 : i32 to vector<16xi32>
    %shift_left3A_2844 = arith.shli %add3A_2840, %shift_left3A_2843 : vector<16xi32>
    %shift_right_logical3A_2845 = arith.constant 15 : i32
    %shift_right_logical3A_2846 = vector.broadcast %shift_right_logical3A_2845 : i32 to vector<16xi32>
    %shift_right_logical3A_2847 = arith.shrui %add3A_2840, %shift_right_logical3A_2846 : vector<16xi32>
    %or3A_2848 = arith.ori %shift_left3A_2844, %shift_right_logical3A_2847 : vector<16xi32>
    %xor3A_2849 = arith.xori %add3A_2841, %or3A_2848 : vector<16xi32>
    %add3A_2850 = arith.addi %add3A_2841, %xor3A_2849 : vector<16xi32>
    %shift_left3A_2851 = arith.constant 29 : i32
    %shift_left3A_2852 = vector.broadcast %shift_left3A_2851 : i32 to vector<16xi32>
    %shift_left3A_2853 = arith.shli %xor3A_2849, %shift_left3A_2852 : vector<16xi32>
    %shift_right_logical3A_2854 = arith.constant 3 : i32
    %shift_right_logical3A_2855 = vector.broadcast %shift_right_logical3A_2854 : i32 to vector<16xi32>
    %shift_right_logical3A_2856 = arith.shrui %xor3A_2849, %shift_right_logical3A_2855 : vector<16xi32>
    %or3A_2857 = arith.ori %shift_left3A_2853, %shift_right_logical3A_2856 : vector<16xi32>
    %xor3A_2858 = arith.xori %add3A_2850, %or3A_2857 : vector<16xi32>
    %add3A_2859 = arith.addi %add3A_2850, %xor3A_2858 : vector<16xi32>
    %shift_left3A_2860 = arith.constant 16 : i32
    %shift_left3A_2861 = vector.broadcast %shift_left3A_2860 : i32 to vector<16xi32>
    %shift_left3A_2862 = arith.shli %xor3A_2858, %shift_left3A_2861 : vector<16xi32>
    %shift_right_logical3A_2863 = arith.constant 16 : i32
    %shift_right_logical3A_2864 = vector.broadcast %shift_right_logical3A_2863 : i32 to vector<16xi32>
    %shift_right_logical3A_2865 = arith.shrui %xor3A_2858, %shift_right_logical3A_2864 : vector<16xi32>
    %or3A_2866 = arith.ori %shift_left3A_2862, %shift_right_logical3A_2865 : vector<16xi32>
    %xor3A_2867 = arith.xori %add3A_2859, %or3A_2866 : vector<16xi32>
    %add3A_2868 = arith.addi %add3A_2859, %xor3A_2867 : vector<16xi32>
    %shift_left3A_2869 = arith.constant 24 : i32
    %shift_left3A_2870 = vector.broadcast %shift_left3A_2869 : i32 to vector<16xi32>
    %shift_left3A_2871 = arith.shli %xor3A_2867, %shift_left3A_2870 : vector<16xi32>
    %shift_right_logical3A_2872 = arith.constant 8 : i32
    %shift_right_logical3A_2873 = vector.broadcast %shift_right_logical3A_2872 : i32 to vector<16xi32>
    %shift_right_logical3A_2874 = arith.shrui %xor3A_2867, %shift_right_logical3A_2873 : vector<16xi32>
    %or3A_2875 = arith.ori %shift_left3A_2871, %shift_right_logical3A_2874 : vector<16xi32>
    %xor3A_2876 = arith.xori %add3A_2868, %or3A_2875 : vector<16xi32>
    %add3A_2877 = arith.constant 899080142 : i32
    %add3A_2878 = vector.broadcast %add3A_2877 : i32 to vector<16xi32>
    %add3A_2879 = arith.addi %add3A_2868, %add3A_2878 : vector<16xi32>
    %add3A_2880 = arith.constant 1273600538 : i32
    %add3A_2881 = vector.broadcast %add3A_2880 : i32 to vector<16xi32>
    %add3A_2882 = arith.addi %xor3A_2876, %add3A_2881 : vector<16xi32>
    %add3A_2883 = arith.constant 4 : i32
    %add3A_2884 = vector.broadcast %add3A_2883 : i32 to vector<16xi32>
    %add3A_2885 = arith.addi %add3A_2882, %add3A_2884 : vector<16xi32>
    %add3A_2886 = arith.addi %add3A_2879, %add3A_2885 : vector<16xi32>
    %shift_left3A_2887 = arith.constant 13 : i32
    %shift_left3A_2888 = vector.broadcast %shift_left3A_2887 : i32 to vector<16xi32>
    %shift_left3A_2889 = arith.shli %add3A_2885, %shift_left3A_2888 : vector<16xi32>
    %shift_right_logical3A_2890 = arith.constant 19 : i32
    %shift_right_logical3A_2891 = vector.broadcast %shift_right_logical3A_2890 : i32 to vector<16xi32>
    %shift_right_logical3A_2892 = arith.shrui %add3A_2885, %shift_right_logical3A_2891 : vector<16xi32>
    %or3A_2893 = arith.ori %shift_left3A_2889, %shift_right_logical3A_2892 : vector<16xi32>
    %xor3A_2894 = arith.xori %add3A_2886, %or3A_2893 : vector<16xi32>
    %add3A_2895 = arith.addi %add3A_2886, %xor3A_2894 : vector<16xi32>
    %shift_left3A_2896 = arith.constant 15 : i32
    %shift_left3A_2897 = vector.broadcast %shift_left3A_2896 : i32 to vector<16xi32>
    %shift_left3A_2898 = arith.shli %xor3A_2894, %shift_left3A_2897 : vector<16xi32>
    %shift_right_logical3A_2899 = arith.constant 17 : i32
    %shift_right_logical3A_2900 = vector.broadcast %shift_right_logical3A_2899 : i32 to vector<16xi32>
    %shift_right_logical3A_2901 = arith.shrui %xor3A_2894, %shift_right_logical3A_2900 : vector<16xi32>
    %or3A_2902 = arith.ori %shift_left3A_2898, %shift_right_logical3A_2901 : vector<16xi32>
    %xor3A_2903 = arith.xori %add3A_2895, %or3A_2902 : vector<16xi32>
    %add3A_2904 = arith.addi %add3A_2895, %xor3A_2903 : vector<16xi32>
    %shift_left3A_2905 = arith.constant 26 : i32
    %shift_left3A_2906 = vector.broadcast %shift_left3A_2905 : i32 to vector<16xi32>
    %shift_left3A_2907 = arith.shli %xor3A_2903, %shift_left3A_2906 : vector<16xi32>
    %shift_right_logical3A_2908 = arith.constant 6 : i32
    %shift_right_logical3A_2909 = vector.broadcast %shift_right_logical3A_2908 : i32 to vector<16xi32>
    %shift_right_logical3A_2910 = arith.shrui %xor3A_2903, %shift_right_logical3A_2909 : vector<16xi32>
    %or3A_2911 = arith.ori %shift_left3A_2907, %shift_right_logical3A_2910 : vector<16xi32>
    %xor3A_2912 = arith.xori %add3A_2904, %or3A_2911 : vector<16xi32>
    %add3A_2913 = arith.addi %add3A_2904, %xor3A_2912 : vector<16xi32>
    %shift_left3A_2914 = arith.constant 6 : i32
    %shift_left3A_2915 = vector.broadcast %shift_left3A_2914 : i32 to vector<16xi32>
    %shift_left3A_2916 = arith.shli %xor3A_2912, %shift_left3A_2915 : vector<16xi32>
    %shift_right_logical3A_2917 = arith.constant 26 : i32
    %shift_right_logical3A_2918 = vector.broadcast %shift_right_logical3A_2917 : i32 to vector<16xi32>
    %shift_right_logical3A_2919 = arith.shrui %xor3A_2912, %shift_right_logical3A_2918 : vector<16xi32>
    %or3A_2920 = arith.ori %shift_left3A_2916, %shift_right_logical3A_2919 : vector<16xi32>
    %xor3A_2921 = arith.xori %add3A_2913, %or3A_2920 : vector<16xi32>
    %add3A_2922 = arith.constant 1273600538 : i32
    %add3A_2923 = vector.broadcast %add3A_2922 : i32 to vector<16xi32>
    %add3A_2924 = arith.addi %add3A_2913, %add3A_2923 : vector<16xi32>
    %add3A_2925 = arith.constant 1705926158 : i32
    %add3A_2926 = vector.broadcast %add3A_2925 : i32 to vector<16xi32>
    %add3A_2927 = arith.addi %xor3A_2921, %add3A_2926 : vector<16xi32>
    %add3A_2928 = arith.constant 5 : i32
    %add3A_2929 = vector.broadcast %add3A_2928 : i32 to vector<16xi32>
    %add3A_2930 = arith.addi %add3A_2927, %add3A_2929 : vector<16xi32>
    %xor3A_2931 = arith.xori %add3A_2924, %add3A_2930 : vector<16xi32>
    %and3A_2932 = arith.constant 1023 : i32
    %and3A_2933 = vector.broadcast %and3A_2932 : i32 to vector<16xi32>
    %and3A_2934 = arith.andi %xor3A_2931, %and3A_2933 : vector<16xi32>
    %gather3A_2935 = tpu.vector_load_idx %arg5[%and3A_2934] : memref<1024xf32, #tpu.memory_space<vmem>>[vector<16xi32>], vector<16xf32>,
    %swap3A_2936 = arith.constant 176 : index
    %swap3A_2937 = tpu.vector_load %arg6[%swap3A_2936] {strides = array<i32>} : memref<256xf32, #tpu.memory_space<vmem>>, vector<16xf32>,
    tpu.vector_store %arg6[%swap3A_2936], %gather3A_2935 {strides = array<i32>} : memref<256xf32, #tpu.memory_space<vmem>>, vector<16xf32>,
    %add3A_2938 = arith.constant 192 : i32
    %add3A_2939 = vector.broadcast %add3A_2938 : i32 to vector<16xi32>
    %add3A_2940 = arith.addi %iota3A, %add3A_2939 : vector<16xi32>
    %add3A_2941 = vector.broadcast %add3A_35 : i32 to vector<16xi32>
    %add3A_2942 = arith.addi %add3A_2940, %add3A_2941 : vector<16xi32>
    %broadcast_in_dim3A_2943 = arith.constant 1705926158 : i32
    %broadcast_in_dim3A_2944 = vector.broadcast %broadcast_in_dim3A_2943 : i32 to vector<16xi32>
    %add3A_2945 = arith.constant 899080142 : i32
    %add3A_2946 = vector.broadcast %add3A_2945 : i32 to vector<16xi32>
    %add3A_2947 = arith.addi %add3A_2942, %add3A_2946 : vector<16xi32>
    %add3A_2948 = arith.addi %broadcast_in_dim3A_2944, %add3A_2947 : vector<16xi32>
    %shift_left3A_2949 = arith.constant 13 : i32
    %shift_left3A_2950 = vector.broadcast %shift_left3A_2949 : i32 to vector<16xi32>
    %shift_left3A_2951 = arith.shli %add3A_2947, %shift_left3A_2950 : vector<16xi32>
    %shift_right_logical3A_2952 = arith.constant 19 : i32
    %shift_right_logical3A_2953 = vector.broadcast %shift_right_logical3A_2952 : i32 to vector<16xi32>
    %shift_right_logical3A_2954 = arith.shrui %add3A_2947, %shift_right_logical3A_2953 : vector<16xi32>
    %or3A_2955 = arith.ori %shift_left3A_2951, %shift_right_logical3A_2954 : vector<16xi32>
    %xor3A_2956 = arith.xori %add3A_2948, %or3A_2955 : vector<16xi32>
    %add3A_2957 = arith.addi %add3A_2948, %xor3A_2956 : vector<16xi32>
    %shift_left3A_2958 = arith.constant 15 : i32
    %shift_left3A_2959 = vector.broadcast %shift_left3A_2958 : i32 to vector<16xi32>
    %shift_left3A_2960 = arith.shli %xor3A_2956, %shift_left3A_2959 : vector<16xi32>
    %shift_right_logical3A_2961 = arith.constant 17 : i32
    %shift_right_logical3A_2962 = vector.broadcast %shift_right_logical3A_2961 : i32 to vector<16xi32>
    %shift_right_logical3A_2963 = arith.shrui %xor3A_2956, %shift_right_logical3A_2962 : vector<16xi32>
    %or3A_2964 = arith.ori %shift_left3A_2960, %shift_right_logical3A_2963 : vector<16xi32>
    %xor3A_2965 = arith.xori %add3A_2957, %or3A_2964 : vector<16xi32>
    %add3A_2966 = arith.addi %add3A_2957, %xor3A_2965 : vector<16xi32>
    %shift_left3A_2967 = arith.constant 26 : i32
    %shift_left3A_2968 = vector.broadcast %shift_left3A_2967 : i32 to vector<16xi32>
    %shift_left3A_2969 = arith.shli %xor3A_2965, %shift_left3A_2968 : vector<16xi32>
    %shift_right_logical3A_2970 = arith.constant 6 : i32
    %shift_right_logical3A_2971 = vector.broadcast %shift_right_logical3A_2970 : i32 to vector<16xi32>
    %shift_right_logical3A_2972 = arith.shrui %xor3A_2965, %shift_right_logical3A_2971 : vector<16xi32>
    %or3A_2973 = arith.ori %shift_left3A_2969, %shift_right_logical3A_2972 : vector<16xi32>
    %xor3A_2974 = arith.xori %add3A_2966, %or3A_2973 : vector<16xi32>
    %add3A_2975 = arith.addi %add3A_2966, %xor3A_2974 : vector<16xi32>
    %shift_left3A_2976 = arith.constant 6 : i32
    %shift_left3A_2977 = vector.broadcast %shift_left3A_2976 : i32 to vector<16xi32>
    %shift_left3A_2978 = arith.shli %xor3A_2974, %shift_left3A_2977 : vector<16xi32>
    %shift_right_logical3A_2979 = arith.constant 26 : i32
    %shift_right_logical3A_2980 = vector.broadcast %shift_right_logical3A_2979 : i32 to vector<16xi32>
    %shift_right_logical3A_2981 = arith.shrui %xor3A_2974, %shift_right_logical3A_2980 : vector<16xi32>
    %or3A_2982 = arith.ori %shift_left3A_2978, %shift_right_logical3A_2981 : vector<16xi32>
    %xor3A_2983 = arith.xori %add3A_2975, %or3A_2982 : vector<16xi32>
    %add3A_2984 = arith.constant 899080142 : i32
    %add3A_2985 = vector.broadcast %add3A_2984 : i32 to vector<16xi32>
    %add3A_2986 = arith.addi %add3A_2975, %add3A_2985 : vector<16xi32>
    %add3A_2987 = arith.constant 1273600538 : i32
    %add3A_2988 = vector.broadcast %add3A_2987 : i32 to vector<16xi32>
    %add3A_2989 = arith.addi %xor3A_2983, %add3A_2988 : vector<16xi32>
    %add3A_2990 = arith.constant 1 : i32
    %add3A_2991 = vector.broadcast %add3A_2990 : i32 to vector<16xi32>
    %add3A_2992 = arith.addi %add3A_2989, %add3A_2991 : vector<16xi32>
    %add3A_2993 = arith.addi %add3A_2986, %add3A_2992 : vector<16xi32>
    %shift_left3A_2994 = arith.constant 17 : i32
    %shift_left3A_2995 = vector.broadcast %shift_left3A_2994 : i32 to vector<16xi32>
    %shift_left3A_2996 = arith.shli %add3A_2992, %shift_left3A_2995 : vector<16xi32>
    %shift_right_logical3A_2997 = arith.constant 15 : i32
    %shift_right_logical3A_2998 = vector.broadcast %shift_right_logical3A_2997 : i32 to vector<16xi32>
    %shift_right_logical3A_2999 = arith.shrui %add3A_2992, %shift_right_logical3A_2998 : vector<16xi32>
    %or3A_3000 = arith.ori %shift_left3A_2996, %shift_right_logical3A_2999 : vector<16xi32>
    %xor3A_3001 = arith.xori %add3A_2993, %or3A_3000 : vector<16xi32>
    %add3A_3002 = arith.addi %add3A_2993, %xor3A_3001 : vector<16xi32>
    %shift_left3A_3003 = arith.constant 29 : i32
    %shift_left3A_3004 = vector.broadcast %shift_left3A_3003 : i32 to vector<16xi32>
    %shift_left3A_3005 = arith.shli %xor3A_3001, %shift_left3A_3004 : vector<16xi32>
    %shift_right_logical3A_3006 = arith.constant 3 : i32
    %shift_right_logical3A_3007 = vector.broadcast %shift_right_logical3A_3006 : i32 to vector<16xi32>
    %shift_right_logical3A_3008 = arith.shrui %xor3A_3001, %shift_right_logical3A_3007 : vector<16xi32>
    %or3A_3009 = arith.ori %shift_left3A_3005, %shift_right_logical3A_3008 : vector<16xi32>
    %xor3A_3010 = arith.xori %add3A_3002, %or3A_3009 : vector<16xi32>
    %add3A_3011 = arith.addi %add3A_3002, %xor3A_3010 : vector<16xi32>
    %shift_left3A_3012 = arith.constant 16 : i32
    %shift_left3A_3013 = vector.broadcast %shift_left3A_3012 : i32 to vector<16xi32>
    %shift_left3A_3014 = arith.shli %xor3A_3010, %shift_left3A_3013 : vector<16xi32>
    %shift_right_logical3A_3015 = arith.constant 16 : i32
    %shift_right_logical3A_3016 = vector.broadcast %shift_right_logical3A_3015 : i32 to vector<16xi32>
    %shift_right_logical3A_3017 = arith.shrui %xor3A_3010, %shift_right_logical3A_3016 : vector<16xi32>
    %or3A_3018 = arith.ori %shift_left3A_3014, %shift_right_logical3A_3017 : vector<16xi32>
    %xor3A_3019 = arith.xori %add3A_3011, %or3A_3018 : vector<16xi32>
    %add3A_3020 = arith.addi %add3A_3011, %xor3A_3019 : vector<16xi32>
    %shift_left3A_3021 = arith.constant 24 : i32
    %shift_left3A_3022 = vector.broadcast %shift_left3A_3021 : i32 to vector<16xi32>
    %shift_left3A_3023 = arith.shli %xor3A_3019, %shift_left3A_3022 : vector<16xi32>
    %shift_right_logical3A_3024 = arith.constant 8 : i32
    %shift_right_logical3A_3025 = vector.broadcast %shift_right_logical3A_3024 : i32 to vector<16xi32>
    %shift_right_logical3A_3026 = arith.shrui %xor3A_3019, %shift_right_logical3A_3025 : vector<16xi32>
    %or3A_3027 = arith.ori %shift_left3A_3023, %shift_right_logical3A_3026 : vector<16xi32>
    %xor3A_3028 = arith.xori %add3A_3020, %or3A_3027 : vector<16xi32>
    %add3A_3029 = arith.constant 1273600538 : i32
    %add3A_3030 = vector.broadcast %add3A_3029 : i32 to vector<16xi32>
    %add3A_3031 = arith.addi %add3A_3020, %add3A_3030 : vector<16xi32>
    %add3A_3032 = arith.constant 1705926158 : i32
    %add3A_3033 = vector.broadcast %add3A_3032 : i32 to vector<16xi32>
    %add3A_3034 = arith.addi %xor3A_3028, %add3A_3033 : vector<16xi32>
    %add3A_3035 = arith.constant 2 : i32
    %add3A_3036 = vector.broadcast %add3A_3035 : i32 to vector<16xi32>
    %add3A_3037 = arith.addi %add3A_3034, %add3A_3036 : vector<16xi32>
    %add3A_3038 = arith.addi %add3A_3031, %add3A_3037 : vector<16xi32>
    %shift_left3A_3039 = arith.constant 13 : i32
    %shift_left3A_3040 = vector.broadcast %shift_left3A_3039 : i32 to vector<16xi32>
    %shift_left3A_3041 = arith.shli %add3A_3037, %shift_left3A_3040 : vector<16xi32>
    %shift_right_logical3A_3042 = arith.constant 19 : i32
    %shift_right_logical3A_3043 = vector.broadcast %shift_right_logical3A_3042 : i32 to vector<16xi32>
    %shift_right_logical3A_3044 = arith.shrui %add3A_3037, %shift_right_logical3A_3043 : vector<16xi32>
    %or3A_3045 = arith.ori %shift_left3A_3041, %shift_right_logical3A_3044 : vector<16xi32>
    %xor3A_3046 = arith.xori %add3A_3038, %or3A_3045 : vector<16xi32>
    %add3A_3047 = arith.addi %add3A_3038, %xor3A_3046 : vector<16xi32>
    %shift_left3A_3048 = arith.constant 15 : i32
    %shift_left3A_3049 = vector.broadcast %shift_left3A_3048 : i32 to vector<16xi32>
    %shift_left3A_3050 = arith.shli %xor3A_3046, %shift_left3A_3049 : vector<16xi32>
    %shift_right_logical3A_3051 = arith.constant 17 : i32
    %shift_right_logical3A_3052 = vector.broadcast %shift_right_logical3A_3051 : i32 to vector<16xi32>
    %shift_right_logical3A_3053 = arith.shrui %xor3A_3046, %shift_right_logical3A_3052 : vector<16xi32>
    %or3A_3054 = arith.ori %shift_left3A_3050, %shift_right_logical3A_3053 : vector<16xi32>
    %xor3A_3055 = arith.xori %add3A_3047, %or3A_3054 : vector<16xi32>
    %add3A_3056 = arith.addi %add3A_3047, %xor3A_3055 : vector<16xi32>
    %shift_left3A_3057 = arith.constant 26 : i32
    %shift_left3A_3058 = vector.broadcast %shift_left3A_3057 : i32 to vector<16xi32>
    %shift_left3A_3059 = arith.shli %xor3A_3055, %shift_left3A_3058 : vector<16xi32>
    %shift_right_logical3A_3060 = arith.constant 6 : i32
    %shift_right_logical3A_3061 = vector.broadcast %shift_right_logical3A_3060 : i32 to vector<16xi32>
    %shift_right_logical3A_3062 = arith.shrui %xor3A_3055, %shift_right_logical3A_3061 : vector<16xi32>
    %or3A_3063 = arith.ori %shift_left3A_3059, %shift_right_logical3A_3062 : vector<16xi32>
    %xor3A_3064 = arith.xori %add3A_3056, %or3A_3063 : vector<16xi32>
    %add3A_3065 = arith.addi %add3A_3056, %xor3A_3064 : vector<16xi32>
    %shift_left3A_3066 = arith.constant 6 : i32
    %shift_left3A_3067 = vector.broadcast %shift_left3A_3066 : i32 to vector<16xi32>
    %shift_left3A_3068 = arith.shli %xor3A_3064, %shift_left3A_3067 : vector<16xi32>
    %shift_right_logical3A_3069 = arith.constant 26 : i32
    %shift_right_logical3A_3070 = vector.broadcast %shift_right_logical3A_3069 : i32 to vector<16xi32>
    %shift_right_logical3A_3071 = arith.shrui %xor3A_3064, %shift_right_logical3A_3070 : vector<16xi32>
    %or3A_3072 = arith.ori %shift_left3A_3068, %shift_right_logical3A_3071 : vector<16xi32>
    %xor3A_3073 = arith.xori %add3A_3065, %or3A_3072 : vector<16xi32>
    %add3A_3074 = arith.constant 1705926158 : i32
    %add3A_3075 = vector.broadcast %add3A_3074 : i32 to vector<16xi32>
    %add3A_3076 = arith.addi %add3A_3065, %add3A_3075 : vector<16xi32>
    %add3A_3077 = arith.constant 899080142 : i32
    %add3A_3078 = vector.broadcast %add3A_3077 : i32 to vector<16xi32>
    %add3A_3079 = arith.addi %xor3A_3073, %add3A_3078 : vector<16xi32>
    %add3A_3080 = arith.constant 3 : i32
    %add3A_3081 = vector.broadcast %add3A_3080 : i32 to vector<16xi32>
    %add3A_3082 = arith.addi %add3A_3079, %add3A_3081 : vector<16xi32>
    %add3A_3083 = arith.addi %add3A_3076, %add3A_3082 : vector<16xi32>
    %shift_left3A_3084 = arith.constant 17 : i32
    %shift_left3A_3085 = vector.broadcast %shift_left3A_3084 : i32 to vector<16xi32>
    %shift_left3A_3086 = arith.shli %add3A_3082, %shift_left3A_3085 : vector<16xi32>
    %shift_right_logical3A_3087 = arith.constant 15 : i32
    %shift_right_logical3A_3088 = vector.broadcast %shift_right_logical3A_3087 : i32 to vector<16xi32>
    %shift_right_logical3A_3089 = arith.shrui %add3A_3082, %shift_right_logical3A_3088 : vector<16xi32>
    %or3A_3090 = arith.ori %shift_left3A_3086, %shift_right_logical3A_3089 : vector<16xi32>
    %xor3A_3091 = arith.xori %add3A_3083, %or3A_3090 : vector<16xi32>
    %add3A_3092 = arith.addi %add3A_3083, %xor3A_3091 : vector<16xi32>
    %shift_left3A_3093 = arith.constant 29 : i32
    %shift_left3A_3094 = vector.broadcast %shift_left3A_3093 : i32 to vector<16xi32>
    %shift_left3A_3095 = arith.shli %xor3A_3091, %shift_left3A_3094 : vector<16xi32>
    %shift_right_logical3A_3096 = arith.constant 3 : i32
    %shift_right_logical3A_3097 = vector.broadcast %shift_right_logical3A_3096 : i32 to vector<16xi32>
    %shift_right_logical3A_3098 = arith.shrui %xor3A_3091, %shift_right_logical3A_3097 : vector<16xi32>
    %or3A_3099 = arith.ori %shift_left3A_3095, %shift_right_logical3A_3098 : vector<16xi32>
    %xor3A_3100 = arith.xori %add3A_3092, %or3A_3099 : vector<16xi32>
    %add3A_3101 = arith.addi %add3A_3092, %xor3A_3100 : vector<16xi32>
    %shift_left3A_3102 = arith.constant 16 : i32
    %shift_left3A_3103 = vector.broadcast %shift_left3A_3102 : i32 to vector<16xi32>
    %shift_left3A_3104 = arith.shli %xor3A_3100, %shift_left3A_3103 : vector<16xi32>
    %shift_right_logical3A_3105 = arith.constant 16 : i32
    %shift_right_logical3A_3106 = vector.broadcast %shift_right_logical3A_3105 : i32 to vector<16xi32>
    %shift_right_logical3A_3107 = arith.shrui %xor3A_3100, %shift_right_logical3A_3106 : vector<16xi32>
    %or3A_3108 = arith.ori %shift_left3A_3104, %shift_right_logical3A_3107 : vector<16xi32>
    %xor3A_3109 = arith.xori %add3A_3101, %or3A_3108 : vector<16xi32>
    %add3A_3110 = arith.addi %add3A_3101, %xor3A_3109 : vector<16xi32>
    %shift_left3A_3111 = arith.constant 24 : i32
    %shift_left3A_3112 = vector.broadcast %shift_left3A_3111 : i32 to vector<16xi32>
    %shift_left3A_3113 = arith.shli %xor3A_3109, %shift_left3A_3112 : vector<16xi32>
    %shift_right_logical3A_3114 = arith.constant 8 : i32
    %shift_right_logical3A_3115 = vector.broadcast %shift_right_logical3A_3114 : i32 to vector<16xi32>
    %shift_right_logical3A_3116 = arith.shrui %xor3A_3109, %shift_right_logical3A_3115 : vector<16xi32>
    %or3A_3117 = arith.ori %shift_left3A_3113, %shift_right_logical3A_3116 : vector<16xi32>
    %xor3A_3118 = arith.xori %add3A_3110, %or3A_3117 : vector<16xi32>
    %add3A_3119 = arith.constant 899080142 : i32
    %add3A_3120 = vector.broadcast %add3A_3119 : i32 to vector<16xi32>
    %add3A_3121 = arith.addi %add3A_3110, %add3A_3120 : vector<16xi32>
    %add3A_3122 = arith.constant 1273600538 : i32
    %add3A_3123 = vector.broadcast %add3A_3122 : i32 to vector<16xi32>
    %add3A_3124 = arith.addi %xor3A_3118, %add3A_3123 : vector<16xi32>
    %add3A_3125 = arith.constant 4 : i32
    %add3A_3126 = vector.broadcast %add3A_3125 : i32 to vector<16xi32>
    %add3A_3127 = arith.addi %add3A_3124, %add3A_3126 : vector<16xi32>
    %add3A_3128 = arith.addi %add3A_3121, %add3A_3127 : vector<16xi32>
    %shift_left3A_3129 = arith.constant 13 : i32
    %shift_left3A_3130 = vector.broadcast %shift_left3A_3129 : i32 to vector<16xi32>
    %shift_left3A_3131 = arith.shli %add3A_3127, %shift_left3A_3130 : vector<16xi32>
    %shift_right_logical3A_3132 = arith.constant 19 : i32
    %shift_right_logical3A_3133 = vector.broadcast %shift_right_logical3A_3132 : i32 to vector<16xi32>
    %shift_right_logical3A_3134 = arith.shrui %add3A_3127, %shift_right_logical3A_3133 : vector<16xi32>
    %or3A_3135 = arith.ori %shift_left3A_3131, %shift_right_logical3A_3134 : vector<16xi32>
    %xor3A_3136 = arith.xori %add3A_3128, %or3A_3135 : vector<16xi32>
    %add3A_3137 = arith.addi %add3A_3128, %xor3A_3136 : vector<16xi32>
    %shift_left3A_3138 = arith.constant 15 : i32
    %shift_left3A_3139 = vector.broadcast %shift_left3A_3138 : i32 to vector<16xi32>
    %shift_left3A_3140 = arith.shli %xor3A_3136, %shift_left3A_3139 : vector<16xi32>
    %shift_right_logical3A_3141 = arith.constant 17 : i32
    %shift_right_logical3A_3142 = vector.broadcast %shift_right_logical3A_3141 : i32 to vector<16xi32>
    %shift_right_logical3A_3143 = arith.shrui %xor3A_3136, %shift_right_logical3A_3142 : vector<16xi32>
    %or3A_3144 = arith.ori %shift_left3A_3140, %shift_right_logical3A_3143 : vector<16xi32>
    %xor3A_3145 = arith.xori %add3A_3137, %or3A_3144 : vector<16xi32>
    %add3A_3146 = arith.addi %add3A_3137, %xor3A_3145 : vector<16xi32>
    %shift_left3A_3147 = arith.constant 26 : i32
    %shift_left3A_3148 = vector.broadcast %shift_left3A_3147 : i32 to vector<16xi32>
    %shift_left3A_3149 = arith.shli %xor3A_3145, %shift_left3A_3148 : vector<16xi32>
    %shift_right_logical3A_3150 = arith.constant 6 : i32
    %shift_right_logical3A_3151 = vector.broadcast %shift_right_logical3A_3150 : i32 to vector<16xi32>
    %shift_right_logical3A_3152 = arith.shrui %xor3A_3145, %shift_right_logical3A_3151 : vector<16xi32>
    %or3A_3153 = arith.ori %shift_left3A_3149, %shift_right_logical3A_3152 : vector<16xi32>
    %xor3A_3154 = arith.xori %add3A_3146, %or3A_3153 : vector<16xi32>
    %add3A_3155 = arith.addi %add3A_3146, %xor3A_3154 : vector<16xi32>
    %shift_left3A_3156 = arith.constant 6 : i32
    %shift_left3A_3157 = vector.broadcast %shift_left3A_3156 : i32 to vector<16xi32>
    %shift_left3A_3158 = arith.shli %xor3A_3154, %shift_left3A_3157 : vector<16xi32>
    %shift_right_logical3A_3159 = arith.constant 26 : i32
    %shift_right_logical3A_3160 = vector.broadcast %shift_right_logical3A_3159 : i32 to vector<16xi32>
    %shift_right_logical3A_3161 = arith.shrui %xor3A_3154, %shift_right_logical3A_3160 : vector<16xi32>
    %or3A_3162 = arith.ori %shift_left3A_3158, %shift_right_logical3A_3161 : vector<16xi32>
    %xor3A_3163 = arith.xori %add3A_3155, %or3A_3162 : vector<16xi32>
    %add3A_3164 = arith.constant 1273600538 : i32
    %add3A_3165 = vector.broadcast %add3A_3164 : i32 to vector<16xi32>
    %add3A_3166 = arith.addi %add3A_3155, %add3A_3165 : vector<16xi32>
    %add3A_3167 = arith.constant 1705926158 : i32
    %add3A_3168 = vector.broadcast %add3A_3167 : i32 to vector<16xi32>
    %add3A_3169 = arith.addi %xor3A_3163, %add3A_3168 : vector<16xi32>
    %add3A_3170 = arith.constant 5 : i32
    %add3A_3171 = vector.broadcast %add3A_3170 : i32 to vector<16xi32>
    %add3A_3172 = arith.addi %add3A_3169, %add3A_3171 : vector<16xi32>
    %xor3A_3173 = arith.xori %add3A_3166, %add3A_3172 : vector<16xi32>
    %and3A_3174 = arith.constant 1023 : i32
    %and3A_3175 = vector.broadcast %and3A_3174 : i32 to vector<16xi32>
    %and3A_3176 = arith.andi %xor3A_3173, %and3A_3175 : vector<16xi32>
    %gather3A_3177 = tpu.vector_load_idx %arg5[%and3A_3176] : memref<1024xf32, #tpu.memory_space<vmem>>[vector<16xi32>], vector<16xf32>,
    %swap3A_3178 = arith.constant 192 : index
    %swap3A_3179 = tpu.vector_load %arg6[%swap3A_3178] {strides = array<i32>} : memref<256xf32, #tpu.memory_space<vmem>>, vector<16xf32>,
    tpu.vector_store %arg6[%swap3A_3178], %gather3A_3177 {strides = array<i32>} : memref<256xf32, #tpu.memory_space<vmem>>, vector<16xf32>,
    %add3A_3180 = arith.constant 208 : i32
    %add3A_3181 = vector.broadcast %add3A_3180 : i32 to vector<16xi32>
    %add3A_3182 = arith.addi %iota3A, %add3A_3181 : vector<16xi32>
    %add3A_3183 = vector.broadcast %add3A_35 : i32 to vector<16xi32>
    %add3A_3184 = arith.addi %add3A_3182, %add3A_3183 : vector<16xi32>
    %broadcast_in_dim3A_3185 = arith.constant 1705926158 : i32
    %broadcast_in_dim3A_3186 = vector.broadcast %broadcast_in_dim3A_3185 : i32 to vector<16xi32>
    %add3A_3187 = arith.constant 899080142 : i32
    %add3A_3188 = vector.broadcast %add3A_3187 : i32 to vector<16xi32>
    %add3A_3189 = arith.addi %add3A_3184, %add3A_3188 : vector<16xi32>
    %add3A_3190 = arith.addi %broadcast_in_dim3A_3186, %add3A_3189 : vector<16xi32>
    %shift_left3A_3191 = arith.constant 13 : i32
    %shift_left3A_3192 = vector.broadcast %shift_left3A_3191 : i32 to vector<16xi32>
    %shift_left3A_3193 = arith.shli %add3A_3189, %shift_left3A_3192 : vector<16xi32>
    %shift_right_logical3A_3194 = arith.constant 19 : i32
    %shift_right_logical3A_3195 = vector.broadcast %shift_right_logical3A_3194 : i32 to vector<16xi32>
    %shift_right_logical3A_3196 = arith.shrui %add3A_3189, %shift_right_logical3A_3195 : vector<16xi32>
    %or3A_3197 = arith.ori %shift_left3A_3193, %shift_right_logical3A_3196 : vector<16xi32>
    %xor3A_3198 = arith.xori %add3A_3190, %or3A_3197 : vector<16xi32>
    %add3A_3199 = arith.addi %add3A_3190, %xor3A_3198 : vector<16xi32>
    %shift_left3A_3200 = arith.constant 15 : i32
    %shift_left3A_3201 = vector.broadcast %shift_left3A_3200 : i32 to vector<16xi32>
    %shift_left3A_3202 = arith.shli %xor3A_3198, %shift_left3A_3201 : vector<16xi32>
    %shift_right_logical3A_3203 = arith.constant 17 : i32
    %shift_right_logical3A_3204 = vector.broadcast %shift_right_logical3A_3203 : i32 to vector<16xi32>
    %shift_right_logical3A_3205 = arith.shrui %xor3A_3198, %shift_right_logical3A_3204 : vector<16xi32>
    %or3A_3206 = arith.ori %shift_left3A_3202, %shift_right_logical3A_3205 : vector<16xi32>
    %xor3A_3207 = arith.xori %add3A_3199, %or3A_3206 : vector<16xi32>
    %add3A_3208 = arith.addi %add3A_3199, %xor3A_3207 : vector<16xi32>
    %shift_left3A_3209 = arith.constant 26 : i32
    %shift_left3A_3210 = vector.broadcast %shift_left3A_3209 : i32 to vector<16xi32>
    %shift_left3A_3211 = arith.shli %xor3A_3207, %shift_left3A_3210 : vector<16xi32>
    %shift_right_logical3A_3212 = arith.constant 6 : i32
    %shift_right_logical3A_3213 = vector.broadcast %shift_right_logical3A_3212 : i32 to vector<16xi32>
    %shift_right_logical3A_3214 = arith.shrui %xor3A_3207, %shift_right_logical3A_3213 : vector<16xi32>
    %or3A_3215 = arith.ori %shift_left3A_3211, %shift_right_logical3A_3214 : vector<16xi32>
    %xor3A_3216 = arith.xori %add3A_3208, %or3A_3215 : vector<16xi32>
    %add3A_3217 = arith.addi %add3A_3208, %xor3A_3216 : vector<16xi32>
    %shift_left3A_3218 = arith.constant 6 : i32
    %shift_left3A_3219 = vector.broadcast %shift_left3A_3218 : i32 to vector<16xi32>
    %shift_left3A_3220 = arith.shli %xor3A_3216, %shift_left3A_3219 : vector<16xi32>
    %shift_right_logical3A_3221 = arith.constant 26 : i32
    %shift_right_logical3A_3222 = vector.broadcast %shift_right_logical3A_3221 : i32 to vector<16xi32>
    %shift_right_logical3A_3223 = arith.shrui %xor3A_3216, %shift_right_logical3A_3222 : vector<16xi32>
    %or3A_3224 = arith.ori %shift_left3A_3220, %shift_right_logical3A_3223 : vector<16xi32>
    %xor3A_3225 = arith.xori %add3A_3217, %or3A_3224 : vector<16xi32>
    %add3A_3226 = arith.constant 899080142 : i32
    %add3A_3227 = vector.broadcast %add3A_3226 : i32 to vector<16xi32>
    %add3A_3228 = arith.addi %add3A_3217, %add3A_3227 : vector<16xi32>
    %add3A_3229 = arith.constant 1273600538 : i32
    %add3A_3230 = vector.broadcast %add3A_3229 : i32 to vector<16xi32>
    %add3A_3231 = arith.addi %xor3A_3225, %add3A_3230 : vector<16xi32>
    %add3A_3232 = arith.constant 1 : i32
    %add3A_3233 = vector.broadcast %add3A_3232 : i32 to vector<16xi32>
    %add3A_3234 = arith.addi %add3A_3231, %add3A_3233 : vector<16xi32>
    %add3A_3235 = arith.addi %add3A_3228, %add3A_3234 : vector<16xi32>
    %shift_left3A_3236 = arith.constant 17 : i32
    %shift_left3A_3237 = vector.broadcast %shift_left3A_3236 : i32 to vector<16xi32>
    %shift_left3A_3238 = arith.shli %add3A_3234, %shift_left3A_3237 : vector<16xi32>
    %shift_right_logical3A_3239 = arith.constant 15 : i32
    %shift_right_logical3A_3240 = vector.broadcast %shift_right_logical3A_3239 : i32 to vector<16xi32>
    %shift_right_logical3A_3241 = arith.shrui %add3A_3234, %shift_right_logical3A_3240 : vector<16xi32>
    %or3A_3242 = arith.ori %shift_left3A_3238, %shift_right_logical3A_3241 : vector<16xi32>
    %xor3A_3243 = arith.xori %add3A_3235, %or3A_3242 : vector<16xi32>
    %add3A_3244 = arith.addi %add3A_3235, %xor3A_3243 : vector<16xi32>
    %shift_left3A_3245 = arith.constant 29 : i32
    %shift_left3A_3246 = vector.broadcast %shift_left3A_3245 : i32 to vector<16xi32>
    %shift_left3A_3247 = arith.shli %xor3A_3243, %shift_left3A_3246 : vector<16xi32>
    %shift_right_logical3A_3248 = arith.constant 3 : i32
    %shift_right_logical3A_3249 = vector.broadcast %shift_right_logical3A_3248 : i32 to vector<16xi32>
    %shift_right_logical3A_3250 = arith.shrui %xor3A_3243, %shift_right_logical3A_3249 : vector<16xi32>
    %or3A_3251 = arith.ori %shift_left3A_3247, %shift_right_logical3A_3250 : vector<16xi32>
    %xor3A_3252 = arith.xori %add3A_3244, %or3A_3251 : vector<16xi32>
    %add3A_3253 = arith.addi %add3A_3244, %xor3A_3252 : vector<16xi32>
    %shift_left3A_3254 = arith.constant 16 : i32
    %shift_left3A_3255 = vector.broadcast %shift_left3A_3254 : i32 to vector<16xi32>
    %shift_left3A_3256 = arith.shli %xor3A_3252, %shift_left3A_3255 : vector<16xi32>
    %shift_right_logical3A_3257 = arith.constant 16 : i32
    %shift_right_logical3A_3258 = vector.broadcast %shift_right_logical3A_3257 : i32 to vector<16xi32>
    %shift_right_logical3A_3259 = arith.shrui %xor3A_3252, %shift_right_logical3A_3258 : vector<16xi32>
    %or3A_3260 = arith.ori %shift_left3A_3256, %shift_right_logical3A_3259 : vector<16xi32>
    %xor3A_3261 = arith.xori %add3A_3253, %or3A_3260 : vector<16xi32>
    %add3A_3262 = arith.addi %add3A_3253, %xor3A_3261 : vector<16xi32>
    %shift_left3A_3263 = arith.constant 24 : i32
    %shift_left3A_3264 = vector.broadcast %shift_left3A_3263 : i32 to vector<16xi32>
    %shift_left3A_3265 = arith.shli %xor3A_3261, %shift_left3A_3264 : vector<16xi32>
    %shift_right_logical3A_3266 = arith.constant 8 : i32
    %shift_right_logical3A_3267 = vector.broadcast %shift_right_logical3A_3266 : i32 to vector<16xi32>
    %shift_right_logical3A_3268 = arith.shrui %xor3A_3261, %shift_right_logical3A_3267 : vector<16xi32>
    %or3A_3269 = arith.ori %shift_left3A_3265, %shift_right_logical3A_3268 : vector<16xi32>
    %xor3A_3270 = arith.xori %add3A_3262, %or3A_3269 : vector<16xi32>
    %add3A_3271 = arith.constant 1273600538 : i32
    %add3A_3272 = vector.broadcast %add3A_3271 : i32 to vector<16xi32>
    %add3A_3273 = arith.addi %add3A_3262, %add3A_3272 : vector<16xi32>
    %add3A_3274 = arith.constant 1705926158 : i32
    %add3A_3275 = vector.broadcast %add3A_3274 : i32 to vector<16xi32>
    %add3A_3276 = arith.addi %xor3A_3270, %add3A_3275 : vector<16xi32>
    %add3A_3277 = arith.constant 2 : i32
    %add3A_3278 = vector.broadcast %add3A_3277 : i32 to vector<16xi32>
    %add3A_3279 = arith.addi %add3A_3276, %add3A_3278 : vector<16xi32>
    %add3A_3280 = arith.addi %add3A_3273, %add3A_3279 : vector<16xi32>
    %shift_left3A_3281 = arith.constant 13 : i32
    %shift_left3A_3282 = vector.broadcast %shift_left3A_3281 : i32 to vector<16xi32>
    %shift_left3A_3283 = arith.shli %add3A_3279, %shift_left3A_3282 : vector<16xi32>
    %shift_right_logical3A_3284 = arith.constant 19 : i32
    %shift_right_logical3A_3285 = vector.broadcast %shift_right_logical3A_3284 : i32 to vector<16xi32>
    %shift_right_logical3A_3286 = arith.shrui %add3A_3279, %shift_right_logical3A_3285 : vector<16xi32>
    %or3A_3287 = arith.ori %shift_left3A_3283, %shift_right_logical3A_3286 : vector<16xi32>
    %xor3A_3288 = arith.xori %add3A_3280, %or3A_3287 : vector<16xi32>
    %add3A_3289 = arith.addi %add3A_3280, %xor3A_3288 : vector<16xi32>
    %shift_left3A_3290 = arith.constant 15 : i32
    %shift_left3A_3291 = vector.broadcast %shift_left3A_3290 : i32 to vector<16xi32>
    %shift_left3A_3292 = arith.shli %xor3A_3288, %shift_left3A_3291 : vector<16xi32>
    %shift_right_logical3A_3293 = arith.constant 17 : i32
    %shift_right_logical3A_3294 = vector.broadcast %shift_right_logical3A_3293 : i32 to vector<16xi32>
    %shift_right_logical3A_3295 = arith.shrui %xor3A_3288, %shift_right_logical3A_3294 : vector<16xi32>
    %or3A_3296 = arith.ori %shift_left3A_3292, %shift_right_logical3A_3295 : vector<16xi32>
    %xor3A_3297 = arith.xori %add3A_3289, %or3A_3296 : vector<16xi32>
    %add3A_3298 = arith.addi %add3A_3289, %xor3A_3297 : vector<16xi32>
    %shift_left3A_3299 = arith.constant 26 : i32
    %shift_left3A_3300 = vector.broadcast %shift_left3A_3299 : i32 to vector<16xi32>
    %shift_left3A_3301 = arith.shli %xor3A_3297, %shift_left3A_3300 : vector<16xi32>
    %shift_right_logical3A_3302 = arith.constant 6 : i32
    %shift_right_logical3A_3303 = vector.broadcast %shift_right_logical3A_3302 : i32 to vector<16xi32>
    %shift_right_logical3A_3304 = arith.shrui %xor3A_3297, %shift_right_logical3A_3303 : vector<16xi32>
    %or3A_3305 = arith.ori %shift_left3A_3301, %shift_right_logical3A_3304 : vector<16xi32>
    %xor3A_3306 = arith.xori %add3A_3298, %or3A_3305 : vector<16xi32>
    %add3A_3307 = arith.addi %add3A_3298, %xor3A_3306 : vector<16xi32>
    %shift_left3A_3308 = arith.constant 6 : i32
    %shift_left3A_3309 = vector.broadcast %shift_left3A_3308 : i32 to vector<16xi32>
    %shift_left3A_3310 = arith.shli %xor3A_3306, %shift_left3A_3309 : vector<16xi32>
    %shift_right_logical3A_3311 = arith.constant 26 : i32
    %shift_right_logical3A_3312 = vector.broadcast %shift_right_logical3A_3311 : i32 to vector<16xi32>
    %shift_right_logical3A_3313 = arith.shrui %xor3A_3306, %shift_right_logical3A_3312 : vector<16xi32>
    %or3A_3314 = arith.ori %shift_left3A_3310, %shift_right_logical3A_3313 : vector<16xi32>
    %xor3A_3315 = arith.xori %add3A_3307, %or3A_3314 : vector<16xi32>
    %add3A_3316 = arith.constant 1705926158 : i32
    %add3A_3317 = vector.broadcast %add3A_3316 : i32 to vector<16xi32>
    %add3A_3318 = arith.addi %add3A_3307, %add3A_3317 : vector<16xi32>
    %add3A_3319 = arith.constant 899080142 : i32
    %add3A_3320 = vector.broadcast %add3A_3319 : i32 to vector<16xi32>
    %add3A_3321 = arith.addi %xor3A_3315, %add3A_3320 : vector<16xi32>
    %add3A_3322 = arith.constant 3 : i32
    %add3A_3323 = vector.broadcast %add3A_3322 : i32 to vector<16xi32>
    %add3A_3324 = arith.addi %add3A_3321, %add3A_3323 : vector<16xi32>
    %add3A_3325 = arith.addi %add3A_3318, %add3A_3324 : vector<16xi32>
    %shift_left3A_3326 = arith.constant 17 : i32
    %shift_left3A_3327 = vector.broadcast %shift_left3A_3326 : i32 to vector<16xi32>
    %shift_left3A_3328 = arith.shli %add3A_3324, %shift_left3A_3327 : vector<16xi32>
    %shift_right_logical3A_3329 = arith.constant 15 : i32
    %shift_right_logical3A_3330 = vector.broadcast %shift_right_logical3A_3329 : i32 to vector<16xi32>
    %shift_right_logical3A_3331 = arith.shrui %add3A_3324, %shift_right_logical3A_3330 : vector<16xi32>
    %or3A_3332 = arith.ori %shift_left3A_3328, %shift_right_logical3A_3331 : vector<16xi32>
    %xor3A_3333 = arith.xori %add3A_3325, %or3A_3332 : vector<16xi32>
    %add3A_3334 = arith.addi %add3A_3325, %xor3A_3333 : vector<16xi32>
    %shift_left3A_3335 = arith.constant 29 : i32
    %shift_left3A_3336 = vector.broadcast %shift_left3A_3335 : i32 to vector<16xi32>
    %shift_left3A_3337 = arith.shli %xor3A_3333, %shift_left3A_3336 : vector<16xi32>
    %shift_right_logical3A_3338 = arith.constant 3 : i32
    %shift_right_logical3A_3339 = vector.broadcast %shift_right_logical3A_3338 : i32 to vector<16xi32>
    %shift_right_logical3A_3340 = arith.shrui %xor3A_3333, %shift_right_logical3A_3339 : vector<16xi32>
    %or3A_3341 = arith.ori %shift_left3A_3337, %shift_right_logical3A_3340 : vector<16xi32>
    %xor3A_3342 = arith.xori %add3A_3334, %or3A_3341 : vector<16xi32>
    %add3A_3343 = arith.addi %add3A_3334, %xor3A_3342 : vector<16xi32>
    %shift_left3A_3344 = arith.constant 16 : i32
    %shift_left3A_3345 = vector.broadcast %shift_left3A_3344 : i32 to vector<16xi32>
    %shift_left3A_3346 = arith.shli %xor3A_3342, %shift_left3A_3345 : vector<16xi32>
    %shift_right_logical3A_3347 = arith.constant 16 : i32
    %shift_right_logical3A_3348 = vector.broadcast %shift_right_logical3A_3347 : i32 to vector<16xi32>
    %shift_right_logical3A_3349 = arith.shrui %xor3A_3342, %shift_right_logical3A_3348 : vector<16xi32>
    %or3A_3350 = arith.ori %shift_left3A_3346, %shift_right_logical3A_3349 : vector<16xi32>
    %xor3A_3351 = arith.xori %add3A_3343, %or3A_3350 : vector<16xi32>
    %add3A_3352 = arith.addi %add3A_3343, %xor3A_3351 : vector<16xi32>
    %shift_left3A_3353 = arith.constant 24 : i32
    %shift_left3A_3354 = vector.broadcast %shift_left3A_3353 : i32 to vector<16xi32>
    %shift_left3A_3355 = arith.shli %xor3A_3351, %shift_left3A_3354 : vector<16xi32>
    %shift_right_logical3A_3356 = arith.constant 8 : i32
    %shift_right_logical3A_3357 = vector.broadcast %shift_right_logical3A_3356 : i32 to vector<16xi32>
    %shift_right_logical3A_3358 = arith.shrui %xor3A_3351, %shift_right_logical3A_3357 : vector<16xi32>
    %or3A_3359 = arith.ori %shift_left3A_3355, %shift_right_logical3A_3358 : vector<16xi32>
    %xor3A_3360 = arith.xori %add3A_3352, %or3A_3359 : vector<16xi32>
    %add3A_3361 = arith.constant 899080142 : i32
    %add3A_3362 = vector.broadcast %add3A_3361 : i32 to vector<16xi32>
    %add3A_3363 = arith.addi %add3A_3352, %add3A_3362 : vector<16xi32>
    %add3A_3364 = arith.constant 1273600538 : i32
    %add3A_3365 = vector.broadcast %add3A_3364 : i32 to vector<16xi32>
    %add3A_3366 = arith.addi %xor3A_3360, %add3A_3365 : vector<16xi32>
    %add3A_3367 = arith.constant 4 : i32
    %add3A_3368 = vector.broadcast %add3A_3367 : i32 to vector<16xi32>
    %add3A_3369 = arith.addi %add3A_3366, %add3A_3368 : vector<16xi32>
    %add3A_3370 = arith.addi %add3A_3363, %add3A_3369 : vector<16xi32>
    %shift_left3A_3371 = arith.constant 13 : i32
    %shift_left3A_3372 = vector.broadcast %shift_left3A_3371 : i32 to vector<16xi32>
    %shift_left3A_3373 = arith.shli %add3A_3369, %shift_left3A_3372 : vector<16xi32>
    %shift_right_logical3A_3374 = arith.constant 19 : i32
    %shift_right_logical3A_3375 = vector.broadcast %shift_right_logical3A_3374 : i32 to vector<16xi32>
    %shift_right_logical3A_3376 = arith.shrui %add3A_3369, %shift_right_logical3A_3375 : vector<16xi32>
    %or3A_3377 = arith.ori %shift_left3A_3373, %shift_right_logical3A_3376 : vector<16xi32>
    %xor3A_3378 = arith.xori %add3A_3370, %or3A_3377 : vector<16xi32>
    %add3A_3379 = arith.addi %add3A_3370, %xor3A_3378 : vector<16xi32>
    %shift_left3A_3380 = arith.constant 15 : i32
    %shift_left3A_3381 = vector.broadcast %shift_left3A_3380 : i32 to vector<16xi32>
    %shift_left3A_3382 = arith.shli %xor3A_3378, %shift_left3A_3381 : vector<16xi32>
    %shift_right_logical3A_3383 = arith.constant 17 : i32
    %shift_right_logical3A_3384 = vector.broadcast %shift_right_logical3A_3383 : i32 to vector<16xi32>
    %shift_right_logical3A_3385 = arith.shrui %xor3A_3378, %shift_right_logical3A_3384 : vector<16xi32>
    %or3A_3386 = arith.ori %shift_left3A_3382, %shift_right_logical3A_3385 : vector<16xi32>
    %xor3A_3387 = arith.xori %add3A_3379, %or3A_3386 : vector<16xi32>
    %add3A_3388 = arith.addi %add3A_3379, %xor3A_3387 : vector<16xi32>
    %shift_left3A_3389 = arith.constant 26 : i32
    %shift_left3A_3390 = vector.broadcast %shift_left3A_3389 : i32 to vector<16xi32>
    %shift_left3A_3391 = arith.shli %xor3A_3387, %shift_left3A_3390 : vector<16xi32>
    %shift_right_logical3A_3392 = arith.constant 6 : i32
    %shift_right_logical3A_3393 = vector.broadcast %shift_right_logical3A_3392 : i32 to vector<16xi32>
    %shift_right_logical3A_3394 = arith.shrui %xor3A_3387, %shift_right_logical3A_3393 : vector<16xi32>
    %or3A_3395 = arith.ori %shift_left3A_3391, %shift_right_logical3A_3394 : vector<16xi32>
    %xor3A_3396 = arith.xori %add3A_3388, %or3A_3395 : vector<16xi32>
    %add3A_3397 = arith.addi %add3A_3388, %xor3A_3396 : vector<16xi32>
    %shift_left3A_3398 = arith.constant 6 : i32
    %shift_left3A_3399 = vector.broadcast %shift_left3A_3398 : i32 to vector<16xi32>
    %shift_left3A_3400 = arith.shli %xor3A_3396, %shift_left3A_3399 : vector<16xi32>
    %shift_right_logical3A_3401 = arith.constant 26 : i32
    %shift_right_logical3A_3402 = vector.broadcast %shift_right_logical3A_3401 : i32 to vector<16xi32>
    %shift_right_logical3A_3403 = arith.shrui %xor3A_3396, %shift_right_logical3A_3402 : vector<16xi32>
    %or3A_3404 = arith.ori %shift_left3A_3400, %shift_right_logical3A_3403 : vector<16xi32>
    %xor3A_3405 = arith.xori %add3A_3397, %or3A_3404 : vector<16xi32>
    %add3A_3406 = arith.constant 1273600538 : i32
    %add3A_3407 = vector.broadcast %add3A_3406 : i32 to vector<16xi32>
    %add3A_3408 = arith.addi %add3A_3397, %add3A_3407 : vector<16xi32>
    %add3A_3409 = arith.constant 1705926158 : i32
    %add3A_3410 = vector.broadcast %add3A_3409 : i32 to vector<16xi32>
    %add3A_3411 = arith.addi %xor3A_3405, %add3A_3410 : vector<16xi32>
    %add3A_3412 = arith.constant 5 : i32
    %add3A_3413 = vector.broadcast %add3A_3412 : i32 to vector<16xi32>
    %add3A_3414 = arith.addi %add3A_3411, %add3A_3413 : vector<16xi32>
    %xor3A_3415 = arith.xori %add3A_3408, %add3A_3414 : vector<16xi32>
    %and3A_3416 = arith.constant 1023 : i32
    %and3A_3417 = vector.broadcast %and3A_3416 : i32 to vector<16xi32>
    %and3A_3418 = arith.andi %xor3A_3415, %and3A_3417 : vector<16xi32>
    %gather3A_3419 = tpu.vector_load_idx %arg5[%and3A_3418] : memref<1024xf32, #tpu.memory_space<vmem>>[vector<16xi32>], vector<16xf32>,
    %swap3A_3420 = arith.constant 208 : index
    %swap3A_3421 = tpu.vector_load %arg6[%swap3A_3420] {strides = array<i32>} : memref<256xf32, #tpu.memory_space<vmem>>, vector<16xf32>,
    tpu.vector_store %arg6[%swap3A_3420], %gather3A_3419 {strides = array<i32>} : memref<256xf32, #tpu.memory_space<vmem>>, vector<16xf32>,
    %add3A_3422 = arith.constant 224 : i32
    %add3A_3423 = vector.broadcast %add3A_3422 : i32 to vector<16xi32>
    %add3A_3424 = arith.addi %iota3A, %add3A_3423 : vector<16xi32>
    %add3A_3425 = vector.broadcast %add3A_35 : i32 to vector<16xi32>
    %add3A_3426 = arith.addi %add3A_3424, %add3A_3425 : vector<16xi32>
    %broadcast_in_dim3A_3427 = arith.constant 1705926158 : i32
    %broadcast_in_dim3A_3428 = vector.broadcast %broadcast_in_dim3A_3427 : i32 to vector<16xi32>
    %add3A_3429 = arith.constant 899080142 : i32
    %add3A_3430 = vector.broadcast %add3A_3429 : i32 to vector<16xi32>
    %add3A_3431 = arith.addi %add3A_3426, %add3A_3430 : vector<16xi32>
    %add3A_3432 = arith.addi %broadcast_in_dim3A_3428, %add3A_3431 : vector<16xi32>
    %shift_left3A_3433 = arith.constant 13 : i32
    %shift_left3A_3434 = vector.broadcast %shift_left3A_3433 : i32 to vector<16xi32>
    %shift_left3A_3435 = arith.shli %add3A_3431, %shift_left3A_3434 : vector<16xi32>
    %shift_right_logical3A_3436 = arith.constant 19 : i32
    %shift_right_logical3A_3437 = vector.broadcast %shift_right_logical3A_3436 : i32 to vector<16xi32>
    %shift_right_logical3A_3438 = arith.shrui %add3A_3431, %shift_right_logical3A_3437 : vector<16xi32>
    %or3A_3439 = arith.ori %shift_left3A_3435, %shift_right_logical3A_3438 : vector<16xi32>
    %xor3A_3440 = arith.xori %add3A_3432, %or3A_3439 : vector<16xi32>
    %add3A_3441 = arith.addi %add3A_3432, %xor3A_3440 : vector<16xi32>
    %shift_left3A_3442 = arith.constant 15 : i32
    %shift_left3A_3443 = vector.broadcast %shift_left3A_3442 : i32 to vector<16xi32>
    %shift_left3A_3444 = arith.shli %xor3A_3440, %shift_left3A_3443 : vector<16xi32>
    %shift_right_logical3A_3445 = arith.constant 17 : i32
    %shift_right_logical3A_3446 = vector.broadcast %shift_right_logical3A_3445 : i32 to vector<16xi32>
    %shift_right_logical3A_3447 = arith.shrui %xor3A_3440, %shift_right_logical3A_3446 : vector<16xi32>
    %or3A_3448 = arith.ori %shift_left3A_3444, %shift_right_logical3A_3447 : vector<16xi32>
    %xor3A_3449 = arith.xori %add3A_3441, %or3A_3448 : vector<16xi32>
    %add3A_3450 = arith.addi %add3A_3441, %xor3A_3449 : vector<16xi32>
    %shift_left3A_3451 = arith.constant 26 : i32
    %shift_left3A_3452 = vector.broadcast %shift_left3A_3451 : i32 to vector<16xi32>
    %shift_left3A_3453 = arith.shli %xor3A_3449, %shift_left3A_3452 : vector<16xi32>
    %shift_right_logical3A_3454 = arith.constant 6 : i32
    %shift_right_logical3A_3455 = vector.broadcast %shift_right_logical3A_3454 : i32 to vector<16xi32>
    %shift_right_logical3A_3456 = arith.shrui %xor3A_3449, %shift_right_logical3A_3455 : vector<16xi32>
    %or3A_3457 = arith.ori %shift_left3A_3453, %shift_right_logical3A_3456 : vector<16xi32>
    %xor3A_3458 = arith.xori %add3A_3450, %or3A_3457 : vector<16xi32>
    %add3A_3459 = arith.addi %add3A_3450, %xor3A_3458 : vector<16xi32>
    %shift_left3A_3460 = arith.constant 6 : i32
    %shift_left3A_3461 = vector.broadcast %shift_left3A_3460 : i32 to vector<16xi32>
    %shift_left3A_3462 = arith.shli %xor3A_3458, %shift_left3A_3461 : vector<16xi32>
    %shift_right_logical3A_3463 = arith.constant 26 : i32
    %shift_right_logical3A_3464 = vector.broadcast %shift_right_logical3A_3463 : i32 to vector<16xi32>
    %shift_right_logical3A_3465 = arith.shrui %xor3A_3458, %shift_right_logical3A_3464 : vector<16xi32>
    %or3A_3466 = arith.ori %shift_left3A_3462, %shift_right_logical3A_3465 : vector<16xi32>
    %xor3A_3467 = arith.xori %add3A_3459, %or3A_3466 : vector<16xi32>
    %add3A_3468 = arith.constant 899080142 : i32
    %add3A_3469 = vector.broadcast %add3A_3468 : i32 to vector<16xi32>
    %add3A_3470 = arith.addi %add3A_3459, %add3A_3469 : vector<16xi32>
    %add3A_3471 = arith.constant 1273600538 : i32
    %add3A_3472 = vector.broadcast %add3A_3471 : i32 to vector<16xi32>
    %add3A_3473 = arith.addi %xor3A_3467, %add3A_3472 : vector<16xi32>
    %add3A_3474 = arith.constant 1 : i32
    %add3A_3475 = vector.broadcast %add3A_3474 : i32 to vector<16xi32>
    %add3A_3476 = arith.addi %add3A_3473, %add3A_3475 : vector<16xi32>
    %add3A_3477 = arith.addi %add3A_3470, %add3A_3476 : vector<16xi32>
    %shift_left3A_3478 = arith.constant 17 : i32
    %shift_left3A_3479 = vector.broadcast %shift_left3A_3478 : i32 to vector<16xi32>
    %shift_left3A_3480 = arith.shli %add3A_3476, %shift_left3A_3479 : vector<16xi32>
    %shift_right_logical3A_3481 = arith.constant 15 : i32
    %shift_right_logical3A_3482 = vector.broadcast %shift_right_logical3A_3481 : i32 to vector<16xi32>
    %shift_right_logical3A_3483 = arith.shrui %add3A_3476, %shift_right_logical3A_3482 : vector<16xi32>
    %or3A_3484 = arith.ori %shift_left3A_3480, %shift_right_logical3A_3483 : vector<16xi32>
    %xor3A_3485 = arith.xori %add3A_3477, %or3A_3484 : vector<16xi32>
    %add3A_3486 = arith.addi %add3A_3477, %xor3A_3485 : vector<16xi32>
    %shift_left3A_3487 = arith.constant 29 : i32
    %shift_left3A_3488 = vector.broadcast %shift_left3A_3487 : i32 to vector<16xi32>
    %shift_left3A_3489 = arith.shli %xor3A_3485, %shift_left3A_3488 : vector<16xi32>
    %shift_right_logical3A_3490 = arith.constant 3 : i32
    %shift_right_logical3A_3491 = vector.broadcast %shift_right_logical3A_3490 : i32 to vector<16xi32>
    %shift_right_logical3A_3492 = arith.shrui %xor3A_3485, %shift_right_logical3A_3491 : vector<16xi32>
    %or3A_3493 = arith.ori %shift_left3A_3489, %shift_right_logical3A_3492 : vector<16xi32>
    %xor3A_3494 = arith.xori %add3A_3486, %or3A_3493 : vector<16xi32>
    %add3A_3495 = arith.addi %add3A_3486, %xor3A_3494 : vector<16xi32>
    %shift_left3A_3496 = arith.constant 16 : i32
    %shift_left3A_3497 = vector.broadcast %shift_left3A_3496 : i32 to vector<16xi32>
    %shift_left3A_3498 = arith.shli %xor3A_3494, %shift_left3A_3497 : vector<16xi32>
    %shift_right_logical3A_3499 = arith.constant 16 : i32
    %shift_right_logical3A_3500 = vector.broadcast %shift_right_logical3A_3499 : i32 to vector<16xi32>
    %shift_right_logical3A_3501 = arith.shrui %xor3A_3494, %shift_right_logical3A_3500 : vector<16xi32>
    %or3A_3502 = arith.ori %shift_left3A_3498, %shift_right_logical3A_3501 : vector<16xi32>
    %xor3A_3503 = arith.xori %add3A_3495, %or3A_3502 : vector<16xi32>
    %add3A_3504 = arith.addi %add3A_3495, %xor3A_3503 : vector<16xi32>
    %shift_left3A_3505 = arith.constant 24 : i32
    %shift_left3A_3506 = vector.broadcast %shift_left3A_3505 : i32 to vector<16xi32>
    %shift_left3A_3507 = arith.shli %xor3A_3503, %shift_left3A_3506 : vector<16xi32>
    %shift_right_logical3A_3508 = arith.constant 8 : i32
    %shift_right_logical3A_3509 = vector.broadcast %shift_right_logical3A_3508 : i32 to vector<16xi32>
    %shift_right_logical3A_3510 = arith.shrui %xor3A_3503, %shift_right_logical3A_3509 : vector<16xi32>
    %or3A_3511 = arith.ori %shift_left3A_3507, %shift_right_logical3A_3510 : vector<16xi32>
    %xor3A_3512 = arith.xori %add3A_3504, %or3A_3511 : vector<16xi32>
    %add3A_3513 = arith.constant 1273600538 : i32
    %add3A_3514 = vector.broadcast %add3A_3513 : i32 to vector<16xi32>
    %add3A_3515 = arith.addi %add3A_3504, %add3A_3514 : vector<16xi32>
    %add3A_3516 = arith.constant 1705926158 : i32
    %add3A_3517 = vector.broadcast %add3A_3516 : i32 to vector<16xi32>
    %add3A_3518 = arith.addi %xor3A_3512, %add3A_3517 : vector<16xi32>
    %add3A_3519 = arith.constant 2 : i32
    %add3A_3520 = vector.broadcast %add3A_3519 : i32 to vector<16xi32>
    %add3A_3521 = arith.addi %add3A_3518, %add3A_3520 : vector<16xi32>
    %add3A_3522 = arith.addi %add3A_3515, %add3A_3521 : vector<16xi32>
    %shift_left3A_3523 = arith.constant 13 : i32
    %shift_left3A_3524 = vector.broadcast %shift_left3A_3523 : i32 to vector<16xi32>
    %shift_left3A_3525 = arith.shli %add3A_3521, %shift_left3A_3524 : vector<16xi32>
    %shift_right_logical3A_3526 = arith.constant 19 : i32
    %shift_right_logical3A_3527 = vector.broadcast %shift_right_logical3A_3526 : i32 to vector<16xi32>
    %shift_right_logical3A_3528 = arith.shrui %add3A_3521, %shift_right_logical3A_3527 : vector<16xi32>
    %or3A_3529 = arith.ori %shift_left3A_3525, %shift_right_logical3A_3528 : vector<16xi32>
    %xor3A_3530 = arith.xori %add3A_3522, %or3A_3529 : vector<16xi32>
    %add3A_3531 = arith.addi %add3A_3522, %xor3A_3530 : vector<16xi32>
    %shift_left3A_3532 = arith.constant 15 : i32
    %shift_left3A_3533 = vector.broadcast %shift_left3A_3532 : i32 to vector<16xi32>
    %shift_left3A_3534 = arith.shli %xor3A_3530, %shift_left3A_3533 : vector<16xi32>
    %shift_right_logical3A_3535 = arith.constant 17 : i32
    %shift_right_logical3A_3536 = vector.broadcast %shift_right_logical3A_3535 : i32 to vector<16xi32>
    %shift_right_logical3A_3537 = arith.shrui %xor3A_3530, %shift_right_logical3A_3536 : vector<16xi32>
    %or3A_3538 = arith.ori %shift_left3A_3534, %shift_right_logical3A_3537 : vector<16xi32>
    %xor3A_3539 = arith.xori %add3A_3531, %or3A_3538 : vector<16xi32>
    %add3A_3540 = arith.addi %add3A_3531, %xor3A_3539 : vector<16xi32>
    %shift_left3A_3541 = arith.constant 26 : i32
    %shift_left3A_3542 = vector.broadcast %shift_left3A_3541 : i32 to vector<16xi32>
    %shift_left3A_3543 = arith.shli %xor3A_3539, %shift_left3A_3542 : vector<16xi32>
    %shift_right_logical3A_3544 = arith.constant 6 : i32
    %shift_right_logical3A_3545 = vector.broadcast %shift_right_logical3A_3544 : i32 to vector<16xi32>
    %shift_right_logical3A_3546 = arith.shrui %xor3A_3539, %shift_right_logical3A_3545 : vector<16xi32>
    %or3A_3547 = arith.ori %shift_left3A_3543, %shift_right_logical3A_3546 : vector<16xi32>
    %xor3A_3548 = arith.xori %add3A_3540, %or3A_3547 : vector<16xi32>
    %add3A_3549 = arith.addi %add3A_3540, %xor3A_3548 : vector<16xi32>
    %shift_left3A_3550 = arith.constant 6 : i32
    %shift_left3A_3551 = vector.broadcast %shift_left3A_3550 : i32 to vector<16xi32>
    %shift_left3A_3552 = arith.shli %xor3A_3548, %shift_left3A_3551 : vector<16xi32>
    %shift_right_logical3A_3553 = arith.constant 26 : i32
    %shift_right_logical3A_3554 = vector.broadcast %shift_right_logical3A_3553 : i32 to vector<16xi32>
    %shift_right_logical3A_3555 = arith.shrui %xor3A_3548, %shift_right_logical3A_3554 : vector<16xi32>
    %or3A_3556 = arith.ori %shift_left3A_3552, %shift_right_logical3A_3555 : vector<16xi32>
    %xor3A_3557 = arith.xori %add3A_3549, %or3A_3556 : vector<16xi32>
    %add3A_3558 = arith.constant 1705926158 : i32
    %add3A_3559 = vector.broadcast %add3A_3558 : i32 to vector<16xi32>
    %add3A_3560 = arith.addi %add3A_3549, %add3A_3559 : vector<16xi32>
    %add3A_3561 = arith.constant 899080142 : i32
    %add3A_3562 = vector.broadcast %add3A_3561 : i32 to vector<16xi32>
    %add3A_3563 = arith.addi %xor3A_3557, %add3A_3562 : vector<16xi32>
    %add3A_3564 = arith.constant 3 : i32
    %add3A_3565 = vector.broadcast %add3A_3564 : i32 to vector<16xi32>
    %add3A_3566 = arith.addi %add3A_3563, %add3A_3565 : vector<16xi32>
    %add3A_3567 = arith.addi %add3A_3560, %add3A_3566 : vector<16xi32>
    %shift_left3A_3568 = arith.constant 17 : i32
    %shift_left3A_3569 = vector.broadcast %shift_left3A_3568 : i32 to vector<16xi32>
    %shift_left3A_3570 = arith.shli %add3A_3566, %shift_left3A_3569 : vector<16xi32>
    %shift_right_logical3A_3571 = arith.constant 15 : i32
    %shift_right_logical3A_3572 = vector.broadcast %shift_right_logical3A_3571 : i32 to vector<16xi32>
    %shift_right_logical3A_3573 = arith.shrui %add3A_3566, %shift_right_logical3A_3572 : vector<16xi32>
    %or3A_3574 = arith.ori %shift_left3A_3570, %shift_right_logical3A_3573 : vector<16xi32>
    %xor3A_3575 = arith.xori %add3A_3567, %or3A_3574 : vector<16xi32>
    %add3A_3576 = arith.addi %add3A_3567, %xor3A_3575 : vector<16xi32>
    %shift_left3A_3577 = arith.constant 29 : i32
    %shift_left3A_3578 = vector.broadcast %shift_left3A_3577 : i32 to vector<16xi32>
    %shift_left3A_3579 = arith.shli %xor3A_3575, %shift_left3A_3578 : vector<16xi32>
    %shift_right_logical3A_3580 = arith.constant 3 : i32
    %shift_right_logical3A_3581 = vector.broadcast %shift_right_logical3A_3580 : i32 to vector<16xi32>
    %shift_right_logical3A_3582 = arith.shrui %xor3A_3575, %shift_right_logical3A_3581 : vector<16xi32>
    %or3A_3583 = arith.ori %shift_left3A_3579, %shift_right_logical3A_3582 : vector<16xi32>
    %xor3A_3584 = arith.xori %add3A_3576, %or3A_3583 : vector<16xi32>
    %add3A_3585 = arith.addi %add3A_3576, %xor3A_3584 : vector<16xi32>
    %shift_left3A_3586 = arith.constant 16 : i32
    %shift_left3A_3587 = vector.broadcast %shift_left3A_3586 : i32 to vector<16xi32>
    %shift_left3A_3588 = arith.shli %xor3A_3584, %shift_left3A_3587 : vector<16xi32>
    %shift_right_logical3A_3589 = arith.constant 16 : i32
    %shift_right_logical3A_3590 = vector.broadcast %shift_right_logical3A_3589 : i32 to vector<16xi32>
    %shift_right_logical3A_3591 = arith.shrui %xor3A_3584, %shift_right_logical3A_3590 : vector<16xi32>
    %or3A_3592 = arith.ori %shift_left3A_3588, %shift_right_logical3A_3591 : vector<16xi32>
    %xor3A_3593 = arith.xori %add3A_3585, %or3A_3592 : vector<16xi32>
    %add3A_3594 = arith.addi %add3A_3585, %xor3A_3593 : vector<16xi32>
    %shift_left3A_3595 = arith.constant 24 : i32
    %shift_left3A_3596 = vector.broadcast %shift_left3A_3595 : i32 to vector<16xi32>
    %shift_left3A_3597 = arith.shli %xor3A_3593, %shift_left3A_3596 : vector<16xi32>
    %shift_right_logical3A_3598 = arith.constant 8 : i32
    %shift_right_logical3A_3599 = vector.broadcast %shift_right_logical3A_3598 : i32 to vector<16xi32>
    %shift_right_logical3A_3600 = arith.shrui %xor3A_3593, %shift_right_logical3A_3599 : vector<16xi32>
    %or3A_3601 = arith.ori %shift_left3A_3597, %shift_right_logical3A_3600 : vector<16xi32>
    %xor3A_3602 = arith.xori %add3A_3594, %or3A_3601 : vector<16xi32>
    %add3A_3603 = arith.constant 899080142 : i32
    %add3A_3604 = vector.broadcast %add3A_3603 : i32 to vector<16xi32>
    %add3A_3605 = arith.addi %add3A_3594, %add3A_3604 : vector<16xi32>
    %add3A_3606 = arith.constant 1273600538 : i32
    %add3A_3607 = vector.broadcast %add3A_3606 : i32 to vector<16xi32>
    %add3A_3608 = arith.addi %xor3A_3602, %add3A_3607 : vector<16xi32>
    %add3A_3609 = arith.constant 4 : i32
    %add3A_3610 = vector.broadcast %add3A_3609 : i32 to vector<16xi32>
    %add3A_3611 = arith.addi %add3A_3608, %add3A_3610 : vector<16xi32>
    %add3A_3612 = arith.addi %add3A_3605, %add3A_3611 : vector<16xi32>
    %shift_left3A_3613 = arith.constant 13 : i32
    %shift_left3A_3614 = vector.broadcast %shift_left3A_3613 : i32 to vector<16xi32>
    %shift_left3A_3615 = arith.shli %add3A_3611, %shift_left3A_3614 : vector<16xi32>
    %shift_right_logical3A_3616 = arith.constant 19 : i32
    %shift_right_logical3A_3617 = vector.broadcast %shift_right_logical3A_3616 : i32 to vector<16xi32>
    %shift_right_logical3A_3618 = arith.shrui %add3A_3611, %shift_right_logical3A_3617 : vector<16xi32>
    %or3A_3619 = arith.ori %shift_left3A_3615, %shift_right_logical3A_3618 : vector<16xi32>
    %xor3A_3620 = arith.xori %add3A_3612, %or3A_3619 : vector<16xi32>
    %add3A_3621 = arith.addi %add3A_3612, %xor3A_3620 : vector<16xi32>
    %shift_left3A_3622 = arith.constant 15 : i32
    %shift_left3A_3623 = vector.broadcast %shift_left3A_3622 : i32 to vector<16xi32>
    %shift_left3A_3624 = arith.shli %xor3A_3620, %shift_left3A_3623 : vector<16xi32>
    %shift_right_logical3A_3625 = arith.constant 17 : i32
    %shift_right_logical3A_3626 = vector.broadcast %shift_right_logical3A_3625 : i32 to vector<16xi32>
    %shift_right_logical3A_3627 = arith.shrui %xor3A_3620, %shift_right_logical3A_3626 : vector<16xi32>
    %or3A_3628 = arith.ori %shift_left3A_3624, %shift_right_logical3A_3627 : vector<16xi32>
    %xor3A_3629 = arith.xori %add3A_3621, %or3A_3628 : vector<16xi32>
    %add3A_3630 = arith.addi %add3A_3621, %xor3A_3629 : vector<16xi32>
    %shift_left3A_3631 = arith.constant 26 : i32
    %shift_left3A_3632 = vector.broadcast %shift_left3A_3631 : i32 to vector<16xi32>
    %shift_left3A_3633 = arith.shli %xor3A_3629, %shift_left3A_3632 : vector<16xi32>
    %shift_right_logical3A_3634 = arith.constant 6 : i32
    %shift_right_logical3A_3635 = vector.broadcast %shift_right_logical3A_3634 : i32 to vector<16xi32>
    %shift_right_logical3A_3636 = arith.shrui %xor3A_3629, %shift_right_logical3A_3635 : vector<16xi32>
    %or3A_3637 = arith.ori %shift_left3A_3633, %shift_right_logical3A_3636 : vector<16xi32>
    %xor3A_3638 = arith.xori %add3A_3630, %or3A_3637 : vector<16xi32>
    %add3A_3639 = arith.addi %add3A_3630, %xor3A_3638 : vector<16xi32>
    %shift_left3A_3640 = arith.constant 6 : i32
    %shift_left3A_3641 = vector.broadcast %shift_left3A_3640 : i32 to vector<16xi32>
    %shift_left3A_3642 = arith.shli %xor3A_3638, %shift_left3A_3641 : vector<16xi32>
    %shift_right_logical3A_3643 = arith.constant 26 : i32
    %shift_right_logical3A_3644 = vector.broadcast %shift_right_logical3A_3643 : i32 to vector<16xi32>
    %shift_right_logical3A_3645 = arith.shrui %xor3A_3638, %shift_right_logical3A_3644 : vector<16xi32>
    %or3A_3646 = arith.ori %shift_left3A_3642, %shift_right_logical3A_3645 : vector<16xi32>
    %xor3A_3647 = arith.xori %add3A_3639, %or3A_3646 : vector<16xi32>
    %add3A_3648 = arith.constant 1273600538 : i32
    %add3A_3649 = vector.broadcast %add3A_3648 : i32 to vector<16xi32>
    %add3A_3650 = arith.addi %add3A_3639, %add3A_3649 : vector<16xi32>
    %add3A_3651 = arith.constant 1705926158 : i32
    %add3A_3652 = vector.broadcast %add3A_3651 : i32 to vector<16xi32>
    %add3A_3653 = arith.addi %xor3A_3647, %add3A_3652 : vector<16xi32>
    %add3A_3654 = arith.constant 5 : i32
    %add3A_3655 = vector.broadcast %add3A_3654 : i32 to vector<16xi32>
    %add3A_3656 = arith.addi %add3A_3653, %add3A_3655 : vector<16xi32>
    %xor3A_3657 = arith.xori %add3A_3650, %add3A_3656 : vector<16xi32>
    %and3A_3658 = arith.constant 1023 : i32
    %and3A_3659 = vector.broadcast %and3A_3658 : i32 to vector<16xi32>
    %and3A_3660 = arith.andi %xor3A_3657, %and3A_3659 : vector<16xi32>
    %gather3A_3661 = tpu.vector_load_idx %arg5[%and3A_3660] : memref<1024xf32, #tpu.memory_space<vmem>>[vector<16xi32>], vector<16xf32>,
    %swap3A_3662 = arith.constant 224 : index
    %swap3A_3663 = tpu.vector_load %arg6[%swap3A_3662] {strides = array<i32>} : memref<256xf32, #tpu.memory_space<vmem>>, vector<16xf32>,
    tpu.vector_store %arg6[%swap3A_3662], %gather3A_3661 {strides = array<i32>} : memref<256xf32, #tpu.memory_space<vmem>>, vector<16xf32>,
    %add3A_3664 = arith.constant 240 : i32
    %add3A_3665 = vector.broadcast %add3A_3664 : i32 to vector<16xi32>
    %add3A_3666 = arith.addi %iota3A, %add3A_3665 : vector<16xi32>
    %add3A_3667 = vector.broadcast %add3A_35 : i32 to vector<16xi32>
    %add3A_3668 = arith.addi %add3A_3666, %add3A_3667 : vector<16xi32>
    %broadcast_in_dim3A_3669 = arith.constant 1705926158 : i32
    %broadcast_in_dim3A_3670 = vector.broadcast %broadcast_in_dim3A_3669 : i32 to vector<16xi32>
    %add3A_3671 = arith.constant 899080142 : i32
    %add3A_3672 = vector.broadcast %add3A_3671 : i32 to vector<16xi32>
    %add3A_3673 = arith.addi %add3A_3668, %add3A_3672 : vector<16xi32>
    %add3A_3674 = arith.addi %broadcast_in_dim3A_3670, %add3A_3673 : vector<16xi32>
    %shift_left3A_3675 = arith.constant 13 : i32
    %shift_left3A_3676 = vector.broadcast %shift_left3A_3675 : i32 to vector<16xi32>
    %shift_left3A_3677 = arith.shli %add3A_3673, %shift_left3A_3676 : vector<16xi32>
    %shift_right_logical3A_3678 = arith.constant 19 : i32
    %shift_right_logical3A_3679 = vector.broadcast %shift_right_logical3A_3678 : i32 to vector<16xi32>
    %shift_right_logical3A_3680 = arith.shrui %add3A_3673, %shift_right_logical3A_3679 : vector<16xi32>
    %or3A_3681 = arith.ori %shift_left3A_3677, %shift_right_logical3A_3680 : vector<16xi32>
    %xor3A_3682 = arith.xori %add3A_3674, %or3A_3681 : vector<16xi32>
    %add3A_3683 = arith.addi %add3A_3674, %xor3A_3682 : vector<16xi32>
    %shift_left3A_3684 = arith.constant 15 : i32
    %shift_left3A_3685 = vector.broadcast %shift_left3A_3684 : i32 to vector<16xi32>
    %shift_left3A_3686 = arith.shli %xor3A_3682, %shift_left3A_3685 : vector<16xi32>
    %shift_right_logical3A_3687 = arith.constant 17 : i32
    %shift_right_logical3A_3688 = vector.broadcast %shift_right_logical3A_3687 : i32 to vector<16xi32>
    %shift_right_logical3A_3689 = arith.shrui %xor3A_3682, %shift_right_logical3A_3688 : vector<16xi32>
    %or3A_3690 = arith.ori %shift_left3A_3686, %shift_right_logical3A_3689 : vector<16xi32>
    %xor3A_3691 = arith.xori %add3A_3683, %or3A_3690 : vector<16xi32>
    %add3A_3692 = arith.addi %add3A_3683, %xor3A_3691 : vector<16xi32>
    %shift_left3A_3693 = arith.constant 26 : i32
    %shift_left3A_3694 = vector.broadcast %shift_left3A_3693 : i32 to vector<16xi32>
    %shift_left3A_3695 = arith.shli %xor3A_3691, %shift_left3A_3694 : vector<16xi32>
    %shift_right_logical3A_3696 = arith.constant 6 : i32
    %shift_right_logical3A_3697 = vector.broadcast %shift_right_logical3A_3696 : i32 to vector<16xi32>
    %shift_right_logical3A_3698 = arith.shrui %xor3A_3691, %shift_right_logical3A_3697 : vector<16xi32>
    %or3A_3699 = arith.ori %shift_left3A_3695, %shift_right_logical3A_3698 : vector<16xi32>
    %xor3A_3700 = arith.xori %add3A_3692, %or3A_3699 : vector<16xi32>
    %add3A_3701 = arith.addi %add3A_3692, %xor3A_3700 : vector<16xi32>
    %shift_left3A_3702 = arith.constant 6 : i32
    %shift_left3A_3703 = vector.broadcast %shift_left3A_3702 : i32 to vector<16xi32>
    %shift_left3A_3704 = arith.shli %xor3A_3700, %shift_left3A_3703 : vector<16xi32>
    %shift_right_logical3A_3705 = arith.constant 26 : i32
    %shift_right_logical3A_3706 = vector.broadcast %shift_right_logical3A_3705 : i32 to vector<16xi32>
    %shift_right_logical3A_3707 = arith.shrui %xor3A_3700, %shift_right_logical3A_3706 : vector<16xi32>
    %or3A_3708 = arith.ori %shift_left3A_3704, %shift_right_logical3A_3707 : vector<16xi32>
    %xor3A_3709 = arith.xori %add3A_3701, %or3A_3708 : vector<16xi32>
    %add3A_3710 = arith.constant 899080142 : i32
    %add3A_3711 = vector.broadcast %add3A_3710 : i32 to vector<16xi32>
    %add3A_3712 = arith.addi %add3A_3701, %add3A_3711 : vector<16xi32>
    %add3A_3713 = arith.constant 1273600538 : i32
    %add3A_3714 = vector.broadcast %add3A_3713 : i32 to vector<16xi32>
    %add3A_3715 = arith.addi %xor3A_3709, %add3A_3714 : vector<16xi32>
    %add3A_3716 = arith.constant 1 : i32
    %add3A_3717 = vector.broadcast %add3A_3716 : i32 to vector<16xi32>
    %add3A_3718 = arith.addi %add3A_3715, %add3A_3717 : vector<16xi32>
    %add3A_3719 = arith.addi %add3A_3712, %add3A_3718 : vector<16xi32>
    %shift_left3A_3720 = arith.constant 17 : i32
    %shift_left3A_3721 = vector.broadcast %shift_left3A_3720 : i32 to vector<16xi32>
    %shift_left3A_3722 = arith.shli %add3A_3718, %shift_left3A_3721 : vector<16xi32>
    %shift_right_logical3A_3723 = arith.constant 15 : i32
    %shift_right_logical3A_3724 = vector.broadcast %shift_right_logical3A_3723 : i32 to vector<16xi32>
    %shift_right_logical3A_3725 = arith.shrui %add3A_3718, %shift_right_logical3A_3724 : vector<16xi32>
    %or3A_3726 = arith.ori %shift_left3A_3722, %shift_right_logical3A_3725 : vector<16xi32>
    %xor3A_3727 = arith.xori %add3A_3719, %or3A_3726 : vector<16xi32>
    %add3A_3728 = arith.addi %add3A_3719, %xor3A_3727 : vector<16xi32>
    %shift_left3A_3729 = arith.constant 29 : i32
    %shift_left3A_3730 = vector.broadcast %shift_left3A_3729 : i32 to vector<16xi32>
    %shift_left3A_3731 = arith.shli %xor3A_3727, %shift_left3A_3730 : vector<16xi32>
    %shift_right_logical3A_3732 = arith.constant 3 : i32
    %shift_right_logical3A_3733 = vector.broadcast %shift_right_logical3A_3732 : i32 to vector<16xi32>
    %shift_right_logical3A_3734 = arith.shrui %xor3A_3727, %shift_right_logical3A_3733 : vector<16xi32>
    %or3A_3735 = arith.ori %shift_left3A_3731, %shift_right_logical3A_3734 : vector<16xi32>
    %xor3A_3736 = arith.xori %add3A_3728, %or3A_3735 : vector<16xi32>
    %add3A_3737 = arith.addi %add3A_3728, %xor3A_3736 : vector<16xi32>
    %shift_left3A_3738 = arith.constant 16 : i32
    %shift_left3A_3739 = vector.broadcast %shift_left3A_3738 : i32 to vector<16xi32>
    %shift_left3A_3740 = arith.shli %xor3A_3736, %shift_left3A_3739 : vector<16xi32>
    %shift_right_logical3A_3741 = arith.constant 16 : i32
    %shift_right_logical3A_3742 = vector.broadcast %shift_right_logical3A_3741 : i32 to vector<16xi32>
    %shift_right_logical3A_3743 = arith.shrui %xor3A_3736, %shift_right_logical3A_3742 : vector<16xi32>
    %or3A_3744 = arith.ori %shift_left3A_3740, %shift_right_logical3A_3743 : vector<16xi32>
    %xor3A_3745 = arith.xori %add3A_3737, %or3A_3744 : vector<16xi32>
    %add3A_3746 = arith.addi %add3A_3737, %xor3A_3745 : vector<16xi32>
    %shift_left3A_3747 = arith.constant 24 : i32
    %shift_left3A_3748 = vector.broadcast %shift_left3A_3747 : i32 to vector<16xi32>
    %shift_left3A_3749 = arith.shli %xor3A_3745, %shift_left3A_3748 : vector<16xi32>
    %shift_right_logical3A_3750 = arith.constant 8 : i32
    %shift_right_logical3A_3751 = vector.broadcast %shift_right_logical3A_3750 : i32 to vector<16xi32>
    %shift_right_logical3A_3752 = arith.shrui %xor3A_3745, %shift_right_logical3A_3751 : vector<16xi32>
    %or3A_3753 = arith.ori %shift_left3A_3749, %shift_right_logical3A_3752 : vector<16xi32>
    %xor3A_3754 = arith.xori %add3A_3746, %or3A_3753 : vector<16xi32>
    %add3A_3755 = arith.constant 1273600538 : i32
    %add3A_3756 = vector.broadcast %add3A_3755 : i32 to vector<16xi32>
    %add3A_3757 = arith.addi %add3A_3746, %add3A_3756 : vector<16xi32>
    %add3A_3758 = arith.constant 1705926158 : i32
    %add3A_3759 = vector.broadcast %add3A_3758 : i32 to vector<16xi32>
    %add3A_3760 = arith.addi %xor3A_3754, %add3A_3759 : vector<16xi32>
    %add3A_3761 = arith.constant 2 : i32
    %add3A_3762 = vector.broadcast %add3A_3761 : i32 to vector<16xi32>
    %add3A_3763 = arith.addi %add3A_3760, %add3A_3762 : vector<16xi32>
    %add3A_3764 = arith.addi %add3A_3757, %add3A_3763 : vector<16xi32>
    %shift_left3A_3765 = arith.constant 13 : i32
    %shift_left3A_3766 = vector.broadcast %shift_left3A_3765 : i32 to vector<16xi32>
    %shift_left3A_3767 = arith.shli %add3A_3763, %shift_left3A_3766 : vector<16xi32>
    %shift_right_logical3A_3768 = arith.constant 19 : i32
    %shift_right_logical3A_3769 = vector.broadcast %shift_right_logical3A_3768 : i32 to vector<16xi32>
    %shift_right_logical3A_3770 = arith.shrui %add3A_3763, %shift_right_logical3A_3769 : vector<16xi32>
    %or3A_3771 = arith.ori %shift_left3A_3767, %shift_right_logical3A_3770 : vector<16xi32>
    %xor3A_3772 = arith.xori %add3A_3764, %or3A_3771 : vector<16xi32>
    %add3A_3773 = arith.addi %add3A_3764, %xor3A_3772 : vector<16xi32>
    %shift_left3A_3774 = arith.constant 15 : i32
    %shift_left3A_3775 = vector.broadcast %shift_left3A_3774 : i32 to vector<16xi32>
    %shift_left3A_3776 = arith.shli %xor3A_3772, %shift_left3A_3775 : vector<16xi32>
    %shift_right_logical3A_3777 = arith.constant 17 : i32
    %shift_right_logical3A_3778 = vector.broadcast %shift_right_logical3A_3777 : i32 to vector<16xi32>
    %shift_right_logical3A_3779 = arith.shrui %xor3A_3772, %shift_right_logical3A_3778 : vector<16xi32>
    %or3A_3780 = arith.ori %shift_left3A_3776, %shift_right_logical3A_3779 : vector<16xi32>
    %xor3A_3781 = arith.xori %add3A_3773, %or3A_3780 : vector<16xi32>
    %add3A_3782 = arith.addi %add3A_3773, %xor3A_3781 : vector<16xi32>
    %shift_left3A_3783 = arith.constant 26 : i32
    %shift_left3A_3784 = vector.broadcast %shift_left3A_3783 : i32 to vector<16xi32>
    %shift_left3A_3785 = arith.shli %xor3A_3781, %shift_left3A_3784 : vector<16xi32>
    %shift_right_logical3A_3786 = arith.constant 6 : i32
    %shift_right_logical3A_3787 = vector.broadcast %shift_right_logical3A_3786 : i32 to vector<16xi32>
    %shift_right_logical3A_3788 = arith.shrui %xor3A_3781, %shift_right_logical3A_3787 : vector<16xi32>
    %or3A_3789 = arith.ori %shift_left3A_3785, %shift_right_logical3A_3788 : vector<16xi32>
    %xor3A_3790 = arith.xori %add3A_3782, %or3A_3789 : vector<16xi32>
    %add3A_3791 = arith.addi %add3A_3782, %xor3A_3790 : vector<16xi32>
    %shift_left3A_3792 = arith.constant 6 : i32
    %shift_left3A_3793 = vector.broadcast %shift_left3A_3792 : i32 to vector<16xi32>
    %shift_left3A_3794 = arith.shli %xor3A_3790, %shift_left3A_3793 : vector<16xi32>
    %shift_right_logical3A_3795 = arith.constant 26 : i32
    %shift_right_logical3A_3796 = vector.broadcast %shift_right_logical3A_3795 : i32 to vector<16xi32>
    %shift_right_logical3A_3797 = arith.shrui %xor3A_3790, %shift_right_logical3A_3796 : vector<16xi32>
    %or3A_3798 = arith.ori %shift_left3A_3794, %shift_right_logical3A_3797 : vector<16xi32>
    %xor3A_3799 = arith.xori %add3A_3791, %or3A_3798 : vector<16xi32>
    %add3A_3800 = arith.constant 1705926158 : i32
    %add3A_3801 = vector.broadcast %add3A_3800 : i32 to vector<16xi32>
    %add3A_3802 = arith.addi %add3A_3791, %add3A_3801 : vector<16xi32>
    %add3A_3803 = arith.constant 899080142 : i32
    %add3A_3804 = vector.broadcast %add3A_3803 : i32 to vector<16xi32>
    %add3A_3805 = arith.addi %xor3A_3799, %add3A_3804 : vector<16xi32>
    %add3A_3806 = arith.constant 3 : i32
    %add3A_3807 = vector.broadcast %add3A_3806 : i32 to vector<16xi32>
    %add3A_3808 = arith.addi %add3A_3805, %add3A_3807 : vector<16xi32>
    %add3A_3809 = arith.addi %add3A_3802, %add3A_3808 : vector<16xi32>
    %shift_left3A_3810 = arith.constant 17 : i32
    %shift_left3A_3811 = vector.broadcast %shift_left3A_3810 : i32 to vector<16xi32>
    %shift_left3A_3812 = arith.shli %add3A_3808, %shift_left3A_3811 : vector<16xi32>
    %shift_right_logical3A_3813 = arith.constant 15 : i32
    %shift_right_logical3A_3814 = vector.broadcast %shift_right_logical3A_3813 : i32 to vector<16xi32>
    %shift_right_logical3A_3815 = arith.shrui %add3A_3808, %shift_right_logical3A_3814 : vector<16xi32>
    %or3A_3816 = arith.ori %shift_left3A_3812, %shift_right_logical3A_3815 : vector<16xi32>
    %xor3A_3817 = arith.xori %add3A_3809, %or3A_3816 : vector<16xi32>
    %add3A_3818 = arith.addi %add3A_3809, %xor3A_3817 : vector<16xi32>
    %shift_left3A_3819 = arith.constant 29 : i32
    %shift_left3A_3820 = vector.broadcast %shift_left3A_3819 : i32 to vector<16xi32>
    %shift_left3A_3821 = arith.shli %xor3A_3817, %shift_left3A_3820 : vector<16xi32>
    %shift_right_logical3A_3822 = arith.constant 3 : i32
    %shift_right_logical3A_3823 = vector.broadcast %shift_right_logical3A_3822 : i32 to vector<16xi32>
    %shift_right_logical3A_3824 = arith.shrui %xor3A_3817, %shift_right_logical3A_3823 : vector<16xi32>
    %or3A_3825 = arith.ori %shift_left3A_3821, %shift_right_logical3A_3824 : vector<16xi32>
    %xor3A_3826 = arith.xori %add3A_3818, %or3A_3825 : vector<16xi32>
    %add3A_3827 = arith.addi %add3A_3818, %xor3A_3826 : vector<16xi32>
    %shift_left3A_3828 = arith.constant 16 : i32
    %shift_left3A_3829 = vector.broadcast %shift_left3A_3828 : i32 to vector<16xi32>
    %shift_left3A_3830 = arith.shli %xor3A_3826, %shift_left3A_3829 : vector<16xi32>
    %shift_right_logical3A_3831 = arith.constant 16 : i32
    %shift_right_logical3A_3832 = vector.broadcast %shift_right_logical3A_3831 : i32 to vector<16xi32>
    %shift_right_logical3A_3833 = arith.shrui %xor3A_3826, %shift_right_logical3A_3832 : vector<16xi32>
    %or3A_3834 = arith.ori %shift_left3A_3830, %shift_right_logical3A_3833 : vector<16xi32>
    %xor3A_3835 = arith.xori %add3A_3827, %or3A_3834 : vector<16xi32>
    %add3A_3836 = arith.addi %add3A_3827, %xor3A_3835 : vector<16xi32>
    %shift_left3A_3837 = arith.constant 24 : i32
    %shift_left3A_3838 = vector.broadcast %shift_left3A_3837 : i32 to vector<16xi32>
    %shift_left3A_3839 = arith.shli %xor3A_3835, %shift_left3A_3838 : vector<16xi32>
    %shift_right_logical3A_3840 = arith.constant 8 : i32
    %shift_right_logical3A_3841 = vector.broadcast %shift_right_logical3A_3840 : i32 to vector<16xi32>
    %shift_right_logical3A_3842 = arith.shrui %xor3A_3835, %shift_right_logical3A_3841 : vector<16xi32>
    %or3A_3843 = arith.ori %shift_left3A_3839, %shift_right_logical3A_3842 : vector<16xi32>
    %xor3A_3844 = arith.xori %add3A_3836, %or3A_3843 : vector<16xi32>
    %add3A_3845 = arith.constant 899080142 : i32
    %add3A_3846 = vector.broadcast %add3A_3845 : i32 to vector<16xi32>
    %add3A_3847 = arith.addi %add3A_3836, %add3A_3846 : vector<16xi32>
    %add3A_3848 = arith.constant 1273600538 : i32
    %add3A_3849 = vector.broadcast %add3A_3848 : i32 to vector<16xi32>
    %add3A_3850 = arith.addi %xor3A_3844, %add3A_3849 : vector<16xi32>
    %add3A_3851 = arith.constant 4 : i32
    %add3A_3852 = vector.broadcast %add3A_3851 : i32 to vector<16xi32>
    %add3A_3853 = arith.addi %add3A_3850, %add3A_3852 : vector<16xi32>
    %add3A_3854 = arith.addi %add3A_3847, %add3A_3853 : vector<16xi32>
    %shift_left3A_3855 = arith.constant 13 : i32
    %shift_left3A_3856 = vector.broadcast %shift_left3A_3855 : i32 to vector<16xi32>
    %shift_left3A_3857 = arith.shli %add3A_3853, %shift_left3A_3856 : vector<16xi32>
    %shift_right_logical3A_3858 = arith.constant 19 : i32
    %shift_right_logical3A_3859 = vector.broadcast %shift_right_logical3A_3858 : i32 to vector<16xi32>
    %shift_right_logical3A_3860 = arith.shrui %add3A_3853, %shift_right_logical3A_3859 : vector<16xi32>
    %or3A_3861 = arith.ori %shift_left3A_3857, %shift_right_logical3A_3860 : vector<16xi32>
    %xor3A_3862 = arith.xori %add3A_3854, %or3A_3861 : vector<16xi32>
    %add3A_3863 = arith.addi %add3A_3854, %xor3A_3862 : vector<16xi32>
    %shift_left3A_3864 = arith.constant 15 : i32
    %shift_left3A_3865 = vector.broadcast %shift_left3A_3864 : i32 to vector<16xi32>
    %shift_left3A_3866 = arith.shli %xor3A_3862, %shift_left3A_3865 : vector<16xi32>
    %shift_right_logical3A_3867 = arith.constant 17 : i32
    %shift_right_logical3A_3868 = vector.broadcast %shift_right_logical3A_3867 : i32 to vector<16xi32>
    %shift_right_logical3A_3869 = arith.shrui %xor3A_3862, %shift_right_logical3A_3868 : vector<16xi32>
    %or3A_3870 = arith.ori %shift_left3A_3866, %shift_right_logical3A_3869 : vector<16xi32>
    %xor3A_3871 = arith.xori %add3A_3863, %or3A_3870 : vector<16xi32>
    %add3A_3872 = arith.addi %add3A_3863, %xor3A_3871 : vector<16xi32>
    %shift_left3A_3873 = arith.constant 26 : i32
    %shift_left3A_3874 = vector.broadcast %shift_left3A_3873 : i32 to vector<16xi32>
    %shift_left3A_3875 = arith.shli %xor3A_3871, %shift_left3A_3874 : vector<16xi32>
    %shift_right_logical3A_3876 = arith.constant 6 : i32
    %shift_right_logical3A_3877 = vector.broadcast %shift_right_logical3A_3876 : i32 to vector<16xi32>
    %shift_right_logical3A_3878 = arith.shrui %xor3A_3871, %shift_right_logical3A_3877 : vector<16xi32>
    %or3A_3879 = arith.ori %shift_left3A_3875, %shift_right_logical3A_3878 : vector<16xi32>
    %xor3A_3880 = arith.xori %add3A_3872, %or3A_3879 : vector<16xi32>
    %add3A_3881 = arith.addi %add3A_3872, %xor3A_3880 : vector<16xi32>
    %shift_left3A_3882 = arith.constant 6 : i32
    %shift_left3A_3883 = vector.broadcast %shift_left3A_3882 : i32 to vector<16xi32>
    %shift_left3A_3884 = arith.shli %xor3A_3880, %shift_left3A_3883 : vector<16xi32>
    %shift_right_logical3A_3885 = arith.constant 26 : i32
    %shift_right_logical3A_3886 = vector.broadcast %shift_right_logical3A_3885 : i32 to vector<16xi32>
    %shift_right_logical3A_3887 = arith.shrui %xor3A_3880, %shift_right_logical3A_3886 : vector<16xi32>
    %or3A_3888 = arith.ori %shift_left3A_3884, %shift_right_logical3A_3887 : vector<16xi32>
    %xor3A_3889 = arith.xori %add3A_3881, %or3A_3888 : vector<16xi32>
    %add3A_3890 = arith.constant 1273600538 : i32
    %add3A_3891 = vector.broadcast %add3A_3890 : i32 to vector<16xi32>
    %add3A_3892 = arith.addi %add3A_3881, %add3A_3891 : vector<16xi32>
    %add3A_3893 = arith.constant 1705926158 : i32
    %add3A_3894 = vector.broadcast %add3A_3893 : i32 to vector<16xi32>
    %add3A_3895 = arith.addi %xor3A_3889, %add3A_3894 : vector<16xi32>
    %add3A_3896 = arith.constant 5 : i32
    %add3A_3897 = vector.broadcast %add3A_3896 : i32 to vector<16xi32>
    %add3A_3898 = arith.addi %add3A_3895, %add3A_3897 : vector<16xi32>
    %xor3A_3899 = arith.xori %add3A_3892, %add3A_3898 : vector<16xi32>
    %and3A_3900 = arith.constant 1023 : i32
    %and3A_3901 = vector.broadcast %and3A_3900 : i32 to vector<16xi32>
    %and3A_3902 = arith.andi %xor3A_3899, %and3A_3901 : vector<16xi32>
    %gather3A_3903 = tpu.vector_load_idx %arg5[%and3A_3902] : memref<1024xf32, #tpu.memory_space<vmem>>[vector<16xi32>], vector<16xf32>,
    %swap3A_3904 = arith.constant 240 : index
    %swap3A_3905 = tpu.vector_load %arg6[%swap3A_3904] {strides = array<i32>} : memref<256xf32, #tpu.memory_space<vmem>>, vector<16xf32>,
    tpu.vector_store %arg6[%swap3A_3904], %gather3A_3903 {strides = array<i32>} : memref<256xf32, #tpu.memory_space<vmem>>, vector<16xf32>,
    "tpu.region"() ({
      %run_scoped3A = tpu.sem_alloc : memref<!tpu.dma_semaphore, #tpu.memory_space<semaphore_mem>>
      %dma_start3A = tpu.memref_slice %arg3[%add3A_35] : memref<8192xf32, #tpu.memory_space<hbm>> -> memref<256xf32, #tpu.memory_space<hbm>>
      %dma_start3A_3906 = tpu.memref_slice %arg3[%add3A_35] : memref<8192xf32, #tpu.memory_space<hbm>> -> memref<256xf32, #tpu.memory_space<hbm>>
      tpu.enqueue_dma source(%arg6 : memref<256xf32, #tpu.memory_space<vmem>>) target(%dma_start3A_3906 : memref<256xf32, #tpu.memory_space<hbm>>) target_semaphore(%run_scoped3A : memref<!tpu.dma_semaphore, #tpu.memory_space<semaphore_mem>>)
      %dma_wait3A = tpu.memref_slice %arg3[%add3A_35] : memref<8192xf32, #tpu.memory_space<hbm>> -> memref<256xf32, #tpu.memory_space<hbm>>
      %dma_wait3A_3907 = tpu.memref_slice %arg3[%add3A_35] : memref<8192xf32, #tpu.memory_space<hbm>> -> memref<256xf32, #tpu.memory_space<hbm>>
      tpu.wait_dma2 semaphore(%run_scoped3A : memref<!tpu.dma_semaphore, #tpu.memory_space<semaphore_mem>>) src(%arg6 : memref<256xf32, #tpu.memory_space<vmem>>) dst(%dma_wait3A_3907 : memref<256xf32, #tpu.memory_space<hbm>>)
      tpu.yield
    }) : () -> ()
    return
  }
}

</mosaic_0001>

<sc_bundles>
// kernel: _sc_gather.3.cloned.1.call-start
scs
__scs_entry_jumppad:
0x0: {  	(pc) =	sbr.rel $0x88, $3  }
0x1: {  	(tag) =	ssettag $0x0;
	lr =	simm.s32 $0x1  }
0x2: {  	[smem:$0x3FA0] =	sst lr;
	_ =	strace $0xD0000000  }
0x3: {  	_ = 	snop  }
0x4: {  	_ = 	snop  }
0x5: {  	_ = 	snop  }
0x6: {  	_ = 	snop  }
0x7: {  	_ = 	snop  }
__scs_overlays_trampoline_lowered:
0x8: {  	[smem:$0x3FAF] =	sst s0  }
0x9: {  	[smem:$0x3FB0] =	sst s1  }
0xa: {  	[smem:$0x3FB1] =	sst s2  }
0xb: {  	[smem:$0x3FB2] =	sst s3  }
0xc: {  	[smem:$0x3FB3] =	sst s4  }
0xd: {  	[smem:$0x3FB4] =	sst s5  }
0xe: {  	[smem:$0x3FB5] =	sst s6  }
0xf: {  	[smem:$0x3FB6] =	sst s7  }
0x10: {  	[smem:$0x3FB7] =	sst s8  }
0x11: {  	[smem:$0x3FB8] =	sst s9;
	s0 =	simm.s32 @!p0 $0x0  }
0x12: {  	s1 =	sld [smem:$0x3F9E];
	s0 =	simm.s32 @p0 $0x1  }
0x13: {  	[smem:$0x3FB9] =	sst s0;
	s0 =	simm.s32 @!p1 $0x0  }
0x14: {  	s2 =	sld [smem:$0x3F9D];
	s0 =	simm.s32 @p1 $0x1  }
0x15: {  	[smem:$0x3FBA] =	sst s0;
	s0 =	simm.s32 @!p2 $0x0  }
0x16: {  	s3 =	sld [smem:$0x3FDB];
	s0 =	simm.s32 @p2 $0x1  }
0x17: {  	s4 =	simm.s32 $0x1BF5;
	[smem:$0x3FBC] =	sst s0  }
0x18: {  	s0 =	sld [smem:$0x3F9F];
	_ =	swait.ge [sflag:s4], $0x0  }
0x19: {  	s7 =	sld [smem:$0x3FA0]  }
0x1a: {  	s8 =	sadd.s32 $0xFFFFE003, lr  }
0x1b: {  	s9 =	sadd.s32 $0xFFFFFEF7, lr;
	s5 =	simm.s32 $0xFFFFFFFF;
	p2 =	slt.u32 s8, $0xFFFFF086  }
0x1c: {  	p1 =	slt.u32 s9, $0xF7A;
	s5 =	simm.s32 @!p2 $0x0  }
0x1d: {  	s5 =	simm.s32 @p1 $0x1;
	p0 =	seq.s32 s7, s2  }
0x1e: {  	s7 =	smul.u32 @!p0 $0xF7A, s2;
	p2 =	seq.s32 @!p0 s5, $0x0  }
0x1f: {  	s9 =	smul.u32 $0xF7A, s1;
	s8 =	simm.s32 @!p0 $0x1BF5;
	p2 =	por !p2, p0  }
0x20: {  	[sflag:s8] =	ssyncset.s32 @!p0 $0xFFFFF086;
	s6 =	sadd.s32 @!p0 s3, s7;
	s7 =	simm.s32 @!p0 $0x108  }
0x21: {  	s3 =	sadd.s32 s3, s9;
	s6 =	sadd.s32 @!p0 $0x88, s6;
	s7 =	simm.s32 @p2 $0x1082  }
0x22: {  	[simem:s7], [sflag:s8] =	dma.local @!p0 [hbm:s6], $0xF7A  }
0x23: {  	s9 =	sor.u32 $0xD0000000, s2;
	s6 =	simm.s32 $0x108;
	_ =	swait.ge @!p0 [sflag:s8], $0x0  }
0x24: {  	s3 =	sadd.s32 $0x88, s3;
	s6 =	simm.s32 @!p1 $0x1082;
	[sflag:s4] =	ssyncset.s32 $0xFFFFF086  }
0x25: {  	[simem:s6], [sflag:s4] =	dma.local [hbm:s3], $0xF7A  }
0x26: {  	[smem:$0x3FA0] =	sst s1;
	(tag) =	ssettag s2;
	_ =	strace s9  }
0x27: {  	s1 =	sld [smem:$0x3FB0]  }
0x28: {  	s2 =	sld [smem:$0x3FB1]  }
0x29: {  	s4 =	sld [smem:$0x3FB3]  }
0x2a: {  	p0 =	seq.s32 s5, $0x0;
	s5 =	sld [smem:$0x3FB4]  }
0x2b: {  	s6 =	sld [smem:$0x3FB5]  }
0x2c: {  	s7 =	sld [smem:$0x3FB6]  }
0x2d: {  	s3 =	simm.s32 $0x108;
	s8 =	sld [smem:$0x3FB7]  }
0x2e: {  	s3 =	simm.s32 @!p0 $0x1082;
	s9 =	sld [smem:$0x3FB8]  }
0x2f: {  	lr =	sadd.s32 s0, s3;
	s0 =	sld [smem:$0x3FAF]  }
0x30: {  	s3 =	sld [smem:$0x3FB2]  }
0x31: {  	[smem:$0x3FBB] =	sst s10  }
0x32: {  	s10 =	sld [smem:$0x3FB9];
	_ =	sdelay $0x3  }
0x33: {  	p0 =	seq.s32 s10, $0x1;
	s10 =	sld [smem:$0x3FBB];
	_ =	sdelay $0x3  }
0x34: {  	[smem:$0x3FBB] =	sst s10  }
0x35: {  	s10 =	sld [smem:$0x3FBA];
	_ =	sdelay $0x3  }
0x36: {  	p1 =	seq.s32 s10, $0x1;
	s10 =	sld [smem:$0x3FBB];
	_ =	sdelay $0x3  }
0x37: {  	[smem:$0x3FBB] =	sst s10  }
0x38: {  	s10 =	sld [smem:$0x3FBC]  }
0x39: {  	_ = 	snop;
	(pc) =	sbr.ind lr, $3  }
0x3a: {  	_ = 	snop  }
0x3b: {  	_ = 	snop  }
0x3c: {  	p2 =	seq.s32 s10, $0x1;
	s10 =	sld [smem:$0x3FBB]  }
0x3d: {  	_ =	shalt  }
0x3e: {  	_ =	shalt  }
0x3f: {  	_ =	shalt  }
0x40: {  	_ =	shalt  }
0x41: {  	_ =	shalt  }
0x42: {  	_ =	shalt  }
0x43: {  	_ =	shalt  }
0x44: {  	_ =	shalt  }
0x45: {  	_ =	shalt  }
0x46: {  	_ =	shalt  }
0x47: {  	_ =	shalt  }
0x48: {  	_ =	shalt  }
0x49: {  	_ =	shalt  }
0x4a: {  	_ =	shalt  }
0x4b: {  	_ =	shalt  }
0x4c: {  	_ =	shalt  }
0x4d: {  	_ =	shalt  }
0x4e: {  	_ =	shalt  }
0x4f: {  	_ =	shalt  }
0x50: {  	_ =	shalt  }
0x51: {  	_ =	shalt  }
0x52: {  	_ =	shalt  }
0x53: {  	_ =	shalt  }
0x54: {  	_ =	shalt  }
0x55: {  	_ =	shalt  }
0x56: {  	_ =	shalt  }
0x57: {  	_ =	shalt  }
0x58: {  	_ =	shalt  }
0x59: {  	_ =	shalt  }
0x5a: {  	_ =	shalt  }
0x5b: {  	_ =	shalt  }
0x5c: {  	_ =	shalt  }
0x5d: {  	_ =	shalt  }
0x5e: {  	_ =	shalt  }
0x5f: {  	_ =	shalt  }
0x60: {  	_ =	shalt  }
0x61: {  	_ =	shalt  }
0x62: {  	_ =	shalt  }
0x63: {  	_ =	shalt  }
0x64: {  	_ =	shalt  }
0x65: {  	_ =	shalt  }
0x66: {  	_ =	shalt  }
0x67: {  	_ =	shalt  }
0x68: {  	_ =	shalt  }
0x69: {  	_ =	shalt  }
0x6a: {  	_ =	shalt  }
0x6b: {  	_ =	shalt  }
0x6c: {  	_ =	shalt  }
0x6d: {  	_ =	shalt  }
0x6e: {  	_ =	shalt  }
0x6f: {  	_ =	shalt  }
0x70: {  	_ =	shalt  }
0x71: {  	_ =	shalt  }
0x72: {  	_ =	shalt  }
0x73: {  	_ =	shalt  }
0x74: {  	_ =	shalt  }
0x75: {  	_ =	shalt  }
0x76: {  	_ =	shalt  }
0x77: {  	_ =	shalt  }
0x78: {  	_ =	shalt  }
0x79: {  	_ =	shalt  }
0x7a: {  	_ =	shalt  }
0x7b: {  	_ =	shalt  }
0x7c: {  	_ =	shalt  }
0x7d: {  	_ =	shalt  }
0x7e: {  	_ =	shalt  }
0x7f: {  	_ =	shalt  }
0x80: {  	_ =	shalt  }
0x81: {  	_ =	shalt  }
0x82: {  	_ =	shalt  }
0x83: {  	_ =	shalt  }
0x84: {  	_ =	shalt  }
0x85: {  	_ =	shalt  }
0x86: {  	_ =	shalt  }
0x87: {  	_ =	shalt  }
.Lfunc_end0:
.L_simem_size_0:
called_computation_lowered:
.L_overlay_start_0:
0x88: {  	s2 =	sld [smem:$0x3FD9]  }
0x89: {  	s3 =	sld [smem:$0x3FFE];
	_ =	sdelay $0x1  }
0x8a: {  	s1 =	srdreg.scid  }
0x8b: {  	s0 =	sand.u32 $0x1, s1  }
0x8c: {  	s15 =	sshll.u32 s0, $0xA;
	s2 =	sadd.s32 s3, s2  }
0x8d: {  	s2 =	sadd.s32 s2, s15  }
0x8e: {  	[smem:$0x3FC7] =	sst s2  }
0x8f: {  	_ = 	snop  }
0x90: {  	s2 =	sld [smem:$0x3FD0];
	_ =	sdelay $0x2  }
0x91: {  	s4 =	simm.s32 $0xA;
	s5 =	simm.s32 $0x10;
	s16 =	sld [smem:$0x3FC9]  }
0x92: {  	[smem:s5], [sflag:s4] =	dma.local [hbm:s2], $0x1  }
0x93: {  	_ =	swait.eq [sflag:s4], $0x1  }
0x94: {  	[sflag:s4] =	ssyncset.done $0x0  }
0x95: {  	s17 =	sld [smem:$0x10];
	[sflag:s4] =	ssyncadd.s32 $0xFFFFFFFF  }
0x96: {  	s18 =	sld [smem:$0x11];
	(tm) =	ssettm $0x1  }
0x97: {  	s19 =	sld [smem:$0x3FFB];
	_ =	sdelay $0x3  }
0x98: {  	_ =	strace s19  }
0x99: {  	s5 =	sld [smem:$0x3FFC];
	_ =	sdelay $0x3  }
0x9a: {  	_ =	strace s5  }
0x9b: {  	s5 =	sld [smem:$0x3FFD];
	_ =	sdelay $0x3  }
0x9c: {  	_ =	strace s5  }
0x9d: {  	_ =	strace $0x8FFFFFFF  }
0x9e: {  	s20 =	sld [smem:$0x3FDB];
	_ =	sdelay $0x1  }
0x9f: {  	s6 =	simm.s32 $_scs_section_size  }
0xa0: {  	s7 =	simm.s32 $_size__tile_overlayer_lowered;
	s8 =	simm.s32 $_tile_overlayer_lowered  }
0xa1: {  	s23 =	simm.s32 $0x1BFF;
	s22 =	sshll.u32 s8, $0x1;
	s5 =	sadd.s32 s6, s20  }
0xa2: {  	s9 =	simm.s32 $0x0;
	s21 =	sshll.u32 s7, $0x1;
	s7 =	sadd.s32 s22, s5  }
0xa3: {  	[timem:s9], [sflag:s23] =	dma.local [hbm:s7], s21  }
0xa4: {  	_ =	swait.ge [sflag:s23], s21  }
0xa5: {  	s6 =	ssub.s32 $0x0, s21;
	[sflag:s23] =	ssyncset.done $0x0  }
0xa6: {  	[sflag:s23] =	ssyncadd.s32 s6;
	_ =	sdelay $0x1  }
0xa7: {  	s24 =	simm.s32 $0x1B8B  }
0xa8: {  	_ =	swait.ge [sflag:s24], $0x1  }
0xa9: {  	[sflag:s24] =	ssyncset.done $0x0  }
0xaa: {  	s25 =	simm.s32 $0x1B8E;
	[sflag:s24] =	ssyncadd.s32 $0xFFFFFFFF  }
0xab: {  	s26 =	simm.s32 $execute0_lowered;
	[smem:$0x3FD2] =	sst s25  }
0xac: {  	s6 =	sshll.u32 s26, $0x1;
	_ =	strace $0x80000046;
	[dreg:$0x1] =	wrdreg $0xFFFFFFFF  }
0xad: {  	s28 =	simm.s32 $_size_execute0_lowered;
	s5 =	sadd.s32 s5, s6;
	[dreg:$0x0] =	wrdreg $0x0  }
0xae: {  	s6 =	sshll.u32 s28, $0x1;
	[dreg:$0x2] =	wrdreg s5  }
0xaf: {  	[dreg:$0x3] =	wrdreg s6  }
0xb0: {  	[dreg:$0x4] =	wrdreg $0xC0  }
0xb1: {  	_ =	task [dreg:s9], $0x5FFFF  }
0xb2: {  	[dreg:$0x1] =	wrdreg $0xFFFFFFFF  }
0xb3: {  	[dreg:$0x0] =	wrdreg $0x60  }
0xb4: {  	[dreg:$0x2] =	wrdreg s16  }
0xb5: {  	[dreg:$0x3] =	wrdreg s17  }
0xb6: {  	[dreg:$0x4] =	wrdreg s18  }
0xb7: {  	[dreg:$0x5] =	wrdreg $0x9  }
0xb8: {  	_ =	task.clear_ibuf [dreg:s9], $0x6FFFF;
	_ =	strace $0x90000046  }
0xb9: {  	s29 =	simm.s32 $0x9;
	_ =	strace $0x80000048  }
0xba: {  	_ =	swait.ge [sflag:s29], $0x1  }
0xbb: {  	[sflag:s29] =	ssyncadd.s32 $0xFFFFFFFF  }
0xbc: {  	_ =	strace $0x90000048  }
0xbd: {  	_ =	sfence  }
0xbe: {  	s30 =	sld [smem:$0x0];
	_ =	sdelay $0x2  }
0xbf: {  	s31 =	sshll.u32 s1, $0xD;
	s1 =	sshrl.u32 s1, $0x2  }
0xc0: {  	s3 =	sand.u32 $0x4000, s31;
	s1 =	sadd.s32 s1, s30  }
0xc1: {  	s0 =	sor.u32 s3, s0;
	s1 =	sshll.u32 s1, $0x11  }
0xc2: {  	s0 =	sor.u32 s1, s0  }
0xc3: {  	s0 =	sadd.s32 $0x8F2B, s0  }
0xc4: {  	[sflag:s0] =	ssyncadd.remote.s32 $0x1  }
0xc5: {  	_ =	sfence.sel $0xFFFF  }
0xc6: {  	[dreg:$0x0] =	wrdreg $0xFFFFFFFF;
	(pc) =	sbr.abs _section_cstart, $3  }
0xc7: {  	[dreg:$0x1] =	wrdreg $0xFFFFFFFF  }
0xc8: {  	_ =	task.clear_ibuf [dreg:s9], $0x2FFFF;
	_ =	strace $0x9FFFFFFF  }
0xc9: {  	(tm) =	ssettm $0x7FFFFFFF  }
tec
execute0_lowered:
.L_overlay_start_1:
0x0: {  	(tag) =	ssettag $0x1  }
0x1: {  	s1 =	srdreg.scid;
	s0 =	stileid.u32  }
0x2: {  	s4 =	sand.u32 $0x1, s1;
	s30 =	sshll.u32 s0, $0x1  }
0x3: {  	s1 =	sor.u32 s4, s30  }
0x4: {  	s2 =	sshll.u32 s0, $0x9;
	s5 =	sshll.u32 s1, $0x8  }
0x5: {  	v0 =	vlaneseq.u32;
	s3 =	sand.u32 $0x1C00, s2;
	s31 =	sand.u32 $0x300, s5  }
0x6: {  	v1 =	vadd.s32 $0x3596DFCE, v0;
	s2 =	sor.u32 s3, s31  }
0x7: {  	v1 =	vadd.s32 s2, v1  }
0x8: {  	v2 =	vadd.s32 $0x9B453DDC, v0;
	v1 =	vshll.u32 v1, $0xD  }
0x9: {  	v2 =	vadd.s32 s2, v2;
	v1 =	vor.u32 $0x6B2, v1  }
0xa: {  	v1 =	vxor.u32 v2, v1  }
0xb: {  	v3 =	vshrl.u32 v1, $0x11;
	v4 =	vshll.u32 v1, $0xF  }
0xc: {  	v1 =	vadd.s32 v2, v1;
	v2 =	vor.u32 v3, v4  }
0xd: {  	v2 =	vxor.u32 v2, v1  }
0xe: {  	v3 =	vshrl.u32 v2, $0x6;
	v4 =	vshll.u32 v2, $0x1A  }
0xf: {  	v1 =	vadd.s32 v1, v2;
	v2 =	vor.u32 v3, v4  }
0x10: {  	v2 =	vxor.u32 v2, v1  }
0x11: {  	v3 =	vshrl.u32 v2, $0x1A;
	v4 =	vshll.u32 v2, $0x6  }
0x12: {  	v1 =	vadd.s32 v1, v2;
	v2 =	vor.u32 v3, v4  }
0x13: {  	v2 =	vxor.u32 v2, v1  }
0x14: {  	v2 =	vadd.s32 $0x4BE99A1B, v2  }
0x15: {  	v1 =	vadd.s32 v2, v1;
	v3 =	vshrl.u32 v2, $0xF;
	v2 =	vshll.u32 v2, $0x11  }
0x16: {  	v1 =	vadd.s32 $0x3596DFCE, v1;
	v2 =	vor.u32 v3, v2  }
0x17: {  	v2 =	vxor.u32 v2, v1  }
0x18: {  	v3 =	vshrl.u32 v2, $0x3;
	v4 =	vshll.u32 v2, $0x1D  }
0x19: {  	v1 =	vadd.s32 v1, v2;
	v2 =	vor.u32 v3, v4  }
0x1a: {  	v2 =	vxor.u32 v2, v1  }
0x1b: {  	v3 =	vshrl.u32 v2, $0x10;
	v4 =	vshll.u32 v2, $0x10  }
0x1c: {  	v1 =	vadd.s32 v1, v2;
	v2 =	vor.u32 v3, v4  }
0x1d: {  	v2 =	vxor.u32 v2, v1  }
0x1e: {  	v3 =	vshrl.u32 v2, $0x8;
	v4 =	vshll.u32 v2, $0x18  }
0x1f: {  	v1 =	vadd.s32 v1, v2;
	v2 =	vor.u32 v3, v4  }
0x20: {  	v2 =	vxor.u32 v2, v1  }
0x21: {  	v2 =	vadd.s32 $0x65AE5E10, v2  }
0x22: {  	v1 =	vadd.s32 v2, v1;
	v3 =	vshrl.u32 v2, $0x13;
	v2 =	vshll.u32 v2, $0xD  }
0x23: {  	v1 =	vadd.s32 $0x4BE99A1A, v1;
	v2 =	vor.u32 v3, v2  }
0x24: {  	v2 =	vxor.u32 v2, v1  }
0x25: {  	v3 =	vshrl.u32 v2, $0x11;
	v4 =	vshll.u32 v2, $0xF  }
0x26: {  	v1 =	vadd.s32 v1, v2;
	v2 =	vor.u32 v3, v4  }
0x27: {  	v2 =	vxor.u32 v2, v1  }
0x28: {  	v3 =	vshrl.u32 v2, $0x6;
	v4 =	vshll.u32 v2, $0x1A  }
0x29: {  	v1 =	vadd.s32 v1, v2;
	v2 =	vor.u32 v3, v4  }
0x2a: {  	v2 =	vxor.u32 v2, v1  }
0x2b: {  	v5 =	vadd.s32 $0x3596DFDE, v0;
	v3 =	vshrl.u32 v2, $0x1A;
	v4 =	vshll.u32 v2, $0x6  }
0x2c: {  	v1 =	vadd.s32 v1, v2;
	v2 =	vor.u32 v3, v4;
	v3 =	vadd.s32 s2, v5  }
0x2d: {  	v4 =	vadd.s32 $0x9B453DEC, v0;
	v2 =	vxor.u32 v2, v1;
	v3 =	vshll.u32 v3, $0xD  }
0x2e: {  	v4 =	vadd.s32 s2, v4;
	v2 =	vadd.s32 $0x3596DFD1, v2;
	v3 =	vor.u32 $0x6B2, v3  }
0x2f: {  	v1 =	vadd.s32 v2, v1;
	v3 =	vxor.u32 v4, v3  }
0x30: {  	v5 =	vshrl.u32 v2, $0xF;
	v6 =	vshrl.u32 v3, $0x11;
	v7 =	vshll.u32 v3, $0xF  }
0x31: {  	v2 =	vshll.u32 v2, $0x11;
	v3 =	vadd.s32 v4, v3;
	v4 =	vor.u32 v6, v7  }
0x32: {  	v1 =	vadd.s32 $0x65AE5E0E, v1;
	v2 =	vor.u32 v5, v2;
	v4 =	vxor.u32 v4, v3  }
0x33: {  	v2 =	vxor.u32 v2, v1;
	v5 =	vshrl.u32 v4, $0x6;
	v6 =	vshll.u32 v4, $0x1A  }
0x34: {  	v1 =	vadd.s32 v1, v2;
	v3 =	vadd.s32 v3, v4;
	v4 =	vor.u32 v5, v6  }
0x35: {  	v5 =	vshrl.u32 v2, $0x3;
	v2 =	vshll.u32 v2, $0x1D;
	v4 =	vxor.u32 v4, v3  }
0x36: {  	v2 =	vor.u32 v5, v2;
	v5 =	vshrl.u32 v4, $0x1A;
	v6 =	vshll.u32 v4, $0x6  }
0x37: {  	v2 =	vxor.u32 v2, v1;
	v3 =	vadd.s32 v3, v4;
	v4 =	vor.u32 v5, v6  }
0x38: {  	v5 =	vshrl.u32 v2, $0x10;
	v6 =	vshll.u32 v2, $0x10;
	v4 =	vxor.u32 v4, v3  }
0x39: {  	v1 =	vadd.s32 v1, v2;
	v2 =	vor.u32 v5, v6;
	v4 =	vadd.s32 $0x4BE99A1B, v4  }
0x3a: {  	v3 =	vadd.s32 v4, v3;
	v5 =	vshrl.u32 v4, $0xF;
	v4 =	vshll.u32 v4, $0x11  }
0x3b: {  	v2 =	vxor.u32 v2, v1;
	v3 =	vadd.s32 $0x3596DFCE, v3;
	v4 =	vor.u32 v5, v4  }
0x3c: {  	v1 =	vadd.s32 v1, v2;
	v5 =	vshrl.u32 v2, $0x8;
	v4 =	vxor.u32 v4, v3  }
0x3d: {  	v2 =	vshll.u32 v2, $0x18;
	v6 =	vshrl.u32 v4, $0x3;
	v7 =	vshll.u32 v4, $0x1D  }
0x3e: {  	v2 =	vor.u32 v5, v2;
	v3 =	vadd.s32 v3, v4;
	v4 =	vor.u32 v6, v7  }
0x3f: {  	v2 =	vxor.u32 v2, v1;
	v4 =	vxor.u32 v4, v3  }
0x40: {  	v2 =	vadd.s32 $0x4BE99A1E, v2;
	v5 =	vshrl.u32 v4, $0x10;
	v6 =	vshll.u32 v4, $0x10  }
0x41: {  	v1 =	vadd.s32 v2, v1;
	v3 =	vadd.s32 v3, v4;
	v4 =	vor.u32 v5, v6  }
0x42: {  	v1 =	vadd.s32 $0x3596DFCE, v1;
	v5 =	vshrl.u32 v2, $0x13;
	v4 =	vxor.u32 v4, v3  }
0x43: {  	v2 =	vshll.u32 v2, $0xD;
	v6 =	vshrl.u32 v4, $0x8;
	v7 =	vshll.u32 v4, $0x18  }
0x44: {  	v2 =	vor.u32 v5, v2;
	v3 =	vadd.s32 v3, v4;
	v4 =	vor.u32 v6, v7  }
0x45: {  	v2 =	vxor.u32 v2, v1;
	v4 =	vxor.u32 v4, v3  }
0x46: {  	v5 =	vshrl.u32 v2, $0x11;
	v4 =	vadd.s32 $0x65AE5E10, v4  }
0x47: {  	v3 =	vadd.s32 v4, v3;
	v6 =	vshrl.u32 v4, $0x13;
	v4 =	vshll.u32 v4, $0xD  }
0x48: {  	v7 =	vshll.u32 v2, $0xF;
	v3 =	vadd.s32 $0x4BE99A1A, v3;
	v4 =	vor.u32 v6, v4  }
0x49: {  	v1 =	vadd.s32 v1, v2;
	v2 =	vor.u32 v5, v7;
	v4 =	vxor.u32 v4, v3  }
0x4a: {  	v2 =	vxor.u32 v2, v1;
	v5 =	vshrl.u32 v4, $0x11;
	v6 =	vshll.u32 v4, $0xF  }
0x4b: {  	v1 =	vadd.s32 v1, v2;
	v3 =	vadd.s32 v3, v4;
	v4 =	vor.u32 v5, v6  }
0x4c: {  	v5 =	vshrl.u32 v2, $0x6;
	v2 =	vshll.u32 v2, $0x1A;
	v4 =	vxor.u32 v4, v3  }
0x4d: {  	v2 =	vor.u32 v5, v2;
	v5 =	vshrl.u32 v4, $0x6;
	v6 =	vshll.u32 v4, $0x1A  }
0x4e: {  	v2 =	vxor.u32 v2, v1;
	v3 =	vadd.s32 v3, v4;
	v4 =	vor.u32 v5, v6  }
0x4f: {  	v8 =	vadd.s32 $0x3596DFEE, v0;
	v1 =	vadd.s32 v1, v2;
	v4 =	vxor.u32 v4, v3  }
0x50: {  	v5 =	vshrl.u32 v2, $0x1A;
	v6 =	vshrl.u32 v4, $0x1A;
	v7 =	vshll.u32 v4, $0x6  }
0x51: {  	v3 =	vadd.s32 v3, v4;
	v4 =	vor.u32 v6, v7;
	v6 =	vadd.s32 s2, v8  }
0x52: {  	v7 =	vadd.s32 $0x9B453DFC, v0;
	v4 =	vxor.u32 v4, v3;
	v6 =	vshll.u32 v6, $0xD  }
0x53: {  	v7 =	vadd.s32 s2, v7;
	v4 =	vadd.s32 $0x3596DFD1, v4;
	v6 =	vor.u32 $0x6B2, v6  }
0x54: {  	v2 =	vshll.u32 v2, $0x6;
	v3 =	vadd.s32 v4, v3;
	v6 =	vxor.u32 v7, v6  }
0x55: {  	v8 =	vshrl.u32 v4, $0xF;
	v9 =	vshrl.u32 v6, $0x11;
	v10 =	vshll.u32 v6, $0xF  }
0x56: {  	v4 =	vshll.u32 v4, $0x11;
	v6 =	vadd.s32 v7, v6;
	v7 =	vor.u32 v9, v10  }
0x57: {  	v3 =	vadd.s32 $0x65AE5E0E, v3;
	v4 =	vor.u32 v8, v4;
	v7 =	vxor.u32 v7, v6  }
0x58: {  	v4 =	vxor.u32 v4, v3;
	v8 =	vshrl.u32 v7, $0x6;
	v9 =	vshll.u32 v7, $0x1A  }
0x59: {  	v3 =	vadd.s32 v3, v4;
	v6 =	vadd.s32 v6, v7;
	v7 =	vor.u32 v8, v9  }
0x5a: {  	v8 =	vshrl.u32 v4, $0x3;
	v4 =	vshll.u32 v4, $0x1D;
	v7 =	vxor.u32 v7, v6  }
0x5b: {  	v4 =	vor.u32 v8, v4;
	v8 =	vshrl.u32 v7, $0x1A;
	v9 =	vshll.u32 v7, $0x6  }
0x5c: {  	v4 =	vxor.u32 v4, v3;
	v6 =	vadd.s32 v6, v7;
	v7 =	vor.u32 v8, v9  }
0x5d: {  	v2 =	vor.u32 v5, v2;
	v3 =	vadd.s32 v3, v4;
	v5 =	vxor.u32 v7, v6  }
0x5e: {  	v7 =	vshrl.u32 v4, $0x10;
	v4 =	vshll.u32 v4, $0x10;
	v5 =	vadd.s32 $0x4BE99A1B, v5  }
0x5f: {  	v6 =	vadd.s32 v5, v6;
	v8 =	vshrl.u32 v5, $0xF;
	v5 =	vshll.u32 v5, $0x11  }
0x60: {  	v4 =	vor.u32 v7, v4;
	v6 =	vadd.s32 $0x3596DFCE, v6;
	v5 =	vor.u32 v8, v5  }
0x61: {  	v2 =	vxor.u32 v2, v1;
	v4 =	vxor.u32 v4, v3;
	v5 =	vxor.u32 v5, v6  }
0x62: {  	v7 =	vshrl.u32 v4, $0x8;
	v8 =	vshrl.u32 v5, $0x3;
	v9 =	vshll.u32 v5, $0x1D  }
0x63: {  	v10 =	vshll.u32 v4, $0x18;
	v5 =	vadd.s32 v6, v5;
	v6 =	vor.u32 v8, v9  }
0x64: {  	v3 =	vadd.s32 v3, v4;
	v4 =	vor.u32 v7, v10;
	v6 =	vxor.u32 v6, v5  }
0x65: {  	v4 =	vxor.u32 v4, v3;
	v7 =	vshrl.u32 v6, $0x10;
	v8 =	vshll.u32 v6, $0x10  }
0x66: {  	v4 =	vadd.s32 $0x4BE99A1E, v4;
	v5 =	vadd.s32 v5, v6;
	v6 =	vor.u32 v7, v8  }
0x67: {  	v1 =	vadd.s32 $0x21A, v1;
	v3 =	vadd.s32 v4, v3;
	v6 =	vxor.u32 v6, v5  }
0x68: {  	v7 =	vshrl.u32 v4, $0x13;
	v8 =	vshrl.u32 v6, $0x8;
	v9 =	vshll.u32 v6, $0x18  }
0x69: {  	v4 =	vshll.u32 v4, $0xD;
	v5 =	vadd.s32 v5, v6;
	v6 =	vor.u32 v8, v9  }
0x6a: {  	v3 =	vadd.s32 $0x3596DFCE, v3;
	v4 =	vor.u32 v7, v4;
	v6 =	vxor.u32 v6, v5  }
0x6b: {  	v2 =	vadd.s32 $0x213, v2;
	v4 =	vxor.u32 v4, v3;
	v6 =	vadd.s32 $0x65AE5E10, v6  }
0x6c: {  	v5 =	vadd.s32 v6, v5;
	v7 =	vshrl.u32 v6, $0x13;
	v6 =	vshll.u32 v6, $0xD  }
0x6d: {  	v3 =	vadd.s32 v3, v4;
	v5 =	vadd.s32 $0x4BE99A1A, v5;
	v6 =	vor.u32 v7, v6  }
0x6e: {  	v7 =	vshrl.u32 v4, $0x11;
	v4 =	vshll.u32 v4, $0xF;
	v6 =	vxor.u32 v6, v5  }
0x6f: {  	v4 =	vor.u32 v7, v4;
	v7 =	vshrl.u32 v6, $0x11;
	v8 =	vshll.u32 v6, $0xF  }
0x70: {  	v4 =	vxor.u32 v4, v3;
	v5 =	vadd.s32 v5, v6;
	v6 =	vor.u32 v7, v8  }
0x71: {  	v3 =	vadd.s32 v3, v4;
	v7 =	vshrl.u32 v4, $0x6;
	v4 =	vshll.u32 v4, $0x1A  }
0x72: {  	v1 =	vxor.u32 v1, v2;
	v6 =	vxor.u32 v6, v5;
	v4 =	vor.u32 v7, v4  }
0x73: {  	v8 =	vshrl.u32 v6, $0x6;
	v9 =	vshll.u32 v6, $0x1A;
	v2 =	vxor.u32 v4, v3  }
0x74: {  	v5 =	vadd.s32 v5, v6;
	v6 =	vor.u32 v8, v9;
	v3 =	vadd.s32 v3, v2  }
0x75: {  	v8 =	vshrl.u32 v2, $0x1A;
	v2 =	vshll.u32 v2, $0x6;
	v4 =	vxor.u32 v6, v5  }
0x76: {  	v2 =	vor.u32 v8, v2;
	v6 =	vshrl.u32 v4, $0x1A;
	v7 =	vshll.u32 v4, $0x6  }
0x77: {  	v4 =	vadd.s32 v5, v4;
	v5 =	vor.u32 v6, v7;
	v6 =	vadd.s32 $0x3596DFFE, v0  }
0x78: {  	v7 =	vadd.s32 $0x9B453E0C, v0;
	v5 =	vxor.u32 v5, v4;
	v6 =	vadd.s32 s2, v6  }
0x79: {  	v7 =	vadd.s32 s2, v7;
	v5 =	vadd.s32 $0x3596DFD1, v5;
	v6 =	vshll.u32 v6, $0xD  }
0x7a: {  	v4 =	vadd.s32 v5, v4;
	v6 =	vor.u32 $0x6B2, v6;
	v8 =	vshrl.u32 v5, $0xF  }
0x7b: {  	v5 =	vshll.u32 v5, $0x11;
	v4 =	vadd.s32 $0x65AE5E0E, v4;
	v6 =	vxor.u32 v7, v6  }
0x7c: {  	v5 =	vor.u32 v8, v5;
	v8 =	vshrl.u32 v6, $0x11;
	v9 =	vshll.u32 v6, $0xF  }
0x7d: {  	v5 =	vxor.u32 v5, v4;
	v6 =	vadd.s32 v7, v6;
	v7 =	vor.u32 v8, v9  }
0x7e: {  	v4 =	vadd.s32 v4, v5;
	v8 =	vshrl.u32 v5, $0x3;
	v7 =	vxor.u32 v7, v6  }
0x7f: {  	v5 =	vshll.u32 v5, $0x1D;
	v9 =	vshrl.u32 v7, $0x6;
	v10 =	vshll.u32 v7, $0x1A  }
0x80: {  	v5 =	vor.u32 v8, v5;
	v6 =	vadd.s32 v6, v7;
	v7 =	vor.u32 v9, v10  }
0x81: {  	v2 =	vxor.u32 v2, v3;
	v5 =	vxor.u32 v5, v4;
	v7 =	vxor.u32 v7, v6  }
0x82: {  	v8 =	vshrl.u32 v5, $0x10;
	v9 =	vshrl.u32 v7, $0x1A;
	v10 =	vshll.u32 v7, $0x6  }
0x83: {  	v11 =	vshll.u32 v5, $0x10;
	v6 =	vadd.s32 v6, v7;
	v7 =	vor.u32 v9, v10  }
0x84: {  	v4 =	vadd.s32 v4, v5;
	v5 =	vor.u32 v8, v11;
	v7 =	vxor.u32 v7, v6  }
0x85: {  	v3 =	vadd.s32 $0x21A, v3;
	v5 =	vxor.u32 v5, v4;
	v7 =	vadd.s32 $0x4BE99A1B, v7  }
0x86: {  	v6 =	vadd.s32 v7, v6;
	v8 =	vshrl.u32 v7, $0xF;
	v7 =	vshll.u32 v7, $0x11  }
0x87: {  	v4 =	vadd.s32 v4, v5;
	v6 =	vadd.s32 $0x3596DFCE, v6;
	v7 =	vor.u32 v8, v7  }
0x88: {  	v8 =	vshrl.u32 v5, $0x8;
	v5 =	vshll.u32 v5, $0x18;
	v7 =	vxor.u32 v7, v6  }
0x89: {  	v5 =	vor.u32 v8, v5;
	v8 =	vshrl.u32 v7, $0x3;
	v9 =	vshll.u32 v7, $0x1D  }
0x8a: {  	v5 =	vxor.u32 v5, v4;
	v6 =	vadd.s32 v6, v7;
	v7 =	vor.u32 v8, v9  }
0x8b: {  	v2 =	vadd.s32 $0x213, v2;
	v5 =	vadd.s32 $0x4BE99A1E, v5;
	v7 =	vxor.u32 v7, v6  }
0x8c: {  	v4 =	vadd.s32 v5, v4;
	v8 =	vshrl.u32 v7, $0x10;
	v9 =	vshll.u32 v7, $0x10  }
0x8d: {  	v4 =	vadd.s32 $0x3596DFCE, v4;
	v6 =	vadd.s32 v6, v7;
	v7 =	vor.u32 v8, v9  }
0x8e: {  	v8 =	vshrl.u32 v5, $0x13;
	v5 =	vshll.u32 v5, $0xD;
	v7 =	vxor.u32 v7, v6  }
0x8f: {  	v5 =	vor.u32 v8, v5;
	v8 =	vshrl.u32 v7, $0x8;
	v9 =	vshll.u32 v7, $0x18  }
0x90: {  	v5 =	vxor.u32 v5, v4;
	v6 =	vadd.s32 v6, v7;
	v7 =	vor.u32 v8, v9  }
0x91: {  	v8 =	vshrl.u32 v5, $0x11;
	v9 =	vshll.u32 v5, $0xF;
	v7 =	vxor.u32 v7, v6  }
0x92: {  	v4 =	vadd.s32 v4, v5;
	v5 =	vor.u32 v8, v9;
	v7 =	vadd.s32 $0x65AE5E10, v7  }
0x93: {  	v6 =	vadd.s32 v7, v6;
	v8 =	vshrl.u32 v7, $0x13;
	v7 =	vshll.u32 v7, $0xD  }
0x94: {  	v5 =	vxor.u32 v5, v4;
	v6 =	vadd.s32 $0x4BE99A1A, v6;
	v7 =	vor.u32 v8, v7  }
0x95: {  	v4 =	vadd.s32 v4, v5;
	v8 =	vshrl.u32 v5, $0x6;
	v7 =	vxor.u32 v7, v6  }
0x96: {  	v5 =	vshll.u32 v5, $0x1A;
	v9 =	vshrl.u32 v7, $0x11;
	v10 =	vshll.u32 v7, $0xF  }
0x97: {  	v5 =	vor.u32 v8, v5;
	v6 =	vadd.s32 v6, v7;
	v7 =	vor.u32 v9, v10  }
0x98: {  	v2 =	vxor.u32 v3, v2;
	v3 =	vxor.u32 v5, v4;
	v5 =	vxor.u32 v7, v6  }
0x99: {  	v10 =	vshll.u32 v3, $0x6;
	v8 =	vshrl.u32 v5, $0x6;
	v9 =	vshll.u32 v5, $0x1A  }
0x9a: {  	v7 =	vshrl.u32 v3, $0x1A;
	v5 =	vadd.s32 v6, v5;
	v6 =	vor.u32 v8, v9  }
0x9b: {  	v3 =	vadd.s32 v4, v3;
	v4 =	vor.u32 v7, v10;
	v6 =	vxor.u32 v6, v5  }
0x9c: {  	v9 =	vadd.s32 $0x3596E00E, v0;
	v7 =	vshrl.u32 v6, $0x1A;
	v8 =	vshll.u32 v6, $0x6  }
0x9d: {  	v5 =	vadd.s32 v5, v6;
	v6 =	vor.u32 v7, v8;
	v7 =	vor.u32 s2, v9  }
0x9e: {  	v8 =	vadd.s32 $0x9B453E1C, v0;
	v6 =	vxor.u32 v6, v5;
	v7 =	vshll.u32 v7, $0xD  }
0x9f: {  	v8 =	vadd.s32 s2, v8;
	v6 =	vadd.s32 $0x3596DFD1, v6;
	v7 =	vor.u32 $0x6B2, v7  }
0xa0: {  	v4 =	vxor.u32 v4, v3;
	v5 =	vadd.s32 v6, v5;
	v7 =	vxor.u32 v8, v7  }
0xa1: {  	v9 =	vshrl.u32 v6, $0xF;
	v10 =	vshrl.u32 v7, $0x11;
	v11 =	vshll.u32 v7, $0xF  }
0xa2: {  	v6 =	vshll.u32 v6, $0x11;
	v7 =	vadd.s32 v8, v7;
	v8 =	vor.u32 v10, v11  }
0xa3: {  	v5 =	vadd.s32 $0x65AE5E0E, v5;
	v6 =	vor.u32 v9, v6;
	v8 =	vxor.u32 v8, v7  }
0xa4: {  	v6 =	vxor.u32 v6, v5;
	v9 =	vshrl.u32 v8, $0x6;
	v10 =	vshll.u32 v8, $0x1A  }
0xa5: {  	v5 =	vadd.s32 v5, v6;
	v7 =	vadd.s32 v7, v8;
	v8 =	vor.u32 v9, v10  }
0xa6: {  	v9 =	vshrl.u32 v6, $0x3;
	v6 =	vshll.u32 v6, $0x1D;
	v8 =	vxor.u32 v8, v7  }
0xa7: {  	v6 =	vor.u32 v9, v6;
	v9 =	vshrl.u32 v8, $0x1A;
	v10 =	vshll.u32 v8, $0x6  }
0xa8: {  	v6 =	vxor.u32 v6, v5;
	v7 =	vadd.s32 v7, v8;
	v8 =	vor.u32 v9, v10  }
0xa9: {  	v9 =	vshrl.u32 v6, $0x10;
	v10 =	vshll.u32 v6, $0x10;
	v8 =	vxor.u32 v8, v7  }
0xaa: {  	v5 =	vadd.s32 v5, v6;
	v6 =	vor.u32 v9, v10;
	v8 =	vadd.s32 $0x4BE99A1B, v8  }
0xab: {  	v7 =	vadd.s32 v8, v7;
	v9 =	vshrl.u32 v8, $0xF;
	v8 =	vshll.u32 v8, $0x11  }
0xac: {  	v6 =	vxor.u32 v6, v5;
	v7 =	vadd.s32 $0x3596DFCE, v7;
	v8 =	vor.u32 v9, v8  }
0xad: {  	v5 =	vadd.s32 v5, v6;
	v9 =	vshrl.u32 v6, $0x8;
	v8 =	vxor.u32 v8, v7  }
0xae: {  	v6 =	vshll.u32 v6, $0x18;
	v10 =	vshrl.u32 v8, $0x3;
	v11 =	vshll.u32 v8, $0x1D  }
0xaf: {  	v6 =	vor.u32 v9, v6;
	v7 =	vadd.s32 v7, v8;
	v8 =	vor.u32 v10, v11  }
0xb0: {  	v3 =	vadd.s32 $0x21A, v3;
	v6 =	vxor.u32 v6, v5;
	v8 =	vxor.u32 v8, v7  }
0xb1: {  	v6 =	vadd.s32 $0x4BE99A1E, v6;
	v9 =	vshrl.u32 v8, $0x10;
	v10 =	vshll.u32 v8, $0x10  }
0xb2: {  	v5 =	vadd.s32 v6, v5;
	v7 =	vadd.s32 v7, v8;
	v8 =	vor.u32 v9, v10  }
0xb3: {  	v5 =	vadd.s32 $0x3596DFCE, v5;
	v9 =	vshrl.u32 v6, $0x13;
	v8 =	vxor.u32 v8, v7  }
0xb4: {  	v6 =	vshll.u32 v6, $0xD;
	v10 =	vshrl.u32 v8, $0x8;
	v11 =	vshll.u32 v8, $0x18  }
0xb5: {  	v6 =	vor.u32 v9, v6;
	v7 =	vadd.s32 v7, v8;
	v8 =	vor.u32 v10, v11  }
0xb6: {  	v4 =	vadd.s32 $0x213, v4;
	v6 =	vxor.u32 v6, v5;
	v8 =	vxor.u32 v8, v7  }
0xb7: {  	v3 =	vxor.u32 v3, v4;
	v4 =	vshrl.u32 v6, $0x11;
	v8 =	vadd.s32 $0x65AE5E10, v8  }
0xb8: {  	v7 =	vadd.s32 v8, v7;
	v9 =	vshrl.u32 v8, $0x13;
	v8 =	vshll.u32 v8, $0xD  }
0xb9: {  	v10 =	vshll.u32 v6, $0xF;
	v7 =	vadd.s32 $0x4BE99A1A, v7;
	v8 =	vor.u32 v9, v8  }
0xba: {  	v5 =	vadd.s32 v5, v6;
	v4 =	vor.u32 v4, v10;
	v6 =	vxor.u32 v8, v7  }
0xbb: {  	v4 =	vxor.u32 v4, v5;
	v8 =	vshrl.u32 v6, $0x11;
	v9 =	vshll.u32 v6, $0xF  }
0xbc: {  	v5 =	vadd.s32 v5, v4;
	v6 =	vadd.s32 v7, v6;
	v7 =	vor.u32 v8, v9  }
0xbd: {  	v8 =	vshrl.u32 v4, $0x6;
	v4 =	vshll.u32 v4, $0x1A;
	v7 =	vxor.u32 v7, v6  }
0xbe: {  	v4 =	vor.u32 v8, v4;
	v8 =	vshrl.u32 v7, $0x6;
	v9 =	vshll.u32 v7, $0x1A  }
0xbf: {  	v4 =	vxor.u32 v4, v5;
	v6 =	vadd.s32 v6, v7;
	v7 =	vor.u32 v8, v9  }
0xc0: {  	v11 =	vadd.s32 $0x3596E01E, v0;
	v5 =	vadd.s32 v5, v4;
	v7 =	vxor.u32 v7, v6  }
0xc1: {  	v8 =	vshrl.u32 v4, $0x1A;
	v9 =	vshrl.u32 v7, $0x1A;
	v10 =	vshll.u32 v7, $0x6  }
0xc2: {  	v6 =	vadd.s32 v6, v7;
	v7 =	vor.u32 v9, v10;
	v9 =	vor.u32 s2, v11  }
0xc3: {  	v10 =	vadd.s32 $0x9B453E2C, v0;
	v7 =	vxor.u32 v7, v6;
	v9 =	vshll.u32 v9, $0xD  }
0xc4: {  	v10 =	vadd.s32 s2, v10;
	v7 =	vadd.s32 $0x3596DFD1, v7;
	v9 =	vor.u32 $0x6B2, v9  }
0xc5: {  	v4 =	vshll.u32 v4, $0x6;
	v6 =	vadd.s32 v7, v6;
	v9 =	vxor.u32 v10, v9  }
0xc6: {  	v11 =	vshrl.u32 v7, $0xF;
	v12 =	vshrl.u32 v9, $0x11;
	v13 =	vshll.u32 v9, $0xF  }
0xc7: {  	v7 =	vshll.u32 v7, $0x11;
	v9 =	vadd.s32 v10, v9;
	v10 =	vor.u32 v12, v13  }
0xc8: {  	v6 =	vadd.s32 $0x65AE5E0E, v6;
	v7 =	vor.u32 v11, v7;
	v10 =	vxor.u32 v10, v9  }
0xc9: {  	v7 =	vxor.u32 v7, v6;
	v11 =	vshrl.u32 v10, $0x6;
	v12 =	vshll.u32 v10, $0x1A  }
0xca: {  	v6 =	vadd.s32 v6, v7;
	v9 =	vadd.s32 v9, v10;
	v10 =	vor.u32 v11, v12  }
0xcb: {  	v11 =	vshrl.u32 v7, $0x3;
	v7 =	vshll.u32 v7, $0x1D;
	v10 =	vxor.u32 v10, v9  }
0xcc: {  	v7 =	vor.u32 v11, v7;
	v11 =	vshrl.u32 v10, $0x1A;
	v12 =	vshll.u32 v10, $0x6  }
0xcd: {  	v7 =	vxor.u32 v7, v6;
	v9 =	vadd.s32 v9, v10;
	v10 =	vor.u32 v11, v12  }
0xce: {  	v4 =	vor.u32 v8, v4;
	v6 =	vadd.s32 v6, v7;
	v8 =	vxor.u32 v10, v9  }
0xcf: {  	v10 =	vshrl.u32 v7, $0x10;
	v7 =	vshll.u32 v7, $0x10;
	v8 =	vadd.s32 $0x4BE99A1B, v8  }
0xd0: {  	v9 =	vadd.s32 v8, v9;
	v11 =	vshrl.u32 v8, $0xF;
	v8 =	vshll.u32 v8, $0x11  }
0xd1: {  	v7 =	vor.u32 v10, v7;
	v9 =	vadd.s32 $0x3596DFCE, v9;
	v8 =	vor.u32 v11, v8  }
0xd2: {  	v4 =	vxor.u32 v4, v5;
	v7 =	vxor.u32 v7, v6;
	v8 =	vxor.u32 v8, v9  }
0xd3: {  	v10 =	vshrl.u32 v7, $0x8;
	v11 =	vshrl.u32 v8, $0x3;
	v12 =	vshll.u32 v8, $0x1D  }
0xd4: {  	v13 =	vshll.u32 v7, $0x18;
	v8 =	vadd.s32 v9, v8;
	v9 =	vor.u32 v11, v12  }
0xd5: {  	v6 =	vadd.s32 v6, v7;
	v7 =	vor.u32 v10, v13;
	v9 =	vxor.u32 v9, v8  }
0xd6: {  	v7 =	vxor.u32 v7, v6;
	v10 =	vshrl.u32 v9, $0x10;
	v11 =	vshll.u32 v9, $0x10  }
0xd7: {  	v7 =	vadd.s32 $0x4BE99A1E, v7;
	v8 =	vadd.s32 v8, v9;
	v9 =	vor.u32 v10, v11  }
0xd8: {  	v5 =	vadd.s32 $0x21A, v5;
	v6 =	vadd.s32 v7, v6;
	v9 =	vxor.u32 v9, v8  }
0xd9: {  	v10 =	vshrl.u32 v7, $0x13;
	v11 =	vshrl.u32 v9, $0x8;
	v12 =	vshll.u32 v9, $0x18  }
0xda: {  	v7 =	vshll.u32 v7, $0xD;
	v8 =	vadd.s32 v8, v9;
	v9 =	vor.u32 v11, v12  }
0xdb: {  	v6 =	vadd.s32 $0x3596DFCE, v6;
	v7 =	vor.u32 v10, v7;
	v9 =	vxor.u32 v9, v8  }
0xdc: {  	v4 =	vadd.s32 $0x213, v4;
	v7 =	vxor.u32 v7, v6;
	v9 =	vadd.s32 $0x65AE5E10, v9  }
0xdd: {  	v8 =	vadd.s32 v9, v8;
	v10 =	vshrl.u32 v9, $0x13;
	v9 =	vshll.u32 v9, $0xD  }
0xde: {  	v6 =	vadd.s32 v6, v7;
	v8 =	vadd.s32 $0x4BE99A1A, v8;
	v9 =	vor.u32 v10, v9  }
0xdf: {  	v10 =	vshrl.u32 v7, $0x11;
	v7 =	vshll.u32 v7, $0xF;
	v9 =	vxor.u32 v9, v8  }
0xe0: {  	v7 =	vor.u32 v10, v7;
	v10 =	vshrl.u32 v9, $0x11;
	v11 =	vshll.u32 v9, $0xF  }
0xe1: {  	v7 =	vxor.u32 v7, v6;
	v8 =	vadd.s32 v8, v9;
	v9 =	vor.u32 v10, v11  }
0xe2: {  	v6 =	vadd.s32 v6, v7;
	v10 =	vshrl.u32 v7, $0x6;
	v7 =	vshll.u32 v7, $0x1A  }
0xe3: {  	v4 =	vxor.u32 v5, v4;
	v9 =	vxor.u32 v9, v8;
	v7 =	vor.u32 v10, v7  }
0xe4: {  	v11 =	vshrl.u32 v9, $0x6;
	v12 =	vshll.u32 v9, $0x1A;
	v5 =	vxor.u32 v7, v6  }
0xe5: {  	v8 =	vadd.s32 v8, v9;
	v9 =	vor.u32 v11, v12;
	v6 =	vadd.s32 v6, v5  }
0xe6: {  	v11 =	vshrl.u32 v5, $0x1A;
	v5 =	vshll.u32 v5, $0x6;
	v7 =	vxor.u32 v9, v8  }
0xe7: {  	v5 =	vor.u32 v11, v5;
	v9 =	vshrl.u32 v7, $0x1A;
	v10 =	vshll.u32 v7, $0x6  }
0xe8: {  	v7 =	vadd.s32 v8, v7;
	v8 =	vor.u32 v9, v10;
	v9 =	vadd.s32 $0x3596E02E, v0  }
0xe9: {  	v10 =	vadd.s32 $0x9B453E3C, v0;
	v8 =	vxor.u32 v8, v7;
	v9 =	vor.u32 s2, v9  }
0xea: {  	v10 =	vadd.s32 s2, v10;
	v8 =	vadd.s32 $0x3596DFD1, v8;
	v9 =	vshll.u32 v9, $0xD  }
0xeb: {  	v7 =	vadd.s32 v8, v7;
	v9 =	vor.u32 $0x6B2, v9;
	v11 =	vshrl.u32 v8, $0xF  }
0xec: {  	v8 =	vshll.u32 v8, $0x11;
	v7 =	vadd.s32 $0x65AE5E0E, v7;
	v9 =	vxor.u32 v10, v9  }
0xed: {  	v8 =	vor.u32 v11, v8;
	v11 =	vshrl.u32 v9, $0x11;
	v12 =	vshll.u32 v9, $0xF  }
0xee: {  	v8 =	vxor.u32 v8, v7;
	v9 =	vadd.s32 v10, v9;
	v10 =	vor.u32 v11, v12  }
0xef: {  	v7 =	vadd.s32 v7, v8;
	v11 =	vshrl.u32 v8, $0x3;
	v10 =	vxor.u32 v10, v9  }
0xf0: {  	v8 =	vshll.u32 v8, $0x1D;
	v12 =	vshrl.u32 v10, $0x6;
	v13 =	vshll.u32 v10, $0x1A  }
0xf1: {  	v8 =	vor.u32 v11, v8;
	v9 =	vadd.s32 v9, v10;
	v10 =	vor.u32 v12, v13  }
0xf2: {  	v5 =	vxor.u32 v5, v6;
	v8 =	vxor.u32 v8, v7;
	v10 =	vxor.u32 v10, v9  }
0xf3: {  	v11 =	vshrl.u32 v8, $0x10;
	v12 =	vshrl.u32 v10, $0x1A;
	v13 =	vshll.u32 v10, $0x6  }
0xf4: {  	v14 =	vshll.u32 v8, $0x10;
	v9 =	vadd.s32 v9, v10;
	v10 =	vor.u32 v12, v13  }
0xf5: {  	v7 =	vadd.s32 v7, v8;
	v8 =	vor.u32 v11, v14;
	v10 =	vxor.u32 v10, v9  }
0xf6: {  	v6 =	vadd.s32 $0x21A, v6;
	v8 =	vxor.u32 v8, v7;
	v10 =	vadd.s32 $0x4BE99A1B, v10  }
0xf7: {  	v9 =	vadd.s32 v10, v9;
	v11 =	vshrl.u32 v10, $0xF;
	v10 =	vshll.u32 v10, $0x11  }
0xf8: {  	v7 =	vadd.s32 v7, v8;
	v9 =	vadd.s32 $0x3596DFCE, v9;
	v10 =	vor.u32 v11, v10  }
0xf9: {  	v11 =	vshrl.u32 v8, $0x8;
	v8 =	vshll.u32 v8, $0x18;
	v10 =	vxor.u32 v10, v9  }
0xfa: {  	v8 =	vor.u32 v11, v8;
	v11 =	vshrl.u32 v10, $0x3;
	v12 =	vshll.u32 v10, $0x1D  }
0xfb: {  	v8 =	vxor.u32 v8, v7;
	v9 =	vadd.s32 v9, v10;
	v10 =	vor.u32 v11, v12  }
0xfc: {  	v5 =	vadd.s32 $0x213, v5;
	v8 =	vadd.s32 $0x4BE99A1E, v8;
	v10 =	vxor.u32 v10, v9  }
0xfd: {  	v7 =	vadd.s32 v8, v7;
	v11 =	vshrl.u32 v10, $0x10;
	v12 =	vshll.u32 v10, $0x10  }
0xfe: {  	v7 =	vadd.s32 $0x3596DFCE, v7;
	v9 =	vadd.s32 v9, v10;
	v10 =	vor.u32 v11, v12  }
0xff: {  	v11 =	vshrl.u32 v8, $0x13;
	v8 =	vshll.u32 v8, $0xD;
	v10 =	vxor.u32 v10, v9  }
0x100: {  	v8 =	vor.u32 v11, v8;
	v11 =	vshrl.u32 v10, $0x8;
	v12 =	vshll.u32 v10, $0x18  }
0x101: {  	v8 =	vxor.u32 v8, v7;
	v9 =	vadd.s32 v9, v10;
	v10 =	vor.u32 v11, v12  }
0x102: {  	v11 =	vshrl.u32 v8, $0x11;
	v12 =	vshll.u32 v8, $0xF;
	v10 =	vxor.u32 v10, v9  }
0x103: {  	v7 =	vadd.s32 v7, v8;
	v8 =	vor.u32 v11, v12;
	v10 =	vadd.s32 $0x65AE5E10, v10  }
0x104: {  	v9 =	vadd.s32 v10, v9;
	v11 =	vshrl.u32 v10, $0x13;
	v10 =	vshll.u32 v10, $0xD  }
0x105: {  	v8 =	vxor.u32 v8, v7;
	v9 =	vadd.s32 $0x4BE99A1A, v9;
	v10 =	vor.u32 v11, v10  }
0x106: {  	v7 =	vadd.s32 v7, v8;
	v11 =	vshrl.u32 v8, $0x6;
	v10 =	vxor.u32 v10, v9  }
0x107: {  	v8 =	vshll.u32 v8, $0x1A;
	v12 =	vshrl.u32 v10, $0x11;
	v13 =	vshll.u32 v10, $0xF  }
0x108: {  	v8 =	vor.u32 v11, v8;
	v9 =	vadd.s32 v9, v10;
	v10 =	vor.u32 v12, v13  }
0x109: {  	v5 =	vxor.u32 v6, v5;
	v6 =	vxor.u32 v8, v7;
	v8 =	vxor.u32 v10, v9  }
0x10a: {  	v13 =	vshll.u32 v6, $0x6;
	v11 =	vshrl.u32 v8, $0x6;
	v12 =	vshll.u32 v8, $0x1A  }
0x10b: {  	v10 =	vshrl.u32 v6, $0x1A;
	v8 =	vadd.s32 v9, v8;
	v9 =	vor.u32 v11, v12  }
0x10c: {  	v6 =	vadd.s32 v7, v6;
	v7 =	vor.u32 v10, v13;
	v9 =	vxor.u32 v9, v8  }
0x10d: {  	v12 =	vadd.s32 $0x3596E03E, v0;
	v10 =	vshrl.u32 v9, $0x1A;
	v11 =	vshll.u32 v9, $0x6  }
0x10e: {  	v8 =	vadd.s32 v8, v9;
	v9 =	vor.u32 v10, v11;
	v10 =	vor.u32 s2, v12  }
0x10f: {  	v11 =	vadd.s32 $0x9B453E4C, v0;
	v9 =	vxor.u32 v9, v8;
	v10 =	vshll.u32 v10, $0xD  }
0x110: {  	v11 =	vadd.s32 s2, v11;
	v9 =	vadd.s32 $0x3596DFD1, v9;
	v10 =	vor.u32 $0x6B2, v10  }
0x111: {  	v7 =	vxor.u32 v7, v6;
	v8 =	vadd.s32 v9, v8;
	v10 =	vxor.u32 v11, v10  }
0x112: {  	v12 =	vshrl.u32 v9, $0xF;
	v13 =	vshrl.u32 v10, $0x11;
	v14 =	vshll.u32 v10, $0xF  }
0x113: {  	v9 =	vshll.u32 v9, $0x11;
	v10 =	vadd.s32 v11, v10;
	v11 =	vor.u32 v13, v14  }
0x114: {  	v8 =	vadd.s32 $0x65AE5E0E, v8;
	v9 =	vor.u32 v12, v9;
	v11 =	vxor.u32 v11, v10  }
0x115: {  	v9 =	vxor.u32 v9, v8;
	v12 =	vshrl.u32 v11, $0x6;
	v13 =	vshll.u32 v11, $0x1A  }
0x116: {  	v8 =	vadd.s32 v8, v9;
	v10 =	vadd.s32 v10, v11;
	v11 =	vor.u32 v12, v13  }
0x117: {  	v12 =	vshrl.u32 v9, $0x3;
	v9 =	vshll.u32 v9, $0x1D;
	v11 =	vxor.u32 v11, v10  }
0x118: {  	v9 =	vor.u32 v12, v9;
	v12 =	vshrl.u32 v11, $0x1A;
	v13 =	vshll.u32 v11, $0x6  }
0x119: {  	v9 =	vxor.u32 v9, v8;
	v10 =	vadd.s32 v10, v11;
	v11 =	vor.u32 v12, v13  }
0x11a: {  	v12 =	vshrl.u32 v9, $0x10;
	v13 =	vshll.u32 v9, $0x10;
	v11 =	vxor.u32 v11, v10  }
0x11b: {  	v8 =	vadd.s32 v8, v9;
	v9 =	vor.u32 v12, v13;
	v11 =	vadd.s32 $0x4BE99A1B, v11  }
0x11c: {  	v10 =	vadd.s32 v11, v10;
	v12 =	vshrl.u32 v11, $0xF;
	v11 =	vshll.u32 v11, $0x11  }
0x11d: {  	v9 =	vxor.u32 v9, v8;
	v10 =	vadd.s32 $0x3596DFCE, v10;
	v11 =	vor.u32 v12, v11  }
0x11e: {  	v8 =	vadd.s32 v8, v9;
	v12 =	vshrl.u32 v9, $0x8;
	v11 =	vxor.u32 v11, v10  }
0x11f: {  	v9 =	vshll.u32 v9, $0x18;
	v13 =	vshrl.u32 v11, $0x3;
	v14 =	vshll.u32 v11, $0x1D  }
0x120: {  	v9 =	vor.u32 v12, v9;
	v10 =	vadd.s32 v10, v11;
	v11 =	vor.u32 v13, v14  }
0x121: {  	v6 =	vadd.s32 $0x21A, v6;
	v9 =	vxor.u32 v9, v8;
	v11 =	vxor.u32 v11, v10  }
0x122: {  	v9 =	vadd.s32 $0x4BE99A1E, v9;
	v12 =	vshrl.u32 v11, $0x10;
	v13 =	vshll.u32 v11, $0x10  }
0x123: {  	v8 =	vadd.s32 v9, v8;
	v10 =	vadd.s32 v10, v11;
	v11 =	vor.u32 v12, v13  }
0x124: {  	v8 =	vadd.s32 $0x3596DFCE, v8;
	v12 =	vshrl.u32 v9, $0x13;
	v11 =	vxor.u32 v11, v10  }
0x125: {  	v9 =	vshll.u32 v9, $0xD;
	v13 =	vshrl.u32 v11, $0x8;
	v14 =	vshll.u32 v11, $0x18  }
0x126: {  	v9 =	vor.u32 v12, v9;
	v10 =	vadd.s32 v10, v11;
	v11 =	vor.u32 v13, v14  }
0x127: {  	v7 =	vadd.s32 $0x213, v7;
	v9 =	vxor.u32 v9, v8;
	v11 =	vxor.u32 v11, v10  }
0x128: {  	v6 =	vxor.u32 v6, v7;
	v7 =	vshrl.u32 v9, $0x11;
	v11 =	vadd.s32 $0x65AE5E10, v11  }
0x129: {  	v10 =	vadd.s32 v11, v10;
	v12 =	vshrl.u32 v11, $0x13;
	v11 =	vshll.u32 v11, $0xD  }
0x12a: {  	v13 =	vshll.u32 v9, $0xF;
	v10 =	vadd.s32 $0x4BE99A1A, v10;
	v11 =	vor.u32 v12, v11  }
0x12b: {  	v8 =	vadd.s32 v8, v9;
	v7 =	vor.u32 v7, v13;
	v9 =	vxor.u32 v11, v10  }
0x12c: {  	v7 =	vxor.u32 v7, v8;
	v11 =	vshrl.u32 v9, $0x11;
	v12 =	vshll.u32 v9, $0xF  }
0x12d: {  	v8 =	vadd.s32 v8, v7;
	v9 =	vadd.s32 v10, v9;
	v10 =	vor.u32 v11, v12  }
0x12e: {  	v11 =	vshrl.u32 v7, $0x6;
	v7 =	vshll.u32 v7, $0x1A;
	v10 =	vxor.u32 v10, v9  }
0x12f: {  	v7 =	vor.u32 v11, v7;
	v11 =	vshrl.u32 v10, $0x6;
	v12 =	vshll.u32 v10, $0x1A  }
0x130: {  	v7 =	vxor.u32 v7, v8;
	v9 =	vadd.s32 v9, v10;
	v10 =	vor.u32 v11, v12  }
0x131: {  	v14 =	vadd.s32 $0x3596E04E, v0;
	v8 =	vadd.s32 v8, v7;
	v10 =	vxor.u32 v10, v9  }
0x132: {  	v11 =	vshrl.u32 v7, $0x1A;
	v12 =	vshrl.u32 v10, $0x1A;
	v13 =	vshll.u32 v10, $0x6  }
0x133: {  	v9 =	vadd.s32 v9, v10;
	v10 =	vor.u32 v12, v13;
	v12 =	vor.u32 s2, v14  }
0x134: {  	v13 =	vadd.s32 $0x9B453E5C, v0;
	v10 =	vxor.u32 v10, v9;
	v12 =	vshll.u32 v12, $0xD  }
0x135: {  	v13 =	vadd.s32 s2, v13;
	v10 =	vadd.s32 $0x3596DFD1, v10;
	v12 =	vor.u32 $0x6B2, v12  }
0x136: {  	v7 =	vshll.u32 v7, $0x6;
	v9 =	vadd.s32 v10, v9;
	v12 =	vxor.u32 v13, v12  }
0x137: {  	v14 =	vshrl.u32 v10, $0xF;
	v15 =	vshrl.u32 v12, $0x11;
	v16 =	vshll.u32 v12, $0xF  }
0x138: {  	v10 =	vshll.u32 v10, $0x11;
	v12 =	vadd.s32 v13, v12;
	v13 =	vor.u32 v15, v16  }
0x139: {  	v9 =	vadd.s32 $0x65AE5E0E, v9;
	v10 =	vor.u32 v14, v10;
	v13 =	vxor.u32 v13, v12  }
0x13a: {  	v10 =	vxor.u32 v10, v9;
	v14 =	vshrl.u32 v13, $0x6;
	v15 =	vshll.u32 v13, $0x1A  }
0x13b: {  	v9 =	vadd.s32 v9, v10;
	v12 =	vadd.s32 v12, v13;
	v13 =	vor.u32 v14, v15  }
0x13c: {  	v14 =	vshrl.u32 v10, $0x3;
	v10 =	vshll.u32 v10, $0x1D;
	v13 =	vxor.u32 v13, v12  }
0x13d: {  	v10 =	vor.u32 v14, v10;
	v14 =	vshrl.u32 v13, $0x1A;
	v15 =	vshll.u32 v13, $0x6  }
0x13e: {  	v10 =	vxor.u32 v10, v9;
	v12 =	vadd.s32 v12, v13;
	v13 =	vor.u32 v14, v15  }
0x13f: {  	v7 =	vor.u32 v11, v7;
	v9 =	vadd.s32 v9, v10;
	v11 =	vxor.u32 v13, v12  }
0x140: {  	v13 =	vshrl.u32 v10, $0x10;
	v10 =	vshll.u32 v10, $0x10;
	v11 =	vadd.s32 $0x4BE99A1B, v11  }
0x141: {  	v12 =	vadd.s32 v11, v12;
	v14 =	vshrl.u32 v11, $0xF;
	v11 =	vshll.u32 v11, $0x11  }
0x142: {  	v10 =	vor.u32 v13, v10;
	v12 =	vadd.s32 $0x3596DFCE, v12;
	v11 =	vor.u32 v14, v11  }
0x143: {  	v7 =	vxor.u32 v7, v8;
	v10 =	vxor.u32 v10, v9;
	v11 =	vxor.u32 v11, v12  }
0x144: {  	v13 =	vshrl.u32 v10, $0x8;
	v14 =	vshrl.u32 v11, $0x3;
	v15 =	vshll.u32 v11, $0x1D  }
0x145: {  	v16 =	vshll.u32 v10, $0x18;
	v11 =	vadd.s32 v12, v11;
	v12 =	vor.u32 v14, v15  }
0x146: {  	v9 =	vadd.s32 v9, v10;
	v10 =	vor.u32 v13, v16;
	v12 =	vxor.u32 v12, v11  }
0x147: {  	v10 =	vxor.u32 v10, v9;
	v13 =	vshrl.u32 v12, $0x10;
	v14 =	vshll.u32 v12, $0x10  }
0x148: {  	v10 =	vadd.s32 $0x4BE99A1E, v10;
	v11 =	vadd.s32 v11, v12;
	v12 =	vor.u32 v13, v14  }
0x149: {  	v8 =	vadd.s32 $0x21A, v8;
	v9 =	vadd.s32 v10, v9;
	v12 =	vxor.u32 v12, v11  }
0x14a: {  	v13 =	vshrl.u32 v10, $0x13;
	v14 =	vshrl.u32 v12, $0x8;
	v15 =	vshll.u32 v12, $0x18  }
0x14b: {  	v10 =	vshll.u32 v10, $0xD;
	v11 =	vadd.s32 v11, v12;
	v12 =	vor.u32 v14, v15  }
0x14c: {  	v9 =	vadd.s32 $0x3596DFCE, v9;
	v10 =	vor.u32 v13, v10;
	v12 =	vxor.u32 v12, v11  }
0x14d: {  	v7 =	vadd.s32 $0x213, v7;
	v10 =	vxor.u32 v10, v9;
	v12 =	vadd.s32 $0x65AE5E10, v12  }
0x14e: {  	v11 =	vadd.s32 v12, v11;
	v13 =	vshrl.u32 v12, $0x13;
	v12 =	vshll.u32 v12, $0xD  }
0x14f: {  	v9 =	vadd.s32 v9, v10;
	v11 =	vadd.s32 $0x4BE99A1A, v11;
	v12 =	vor.u32 v13, v12  }
0x150: {  	v13 =	vshrl.u32 v10, $0x11;
	v10 =	vshll.u32 v10, $0xF;
	v12 =	vxor.u32 v12, v11  }
0x151: {  	v10 =	vor.u32 v13, v10;
	v13 =	vshrl.u32 v12, $0x11;
	v14 =	vshll.u32 v12, $0xF  }
0x152: {  	v10 =	vxor.u32 v10, v9;
	v11 =	vadd.s32 v11, v12;
	v12 =	vor.u32 v13, v14  }
0x153: {  	v9 =	vadd.s32 v9, v10;
	v13 =	vshrl.u32 v10, $0x6;
	v10 =	vshll.u32 v10, $0x1A  }
0x154: {  	v7 =	vxor.u32 v8, v7;
	v12 =	vxor.u32 v12, v11;
	v10 =	vor.u32 v13, v10  }
0x155: {  	v14 =	vshrl.u32 v12, $0x6;
	v15 =	vshll.u32 v12, $0x1A;
	v8 =	vxor.u32 v10, v9  }
0x156: {  	v11 =	vadd.s32 v11, v12;
	v12 =	vor.u32 v14, v15;
	v9 =	vadd.s32 v9, v8  }
0x157: {  	v14 =	vshrl.u32 v8, $0x1A;
	v8 =	vshll.u32 v8, $0x6;
	v10 =	vxor.u32 v12, v11  }
0x158: {  	v8 =	vor.u32 v14, v8;
	v12 =	vshrl.u32 v10, $0x1A;
	v13 =	vshll.u32 v10, $0x6  }
0x159: {  	v10 =	vadd.s32 v11, v10;
	v11 =	vor.u32 v12, v13;
	v12 =	vadd.s32 $0x3596E05E, v0  }
0x15a: {  	v13 =	vadd.s32 $0x9B453E6C, v0;
	v11 =	vxor.u32 v11, v10;
	v12 =	vor.u32 s2, v12  }
0x15b: {  	v13 =	vadd.s32 s2, v13;
	v11 =	vadd.s32 $0x3596DFD1, v11;
	v12 =	vshll.u32 v12, $0xD  }
0x15c: {  	v10 =	vadd.s32 v11, v10;
	v12 =	vor.u32 $0x6B2, v12;
	v14 =	vshrl.u32 v11, $0xF  }
0x15d: {  	v11 =	vshll.u32 v11, $0x11;
	v10 =	vadd.s32 $0x65AE5E0E, v10;
	v12 =	vxor.u32 v13, v12  }
0x15e: {  	v11 =	vor.u32 v14, v11;
	v14 =	vshrl.u32 v12, $0x11;
	v15 =	vshll.u32 v12, $0xF  }
0x15f: {  	v11 =	vxor.u32 v11, v10;
	v12 =	vadd.s32 v13, v12;
	v13 =	vor.u32 v14, v15  }
0x160: {  	v10 =	vadd.s32 v10, v11;
	v14 =	vshrl.u32 v11, $0x3;
	v13 =	vxor.u32 v13, v12  }
0x161: {  	v11 =	vshll.u32 v11, $0x1D;
	v15 =	vshrl.u32 v13, $0x6;
	v16 =	vshll.u32 v13, $0x1A  }
0x162: {  	v11 =	vor.u32 v14, v11;
	v12 =	vadd.s32 v12, v13;
	v13 =	vor.u32 v15, v16  }
0x163: {  	v8 =	vxor.u32 v8, v9;
	v11 =	vxor.u32 v11, v10;
	v13 =	vxor.u32 v13, v12  }
0x164: {  	v14 =	vshrl.u32 v11, $0x10;
	v15 =	vshrl.u32 v13, $0x1A;
	v16 =	vshll.u32 v13, $0x6  }
0x165: {  	v17 =	vshll.u32 v11, $0x10;
	v12 =	vadd.s32 v12, v13;
	v13 =	vor.u32 v15, v16  }
0x166: {  	v10 =	vadd.s32 v10, v11;
	v11 =	vor.u32 v14, v17;
	v13 =	vxor.u32 v13, v12  }
0x167: {  	v9 =	vadd.s32 $0x21A, v9;
	v11 =	vxor.u32 v11, v10;
	v13 =	vadd.s32 $0x4BE99A1B, v13  }
0x168: {  	v12 =	vadd.s32 v13, v12;
	v14 =	vshrl.u32 v13, $0xF;
	v13 =	vshll.u32 v13, $0x11  }
0x169: {  	v10 =	vadd.s32 v10, v11;
	v12 =	vadd.s32 $0x3596DFCE, v12;
	v13 =	vor.u32 v14, v13  }
0x16a: {  	v14 =	vshrl.u32 v11, $0x8;
	v11 =	vshll.u32 v11, $0x18;
	v13 =	vxor.u32 v13, v12  }
0x16b: {  	v11 =	vor.u32 v14, v11;
	v14 =	vshrl.u32 v13, $0x3;
	v15 =	vshll.u32 v13, $0x1D  }
0x16c: {  	v11 =	vxor.u32 v11, v10;
	v12 =	vadd.s32 v12, v13;
	v13 =	vor.u32 v14, v15  }
0x16d: {  	v8 =	vadd.s32 $0x213, v8;
	v11 =	vadd.s32 $0x4BE99A1E, v11;
	v13 =	vxor.u32 v13, v12  }
0x16e: {  	v10 =	vadd.s32 v11, v10;
	v14 =	vshrl.u32 v13, $0x10;
	v15 =	vshll.u32 v13, $0x10  }
0x16f: {  	v10 =	vadd.s32 $0x3596DFCE, v10;
	v12 =	vadd.s32 v12, v13;
	v13 =	vor.u32 v14, v15  }
0x170: {  	v14 =	vshrl.u32 v11, $0x13;
	v11 =	vshll.u32 v11, $0xD;
	v13 =	vxor.u32 v13, v12  }
0x171: {  	v11 =	vor.u32 v14, v11;
	v14 =	vshrl.u32 v13, $0x8;
	v15 =	vshll.u32 v13, $0x18  }
0x172: {  	v11 =	vxor.u32 v11, v10;
	v12 =	vadd.s32 v12, v13;
	v13 =	vor.u32 v14, v15  }
0x173: {  	v14 =	vshrl.u32 v11, $0x11;
	v15 =	vshll.u32 v11, $0xF;
	v13 =	vxor.u32 v13, v12  }
0x174: {  	v10 =	vadd.s32 v10, v11;
	v11 =	vor.u32 v14, v15;
	v13 =	vadd.s32 $0x65AE5E10, v13  }
0x175: {  	v12 =	vadd.s32 v13, v12;
	v14 =	vshrl.u32 v13, $0x13;
	v13 =	vshll.u32 v13, $0xD  }
0x176: {  	v11 =	vxor.u32 v11, v10;
	v12 =	vadd.s32 $0x4BE99A1A, v12;
	v13 =	vor.u32 v14, v13  }
0x177: {  	v10 =	vadd.s32 v10, v11;
	v14 =	vshrl.u32 v11, $0x6;
	v13 =	vxor.u32 v13, v12  }
0x178: {  	v11 =	vshll.u32 v11, $0x1A;
	v15 =	vshrl.u32 v13, $0x11;
	v16 =	vshll.u32 v13, $0xF  }
0x179: {  	v11 =	vor.u32 v14, v11;
	v12 =	vadd.s32 v12, v13;
	v13 =	vor.u32 v15, v16  }
0x17a: {  	v8 =	vxor.u32 v9, v8;
	v9 =	vxor.u32 v11, v10;
	v11 =	vxor.u32 v13, v12  }
0x17b: {  	v16 =	vshll.u32 v9, $0x6;
	v14 =	vshrl.u32 v11, $0x6;
	v15 =	vshll.u32 v11, $0x1A  }
0x17c: {  	v13 =	vshrl.u32 v9, $0x1A;
	v11 =	vadd.s32 v12, v11;
	v12 =	vor.u32 v14, v15  }
0x17d: {  	v9 =	vadd.s32 v10, v9;
	v10 =	vor.u32 v13, v16;
	v12 =	vxor.u32 v12, v11  }
0x17e: {  	v15 =	vadd.s32 $0x3596E06E, v0;
	v13 =	vshrl.u32 v12, $0x1A;
	v14 =	vshll.u32 v12, $0x6  }
0x17f: {  	v11 =	vadd.s32 v11, v12;
	v12 =	vor.u32 v13, v14;
	v13 =	vor.u32 s2, v15  }
0x180: {  	v14 =	vadd.s32 $0x9B453E7C, v0;
	v12 =	vxor.u32 v12, v11;
	v13 =	vshll.u32 v13, $0xD  }
0x181: {  	v14 =	vadd.s32 s2, v14;
	v12 =	vadd.s32 $0x3596DFD1, v12;
	v13 =	vor.u32 $0x6B2, v13  }
0x182: {  	v10 =	vxor.u32 v10, v9;
	v11 =	vadd.s32 v12, v11;
	v13 =	vxor.u32 v14, v13  }
0x183: {  	v15 =	vshrl.u32 v12, $0xF;
	v16 =	vshrl.u32 v13, $0x11;
	v17 =	vshll.u32 v13, $0xF  }
0x184: {  	v12 =	vshll.u32 v12, $0x11;
	v13 =	vadd.s32 v14, v13;
	v14 =	vor.u32 v16, v17  }
0x185: {  	v11 =	vadd.s32 $0x65AE5E0E, v11;
	v12 =	vor.u32 v15, v12;
	v14 =	vxor.u32 v14, v13  }
0x186: {  	v12 =	vxor.u32 v12, v11;
	v15 =	vshrl.u32 v14, $0x6;
	v16 =	vshll.u32 v14, $0x1A  }
0x187: {  	v11 =	vadd.s32 v11, v12;
	v13 =	vadd.s32 v13, v14;
	v14 =	vor.u32 v15, v16  }
0x188: {  	v15 =	vshrl.u32 v12, $0x3;
	v12 =	vshll.u32 v12, $0x1D;
	v14 =	vxor.u32 v14, v13  }
0x189: {  	v12 =	vor.u32 v15, v12;
	v15 =	vshrl.u32 v14, $0x1A;
	v16 =	vshll.u32 v14, $0x6  }
0x18a: {  	v12 =	vxor.u32 v12, v11;
	v13 =	vadd.s32 v13, v14;
	v14 =	vor.u32 v15, v16  }
0x18b: {  	v15 =	vshrl.u32 v12, $0x10;
	v16 =	vshll.u32 v12, $0x10;
	v14 =	vxor.u32 v14, v13  }
0x18c: {  	v11 =	vadd.s32 v11, v12;
	v12 =	vor.u32 v15, v16;
	v14 =	vadd.s32 $0x4BE99A1B, v14  }
0x18d: {  	v13 =	vadd.s32 v14, v13;
	v15 =	vshrl.u32 v14, $0xF;
	v14 =	vshll.u32 v14, $0x11  }
0x18e: {  	v12 =	vxor.u32 v12, v11;
	v13 =	vadd.s32 $0x3596DFCE, v13;
	v14 =	vor.u32 v15, v14  }
0x18f: {  	v11 =	vadd.s32 v11, v12;
	v15 =	vshrl.u32 v12, $0x8;
	v14 =	vxor.u32 v14, v13  }
0x190: {  	v12 =	vshll.u32 v12, $0x18;
	v16 =	vshrl.u32 v14, $0x3;
	v17 =	vshll.u32 v14, $0x1D  }
0x191: {  	v12 =	vor.u32 v15, v12;
	v13 =	vadd.s32 v13, v14;
	v14 =	vor.u32 v16, v17  }
0x192: {  	v9 =	vadd.s32 $0x21A, v9;
	v12 =	vxor.u32 v12, v11;
	v14 =	vxor.u32 v14, v13  }
0x193: {  	v12 =	vadd.s32 $0x4BE99A1E, v12;
	v15 =	vshrl.u32 v14, $0x10;
	v16 =	vshll.u32 v14, $0x10  }
0x194: {  	v11 =	vadd.s32 v12, v11;
	v13 =	vadd.s32 v13, v14;
	v14 =	vor.u32 v15, v16  }
0x195: {  	v11 =	vadd.s32 $0x3596DFCE, v11;
	v15 =	vshrl.u32 v12, $0x13;
	v14 =	vxor.u32 v14, v13  }
0x196: {  	v12 =	vshll.u32 v12, $0xD;
	v16 =	vshrl.u32 v14, $0x8;
	v17 =	vshll.u32 v14, $0x18  }
0x197: {  	v12 =	vor.u32 v15, v12;
	v13 =	vadd.s32 v13, v14;
	v14 =	vor.u32 v16, v17  }
0x198: {  	v10 =	vadd.s32 $0x213, v10;
	v12 =	vxor.u32 v12, v11;
	v14 =	vxor.u32 v14, v13  }
0x199: {  	v9 =	vxor.u32 v9, v10;
	v10 =	vshrl.u32 v12, $0x11;
	v14 =	vadd.s32 $0x65AE5E10, v14  }
0x19a: {  	v13 =	vadd.s32 v14, v13;
	v15 =	vshrl.u32 v14, $0x13;
	v14 =	vshll.u32 v14, $0xD  }
0x19b: {  	v16 =	vshll.u32 v12, $0xF;
	v13 =	vadd.s32 $0x4BE99A1A, v13;
	v14 =	vor.u32 v15, v14  }
0x19c: {  	v11 =	vadd.s32 v11, v12;
	v10 =	vor.u32 v10, v16;
	v12 =	vxor.u32 v14, v13  }
0x19d: {  	v10 =	vxor.u32 v10, v11;
	v14 =	vshrl.u32 v12, $0x11;
	v15 =	vshll.u32 v12, $0xF  }
0x19e: {  	v11 =	vadd.s32 v11, v10;
	v12 =	vadd.s32 v13, v12;
	v13 =	vor.u32 v14, v15  }
0x19f: {  	v14 =	vshrl.u32 v10, $0x6;
	v10 =	vshll.u32 v10, $0x1A;
	v13 =	vxor.u32 v13, v12  }
0x1a0: {  	v10 =	vor.u32 v14, v10;
	v14 =	vshrl.u32 v13, $0x6;
	v15 =	vshll.u32 v13, $0x1A  }
0x1a1: {  	v16 =	vadd.s32 $0x9B453E8C, v0;
	v12 =	vadd.s32 v12, v13;
	v13 =	vor.u32 v14, v15  }
0x1a2: {  	v10 =	vxor.u32 v10, v11;
	v14 =	vadd.s32 $0x3596E07E, v0;
	v13 =	vxor.u32 v13, v12  }
0x1a3: {  	v11 =	vadd.s32 v11, v10;
	v14 =	vor.u32 s2, v14;
	v12 =	vadd.s32 v12, v13  }
0x1a4: {  	v15 =	vshrl.u32 v13, $0x1A;
	v13 =	vshll.u32 v13, $0x6;
	v14 =	vshll.u32 v14, $0xD  }
0x1a5: {  	v13 =	vor.u32 v15, v13;
	v15 =	vadd.s32 s2, v16;
	v14 =	vor.u32 $0x6B2, v14  }
0x1a6: {  	v16 =	vshrl.u32 v10, $0x1A;
	v13 =	vxor.u32 v13, v12;
	v14 =	vxor.u32 v15, v14  }
0x1a7: {  	v13 =	vadd.s32 $0x3596DFD1, v13;
	v17 =	vshrl.u32 v14, $0x11;
	v18 =	vshll.u32 v14, $0xF  }
0x1a8: {  	v14 =	vadd.s32 v15, v14;
	v12 =	vadd.s32 v13, v12;
	v15 =	vor.u32 v17, v18  }
0x1a9: {  	v17 =	vshrl.u32 v13, $0xF;
	v13 =	vshll.u32 v13, $0x11;
	v15 =	vxor.u32 v15, v14  }
0x1aa: {  	v12 =	vadd.s32 $0x65AE5E0E, v12;
	v18 =	vshrl.u32 v15, $0x6;
	v19 =	vshll.u32 v15, $0x1A  }
0x1ab: {  	v13 =	vor.u32 v17, v13;
	v14 =	vadd.s32 v14, v15;
	v15 =	vor.u32 v18, v19  }
0x1ac: {  	v10 =	vshll.u32 v10, $0x6;
	v13 =	vxor.u32 v13, v12;
	v15 =	vxor.u32 v15, v14  }
0x1ad: {  	v17 =	vshrl.u32 v13, $0x3;
	v18 =	vshrl.u32 v15, $0x1A;
	v19 =	vshll.u32 v15, $0x6  }
0x1ae: {  	v20 =	vshll.u32 v13, $0x1D;
	v14 =	vadd.s32 v14, v15;
	v15 =	vor.u32 v18, v19  }
0x1af: {  	v12 =	vadd.s32 v12, v13;
	v13 =	vor.u32 v17, v20;
	v15 =	vxor.u32 v15, v14  }
0x1b0: {  	v10 =	vor.u32 v16, v10;
	v13 =	vxor.u32 v13, v12;
	v15 =	vadd.s32 $0x4BE99A1B, v15  }
0x1b1: {  	v14 =	vadd.s32 v15, v14;
	v16 =	vshrl.u32 v15, $0xF;
	v15 =	vshll.u32 v15, $0x11  }
0x1b2: {  	v12 =	vadd.s32 v12, v13;
	v14 =	vadd.s32 $0x3596DFCE, v14;
	v15 =	vor.u32 v16, v15  }
0x1b3: {  	v16 =	vshrl.u32 v13, $0x10;
	v13 =	vshll.u32 v13, $0x10;
	v15 =	vxor.u32 v15, v14  }
0x1b4: {  	v13 =	vor.u32 v16, v13;
	v16 =	vshrl.u32 v15, $0x3;
	v17 =	vshll.u32 v15, $0x1D  }
0x1b5: {  	v13 =	vxor.u32 v13, v12;
	v14 =	vadd.s32 v14, v15;
	v15 =	vor.u32 v16, v17  }
0x1b6: {  	v12 =	vadd.s32 v12, v13;
	v16 =	vshrl.u32 v13, $0x8;
	v15 =	vxor.u32 v15, v14  }
0x1b7: {  	v13 =	vshll.u32 v13, $0x18;
	v17 =	vshrl.u32 v15, $0x10;
	v18 =	vshll.u32 v15, $0x10  }
0x1b8: {  	v13 =	vor.u32 v16, v13;
	v14 =	vadd.s32 v14, v15;
	v15 =	vor.u32 v17, v18  }
0x1b9: {  	v10 =	vxor.u32 v10, v11;
	v13 =	vxor.u32 v13, v12;
	v15 =	vxor.u32 v15, v14  }
0x1ba: {  	v13 =	vadd.s32 $0x4BE99A1E, v13;
	v16 =	vshrl.u32 v15, $0x8;
	v17 =	vshll.u32 v15, $0x18  }
0x1bb: {  	v12 =	vadd.s32 v13, v12;
	v14 =	vadd.s32 v14, v15;
	v15 =	vor.u32 v16, v17  }
0x1bc: {  	v11 =	vadd.s32 $0x21A, v11;
	v12 =	vadd.s32 $0x3596DFCE, v12;
	v15 =	vxor.u32 v15, v14  }
0x1bd: {  	v16 =	vshrl.u32 v13, $0x13;
	v13 =	vshll.u32 v13, $0xD;
	v15 =	vadd.s32 $0x65AE5E10, v15  }
0x1be: {  	v14 =	vadd.s32 v15, v14;
	v17 =	vshrl.u32 v15, $0x13;
	v15 =	vshll.u32 v15, $0xD  }
0x1bf: {  	v13 =	vor.u32 v16, v13;
	v14 =	vadd.s32 $0x4BE99A1A, v14;
	v15 =	vor.u32 v17, v15  }
0x1c0: {  	v10 =	vadd.s32 $0x213, v10;
	v13 =	vxor.u32 v13, v12;
	v15 =	vxor.u32 v15, v14  }
0x1c1: {  	v16 =	vshrl.u32 v13, $0x11;
	v17 =	vshrl.u32 v15, $0x11;
	v18 =	vshll.u32 v15, $0xF  }
0x1c2: {  	v19 =	vshll.u32 v13, $0xF;
	v14 =	vadd.s32 v14, v15;
	v15 =	vor.u32 v17, v18  }
0x1c3: {  	v12 =	vadd.s32 v12, v13;
	v13 =	vor.u32 v16, v19;
	v15 =	vxor.u32 v15, v14  }
0x1c4: {  	v13 =	vxor.u32 v13, v12;
	v16 =	vshrl.u32 v15, $0x6;
	v17 =	vshll.u32 v15, $0x1A  }
0x1c5: {  	v12 =	vadd.s32 v12, v13;
	v14 =	vadd.s32 v14, v15;
	v15 =	vor.u32 v16, v17  }
0x1c6: {  	v16 =	vshrl.u32 v13, $0x6;
	v13 =	vshll.u32 v13, $0x1A;
	v15 =	vxor.u32 v15, v14  }
0x1c7: {  	v10 =	vxor.u32 v11, v10;
	v13 =	vor.u32 v16, v13;
	v16 =	vshrl.u32 v15, $0x1A  }
0x1c8: {  	v17 =	vshll.u32 v15, $0x6;
	v13 =	vxor.u32 v13, v12;
	v14 =	vadd.s32 v14, v15  }
0x1c9: {  	v15 =	vor.u32 v16, v17;
	v11 =	vadd.s32 v12, v13;
	v17 =	vadd.s32 $0x9B453E9C, v0  }
0x1ca: {  	v12 =	vxor.u32 v15, v14;
	v15 =	vshrl.u32 v13, $0x1A;
	v13 =	vshll.u32 v13, $0x6  }
0x1cb: {  	v12 =	vadd.s32 $0x3596DFD1, v12;
	v13 =	vor.u32 v15, v13;
	v15 =	vadd.s32 $0x3596E08E, v0  }
0x1cc: {  	v14 =	vadd.s32 v12, v14;
	v16 =	vshrl.u32 v12, $0xF;
	v15 =	vor.u32 s2, v15  }
0x1cd: {  	v12 =	vshll.u32 v12, $0x11;
	v14 =	vadd.s32 $0x65AE5E0E, v14;
	v15 =	vshll.u32 v15, $0xD  }
0x1ce: {  	v12 =	vor.u32 v16, v12;
	v16 =	vadd.s32 s2, v17;
	v15 =	vor.u32 $0x6B2, v15  }
0x1cf: {  	v13 =	vxor.u32 v13, v11;
	v12 =	vxor.u32 v12, v14;
	v15 =	vxor.u32 v16, v15  }
0x1d0: {  	v17 =	vshrl.u32 v12, $0x3;
	v18 =	vshrl.u32 v15, $0x11;
	v19 =	vshll.u32 v15, $0xF  }
0x1d1: {  	v33 =	vshll.u32 v12, $0x1D;
	v15 =	vadd.s32 v16, v15;
	v16 =	vor.u32 v18, v19  }
0x1d2: {  	v12 =	vadd.s32 v14, v12;
	v14 =	vor.u32 v17, v33;
	v16 =	vxor.u32 v16, v15  }
0x1d3: {  	v14 =	vxor.u32 v14, v12;
	v17 =	vshrl.u32 v16, $0x6;
	v18 =	vshll.u32 v16, $0x1A  }
0x1d4: {  	v12 =	vadd.s32 v12, v14;
	v15 =	vadd.s32 v15, v16;
	v16 =	vor.u32 v17, v18  }
0x1d5: {  	v17 =	vshrl.u32 v14, $0x10;
	v14 =	vshll.u32 v14, $0x10;
	v16 =	vxor.u32 v16, v15  }
0x1d6: {  	v14 =	vor.u32 v17, v14;
	v17 =	vshrl.u32 v16, $0x1A;
	v18 =	vshll.u32 v16, $0x6  }
0x1d7: {  	v14 =	vxor.u32 v14, v12;
	v15 =	vadd.s32 v15, v16;
	v16 =	vor.u32 v17, v18  }
0x1d8: {  	v17 =	vshrl.u32 v14, $0x8;
	v18 =	vshll.u32 v14, $0x18;
	v16 =	vxor.u32 v16, v15  }
0x1d9: {  	v12 =	vadd.s32 v12, v14;
	v14 =	vor.u32 v17, v18;
	v16 =	vadd.s32 $0x4BE99A1B, v16  }
0x1da: {  	v15 =	vadd.s32 v16, v15;
	v17 =	vshrl.u32 v16, $0xF;
	v16 =	vshll.u32 v16, $0x11  }
0x1db: {  	v14 =	vxor.u32 v14, v12;
	v15 =	vadd.s32 $0x3596DFCE, v15;
	v16 =	vor.u32 v17, v16  }
0x1dc: {  	v11 =	vadd.s32 $0x21A, v11;
	v14 =	vadd.s32 $0x4BE99A1E, v14;
	v16 =	vxor.u32 v16, v15  }
0x1dd: {  	v12 =	vadd.s32 v14, v12;
	v17 =	vshrl.u32 v16, $0x3;
	v18 =	vshll.u32 v16, $0x1D  }
0x1de: {  	v12 =	vadd.s32 $0x3596DFCE, v12;
	v15 =	vadd.s32 v15, v16;
	v16 =	vor.u32 v17, v18  }
0x1df: {  	v17 =	vshrl.u32 v14, $0x13;
	v14 =	vshll.u32 v14, $0xD;
	v16 =	vxor.u32 v16, v15  }
0x1e0: {  	v14 =	vor.u32 v17, v14;
	v17 =	vshrl.u32 v16, $0x10;
	v18 =	vshll.u32 v16, $0x10  }
0x1e1: {  	v14 =	vxor.u32 v14, v12;
	v15 =	vadd.s32 v15, v16;
	v16 =	vor.u32 v17, v18  }
0x1e2: {  	v12 =	vadd.s32 v12, v14;
	v17 =	vshrl.u32 v14, $0x11;
	v16 =	vxor.u32 v16, v15  }
0x1e3: {  	v14 =	vshll.u32 v14, $0xF;
	v18 =	vshrl.u32 v16, $0x8;
	v19 =	vshll.u32 v16, $0x18  }
0x1e4: {  	v14 =	vor.u32 v17, v14;
	v15 =	vadd.s32 v15, v16;
	v16 =	vor.u32 v18, v19  }
0x1e5: {  	v13 =	vadd.s32 $0x213, v13;
	v14 =	vxor.u32 v14, v12;
	v16 =	vxor.u32 v16, v15  }
0x1e6: {  	v11 =	vxor.u32 v11, v13;
	v13 =	vshrl.u32 v14, $0x6;
	v16 =	vadd.s32 $0x65AE5E10, v16  }
0x1e7: {  	v15 =	vadd.s32 v16, v15;
	v17 =	vshrl.u32 v16, $0x13;
	v16 =	vshll.u32 v16, $0xD  }
0x1e8: {  	v18 =	vshll.u32 v14, $0x1A;
	v15 =	vadd.s32 $0x4BE99A1A, v15;
	v16 =	vor.u32 v17, v16  }
0x1e9: {  	v12 =	vadd.s32 v12, v14;
	v19 =	vadd.s32 $0x9B453EAC, v0;
	v14 =	vxor.u32 v16, v15  }
0x1ea: {  	v13 =	vor.u32 v13, v18;
	v16 =	vshrl.u32 v14, $0x11;
	v17 =	vshll.u32 v14, $0xF  }
0x1eb: {  	v13 =	vxor.u32 v13, v12;
	v14 =	vadd.s32 v15, v14;
	v15 =	vor.u32 v16, v17  }
0x1ec: {  	v12 =	vadd.s32 v12, v13;
	v17 =	vadd.s32 $0x3596E09E, v0;
	v15 =	vxor.u32 v15, v14  }
0x1ed: {  	v16 =	vshrl.u32 v13, $0x1A;
	v17 =	vor.u32 s2, v17;
	v14 =	vadd.s32 v14, v15  }
0x1ee: {  	v18 =	vshrl.u32 v15, $0x6;
	v15 =	vshll.u32 v15, $0x1A;
	v17 =	vshll.u32 v17, $0xD  }
0x1ef: {  	v15 =	vor.u32 v18, v15;
	v18 =	vadd.s32 s2, v19;
	v17 =	vor.u32 $0x6B2, v17  }
0x1f0: {  	v13 =	vshll.u32 v13, $0x6;
	v15 =	vxor.u32 v15, v14;
	v17 =	vxor.u32 v18, v17  }
0x1f1: {  	v18 =	vadd.s32 v18, v17;
	v19 =	vshrl.u32 v17, $0x11;
	v17 =	vshll.u32 v17, $0xF  }
0x1f2: {  	v34 =	vshrl.u32 v15, $0x1A;
	v17 =	vor.u32 v19, v17;
	v19 =	vshll.u32 v15, $0x6  }
0x1f3: {  	v14 =	vadd.s32 v14, v15;
	v15 =	vor.u32 v34, v19;
	v17 =	vxor.u32 v17, v18  }
0x1f4: {  	v15 =	vxor.u32 v15, v14;
	v19 =	vshrl.u32 v17, $0x6;
	v35 =	vshll.u32 v17, $0x1A  }
0x1f5: {  	v17 =	vadd.s32 v18, v17;
	v15 =	vadd.s32 $0x3596DFD1, v15;
	v18 =	vor.u32 v19, v35  }
0x1f6: {  	v13 =	vor.u32 v16, v13;
	v14 =	vadd.s32 v15, v14;
	v16 =	vxor.u32 v18, v17  }
0x1f7: {  	v18 =	vshrl.u32 v15, $0xF;
	v19 =	vshrl.u32 v16, $0x1A;
	v36 =	vshll.u32 v16, $0x6  }
0x1f8: {  	v15 =	vshll.u32 v15, $0x11;
	v16 =	vadd.s32 v17, v16;
	v17 =	vor.u32 v19, v36  }
0x1f9: {  	v14 =	vadd.s32 $0x65AE5E0E, v14;
	v15 =	vor.u32 v18, v15;
	v17 =	vxor.u32 v17, v16  }
0x1fa: {  	v13 =	vxor.u32 v13, v12;
	v15 =	vxor.u32 v15, v14;
	v17 =	vadd.s32 $0x4BE99A1B, v17  }
0x1fb: {  	v16 =	vadd.s32 v17, v16;
	v18 =	vshrl.u32 v17, $0xF;
	v17 =	vshll.u32 v17, $0x11  }
0x1fc: {  	v14 =	vadd.s32 v14, v15;
	v16 =	vadd.s32 $0x3596DFCE, v16;
	v17 =	vor.u32 v18, v17  }
0x1fd: {  	v18 =	vshrl.u32 v15, $0x3;
	v15 =	vshll.u32 v15, $0x1D;
	v17 =	vxor.u32 v17, v16  }
0x1fe: {  	v15 =	vor.u32 v18, v15;
	v18 =	vshrl.u32 v17, $0x3;
	v19 =	vshll.u32 v17, $0x1D  }
0x1ff: {  	v15 =	vxor.u32 v15, v14;
	v16 =	vadd.s32 v16, v17;
	v17 =	vor.u32 v18, v19  }
0x200: {  	v14 =	vadd.s32 v14, v15;
	v18 =	vshrl.u32 v15, $0x10;
	v17 =	vxor.u32 v17, v16  }
0x201: {  	v15 =	vshll.u32 v15, $0x10;
	v19 =	vshrl.u32 v17, $0x10;
	v37 =	vshll.u32 v17, $0x10  }
0x202: {  	v15 =	vor.u32 v18, v15;
	v16 =	vadd.s32 v16, v17;
	v17 =	vor.u32 v19, v37  }
0x203: {  	v12 =	vadd.s32 $0x21A, v12;
	v15 =	vxor.u32 v15, v14;
	v17 =	vxor.u32 v17, v16  }
0x204: {  	v18 =	vshrl.u32 v15, $0x8;
	v19 =	vshrl.u32 v17, $0x8;
	v38 =	vshll.u32 v17, $0x18  }
0x205: {  	v16 =	vadd.s32 v16, v17;
	v17 =	vshll.u32 v15, $0x18;
	v19 =	vor.u32 v19, v38  }
0x206: {  	v14 =	vadd.s32 v14, v15;
	v15 =	vor.u32 v18, v17;
	v17 =	vxor.u32 v19, v16  }
0x207: {  	v13 =	vadd.s32 $0x213, v13;
	v15 =	vxor.u32 v15, v14;
	v17 =	vadd.s32 $0x65AE5E10, v17  }
0x208: {  	v16 =	vadd.s32 v17, v16;
	v18 =	vshrl.u32 v17, $0x13;
	v17 =	vshll.u32 v17, $0xD  }
0x209: {  	v15 =	vadd.s32 $0x4BE99A1E, v15;
	v16 =	vadd.s32 $0x4BE99A1A, v16;
	v17 =	vor.u32 v18, v17  }
0x20a: {  	v12 =	vxor.u32 v12, v13;
	v13 =	vadd.s32 v15, v14;
	v14 =	vxor.u32 v17, v16  }
0x20b: {  	v17 =	vshrl.u32 v15, $0x13;
	v18 =	vshrl.u32 v14, $0x11;
	v19 =	vshll.u32 v14, $0xF  }
0x20c: {  	v15 =	vshll.u32 v15, $0xD;
	v14 =	vadd.s32 v16, v14;
	v16 =	vor.u32 v18, v19  }
0x20d: {  	v13 =	vadd.s32 $0x3596DFCE, v13;
	v15 =	vor.u32 v17, v15;
	v16 =	vxor.u32 v16, v14  }
0x20e: {  	v15 =	vxor.u32 v15, v13;
	v17 =	vshrl.u32 v16, $0x6;
	v18 =	vshll.u32 v16, $0x1A  }
0x20f: {  	v13 =	vadd.s32 v13, v15;
	v14 =	vadd.s32 v14, v16;
	v16 =	vor.u32 v17, v18  }
0x210: {  	v17 =	vshrl.u32 v15, $0x11;
	v15 =	vshll.u32 v15, $0xF;
	v16 =	vxor.u32 v16, v14  }
0x211: {  	v15 =	vor.u32 v17, v15;
	v17 =	vshrl.u32 v16, $0x1A;
	v18 =	vshll.u32 v16, $0x6  }
0x212: {  	v15 =	vxor.u32 v15, v13;
	v14 =	vadd.s32 v14, v16;
	v16 =	vor.u32 v17, v18  }
0x213: {  	v17 =	vshrl.u32 v15, $0x6;
	v18 =	vshll.u32 v15, $0x1A;
	v16 =	vxor.u32 v16, v14  }
0x214: {  	v13 =	vadd.s32 v13, v15;
	v15 =	vor.u32 v17, v18;
	v16 =	vadd.s32 $0x3596DFD1, v16  }
0x215: {  	v14 =	vadd.s32 v16, v14;
	v17 =	vshrl.u32 v16, $0xF;
	v16 =	vshll.u32 v16, $0x11  }
0x216: {  	v15 =	vxor.u32 v15, v13;
	v14 =	vadd.s32 $0x65AE5E0E, v14;
	v16 =	vor.u32 v17, v16  }
0x217: {  	v13 =	vadd.s32 v13, v15;
	v17 =	vshrl.u32 v15, $0x1A;
	v16 =	vxor.u32 v16, v14  }
0x218: {  	v15 =	vshll.u32 v15, $0x6;
	v18 =	vshrl.u32 v16, $0x3;
	v19 =	vshll.u32 v16, $0x1D  }
0x219: {  	v14 =	vadd.s32 v14, v16;
	v16 =	vor.u32 v18, v19;
	v18 =	vadd.s32 $0x3596E0AE, v0  }
0x21a: {  	v15 =	vor.u32 v17, v15;
	v19 =	vadd.s32 $0x9B453EBC, v0;
	v17 =	vor.u32 s2, v18  }
0x21b: {  	v16 =	vxor.u32 v16, v14;
	v19 =	vadd.s32 s2, v19;
	v17 =	vshll.u32 v17, $0xD  }
0x21c: {  	v18 =	vshrl.u32 v16, $0x10;
	v39 =	vshll.u32 v16, $0x10;
	v17 =	vor.u32 $0x6B2, v17  }
0x21d: {  	v14 =	vadd.s32 v14, v16;
	v16 =	vor.u32 v18, v39;
	v17 =	vxor.u32 v19, v17  }
0x21e: {  	v16 =	vxor.u32 v16, v14;
	v18 =	vshrl.u32 v17, $0x11;
	v40 =	vshll.u32 v17, $0xF  }
0x21f: {  	v14 =	vadd.s32 v14, v16;
	v17 =	vadd.s32 v19, v17;
	v18 =	vor.u32 v18, v40  }
0x220: {  	v19 =	vshrl.u32 v16, $0x8;
	v16 =	vshll.u32 v16, $0x18;
	v18 =	vxor.u32 v18, v17  }
0x221: {  	v16 =	vor.u32 v19, v16;
	v19 =	vshrl.u32 v18, $0x6;
	v41 =	vshll.u32 v18, $0x1A  }
0x222: {  	v15 =	vxor.u32 v15, v13;
	v17 =	vadd.s32 v17, v18;
	v18 =	vor.u32 v19, v41  }
0x223: {  	v13 =	vadd.s32 $0x21A, v13;
	v16 =	vxor.u32 v16, v14;
	v18 =	vxor.u32 v18, v17  }
0x224: {  	v16 =	vadd.s32 $0x4BE99A1E, v16;
	v19 =	vshrl.u32 v18, $0x1A;
	v42 =	vshll.u32 v18, $0x6  }
0x225: {  	v14 =	vadd.s32 v16, v14;
	v17 =	vadd.s32 v17, v18;
	v18 =	vor.u32 v19, v42  }
0x226: {  	v15 =	vadd.s32 $0x213, v15;
	v14 =	vadd.s32 $0x3596DFCE, v14;
	v18 =	vxor.u32 v18, v17  }
0x227: {  	v19 =	vshrl.u32 v16, $0x13;
	v16 =	vshll.u32 v16, $0xD;
	v18 =	vadd.s32 $0x4BE99A1B, v18  }
0x228: {  	v17 =	vadd.s32 v18, v17;
	v43 =	vshrl.u32 v18, $0xF;
	v18 =	vshll.u32 v18, $0x11  }
0x229: {  	v16 =	vor.u32 v19, v16;
	v19 =	vadd.s32 $0x3596DFCE, v17;
	v18 =	vor.u32 v43, v18  }
0x22a: {  	v17 =	vxor.u32 v13, v15;
	v13 =	vxor.u32 v16, v14;
	v15 =	vxor.u32 v18, v19  }
0x22b: {  	v16 =	vshrl.u32 v13, $0x11;
	v18 =	vshrl.u32 v15, $0x3;
	v44 =	vshll.u32 v15, $0x1D  }
0x22c: {  	v15 =	vadd.s32 v19, v15;
	v19 =	vshll.u32 v13, $0xF;
	v18 =	vor.u32 v18, v44  }
0x22d: {  	v13 =	vadd.s32 v14, v13;
	v14 =	vor.u32 v16, v19;
	v16 =	vxor.u32 v18, v15  }
0x22e: {  	v14 =	vxor.u32 v14, v13;
	v18 =	vshrl.u32 v16, $0x10;
	v19 =	vshll.u32 v16, $0x10  }
0x22f: {  	v15 =	vadd.s32 v15, v16;
	v16 =	vor.u32 v18, v19;
	v18 =	vadd.s32 $0x3596E0BE, v0  }
0x230: {  	v13 =	vadd.s32 v13, v14;
	v0 =	vadd.s32 $0x9B453ECC, v0;
	v18 =	vor.u32 s2, v18  }
0x231: {  	v16 =	vxor.u32 v16, v15;
	v0 =	vadd.s32 s2, v0;
	v18 =	vshll.u32 v18, $0xD  }
0x232: {  	v19 =	vshrl.u32 v16, $0x8;
	v45 =	vshll.u32 v16, $0x18;
	v18 =	vor.u32 $0x6B2, v18  }
0x233: {  	v15 =	vadd.s32 v15, v16;
	v16 =	vor.u32 v19, v45;
	v18 =	vxor.u32 v0, v18  }
0x234: {  	v16 =	vxor.u32 v16, v15;
	v19 =	vshrl.u32 v18, $0x11;
	v46 =	vshll.u32 v18, $0xF  }
0x235: {  	v16 =	vadd.s32 $0x65AE5E10, v16;
	v0 =	vadd.s32 v0, v18;
	v18 =	vor.u32 v19, v46  }
0x236: {  	v19 =	vshrl.u32 v14, $0x6;
	v15 =	vadd.s32 v16, v15;
	v18 =	vxor.u32 v18, v0  }
0x237: {  	v0 =	vadd.s32 v0, v18;
	v47 =	vshrl.u32 v18, $0x6;
	v18 =	vshll.u32 v18, $0x1A  }
0x238: {  	v48 =	vshrl.u32 v16, $0x13;
	v16 =	vshll.u32 v16, $0xD;
	v18 =	vor.u32 v47, v18  }
0x239: {  	v15 =	vadd.s32 $0x4BE99A1A, v15;
	v16 =	vor.u32 v48, v16;
	v18 =	vxor.u32 v18, v0  }
0x23a: {  	v0 =	vadd.s32 v0, v18;
	v49 =	vshrl.u32 v18, $0x1A;
	v18 =	vshll.u32 v18, $0x6  }
0x23b: {  	v14 =	vshll.u32 v14, $0x1A;
	v16 =	vxor.u32 v16, v15;
	v18 =	vor.u32 v49, v18  }
0x23c: {  	v14 =	vor.u32 v19, v14;
	v15 =	vadd.s32 v15, v16;
	v18 =	vxor.u32 v18, v0  }
0x23d: {  	v19 =	vshrl.u32 v16, $0x11;
	v16 =	vshll.u32 v16, $0xF;
	v18 =	vadd.s32 $0x4BE99A1B, v18  }
0x23e: {  	v0 =	vadd.s32 v18, v0;
	v50 =	vshrl.u32 v18, $0xF;
	v18 =	vshll.u32 v18, $0x11  }
0x23f: {  	v16 =	vor.u32 v19, v16;
	v0 =	vadd.s32 $0x3596DFCE, v0;
	v18 =	vor.u32 v50, v18  }
0x240: {  	v14 =	vxor.u32 v14, v13;
	v16 =	vxor.u32 v16, v15;
	v18 =	vxor.u32 v18, v0  }
0x241: {  	v0 =	vadd.s32 v0, v18;
	v19 =	vshrl.u32 v18, $0x3;
	v18 =	vshll.u32 v18, $0x1D  }
0x242: {  	v51 =	vshrl.u32 v16, $0x6;
	v18 =	vor.u32 v19, v18;
	v19 =	vshll.u32 v16, $0x1A  }
0x243: {  	v15 =	vadd.s32 v15, v16;
	v16 =	vor.u32 v51, v19;
	v18 =	vxor.u32 v18, v0  }
0x244: {  	v16 =	vxor.u32 v16, v15;
	v19 =	vshrl.u32 v18, $0x10;
	v52 =	vshll.u32 v18, $0x10  }
0x245: {  	v0 =	vadd.s32 v0, v18;
	v15 =	vadd.s32 v15, v16;
	v18 =	vor.u32 v19, v52  }
0x246: {  	v19 =	vshrl.u32 v16, $0x1A;
	v16 =	vshll.u32 v16, $0x6;
	v18 =	vxor.u32 v18, v0  }
0x247: {  	v16 =	vor.u32 v19, v16;
	v19 =	vshrl.u32 v18, $0x8;
	v53 =	vshll.u32 v18, $0x18  }
0x248: {  	v16 =	vxor.u32 v16, v15;
	v0 =	vadd.s32 v0, v18;
	v18 =	vor.u32 v19, v53  }
0x249: {  	v13 =	vadd.s32 v13, v14;
	v16 =	vadd.s32 $0x3596DFD1, v16;
	v18 =	vxor.u32 v18, v0  }
0x24a: {  	v15 =	vadd.s32 v16, v15;
	v19 =	vshrl.u32 v16, $0xF;
	v18 =	vadd.s32 $0x65AE5E10, v18  }
0x24b: {  	v0 =	vadd.s32 v18, v0;
	v54 =	vshrl.u32 v18, $0x13;
	v18 =	vshll.u32 v18, $0xD  }
0x24c: {  	v16 =	vshll.u32 v16, $0x11;
	v0 =	vadd.s32 $0x4BE99A1A, v0;
	v18 =	vor.u32 v54, v18  }
0x24d: {  	v15 =	vadd.s32 $0x65AE5E0E, v15;
	v16 =	vor.u32 v19, v16;
	v18 =	vxor.u32 v18, v0  }
0x24e: {  	v16 =	vxor.u32 v16, v15;
	v19 =	vshrl.u32 v18, $0x11;
	v55 =	vshll.u32 v18, $0xF  }
0x24f: {  	v15 =	vadd.s32 v15, v16;
	v0 =	vadd.s32 v0, v18;
	v18 =	vor.u32 v19, v55  }
0x250: {  	v19 =	vshrl.u32 v16, $0x3;
	v16 =	vshll.u32 v16, $0x1D;
	v18 =	vxor.u32 v18, v0  }
0x251: {  	v16 =	vor.u32 v19, v16;
	v19 =	vshrl.u32 v18, $0x6;
	v56 =	vshll.u32 v18, $0x1A  }
0x252: {  	v16 =	vxor.u32 v16, v15;
	v0 =	vadd.s32 v0, v18;
	v18 =	vor.u32 v19, v56  }
0x253: {  	v19 =	vshrl.u32 v14, $0x1A;
	v15 =	vadd.s32 v15, v16;
	v18 =	vxor.u32 v18, v0  }
0x254: {  	v0 =	vadd.s32 v0, v18;
	v57 =	vshrl.u32 v18, $0x1A;
	v18 =	vshll.u32 v18, $0x6  }
0x255: {  	v58 =	vshrl.u32 v16, $0x10;
	v16 =	vshll.u32 v16, $0x10;
	v18 =	vor.u32 v57, v18  }
0x256: {  	v14 =	vshll.u32 v14, $0x6;
	v16 =	vor.u32 v58, v16;
	v18 =	vxor.u32 v18, v0  }
0x257: {  	v14 =	vor.u32 v19, v14;
	v16 =	vxor.u32 v16, v15;
	v18 =	vadd.s32 $0x3596DFD1, v18  }
0x258: {  	v0 =	vadd.s32 v18, v0;
	v19 =	vshrl.u32 v18, $0xF;
	v18 =	vshll.u32 v18, $0x11  }
0x259: {  	v15 =	vadd.s32 v15, v16;
	v0 =	vadd.s32 $0x65AE5E0E, v0;
	v18 =	vor.u32 v19, v18  }
0x25a: {  	v19 =	vshrl.u32 v16, $0x8;
	v16 =	vshll.u32 v16, $0x18;
	v18 =	vxor.u32 v18, v0  }
0x25b: {  	v16 =	vor.u32 v19, v16;
	v19 =	vshrl.u32 v18, $0x3;
	v59 =	vshll.u32 v18, $0x1D  }
0x25c: {  	v14 =	vxor.u32 v14, v13;
	v0 =	vadd.s32 v0, v18;
	v18 =	vor.u32 v19, v59  }
0x25d: {  	v13 =	vadd.s32 $0x21A, v13;
	v16 =	vxor.u32 v16, v15;
	v18 =	vxor.u32 v18, v0  }
0x25e: {  	v16 =	vadd.s32 $0x4BE99A1E, v16;
	v19 =	vshrl.u32 v18, $0x10;
	v60 =	vshll.u32 v18, $0x10  }
0x25f: {  	v15 =	vadd.s32 v16, v15;
	v0 =	vadd.s32 v0, v18;
	v18 =	vor.u32 v19, v60  }
0x260: {  	v19 =	vshrl.u32 v16, $0x13;
	v16 =	vshll.u32 v16, $0xD;
	v18 =	vxor.u32 v18, v0  }
0x261: {  	v16 =	vor.u32 v19, v16;
	v19 =	vshrl.u32 v18, $0x8;
	v61 =	vshll.u32 v18, $0x18  }
0x262: {  	v15 =	vadd.s32 $0x3596DFCE, v15;
	v0 =	vadd.s32 v0, v18;
	v18 =	vor.u32 v19, v61  }
0x263: {  	v14 =	vadd.s32 $0x213, v14;
	v16 =	vxor.u32 v16, v15;
	v18 =	vxor.u32 v18, v0  }
0x264: {  	v19 =	vxor.u32 v13, v14;
	v13 =	vshrl.u32 v16, $0x11;
	v14 =	vadd.s32 $0x4BE99A1E, v18  }
0x265: {  	v0 =	vadd.s32 v14, v0;
	v18 =	vshrl.u32 v14, $0x13;
	v14 =	vshll.u32 v14, $0xD  }
0x266: {  	v62 =	vshll.u32 v16, $0xF;
	v0 =	vadd.s32 $0x3596DFCE, v0;
	v14 =	vor.u32 v18, v14  }
0x267: {  	v15 =	vadd.s32 v15, v16;
	v13 =	vor.u32 v13, v62;
	v14 =	vxor.u32 v14, v0  }
0x268: {  	v13 =	vxor.u32 v13, v15;
	v16 =	vshrl.u32 v14, $0x11;
	v18 =	vshll.u32 v14, $0xF  }
0x269: {  	v15 =	vadd.s32 v15, v13;
	v0 =	vadd.s32 v0, v14;
	v14 =	vor.u32 v16, v18  }
0x26a: {  	v16 =	vshrl.u32 v13, $0x6;
	v13 =	vshll.u32 v13, $0x1A;
	v14 =	vxor.u32 v14, v0  }
0x26b: {  	v13 =	vor.u32 v16, v13;
	v16 =	vshrl.u32 v14, $0x6;
	v18 =	vshll.u32 v14, $0x1A  }
0x26c: {  	v13 =	vxor.u32 v13, v15;
	v0 =	vadd.s32 v0, v14;
	v14 =	vor.u32 v16, v18  }
0x26d: {  	s9 =	ssub.s32 $0x2, s4;
	v18 =	vadd.s32 v15, v13;
	v15 =	vshrl.u32 v13, $0x1A;
	v13 =	vshll.u32 v13, $0x6  }
0x26e: {  	s10 =	sshrl.u32 s9, $0x1;
	v7 =	vand.u32 $0x3FF, v7;
	v14 =	vxor.u32 v14, v0;
	v21 =	vor.u32 v15, v13  }
0x26f: {  	s9 =	ssub.s32 s9, s10;
	v13 =	vand.u32 $0x3FF, v3;
	v15 =	vand.u32 $0x3FF, v4;
	v4 =	vand.u32 $0x3FF, v5  }
0x270: {  	s9 =	smax.u32 s9, $0x1;
	v5 =	vand.u32 $0x3FF, v8;
	v3 =	vand.u32 $0x3FF, v11;
	v16 =	vshrl.u32 v14, $0x1A  }
0x271: {  	s7 =	rddreg [dreg:$0x0];
	s11 =	sadd.s32 $0xFFFFFFFF, s9;
	v63 =	vshll.u32 v14, $0x6;
	v22 =	vadd.s32 v0, v14;
	v14 =	vand.u32 $0x3FF, v2  }
0x272: {  	s8 =	rddreg [dreg:$0x1];
	p2 =	sne.s32 s11, $0x0;
	v2 =	vand.u32 $0x3FF, v9;
	v0 =	vand.u32 $0x3FF, v12;
	v8 =	vxor.u32 v21, v18  }
.Ltmp0:
0x273: {  	s6 =	rddreg [dreg:$0x2];
	v9 =	vadd.s32 $0x21A, v18;
	v20 =	vor.u32 v16, v63;
	v16 =	vand.u32 $0x3FF, v1;
	(pc) =	sbr.rel @!p2 .LBB2_3-.Ltmp0, $4  }
0x274: {  	p1 =	por $0x0, $0x0;
	s4 =	rddreg [dreg:$0x3];
	s5 =	simm.s32 $0x0;
	v1 =	vand.u32 $0x3FF, v6;
	v6 =	vand.u32 $0x3FF, v10;
	v10 =	vxor.u32 v20, v22  }
0x275: {  	p0 =	sne.s32 s1, $0x0;
	s1 =	simm.s32 $0x1;
	[smem:$0x7FF] =	sst s5;
	v11 =	vadd.s32 $0x213, v8;
	v12 =	vadd.s32 $0x21A, v22;
	v10 =	vadd.s32 $0x213, v10  }
0x276: {  	s3 =	sshrl.u32 s3, $0x3;
	_ =	strace $0x80000047;
	s2 =	sshrl.u32 s2, $0x3;
	v8 =	vand.u32 $0x3FF, v17;
	v9 =	vxor.u32 v9, v11;
	v12 =	vxor.u32 v12, v10  }
0x277: {  	s7 =	sadd.s32 s7, s3;
	s3 =	simm.s32 $0x400;
	s2 =	sadd.s32 s8, s2;
	v11 =	vand.u32 $0x3FF, v19;
	v10 =	vand.u32 $0x3FF, v9;
	v9 =	vand.u32 $0x3FF, v12  }
0x278: {  	v12 =	vimm.s32 @!p0 $0x800  }
0x279: {  	s8 =	simm.s32 @!p0 $0x0;
	s9 =	simm.s32 @!p0 $0x500;
	s10 =	simm.s32 @!p0 $0x1;
	[tilespmem:$0x500] =	vst @!p0 v12  }
0x27a: {  	[hbm4b:s6+s8] =	stream.linear.scatter @!p0 [tilespmem:s9], [sflag:$0x1], $0x8, $0x38;
	[tilespmem:$0x580] =	vst v63  }
0x27b: {  	_ =	swait.ge @!p0 [sflag:s10], $0x8  }
0x27c: {  	[sflag:s10] =	ssyncset.done @!p0 $0x0  }
0x27d: {  	[sflag:s10] =	ssyncadd.s32 @!p0 $0xFFFFFFF8  }
0x27e: {  	[tilespmem:s5], [sflag:$0x1] =	stream.linear.gather [hbm4b:s7+s5], $0x400, $0x38;
	[tilespmem:$0x580] =	vst v63  }
0x27f: {  	_ =	swait.ge [sflag:s1], $0x400  }
0x280: {  	[sflag:s1] =	ssyncset.done $0x0  }
0x281: {  	[sflag:s1] =	ssyncadd.s32 $0xFFFFFC00  }
0x282: {  	v17 =	vld.idx.msk [tilespmem:v16+s5+$0x0], $0xffff;
	_ =	sdelay $0x4  }
0x283: {  	[tilespmem:$0x400] =	vst v17  }
0x284: {  	v17 =	vld.idx.msk [tilespmem:v14+s5+$0x0], $0xffff;
	_ =	sdelay $0x4  }
0x285: {  	[tilespmem:$0x410] =	vst v17  }
0x286: {  	v17 =	vld.idx.msk [tilespmem:v13+s5+$0x0], $0xffff;
	_ =	sdelay $0x4  }
0x287: {  	[tilespmem:$0x420] =	vst v17  }
0x288: {  	v17 =	vld.idx.msk [tilespmem:v15+s5+$0x0], $0xffff;
	_ =	sdelay $0x4  }
0x289: {  	[tilespmem:$0x430] =	vst v17  }
0x28a: {  	v17 =	vld.idx.msk [tilespmem:v4+s5+$0x0], $0xffff;
	_ =	sdelay $0x4  }
0x28b: {  	[tilespmem:$0x440] =	vst v17  }
0x28c: {  	v17 =	vld.idx.msk [tilespmem:v1+s5+$0x0], $0xffff;
	_ =	sdelay $0x4  }
0x28d: {  	[tilespmem:$0x450] =	vst v17  }
0x28e: {  	v17 =	vld.idx.msk [tilespmem:v7+s5+$0x0], $0xffff;
	_ =	sdelay $0x4  }
0x28f: {  	[tilespmem:$0x460] =	vst v17  }
0x290: {  	v17 =	vld.idx.msk [tilespmem:v5+s5+$0x0], $0xffff;
	_ =	sdelay $0x4  }
0x291: {  	[tilespmem:$0x470] =	vst v17  }
0x292: {  	v17 =	vld.idx.msk [tilespmem:v2+s5+$0x0], $0xffff;
	_ =	sdelay $0x4  }
0x293: {  	[tilespmem:$0x480] =	vst v17  }
0x294: {  	v17 =	vld.idx.msk [tilespmem:v6+s5+$0x0], $0xffff;
	_ =	sdelay $0x4  }
0x295: {  	[tilespmem:$0x490] =	vst v17  }
0x296: {  	v17 =	vld.idx.msk [tilespmem:v3+s5+$0x0], $0xffff;
	_ =	sdelay $0x4  }
0x297: {  	[tilespmem:$0x4A0] =	vst v17  }
0x298: {  	v17 =	vld.idx.msk [tilespmem:v0+s5+$0x0], $0xffff;
	_ =	sdelay $0x4  }
0x299: {  	[tilespmem:$0x4B0] =	vst v17  }
0x29a: {  	v17 =	vld.idx.msk [tilespmem:v8+s5+$0x0], $0xffff;
	_ =	sdelay $0x4  }
0x29b: {  	[tilespmem:$0x4C0] =	vst v17  }
0x29c: {  	v17 =	vld.idx.msk [tilespmem:v11+s5+$0x0], $0xffff;
	_ =	sdelay $0x4  }
0x29d: {  	[tilespmem:$0x4D0] =	vst v17  }
0x29e: {  	v17 =	vld.idx.msk [tilespmem:v10+s5+$0x0], $0xffff;
	_ =	sdelay $0x4  }
0x29f: {  	[tilespmem:$0x4E0] =	vst v17  }
0x2a0: {  	v17 =	vld.idx.msk [tilespmem:v9+s5+$0x0], $0xffff;
	_ =	sdelay $0x1  }
0x2a1: {  	s11 =	sadd.s32 $0xFFFFFFFF, s11  }
0x2a2: {  	p2 =	sne.s32 s11, $0x0  }
.Ltmp1:
0x2a3: {  	_ = 	snop;
	(pc) =	sbr.rel @!p2 .LBB2_3-.Ltmp1, $4  }
0x2a4: {  	[tilespmem:$0x4F0] =	vst v17  }
0x2a5: {  	[hbm4b:s2+s5] =	stream.linear.scatter [tilespmem:s3], [sflag:$0x1], $0x100, $0x38;
	[tilespmem:$0x580] =	vst v63  }
0x2a6: {  	_ =	swait.ge [sflag:s1], $0x100  }
0x2a7: {  	p1 =	por $0x1, $0x1;
	[sflag:s1] =	ssyncset.done $0x0  }
.LBB2_2:
0x2a8: {  	s11 =	sadd.s32 $0xFFFFFFFF, s11;
	[sflag:s1] =	ssyncadd.s32 $0xFFFFFF00  }
0x2a9: {  	[tilespmem:$0x500] =	vst @!p0 v12  }
0x2aa: {  	[hbm4b:s6+s8] =	stream.linear.scatter @!p0 [tilespmem:s9], [sflag:$0x1], $0x8, $0x38;
	[tilespmem:$0x580] =	vst v63  }
0x2ab: {  	p2 =	sne.s32 s11, $0x0;
	_ =	swait.ge @!p0 [sflag:s10], $0x8  }
0x2ac: {  	[sflag:s10] =	ssyncset.done @!p0 $0x0  }
0x2ad: {  	[sflag:s10] =	ssyncadd.s32 @!p0 $0xFFFFFFF8  }
0x2ae: {  	[tilespmem:s5], [sflag:$0x1] =	stream.linear.gather [hbm4b:s7+s5], $0x400, $0x38;
	[tilespmem:$0x580] =	vst v63  }
0x2af: {  	_ =	swait.ge [sflag:s1], $0x400  }
0x2b0: {  	[sflag:s1] =	ssyncset.done $0x0  }
0x2b1: {  	[sflag:s1] =	ssyncadd.s32 $0xFFFFFC00  }
0x2b2: {  	v17 =	vld.idx.msk [tilespmem:v16+s5+$0x0], $0xffff;
	_ =	sdelay $0x5  }
0x2b3: {  	[tilespmem:$0x400] =	vst v17  }
0x2b4: {  	v17 =	vld.idx.msk [tilespmem:v14+s5+$0x0], $0xffff;
	_ =	sdelay $0x5  }
0x2b5: {  	[tilespmem:$0x410] =	vst v17  }
0x2b6: {  	v17 =	vld.idx.msk [tilespmem:v13+s5+$0x0], $0xffff;
	_ =	sdelay $0x5  }
0x2b7: {  	[tilespmem:$0x420] =	vst v17  }
0x2b8: {  	v17 =	vld.idx.msk [tilespmem:v15+s5+$0x0], $0xffff;
	_ =	sdelay $0x5  }
0x2b9: {  	[tilespmem:$0x430] =	vst v17  }
0x2ba: {  	v17 =	vld.idx.msk [tilespmem:v4+s5+$0x0], $0xffff;
	_ =	sdelay $0x5  }
0x2bb: {  	[tilespmem:$0x440] =	vst v17  }
0x2bc: {  	v17 =	vld.idx.msk [tilespmem:v1+s5+$0x0], $0xffff;
	_ =	sdelay $0x5  }
0x2bd: {  	[tilespmem:$0x450] =	vst v17  }
0x2be: {  	v17 =	vld.idx.msk [tilespmem:v7+s5+$0x0], $0xffff;
	_ =	sdelay $0x5  }
0x2bf: {  	[tilespmem:$0x460] =	vst v17  }
0x2c0: {  	v17 =	vld.idx.msk [tilespmem:v5+s5+$0x0], $0xffff;
	_ =	sdelay $0x5  }
0x2c1: {  	[tilespmem:$0x470] =	vst v17  }
0x2c2: {  	v17 =	vld.idx.msk [tilespmem:v2+s5+$0x0], $0xffff;
	_ =	sdelay $0x5  }
0x2c3: {  	[tilespmem:$0x480] =	vst v17  }
0x2c4: {  	v17 =	vld.idx.msk [tilespmem:v6+s5+$0x0], $0xffff;
	_ =	sdelay $0x5  }
0x2c5: {  	[tilespmem:$0x490] =	vst v17  }
0x2c6: {  	v17 =	vld.idx.msk [tilespmem:v3+s5+$0x0], $0xffff;
	_ =	sdelay $0x5  }
0x2c7: {  	[tilespmem:$0x4A0] =	vst v17  }
0x2c8: {  	v17 =	vld.idx.msk [tilespmem:v0+s5+$0x0], $0xffff;
	_ =	sdelay $0x5  }
0x2c9: {  	[tilespmem:$0x4B0] =	vst v17  }
0x2ca: {  	v17 =	vld.idx.msk [tilespmem:v8+s5+$0x0], $0xffff;
	_ =	sdelay $0x5  }
0x2cb: {  	[tilespmem:$0x4C0] =	vst v17  }
0x2cc: {  	v17 =	vld.idx.msk [tilespmem:v11+s5+$0x0], $0xffff;
	_ =	sdelay $0x5  }
0x2cd: {  	[tilespmem:$0x4D0] =	vst v17  }
0x2ce: {  	v17 =	vld.idx.msk [tilespmem:v10+s5+$0x0], $0xffff;
	_ =	sdelay $0x5  }
0x2cf: {  	[tilespmem:$0x4E0] =	vst v17  }
0x2d0: {  	v17 =	vld.idx.msk [tilespmem:v9+s5+$0x0], $0xffff;
	_ =	sdelay $0x4  }
.Ltmp2:
0x2d1: {  	(pc) =	sbr.rel @p2 .LBB2_2-.Ltmp2, $4  }
0x2d2: {  	[tilespmem:$0x4F0] =	vst v17  }
0x2d3: {  	[hbm4b:s2+s5] =	stream.linear.scatter [tilespmem:s3], [sflag:$0x1], $0x100, $0x38;
	[tilespmem:$0x580] =	vst v63  }
0x2d4: {  	_ =	swait.ge [sflag:s1], $0x100  }
0x2d5: {  	[sflag:s1] =	ssyncset.done $0x0  }
.LBB2_3:
0x2d6: {  	v12 =	vimm.s32 @!p0 $0x800;
	[sflag:s1] =	ssyncadd.s32 @p1 $0xFFFFFF00  }
0x2d7: {  	s8 =	simm.s32 @!p0 $0x0;
	s9 =	simm.s32 @!p0 $0x500;
	s10 =	simm.s32 @!p0 $0x1;
	[tilespmem:$0x500] =	vst @!p0 v12  }
0x2d8: {  	[hbm4b:s6+s8] =	stream.linear.scatter @!p0 [tilespmem:s9], [sflag:$0x1], $0x8, $0x38;
	[tilespmem:$0x580] =	vst v63  }
0x2d9: {  	_ =	swait.ge @!p0 [sflag:s10], $0x8  }
0x2da: {  	[sflag:s10] =	ssyncset.done @!p0 $0x0  }
0x2db: {  	[sflag:s10] =	ssyncadd.s32 @!p0 $0xFFFFFFF8  }
0x2dc: {  	[tilespmem:s5], [sflag:$0x1] =	stream.linear.gather [hbm4b:s7+s5], $0x400, $0x38;
	[tilespmem:$0x580] =	vst v63  }
0x2dd: {  	_ =	swait.ge [sflag:s1], $0x400  }
0x2de: {  	[sflag:s1] =	ssyncset.done $0x0  }
0x2df: {  	[sflag:s1] =	ssyncadd.s32 $0xFFFFFC00  }
0x2e0: {  	v63 =	vld.idx.msk [tilespmem:v16+s5+$0x0], $0xffff;
	_ =	sdelay $0x4  }
0x2e1: {  	[tilespmem:$0x400] =	vst v63  }
0x2e2: {  	v12 =	vld.idx.msk [tilespmem:v14+s5+$0x0], $0xffff;
	_ =	sdelay $0x4  }
0x2e3: {  	[tilespmem:$0x410] =	vst v12  }
0x2e4: {  	v12 =	vld.idx.msk [tilespmem:v13+s5+$0x0], $0xffff;
	_ =	sdelay $0x4  }
0x2e5: {  	[tilespmem:$0x420] =	vst v12  }
0x2e6: {  	v12 =	vld.idx.msk [tilespmem:v15+s5+$0x0], $0xffff;
	_ =	sdelay $0x4  }
0x2e7: {  	[tilespmem:$0x430] =	vst v12  }
0x2e8: {  	v4 =	vld.idx.msk [tilespmem:v4+s5+$0x0], $0xffff;
	_ =	sdelay $0x4  }
0x2e9: {  	[tilespmem:$0x440] =	vst v4  }
0x2ea: {  	v1 =	vld.idx.msk [tilespmem:v1+s5+$0x0], $0xffff;
	_ =	sdelay $0x4  }
0x2eb: {  	[tilespmem:$0x450] =	vst v1  }
0x2ec: {  	v1 =	vld.idx.msk [tilespmem:v7+s5+$0x0], $0xffff;
	_ =	sdelay $0x4  }
0x2ed: {  	[tilespmem:$0x460] =	vst v1  }
0x2ee: {  	v1 =	vld.idx.msk [tilespmem:v5+s5+$0x0], $0xffff;
	_ =	sdelay $0x4  }
0x2ef: {  	[tilespmem:$0x470] =	vst v1  }
0x2f0: {  	v1 =	vld.idx.msk [tilespmem:v2+s5+$0x0], $0xffff;
	_ =	sdelay $0x4  }
0x2f1: {  	[tilespmem:$0x480] =	vst v1  }
0x2f2: {  	v1 =	vld.idx.msk [tilespmem:v6+s5+$0x0], $0xffff;
	_ =	sdelay $0x4  }
0x2f3: {  	[tilespmem:$0x490] =	vst v1  }
0x2f4: {  	v1 =	vld.idx.msk [tilespmem:v3+s5+$0x0], $0xffff;
	_ =	sdelay $0x4  }
0x2f5: {  	[tilespmem:$0x4A0] =	vst v1  }
0x2f6: {  	v0 =	vld.idx.msk [tilespmem:v0+s5+$0x0], $0xffff;
	_ =	sdelay $0x4  }
0x2f7: {  	[tilespmem:$0x4B0] =	vst v0  }
0x2f8: {  	v0 =	vld.idx.msk [tilespmem:v8+s5+$0x0], $0xffff;
	_ =	sdelay $0x4  }
0x2f9: {  	[tilespmem:$0x4C0] =	vst v0  }
0x2fa: {  	v0 =	vld.idx.msk [tilespmem:v11+s5+$0x0], $0xffff;
	_ =	sdelay $0x4  }
0x2fb: {  	[tilespmem:$0x4D0] =	vst v0  }
0x2fc: {  	v0 =	vld.idx.msk [tilespmem:v10+s5+$0x0], $0xffff;
	_ =	sdelay $0x4  }
0x2fd: {  	[tilespmem:$0x4E0] =	vst v0  }
0x2fe: {  	v0 =	vld.idx.msk [tilespmem:v9+s5+$0x0], $0xffff;
	_ =	sdelay $0x4  }
0x2ff: {  	[tilespmem:$0x4F0] =	vst v0  }
0x300: {  	[hbm4b:s2+s5] =	stream.linear.scatter [tilespmem:s3], [sflag:$0x1], $0x100, $0x38;
	[tilespmem:$0x580] =	vst v63  }
0x301: {  	_ =	swait.ge [sflag:s1], $0x100  }
0x302: {  	[sflag:s1] =	ssyncset.done $0x0  }
0x303: {  	[sflag:s1] =	ssyncadd.s32 $0xFFFFFF00  }
0x304: {  	_ =	sfence.sel $0x180000  }
0x305: {  	[bflag:$0x0] =	sbarrier.arrive $0xFFFF  }
0x306: {  	p0 =	sne.s32 s0, $0x0;
	_ =	strace $0x90000047  }
0x307: {  	s0 =	sadd.s32 @!p0 $0x100000, s4;
	[bflag:$0x2] =	sbarrier.arrive $0xFFFF  }
0x308: {  	[sflag:s0] =	ssyncadd.tile.s32 @!p0 $0x1;
	_ =	shalt  }
.Lfunc_end2:
_tile_overlayer_lowered:
.L_overlay_start_2:
0x309: {  	(tag) =	ssettag $0x2  }
0x30a: {  	s0 =	rddreg [dreg:$0x0];
	s2 =	stileid.u32  }
0x30b: {  	s1 =	rddreg [dreg:$0x1];
	p0 =	sne.s32 s2, $0x0  }
0x30c: {  	s3 =	rddreg [dreg:$0x2];
	[bflag:$0x3] =	sbarrier.arrive $0xFFFF;
	s2 =	simm.s32 @!p0 $0x1C01  }
0x30d: {  	[timem:s3], [sflag:s2] =	dma.local @!p0 [hbm:s0], s1  }
0x30e: {  	s0 =	simm.s32 @!p0 $0x1  }
0x30f: {  	_ =	swait.ge @!p0 [sflag:s0], s1  }
0x310: {  	s1 =	ssub.s32 @!p0 $0x0, s1;
	[sflag:s0] =	ssyncset.done @!p0 $0x0  }
0x311: {  	[sflag:s0] =	ssyncadd.s32 @!p0 s1  }
0x312: {  	[bflag:$0x3] =	sbarrier.arrive $0xFFFF  }
0x313: {  	_ =	shalt  }

</sc_bundles>
